<compile_context>
chip_gen: v7x
topology: tpu7x:2x2x1
jax: 0.10.2.dev20260603
libtpu: 0.0.44.dev20260713+nightly
codegen_flags: <defaults>
</compile_context>

<pallas_src>
import functools

import jax
import jax.numpy as jnp
from jax import lax
from jax.experimental import pallas as pl
from jax.experimental.pallas import tpu as pltpu
from jax.experimental.pallas import tpu_sc as plsc

B, T, D = 1, 2048, 768
E, K, FF = 8, 2, 1024
BT = B * T
TILE = 512
N_TILES = 15
N_BUF = N_TILES * TILE
NW = 32
ROWS_W = K * BT // NW



def _router_body(x_ref, gate_ref, slots_ref, wbc_ref, base_ref, aux_ref):
    x = x_ref[...]
    logits = lax.dot_general(x, gate_ref[...], (((1,), (1,)), ((), ())),
                             preferred_element_type=jnp.float32)
    m = jnp.max(logits, axis=1, keepdims=True)
    ex = jnp.exp(logits - m)
    s = ex / jnp.sum(ex, axis=1, keepdims=True)
    eids = lax.broadcasted_iota(jnp.int32, (BT, E), 1)
    v1 = jnp.max(s, axis=1, keepdims=True)
    i1 = jnp.min(jnp.where(s == v1, eids, E), axis=1, keepdims=True)
    s_m = jnp.where(eids == i1, -1.0, s)
    v2 = jnp.max(s_m, axis=1, keepdims=True)
    i2 = jnp.min(jnp.where(s_m == v2, eids, E), axis=1, keepdims=True)
    sel = (eids == i1) | (eids == i2)
    self32 = sel.astype(jnp.float32)

    wbc_ref[...] = jnp.concatenate(
        [jnp.broadcast_to(v1, (BT, 16)), jnp.broadcast_to(v2, (BT, 16)),
         jnp.broadcast_to(v1 + v2, (BT, 16))], axis=1)

    load = jnp.sum(self32, axis=0, keepdims=True)
    importance = jnp.sum(s, axis=0, keepdims=True)
    aux = jnp.sum(load * importance) * (E / (BT * BT))
    aux_ref[...] = jnp.broadcast_to(aux, (1, 1))

    cnt = load
    pc = jnp.floor((cnt + (TILE - 1)) / TILE) * TILE
    tri8 = (lax.broadcasted_iota(jnp.int32, (E, E), 0)
            < lax.broadcasted_iota(jnp.int32, (E, E), 1)).astype(jnp.float32)
    base = lax.dot_general(pc, tri8, (((1,), (0,)), ((), ())),
                           preferred_element_type=jnp.float32)
    base_ref[...] = base.astype(jnp.int32)

    ltri = (lax.broadcasted_iota(jnp.int32, (1, BT), 1)
            < lax.broadcasted_iota(jnp.int32, (BT, 1), 0)).astype(jnp.bfloat16)
    p_excl = lax.dot_general(ltri, self32.astype(jnp.bfloat16),
                             (((1,), (0,)), ((), ())),
                             preferred_element_type=jnp.float32)
    slotf = p_excl + base
    slot1 = jnp.sum(jnp.where(eids == i1, slotf, 0.0), axis=1, keepdims=True)
    slot2 = jnp.sum(jnp.where(eids == i2, slotf, 0.0), axis=1, keepdims=True)
    slots_ref[...] = jnp.concatenate(
        [slot1.astype(jnp.int32).reshape(NW, TOK_W),
         slot2.astype(jnp.int32).reshape(NW, TOK_W)], axis=1)


def _router(xf, gate_w):
    return pl.pallas_call(
        _router_body,
        out_specs=[
            pl.BlockSpec((NW, K * TOK_W), lambda: (0, 0)),
            pl.BlockSpec((BT, 48), lambda: (0, 0)),
            pl.BlockSpec((1, E), lambda: (0, 0)),
            pl.BlockSpec((1, 1), lambda: (0, 0)),
        ],
        out_shape=[
            jax.ShapeDtypeStruct((NW, K * TOK_W), jnp.int32),
            jax.ShapeDtypeStruct((BT, 48), jnp.float32),
            jax.ShapeDtypeStruct((1, E), jnp.int32),
            jax.ShapeDtypeStruct((1, 1), jnp.float32),
        ],
    )(xf, gate_w)




TOK_W = BT // NW
HALF = TOK_W // 2
NCH = D // 16


@functools.cache
def _sc_kernels():
    mesh = plsc.VectorSubcoreMesh(core_axis_name="c", subcore_axis_name="s")

    @functools.partial(
        pl.kernel, mesh=mesh,
        out_type=jax.ShapeDtypeStruct((N_BUF, D), jnp.float32),
        scratch_types=[
            pltpu.VMEM((1, K * TOK_W), jnp.int32),
            pltpu.VMEM((TOK_W, D), jnp.float32),
            pltpu.SemaphoreType.DMA,
        ],
    )
    def _sc_scatter(xf_hbm, slot2d_hbm, xs_hbm, idx_v, rows_v, sem):
        wid = lax.axis_index("s") * 2 + lax.axis_index("c")
        t0 = wid * TOK_W
        ci = pltpu.async_copy(slot2d_hbm.at[pl.ds(wid, 1)], idx_v, sem)
        cr = pltpu.async_copy(xf_hbm.at[pl.ds(t0, TOK_W)], rows_v, sem)
        ci.wait()
        cr.wait()
        c1 = pltpu.async_copy(rows_v, xs_hbm.at[idx_v.at[0, pl.ds(0, TOK_W)]],
                              sem)
        c2 = pltpu.async_copy(rows_v,
                              xs_hbm.at[idx_v.at[0, pl.ds(TOK_W, TOK_W)]],
                              sem)
        c1.wait()
        c2.wait()

    @functools.partial(
        pl.kernel, mesh=mesh,
        out_type=jax.ShapeDtypeStruct((BT, D), jnp.float32),
        scratch_types=[
            pltpu.VMEM((1, K * TOK_W), jnp.int32),
            pltpu.VMEM((HALF, D), jnp.float32),
            pltpu.VMEM((HALF, D), jnp.float32),
            pltpu.VMEM((HALF, D), jnp.float32),
            pltpu.VMEM((TOK_W, 48), jnp.float32),
            pltpu.SemaphoreType.DMA,
        ],
    )
    def _sc_combine(ys_hbm, slot2d_hbm, wbc_hbm, xf_hbm, out_hbm,
                    idx_v, r1_v, r2_v, xr_v, wb_v, sem):
        wid = lax.axis_index("s") * 2 + lax.axis_index("c")
        t0 = wid * TOK_W
        pltpu.sync_copy(slot2d_hbm.at[pl.ds(wid, 1)], idx_v)
        pltpu.sync_copy(wbc_hbm.at[pl.ds(t0, TOK_W)], wb_v)
        for half in range(2):
            hb = half * HALF
            c1 = pltpu.async_copy(
                ys_hbm.at[idx_v.at[0, pl.ds(hb, HALF)]], r1_v, sem)
            c2 = pltpu.async_copy(
                ys_hbm.at[idx_v.at[0, pl.ds(TOK_W + hb, HALF)]], r2_v, sem)
            pltpu.sync_copy(xf_hbm.at[pl.ds(t0 + hb, HALF)], xr_v)
            c1.wait()
            c2.wait()

            def row_body(r, carry):
                rw = hb + r
                w1b = wb_v[rw, pl.ds(0, 16)]
                w2b = wb_v[rw, pl.ds(16, 16)]
                wtb = wb_v[rw, pl.ds(32, 16)]
                for c in range(NCH):
                    sl = pl.ds(c * 16, 16)
                    acc = (w1b * r1_v[r, sl] + w2b * r2_v[r, sl]
                           + wtb * xr_v[r, sl])
                    r1_v[r, sl] = acc
                return carry

            lax.fori_loop(0, HALF, row_body, 0)
            pltpu.sync_copy(r1_v, out_hbm.at[pl.ds(t0 + hb, HALF)])

    return _sc_scatter, _sc_combine



def _ffn_body(te_ref, xs_ref, lng_ref, lnb_ref, w1_ref, b1_ref, w2_ref,
              b2_ref, ys_ref):
    j = pl.program_id(0)
    te = te_ref[j]
    lng = lng_ref[pl.ds(te, 1), :]
    lnb = lnb_ref[pl.ds(te, 1), :]
    b1 = b1_ref[pl.ds(te, 1), :]
    b2 = b2_ref[pl.ds(te, 1), :]
    xr = xs_ref[...]
    mu = jnp.mean(xr, axis=1, keepdims=True)
    var = jnp.mean((xr - mu) ** 2, axis=1, keepdims=True)
    xn = ((xr - mu) * lax.rsqrt(var + 1e-6)) * lng + lnb
    h = lax.dot_general(xn.astype(jnp.bfloat16),
                        w1_ref[0].astype(jnp.bfloat16),
                        (((1,), (1,)), ((), ())),
                        preferred_element_type=jnp.float32)
    h = jnp.maximum(h + b1, 0.0)
    y = lax.dot_general(h.astype(jnp.bfloat16),
                        w2_ref[0].astype(jnp.bfloat16),
                        (((1,), (1,)), ((), ())),
                        preferred_element_type=jnp.float32)
    ys_ref[...] = y + b2


def _ffn(te, xs, ln_g, ln_b, W1, b1, W2, b2):
    grid_spec = pltpu.PrefetchScalarGridSpec(
        num_scalar_prefetch=1,
        grid=(N_TILES,),
        in_specs=[
            pl.BlockSpec((TILE, D), lambda j, te: (j, 0)),
            pl.BlockSpec((E, D), lambda j, te: (0, 0)),
            pl.BlockSpec((E, D), lambda j, te: (0, 0)),
            pl.BlockSpec((1, FF, D), lambda j, te: (te[j], 0, 0)),
            pl.BlockSpec((E, FF), lambda j, te: (0, 0)),
            pl.BlockSpec((1, D, FF), lambda j, te: (te[j], 0, 0)),
            pl.BlockSpec((E, D), lambda j, te: (0, 0)),
        ],
        out_specs=pl.BlockSpec((TILE, D), lambda j, te: (j, 0)),
    )
    return pl.pallas_call(
        _ffn_body,
        grid_spec=grid_spec,
        out_shape=jax.ShapeDtypeStruct((N_BUF, D), jnp.float32),
        compiler_params=pltpu.CompilerParams(
            dimension_semantics=("arbitrary",),
        ),
    )(te, xs, ln_g, ln_b, W1, b1, W2, b2)



@jax.jit
def kernel(x, gate_w, ln_g, ln_b, W1, b1, W2, b2):
    xf = x.reshape(BT, D)
    slot2d, wbc, base_i, aux = _router(xf, gate_w)
    tile_start = jnp.arange(N_TILES, dtype=jnp.int32)[:, None] * TILE
    te = jnp.sum((tile_start >= base_i[0][None, :]).astype(jnp.int32),
                 axis=1) - 1
    sc_scatter, sc_combine = _sc_kernels()
    xs = sc_scatter(xf, slot2d)
    ys = _ffn(te, xs, ln_g, ln_b, W1, b1, W2, b2)
    out = sc_combine(ys, slot2d, wbc, xf)
    return out.reshape(B, T, D), aux[0, 0]

# --- scband reference (transcript-rebuilt; emitter-appended) ---
"""Pipeline reference for scband-mo-e-79714593014220 (READ-ONLY COPY).

The authoritative reference and input builder live on the scoring server;
editing this copy changes nothing except your own understanding.
"""

import jax, jax.numpy as jnp
import numpy as np

B, T, D = 1, 2048, 768
E, K, FF = 8, 2, 1024


def setup_inputs(seed: int = 0) -> dict:
    key = jax.random.key(seed)
    ks = jax.random.split(key, 8)
    inp = {}
    inp["x"] = jax.random.normal(ks[0], (B, T, D), dtype=jnp.float32)
    # router gate: nn.Linear(D, E, bias=False) -> weight [E, D]
    inp["gate_w"] = jax.random.normal(ks[1], (E, D), dtype=jnp.float32) * 0.02
    # per-expert LayerNorm params
    inp["ln_g"] = jnp.ones((E, D), dtype=jnp.float32)
    inp["ln_b"] = jnp.zeros((E, D), dtype=jnp.float32)
    # per-expert conv1d(kernel_size=1) == pointwise linear weights
    inp["W1"] = jax.random.normal(ks[2], (E, FF, D), dtype=jnp.float32) * 0.02
    inp["b1"] = jnp.zeros((E, FF), dtype=jnp.float32)
    inp["W2"] = jax.random.normal(ks[3], (E, D, FF), dtype=jnp.float32) * 0.02
    inp["b2"] = jnp.zeros((E, D), dtype=jnp.float32)
    return inp


def reference(x, gate_w, ln_g, ln_b, W1, b1, W2, b2):
    Bx, Tx, Dx = x.shape
    BT = Bx * Tx
    xf = x.reshape(BT, Dx)
    # ---- Router ----
    logits = xf @ gate_w.T
    scores = jax.nn.softmax(logits, axis=-1)
    topk_vals, topk_idx = jax.lax.top_k(scores, K)
    dispatch_mask = jnp.zeros_like(scores).at[jnp.arange(BT)[:, None], topk_idx].set(1.0)
    load = dispatch_mask.sum(axis=0)
    importance = scores.sum(axis=0)
    aux_loss = (importance * load).sum() * E / (BT ** 2)
    # ---- Experts: PositionwiseFeedForward with kernel_size=1 (pointwise conv == linear) ----
    # Each expert: LayerNorm(eps=1e-6) -> W1 -> ReLU -> (dropout eval) -> W2 -> (dropout eval) -> +skip
    mu = xf.mean(axis=-1, keepdims=True)
    var = ((xf - mu) ** 2).mean(axis=-1, keepdims=True)
    xc = (xf - mu) / jnp.sqrt(var + 1e-6)
    xn = xc[None, :, :] * ln_g[:, None, :] + ln_b[:, None, :]  # [E, BT, D]
    h = jax.nn.relu(jnp.einsum('etd,efd->etf', xn, W1) + b1[:, None, :])  # [E, BT, FF]
    y = jnp.einsum('etf,edf->etd', h, W2) + b2[:, None, :] + xf[None, :, :]  # skip connection
    # ---- Combine: gather each token's top-k expert outputs, weight by gate scores ----
    topk_scores = jnp.take_along_axis(scores, topk_idx, axis=1)  # [BT, K]
    gathered = y[topk_idx, jnp.arange(BT)[:, None], :]  # [BT, K, D]
    expert_outputs = (gathered * topk_scores[:, :, None]).sum(axis=1).reshape(Bx, Tx, Dx)
    return expert_outputs, aux_loss

if __name__ == "__main__":
    import jax
    _d = setup_inputs()
    print(jax.jit(kernel)(*tuple(_d.values())))

</pallas_src>

<mosaic_0001>
#map = affine_map<(d0, d1) -> (0, 0)>
module attributes {stable_mosaic.version = 14 : i64} {
  func.func @_sc_combine(%arg0: i32, %arg1: i32, %arg2: memref<7680x768xf32, #tpu.memory_space<hbm>>, %arg3: memref<32x128xi32, #tpu.memory_space<hbm>>, %arg4: memref<2048x48xf32, #tpu.memory_space<hbm>>, %arg5: memref<2048x768xf32, #tpu.memory_space<hbm>>, %arg6: memref<2048x768xf32, #tpu.memory_space<hbm>>, %arg7: memref<1x128xi32, #tpu.memory_space<vmem>>, %arg8: memref<32x768xf32, #tpu.memory_space<vmem>>, %arg9: memref<32x768xf32, #tpu.memory_space<vmem>>, %arg10: memref<32x768xf32, #tpu.memory_space<vmem>>, %arg11: memref<64x48xf32, #tpu.memory_space<vmem>>, %arg12: memref<!tpu.dma_semaphore, #tpu.memory_space<semaphore_mem>>) attributes {dimension_semantics = [#tpu.dimension_semantics<core_parallel>, #tpu.dimension_semantics<subcore_parallel>], iteration_bounds = array<i64: 2, 16>, scalar_prefetch = 0 : i64, scratch_operands = 6 : i64, tpu.core_type = #tpu.core_type<sc_vector_subcore>, window_params = [{transform_indices = #map}, {transform_indices = #map}, {transform_indices = #map}, {transform_indices = #map}, {transform_indices = #map}]} {
    %mul3A = arith.constant 2 : i32
    %mul3A_0 = arith.muli %arg1, %mul3A : i32
    %add3A = arith.addi %mul3A_0, %arg0 : i32
    %mul3A_1 = arith.constant 64 : i32
    %mul3A_2 = arith.muli %add3A, %mul3A_1 : i32
    "tpu.region"() ({
      %run_scoped3A = tpu.sem_alloc : memref<!tpu.dma_semaphore, #tpu.memory_space<semaphore_mem>>
      %dma_start3A_76 = arith.constant 0 : i32
      %dma_start3A_77 = tpu.memref_slice %arg3[%add3A, %dma_start3A_76] : memref<32x128xi32, #tpu.memory_space<hbm>> -> memref<1x128xi32, #tpu.memory_space<hbm>>
      %dma_start3A_78 = arith.constant 0 : i32
      %dma_start3A_79 = tpu.memref_slice %arg3[%add3A, %dma_start3A_78] : memref<32x128xi32, #tpu.memory_space<hbm>> -> memref<1x128xi32, #tpu.memory_space<hbm>>
      tpu.enqueue_dma source(%dma_start3A_79 : memref<1x128xi32, #tpu.memory_space<hbm>>) target(%arg7 : memref<1x128xi32, #tpu.memory_space<vmem>>) target_semaphore(%run_scoped3A : memref<!tpu.dma_semaphore, #tpu.memory_space<semaphore_mem>>)
      %dma_wait3A_80 = arith.constant 0 : i32
      %dma_wait3A_81 = tpu.memref_slice %arg3[%add3A, %dma_wait3A_80] : memref<32x128xi32, #tpu.memory_space<hbm>> -> memref<1x128xi32, #tpu.memory_space<hbm>>
      %dma_wait3A_82 = arith.constant 0 : i32
      %dma_wait3A_83 = tpu.memref_slice %arg3[%add3A, %dma_wait3A_82] : memref<32x128xi32, #tpu.memory_space<hbm>> -> memref<1x128xi32, #tpu.memory_space<hbm>>
      tpu.wait_dma2 semaphore(%run_scoped3A : memref<!tpu.dma_semaphore, #tpu.memory_space<semaphore_mem>>) src(%dma_wait3A_83 : memref<1x128xi32, #tpu.memory_space<hbm>>) dst(%arg7 : memref<1x128xi32, #tpu.memory_space<vmem>>)
      tpu.yield
    }) : () -> ()
    "tpu.region"() ({
      %run_scoped3A = tpu.sem_alloc : memref<!tpu.dma_semaphore, #tpu.memory_space<semaphore_mem>>
      %dma_start3A_76 = arith.constant 0 : i32
      %dma_start3A_77 = tpu.memref_slice %arg4[%mul3A_2, %dma_start3A_76] : memref<2048x48xf32, #tpu.memory_space<hbm>> -> memref<64x48xf32, #tpu.memory_space<hbm>>
      %dma_start3A_78 = arith.constant 0 : i32
      %dma_start3A_79 = tpu.memref_slice %arg4[%mul3A_2, %dma_start3A_78] : memref<2048x48xf32, #tpu.memory_space<hbm>> -> memref<64x48xf32, #tpu.memory_space<hbm>>
      tpu.enqueue_dma source(%dma_start3A_79 : memref<64x48xf32, #tpu.memory_space<hbm>>) target(%arg11 : memref<64x48xf32, #tpu.memory_space<vmem>>) target_semaphore(%run_scoped3A : memref<!tpu.dma_semaphore, #tpu.memory_space<semaphore_mem>>)
      %dma_wait3A_80 = arith.constant 0 : i32
      %dma_wait3A_81 = tpu.memref_slice %arg4[%mul3A_2, %dma_wait3A_80] : memref<2048x48xf32, #tpu.memory_space<hbm>> -> memref<64x48xf32, #tpu.memory_space<hbm>>
      %dma_wait3A_82 = arith.constant 0 : i32
      %dma_wait3A_83 = tpu.memref_slice %arg4[%mul3A_2, %dma_wait3A_82] : memref<2048x48xf32, #tpu.memory_space<hbm>> -> memref<64x48xf32, #tpu.memory_space<hbm>>
      tpu.wait_dma2 semaphore(%run_scoped3A : memref<!tpu.dma_semaphore, #tpu.memory_space<semaphore_mem>>) src(%dma_wait3A_83 : memref<64x48xf32, #tpu.memory_space<hbm>>) dst(%arg11 : memref<64x48xf32, #tpu.memory_space<vmem>>)
      tpu.yield
    }) : () -> ()
    %dma_start3A = arith.constant 0 : i32
    %dma_start3A_3 = arith.constant 0 : i32
    %dma_start3A_4 = tpu.memref_slice %arg7[%dma_start3A, %dma_start3A_3] : memref<1x128xi32, #tpu.memory_space<vmem>> -> memref<1x32xi32, #tpu.memory_space<vmem>>
    %dma_start3A_5 = tpu.memref_squeeze %dma_start3A_4 : memref<1x32xi32, #tpu.memory_space<vmem>> -> memref<32xi32, #tpu.memory_space<vmem>>
    %dma_start3A_6 = arith.constant 0 : i32
    %dma_start3A_7 = arith.constant 0 : i32
    %dma_start3A_8 = tpu.memref_slice %arg2[%dma_start3A_6, %dma_start3A_7] : memref<7680x768xf32, #tpu.memory_space<hbm>> -> memref<7680x768xf32, #tpu.memory_space<hbm>>
    tpu.enqueue_indirect_dma source(%dma_start3A_8 : memref<7680x768xf32, #tpu.memory_space<hbm>>) target(%arg8 : memref<32x768xf32, #tpu.memory_space<vmem>>) offsets(%dma_start3A_5 : memref<32xi32, #tpu.memory_space<vmem>>) semaphore(%arg12 : memref<!tpu.dma_semaphore, #tpu.memory_space<semaphore_mem>>)
    %dma_start3A_9 = arith.constant 0 : i32
    %dma_start3A_10 = arith.constant 64 : i32
    %dma_start3A_11 = tpu.memref_slice %arg7[%dma_start3A_9, %dma_start3A_10] : memref<1x128xi32, #tpu.memory_space<vmem>> -> memref<1x32xi32, #tpu.memory_space<vmem>>
    %dma_start3A_12 = tpu.memref_squeeze %dma_start3A_11 : memref<1x32xi32, #tpu.memory_space<vmem>> -> memref<32xi32, #tpu.memory_space<vmem>>
    %dma_start3A_13 = arith.constant 0 : i32
    %dma_start3A_14 = arith.constant 0 : i32
    %dma_start3A_15 = tpu.memref_slice %arg2[%dma_start3A_13, %dma_start3A_14] : memref<7680x768xf32, #tpu.memory_space<hbm>> -> memref<7680x768xf32, #tpu.memory_space<hbm>>
    tpu.enqueue_indirect_dma source(%dma_start3A_15 : memref<7680x768xf32, #tpu.memory_space<hbm>>) target(%arg9 : memref<32x768xf32, #tpu.memory_space<vmem>>) offsets(%dma_start3A_12 : memref<32xi32, #tpu.memory_space<vmem>>) semaphore(%arg12 : memref<!tpu.dma_semaphore, #tpu.memory_space<semaphore_mem>>)
    %add3A_16 = arith.constant 0 : i32
    %add3A_17 = arith.addi %mul3A_2, %add3A_16 : i32
    "tpu.region"() ({
      %run_scoped3A = tpu.sem_alloc : memref<!tpu.dma_semaphore, #tpu.memory_space<semaphore_mem>>
      %dma_start3A_76 = arith.constant 0 : i32
      %dma_start3A_77 = tpu.memref_slice %arg5[%add3A_17, %dma_start3A_76] : memref<2048x768xf32, #tpu.memory_space<hbm>> -> memref<32x768xf32, #tpu.memory_space<hbm>>
      %dma_start3A_78 = arith.constant 0 : i32
      %dma_start3A_79 = tpu.memref_slice %arg5[%add3A_17, %dma_start3A_78] : memref<2048x768xf32, #tpu.memory_space<hbm>> -> memref<32x768xf32, #tpu.memory_space<hbm>>
      tpu.enqueue_dma source(%dma_start3A_79 : memref<32x768xf32, #tpu.memory_space<hbm>>) target(%arg10 : memref<32x768xf32, #tpu.memory_space<vmem>>) target_semaphore(%run_scoped3A : memref<!tpu.dma_semaphore, #tpu.memory_space<semaphore_mem>>)
      %dma_wait3A_80 = arith.constant 0 : i32
      %dma_wait3A_81 = tpu.memref_slice %arg5[%add3A_17, %dma_wait3A_80] : memref<2048x768xf32, #tpu.memory_space<hbm>> -> memref<32x768xf32, #tpu.memory_space<hbm>>
      %dma_wait3A_82 = arith.constant 0 : i32
      %dma_wait3A_83 = tpu.memref_slice %arg5[%add3A_17, %dma_wait3A_82] : memref<2048x768xf32, #tpu.memory_space<hbm>> -> memref<32x768xf32, #tpu.memory_space<hbm>>
      tpu.wait_dma2 semaphore(%run_scoped3A : memref<!tpu.dma_semaphore, #tpu.memory_space<semaphore_mem>>) src(%dma_wait3A_83 : memref<32x768xf32, #tpu.memory_space<hbm>>) dst(%arg10 : memref<32x768xf32, #tpu.memory_space<vmem>>)
      tpu.yield
    }) : () -> ()
    %dma_wait3A = arith.constant 0 : i32
    %dma_wait3A_18 = arith.constant 0 : i32
    %dma_wait3A_19 = tpu.memref_slice %arg7[%dma_wait3A, %dma_wait3A_18] : memref<1x128xi32, #tpu.memory_space<vmem>> -> memref<1x32xi32, #tpu.memory_space<vmem>>
    %dma_wait3A_20 = tpu.memref_squeeze %dma_wait3A_19 : memref<1x32xi32, #tpu.memory_space<vmem>> -> memref<32xi32, #tpu.memory_space<vmem>>
    %dma_wait3A_21 = arith.constant 0 : i32
    %dma_wait3A_22 = arith.constant 0 : i32
    %dma_wait3A_23 = tpu.memref_slice %arg2[%dma_wait3A_21, %dma_wait3A_22] : memref<7680x768xf32, #tpu.memory_space<hbm>> -> memref<7680x768xf32, #tpu.memory_space<hbm>>
    tpu.wait_indirect_dma semaphore(%arg12 : memref<!tpu.dma_semaphore, #tpu.memory_space<semaphore_mem>>) src(%dma_wait3A_23 : memref<7680x768xf32, #tpu.memory_space<hbm>>) dst(%arg8 : memref<32x768xf32, #tpu.memory_space<vmem>>)
    %dma_wait3A_24 = arith.constant 0 : i32
    %dma_wait3A_25 = arith.constant 64 : i32
    %dma_wait3A_26 = tpu.memref_slice %arg7[%dma_wait3A_24, %dma_wait3A_25] : memref<1x128xi32, #tpu.memory_space<vmem>> -> memref<1x32xi32, #tpu.memory_space<vmem>>
    %dma_wait3A_27 = tpu.memref_squeeze %dma_wait3A_26 : memref<1x32xi32, #tpu.memory_space<vmem>> -> memref<32xi32, #tpu.memory_space<vmem>>
    %dma_wait3A_28 = arith.constant 0 : i32
    %dma_wait3A_29 = arith.constant 0 : i32
    %dma_wait3A_30 = tpu.memref_slice %arg2[%dma_wait3A_28, %dma_wait3A_29] : memref<7680x768xf32, #tpu.memory_space<hbm>> -> memref<7680x768xf32, #tpu.memory_space<hbm>>
    tpu.wait_indirect_dma semaphore(%arg12 : memref<!tpu.dma_semaphore, #tpu.memory_space<semaphore_mem>>) src(%dma_wait3A_30 : memref<7680x768xf32, #tpu.memory_space<hbm>>) dst(%arg9 : memref<32x768xf32, #tpu.memory_space<vmem>>)
    %scan3A = arith.constant 0 : i32
    %scan3A_31 = arith.constant 0 : i32
    %scan3A_32 = arith.constant 32 : i32
    %scan3A_33 = arith.addi %scan3A_31, %scan3A_32 : i32
    %scan3A_34 = arith.constant 1 : i32
    scf.for %scan3A_76 = %scan3A_31 to %scan3A_33 step %scan3A_34  : i32 {
      %add3A_77 = arith.constant 0 : i32
      %add3A_78 = arith.addi %add3A_77, %scan3A_76 : i32
      %get3A = arith.index_cast %add3A_78 : i32 to index
      %get3A_79 = arith.constant 0 : index
      %get3A_80 = tpu.vector_load %arg11[%get3A, %get3A_79] {strides = array<i32>} : memref<64x48xf32, #tpu.memory_space<vmem>>, vector<1x16xf32>,
      %get3A_81 = vector.shape_cast %get3A_80 : vector<1x16xf32> to vector<16xf32>
      %get3A_82 = arith.index_cast %add3A_78 : i32 to index
      %get3A_83 = arith.constant 16 : index
      %get3A_84 = tpu.vector_load %arg11[%get3A_82, %get3A_83] {strides = array<i32>} : memref<64x48xf32, #tpu.memory_space<vmem>>, vector<1x16xf32>,
      %get3A_85 = vector.shape_cast %get3A_84 : vector<1x16xf32> to vector<16xf32>
      %get3A_86 = arith.index_cast %add3A_78 : i32 to index
      %get3A_87 = arith.constant 32 : index
      %get3A_88 = tpu.vector_load %arg11[%get3A_86, %get3A_87] {strides = array<i32>} : memref<64x48xf32, #tpu.memory_space<vmem>>, vector<1x16xf32>,
      %get3A_89 = vector.shape_cast %get3A_88 : vector<1x16xf32> to vector<16xf32>
      %get3A_90 = arith.index_cast %scan3A_76 : i32 to index
      %get3A_91 = arith.constant 0 : index
      %get3A_92 = tpu.vector_load %arg8[%get3A_90, %get3A_91] {strides = array<i32>} : memref<32x768xf32, #tpu.memory_space<vmem>>, vector<1x16xf32>,
      %get3A_93 = vector.shape_cast %get3A_92 : vector<1x16xf32> to vector<16xf32>
      %mul3A_94 = arith.mulf %get3A_81, %get3A_93 : vector<16xf32>
      %get3A_95 = arith.index_cast %scan3A_76 : i32 to index
      %get3A_96 = arith.constant 0 : index
      %get3A_97 = tpu.vector_load %arg9[%get3A_95, %get3A_96] {strides = array<i32>} : memref<32x768xf32, #tpu.memory_space<vmem>>, vector<1x16xf32>,
      %get3A_98 = vector.shape_cast %get3A_97 : vector<1x16xf32> to vector<16xf32>
      %mul3A_99 = arith.mulf %get3A_85, %get3A_98 : vector<16xf32>
      %add3A_100 = arith.addf %mul3A_94, %mul3A_99 : vector<16xf32>
      %get3A_101 = arith.index_cast %scan3A_76 : i32 to index
      %get3A_102 = arith.constant 0 : index
      %get3A_103 = tpu.vector_load %arg10[%get3A_101, %get3A_102] {strides = array<i32>} : memref<32x768xf32, #tpu.memory_space<vmem>>, vector<1x16xf32>,
      %get3A_104 = vector.shape_cast %get3A_103 : vector<1x16xf32> to vector<16xf32>
      %mul3A_105 = arith.mulf %get3A_89, %get3A_104 : vector<16xf32>
      %add3A_106 = arith.addf %add3A_100, %mul3A_105 : vector<16xf32>
      %swap3A = arith.index_cast %scan3A_76 : i32 to index
      %swap3A_107 = arith.constant 0 : index
      %swap3A_108 = tpu.vector_load %arg8[%swap3A, %swap3A_107] {strides = array<i32>} : memref<32x768xf32, #tpu.memory_space<vmem>>, vector<1x16xf32>,
      %swap3A_109 = vector.shape_cast %swap3A_108 : vector<1x16xf32> to vector<16xf32>
      %swap3A_110 = vector.shape_cast %add3A_106 : vector<16xf32> to vector<1x16xf32>
      tpu.vector_store %arg8[%swap3A, %swap3A_107], %swap3A_110 {strides = array<i32>} : memref<32x768xf32, #tpu.memory_space<vmem>>, vector<1x16xf32>,
      %get3A_111 = arith.index_cast %scan3A_76 : i32 to index
      %get3A_112 = arith.constant 16 : index
      %get3A_113 = tpu.vector_load %arg8[%get3A_111, %get3A_112] {strides = array<i32>} : memref<32x768xf32, #tpu.memory_space<vmem>>, vector<1x16xf32>,
      %get3A_114 = vector.shape_cast %get3A_113 : vector<1x16xf32> to vector<16xf32>
      %mul3A_115 = arith.mulf %get3A_81, %get3A_114 : vector<16xf32>
      %get3A_116 = arith.index_cast %scan3A_76 : i32 to index
      %get3A_117 = arith.constant 16 : index
      %get3A_118 = tpu.vector_load %arg9[%get3A_116, %get3A_117] {strides = array<i32>} : memref<32x768xf32, #tpu.memory_space<vmem>>, vector<1x16xf32>,
      %get3A_119 = vector.shape_cast %get3A_118 : vector<1x16xf32> to vector<16xf32>
      %mul3A_120 = arith.mulf %get3A_85, %get3A_119 : vector<16xf32>
      %add3A_121 = arith.addf %mul3A_115, %mul3A_120 : vector<16xf32>
      %get3A_122 = arith.index_cast %scan3A_76 : i32 to index
      %get3A_123 = arith.constant 16 : index
      %get3A_124 = tpu.vector_load %arg10[%get3A_122, %get3A_123] {strides = array<i32>} : memref<32x768xf32, #tpu.memory_space<vmem>>, vector<1x16xf32>,
      %get3A_125 = vector.shape_cast %get3A_124 : vector<1x16xf32> to vector<16xf32>
      %mul3A_126 = arith.mulf %get3A_89, %get3A_125 : vector<16xf32>
      %add3A_127 = arith.addf %add3A_121, %mul3A_126 : vector<16xf32>
      %swap3A_128 = arith.index_cast %scan3A_76 : i32 to index
      %swap3A_129 = arith.constant 16 : index
      %swap3A_130 = tpu.vector_load %arg8[%swap3A_128, %swap3A_129] {strides = array<i32>} : memref<32x768xf32, #tpu.memory_space<vmem>>, vector<1x16xf32>,
      %swap3A_131 = vector.shape_cast %swap3A_130 : vector<1x16xf32> to vector<16xf32>
      %swap3A_132 = vector.shape_cast %add3A_127 : vector<16xf32> to vector<1x16xf32>
      tpu.vector_store %arg8[%swap3A_128, %swap3A_129], %swap3A_132 {strides = array<i32>} : memref<32x768xf32, #tpu.memory_space<vmem>>, vector<1x16xf32>,
      %get3A_133 = arith.index_cast %scan3A_76 : i32 to index
      %get3A_134 = arith.constant 32 : index
      %get3A_135 = tpu.vector_load %arg8[%get3A_133, %get3A_134] {strides = array<i32>} : memref<32x768xf32, #tpu.memory_space<vmem>>, vector<1x16xf32>,
      %get3A_136 = vector.shape_cast %get3A_135 : vector<1x16xf32> to vector<16xf32>
      %mul3A_137 = arith.mulf %get3A_81, %get3A_136 : vector<16xf32>
      %get3A_138 = arith.index_cast %scan3A_76 : i32 to index
      %get3A_139 = arith.constant 32 : index
      %get3A_140 = tpu.vector_load %arg9[%get3A_138, %get3A_139] {strides = array<i32>} : memref<32x768xf32, #tpu.memory_space<vmem>>, vector<1x16xf32>,
      %get3A_141 = vector.shape_cast %get3A_140 : vector<1x16xf32> to vector<16xf32>
      %mul3A_142 = arith.mulf %get3A_85, %get3A_141 : vector<16xf32>
      %add3A_143 = arith.addf %mul3A_137, %mul3A_142 : vector<16xf32>
      %get3A_144 = arith.index_cast %scan3A_76 : i32 to index
      %get3A_145 = arith.constant 32 : index
      %get3A_146 = tpu.vector_load %arg10[%get3A_144, %get3A_145] {strides = array<i32>} : memref<32x768xf32, #tpu.memory_space<vmem>>, vector<1x16xf32>,
      %get3A_147 = vector.shape_cast %get3A_146 : vector<1x16xf32> to vector<16xf32>
      %mul3A_148 = arith.mulf %get3A_89, %get3A_147 : vector<16xf32>
      %add3A_149 = arith.addf %add3A_143, %mul3A_148 : vector<16xf32>
      %swap3A_150 = arith.index_cast %scan3A_76 : i32 to index
      %swap3A_151 = arith.constant 32 : index
      %swap3A_152 = tpu.vector_load %arg8[%swap3A_150, %swap3A_151] {strides = array<i32>} : memref<32x768xf32, #tpu.memory_space<vmem>>, vector<1x16xf32>,
      %swap3A_153 = vector.shape_cast %swap3A_152 : vector<1x16xf32> to vector<16xf32>
      %swap3A_154 = vector.shape_cast %add3A_149 : vector<16xf32> to vector<1x16xf32>
      tpu.vector_store %arg8[%swap3A_150, %swap3A_151], %swap3A_154 {strides = array<i32>} : memref<32x768xf32, #tpu.memory_space<vmem>>, vector<1x16xf32>,
      %get3A_155 = arith.index_cast %scan3A_76 : i32 to index
      %get3A_156 = arith.constant 48 : index
      %get3A_157 = tpu.vector_load %arg8[%get3A_155, %get3A_156] {strides = array<i32>} : memref<32x768xf32, #tpu.memory_space<vmem>>, vector<1x16xf32>,
      %get3A_158 = vector.shape_cast %get3A_157 : vector<1x16xf32> to vector<16xf32>
      %mul3A_159 = arith.mulf %get3A_81, %get3A_158 : vector<16xf32>
      %get3A_160 = arith.index_cast %scan3A_76 : i32 to index
      %get3A_161 = arith.constant 48 : index
      %get3A_162 = tpu.vector_load %arg9[%get3A_160, %get3A_161] {strides = array<i32>} : memref<32x768xf32, #tpu.memory_space<vmem>>, vector<1x16xf32>,
      %get3A_163 = vector.shape_cast %get3A_162 : vector<1x16xf32> to vector<16xf32>
      %mul3A_164 = arith.mulf %get3A_85, %get3A_163 : vector<16xf32>
      %add3A_165 = arith.addf %mul3A_159, %mul3A_164 : vector<16xf32>
      %get3A_166 = arith.index_cast %scan3A_76 : i32 to index
      %get3A_167 = arith.constant 48 : index
      %get3A_168 = tpu.vector_load %arg10[%get3A_166, %get3A_167] {strides = array<i32>} : memref<32x768xf32, #tpu.memory_space<vmem>>, vector<1x16xf32>,
      %get3A_169 = vector.shape_cast %get3A_168 : vector<1x16xf32> to vector<16xf32>
      %mul3A_170 = arith.mulf %get3A_89, %get3A_169 : vector<16xf32>
      %add3A_171 = arith.addf %add3A_165, %mul3A_170 : vector<16xf32>
      %swap3A_172 = arith.index_cast %scan3A_76 : i32 to index
      %swap3A_173 = arith.constant 48 : index
      %swap3A_174 = tpu.vector_load %arg8[%swap3A_172, %swap3A_173] {strides = array<i32>} : memref<32x768xf32, #tpu.memory_space<vmem>>, vector<1x16xf32>,
      %swap3A_175 = vector.shape_cast %swap3A_174 : vector<1x16xf32> to vector<16xf32>
      %swap3A_176 = vector.shape_cast %add3A_171 : vector<16xf32> to vector<1x16xf32>
      tpu.vector_store %arg8[%swap3A_172, %swap3A_173], %swap3A_176 {strides = array<i32>} : memref<32x768xf32, #tpu.memory_space<vmem>>, vector<1x16xf32>,
      %get3A_177 = arith.index_cast %scan3A_76 : i32 to index
      %get3A_178 = arith.constant 64 : index
      %get3A_179 = tpu.vector_load %arg8[%get3A_177, %get3A_178] {strides = array<i32>} : memref<32x768xf32, #tpu.memory_space<vmem>>, vector<1x16xf32>,
      %get3A_180 = vector.shape_cast %get3A_179 : vector<1x16xf32> to vector<16xf32>
      %mul3A_181 = arith.mulf %get3A_81, %get3A_180 : vector<16xf32>
      %get3A_182 = arith.index_cast %scan3A_76 : i32 to index
      %get3A_183 = arith.constant 64 : index
      %get3A_184 = tpu.vector_load %arg9[%get3A_182, %get3A_183] {strides = array<i32>} : memref<32x768xf32, #tpu.memory_space<vmem>>, vector<1x16xf32>,
      %get3A_185 = vector.shape_cast %get3A_184 : vector<1x16xf32> to vector<16xf32>
      %mul3A_186 = arith.mulf %get3A_85, %get3A_185 : vector<16xf32>
      %add3A_187 = arith.addf %mul3A_181, %mul3A_186 : vector<16xf32>
      %get3A_188 = arith.index_cast %scan3A_76 : i32 to index
      %get3A_189 = arith.constant 64 : index
      %get3A_190 = tpu.vector_load %arg10[%get3A_188, %get3A_189] {strides = array<i32>} : memref<32x768xf32, #tpu.memory_space<vmem>>, vector<1x16xf32>,
      %get3A_191 = vector.shape_cast %get3A_190 : vector<1x16xf32> to vector<16xf32>
      %mul3A_192 = arith.mulf %get3A_89, %get3A_191 : vector<16xf32>
      %add3A_193 = arith.addf %add3A_187, %mul3A_192 : vector<16xf32>
      %swap3A_194 = arith.index_cast %scan3A_76 : i32 to index
      %swap3A_195 = arith.constant 64 : index
      %swap3A_196 = tpu.vector_load %arg8[%swap3A_194, %swap3A_195] {strides = array<i32>} : memref<32x768xf32, #tpu.memory_space<vmem>>, vector<1x16xf32>,
      %swap3A_197 = vector.shape_cast %swap3A_196 : vector<1x16xf32> to vector<16xf32>
      %swap3A_198 = vector.shape_cast %add3A_193 : vector<16xf32> to vector<1x16xf32>
      tpu.vector_store %arg8[%swap3A_194, %swap3A_195], %swap3A_198 {strides = array<i32>} : memref<32x768xf32, #tpu.memory_space<vmem>>, vector<1x16xf32>,
      %get3A_199 = arith.index_cast %scan3A_76 : i32 to index
      %get3A_200 = arith.constant 80 : index
      %get3A_201 = tpu.vector_load %arg8[%get3A_199, %get3A_200] {strides = array<i32>} : memref<32x768xf32, #tpu.memory_space<vmem>>, vector<1x16xf32>,
      %get3A_202 = vector.shape_cast %get3A_201 : vector<1x16xf32> to vector<16xf32>
      %mul3A_203 = arith.mulf %get3A_81, %get3A_202 : vector<16xf32>
      %get3A_204 = arith.index_cast %scan3A_76 : i32 to index
      %get3A_205 = arith.constant 80 : index
      %get3A_206 = tpu.vector_load %arg9[%get3A_204, %get3A_205] {strides = array<i32>} : memref<32x768xf32, #tpu.memory_space<vmem>>, vector<1x16xf32>,
      %get3A_207 = vector.shape_cast %get3A_206 : vector<1x16xf32> to vector<16xf32>
      %mul3A_208 = arith.mulf %get3A_85, %get3A_207 : vector<16xf32>
      %add3A_209 = arith.addf %mul3A_203, %mul3A_208 : vector<16xf32>
      %get3A_210 = arith.index_cast %scan3A_76 : i32 to index
      %get3A_211 = arith.constant 80 : index
      %get3A_212 = tpu.vector_load %arg10[%get3A_210, %get3A_211] {strides = array<i32>} : memref<32x768xf32, #tpu.memory_space<vmem>>, vector<1x16xf32>,
      %get3A_213 = vector.shape_cast %get3A_212 : vector<1x16xf32> to vector<16xf32>
      %mul3A_214 = arith.mulf %get3A_89, %get3A_213 : vector<16xf32>
      %add3A_215 = arith.addf %add3A_209, %mul3A_214 : vector<16xf32>
      %swap3A_216 = arith.index_cast %scan3A_76 : i32 to index
      %swap3A_217 = arith.constant 80 : index
      %swap3A_218 = tpu.vector_load %arg8[%swap3A_216, %swap3A_217] {strides = array<i32>} : memref<32x768xf32, #tpu.memory_space<vmem>>, vector<1x16xf32>,
      %swap3A_219 = vector.shape_cast %swap3A_218 : vector<1x16xf32> to vector<16xf32>
      %swap3A_220 = vector.shape_cast %add3A_215 : vector<16xf32> to vector<1x16xf32>
      tpu.vector_store %arg8[%swap3A_216, %swap3A_217], %swap3A_220 {strides = array<i32>} : memref<32x768xf32, #tpu.memory_space<vmem>>, vector<1x16xf32>,
      %get3A_221 = arith.index_cast %scan3A_76 : i32 to index
      %get3A_222 = arith.constant 96 : index
      %get3A_223 = tpu.vector_load %arg8[%get3A_221, %get3A_222] {strides = array<i32>} : memref<32x768xf32, #tpu.memory_space<vmem>>, vector<1x16xf32>,
      %get3A_224 = vector.shape_cast %get3A_223 : vector<1x16xf32> to vector<16xf32>
      %mul3A_225 = arith.mulf %get3A_81, %get3A_224 : vector<16xf32>
      %get3A_226 = arith.index_cast %scan3A_76 : i32 to index
      %get3A_227 = arith.constant 96 : index
      %get3A_228 = tpu.vector_load %arg9[%get3A_226, %get3A_227] {strides = array<i32>} : memref<32x768xf32, #tpu.memory_space<vmem>>, vector<1x16xf32>,
      %get3A_229 = vector.shape_cast %get3A_228 : vector<1x16xf32> to vector<16xf32>
      %mul3A_230 = arith.mulf %get3A_85, %get3A_229 : vector<16xf32>
      %add3A_231 = arith.addf %mul3A_225, %mul3A_230 : vector<16xf32>
      %get3A_232 = arith.index_cast %scan3A_76 : i32 to index
      %get3A_233 = arith.constant 96 : index
      %get3A_234 = tpu.vector_load %arg10[%get3A_232, %get3A_233] {strides = array<i32>} : memref<32x768xf32, #tpu.memory_space<vmem>>, vector<1x16xf32>,
      %get3A_235 = vector.shape_cast %get3A_234 : vector<1x16xf32> to vector<16xf32>
      %mul3A_236 = arith.mulf %get3A_89, %get3A_235 : vector<16xf32>
      %add3A_237 = arith.addf %add3A_231, %mul3A_236 : vector<16xf32>
      %swap3A_238 = arith.index_cast %scan3A_76 : i32 to index
      %swap3A_239 = arith.constant 96 : index
      %swap3A_240 = tpu.vector_load %arg8[%swap3A_238, %swap3A_239] {strides = array<i32>} : memref<32x768xf32, #tpu.memory_space<vmem>>, vector<1x16xf32>,
      %swap3A_241 = vector.shape_cast %swap3A_240 : vector<1x16xf32> to vector<16xf32>
      %swap3A_242 = vector.shape_cast %add3A_237 : vector<16xf32> to vector<1x16xf32>
      tpu.vector_store %arg8[%swap3A_238, %swap3A_239], %swap3A_242 {strides = array<i32>} : memref<32x768xf32, #tpu.memory_space<vmem>>, vector<1x16xf32>,
      %get3A_243 = arith.index_cast %scan3A_76 : i32 to index
      %get3A_244 = arith.constant 112 : index
      %get3A_245 = tpu.vector_load %arg8[%get3A_243, %get3A_244] {strides = array<i32>} : memref<32x768xf32, #tpu.memory_space<vmem>>, vector<1x16xf32>,
      %get3A_246 = vector.shape_cast %get3A_245 : vector<1x16xf32> to vector<16xf32>
      %mul3A_247 = arith.mulf %get3A_81, %get3A_246 : vector<16xf32>
      %get3A_248 = arith.index_cast %scan3A_76 : i32 to index
      %get3A_249 = arith.constant 112 : index
      %get3A_250 = tpu.vector_load %arg9[%get3A_248, %get3A_249] {strides = array<i32>} : memref<32x768xf32, #tpu.memory_space<vmem>>, vector<1x16xf32>,
      %get3A_251 = vector.shape_cast %get3A_250 : vector<1x16xf32> to vector<16xf32>
      %mul3A_252 = arith.mulf %get3A_85, %get3A_251 : vector<16xf32>
      %add3A_253 = arith.addf %mul3A_247, %mul3A_252 : vector<16xf32>
      %get3A_254 = arith.index_cast %scan3A_76 : i32 to index
      %get3A_255 = arith.constant 112 : index
      %get3A_256 = tpu.vector_load %arg10[%get3A_254, %get3A_255] {strides = array<i32>} : memref<32x768xf32, #tpu.memory_space<vmem>>, vector<1x16xf32>,
      %get3A_257 = vector.shape_cast %get3A_256 : vector<1x16xf32> to vector<16xf32>
      %mul3A_258 = arith.mulf %get3A_89, %get3A_257 : vector<16xf32>
      %add3A_259 = arith.addf %add3A_253, %mul3A_258 : vector<16xf32>
      %swap3A_260 = arith.index_cast %scan3A_76 : i32 to index
      %swap3A_261 = arith.constant 112 : index
      %swap3A_262 = tpu.vector_load %arg8[%swap3A_260, %swap3A_261] {strides = array<i32>} : memref<32x768xf32, #tpu.memory_space<vmem>>, vector<1x16xf32>,
      %swap3A_263 = vector.shape_cast %swap3A_262 : vector<1x16xf32> to vector<16xf32>
      %swap3A_264 = vector.shape_cast %add3A_259 : vector<16xf32> to vector<1x16xf32>
      tpu.vector_store %arg8[%swap3A_260, %swap3A_261], %swap3A_264 {strides = array<i32>} : memref<32x768xf32, #tpu.memory_space<vmem>>, vector<1x16xf32>,
      %get3A_265 = arith.index_cast %scan3A_76 : i32 to index
      %get3A_266 = arith.constant 128 : index
      %get3A_267 = tpu.vector_load %arg8[%get3A_265, %get3A_266] {strides = array<i32>} : memref<32x768xf32, #tpu.memory_space<vmem>>, vector<1x16xf32>,
      %get3A_268 = vector.shape_cast %get3A_267 : vector<1x16xf32> to vector<16xf32>
      %mul3A_269 = arith.mulf %get3A_81, %get3A_268 : vector<16xf32>
      %get3A_270 = arith.index_cast %scan3A_76 : i32 to index
      %get3A_271 = arith.constant 128 : index
      %get3A_272 = tpu.vector_load %arg9[%get3A_270, %get3A_271] {strides = array<i32>} : memref<32x768xf32, #tpu.memory_space<vmem>>, vector<1x16xf32>,
      %get3A_273 = vector.shape_cast %get3A_272 : vector<1x16xf32> to vector<16xf32>
      %mul3A_274 = arith.mulf %get3A_85, %get3A_273 : vector<16xf32>
      %add3A_275 = arith.addf %mul3A_269, %mul3A_274 : vector<16xf32>
      %get3A_276 = arith.index_cast %scan3A_76 : i32 to index
      %get3A_277 = arith.constant 128 : index
      %get3A_278 = tpu.vector_load %arg10[%get3A_276, %get3A_277] {strides = array<i32>} : memref<32x768xf32, #tpu.memory_space<vmem>>, vector<1x16xf32>,
      %get3A_279 = vector.shape_cast %get3A_278 : vector<1x16xf32> to vector<16xf32>
      %mul3A_280 = arith.mulf %get3A_89, %get3A_279 : vector<16xf32>
      %add3A_281 = arith.addf %add3A_275, %mul3A_280 : vector<16xf32>
      %swap3A_282 = arith.index_cast %scan3A_76 : i32 to index
      %swap3A_283 = arith.constant 128 : index
      %swap3A_284 = tpu.vector_load %arg8[%swap3A_282, %swap3A_283] {strides = array<i32>} : memref<32x768xf32, #tpu.memory_space<vmem>>, vector<1x16xf32>,
      %swap3A_285 = vector.shape_cast %swap3A_284 : vector<1x16xf32> to vector<16xf32>
      %swap3A_286 = vector.shape_cast %add3A_281 : vector<16xf32> to vector<1x16xf32>
      tpu.vector_store %arg8[%swap3A_282, %swap3A_283], %swap3A_286 {strides = array<i32>} : memref<32x768xf32, #tpu.memory_space<vmem>>, vector<1x16xf32>,
      %get3A_287 = arith.index_cast %scan3A_76 : i32 to index
      %get3A_288 = arith.constant 144 : index
      %get3A_289 = tpu.vector_load %arg8[%get3A_287, %get3A_288] {strides = array<i32>} : memref<32x768xf32, #tpu.memory_space<vmem>>, vector<1x16xf32>,
      %get3A_290 = vector.shape_cast %get3A_289 : vector<1x16xf32> to vector<16xf32>
      %mul3A_291 = arith.mulf %get3A_81, %get3A_290 : vector<16xf32>
      %get3A_292 = arith.index_cast %scan3A_76 : i32 to index
      %get3A_293 = arith.constant 144 : index
      %get3A_294 = tpu.vector_load %arg9[%get3A_292, %get3A_293] {strides = array<i32>} : memref<32x768xf32, #tpu.memory_space<vmem>>, vector<1x16xf32>,
      %get3A_295 = vector.shape_cast %get3A_294 : vector<1x16xf32> to vector<16xf32>
      %mul3A_296 = arith.mulf %get3A_85, %get3A_295 : vector<16xf32>
      %add3A_297 = arith.addf %mul3A_291, %mul3A_296 : vector<16xf32>
      %get3A_298 = arith.index_cast %scan3A_76 : i32 to index
      %get3A_299 = arith.constant 144 : index
      %get3A_300 = tpu.vector_load %arg10[%get3A_298, %get3A_299] {strides = array<i32>} : memref<32x768xf32, #tpu.memory_space<vmem>>, vector<1x16xf32>,
      %get3A_301 = vector.shape_cast %get3A_300 : vector<1x16xf32> to vector<16xf32>
      %mul3A_302 = arith.mulf %get3A_89, %get3A_301 : vector<16xf32>
      %add3A_303 = arith.addf %add3A_297, %mul3A_302 : vector<16xf32>
      %swap3A_304 = arith.index_cast %scan3A_76 : i32 to index
      %swap3A_305 = arith.constant 144 : index
      %swap3A_306 = tpu.vector_load %arg8[%swap3A_304, %swap3A_305] {strides = array<i32>} : memref<32x768xf32, #tpu.memory_space<vmem>>, vector<1x16xf32>,
      %swap3A_307 = vector.shape_cast %swap3A_306 : vector<1x16xf32> to vector<16xf32>
      %swap3A_308 = vector.shape_cast %add3A_303 : vector<16xf32> to vector<1x16xf32>
      tpu.vector_store %arg8[%swap3A_304, %swap3A_305], %swap3A_308 {strides = array<i32>} : memref<32x768xf32, #tpu.memory_space<vmem>>, vector<1x16xf32>,
      %get3A_309 = arith.index_cast %scan3A_76 : i32 to index
      %get3A_310 = arith.constant 160 : index
      %get3A_311 = tpu.vector_load %arg8[%get3A_309, %get3A_310] {strides = array<i32>} : memref<32x768xf32, #tpu.memory_space<vmem>>, vector<1x16xf32>,
      %get3A_312 = vector.shape_cast %get3A_311 : vector<1x16xf32> to vector<16xf32>
      %mul3A_313 = arith.mulf %get3A_81, %get3A_312 : vector<16xf32>
      %get3A_314 = arith.index_cast %scan3A_76 : i32 to index
      %get3A_315 = arith.constant 160 : index
      %get3A_316 = tpu.vector_load %arg9[%get3A_314, %get3A_315] {strides = array<i32>} : memref<32x768xf32, #tpu.memory_space<vmem>>, vector<1x16xf32>,
      %get3A_317 = vector.shape_cast %get3A_316 : vector<1x16xf32> to vector<16xf32>
      %mul3A_318 = arith.mulf %get3A_85, %get3A_317 : vector<16xf32>
      %add3A_319 = arith.addf %mul3A_313, %mul3A_318 : vector<16xf32>
      %get3A_320 = arith.index_cast %scan3A_76 : i32 to index
      %get3A_321 = arith.constant 160 : index
      %get3A_322 = tpu.vector_load %arg10[%get3A_320, %get3A_321] {strides = array<i32>} : memref<32x768xf32, #tpu.memory_space<vmem>>, vector<1x16xf32>,
      %get3A_323 = vector.shape_cast %get3A_322 : vector<1x16xf32> to vector<16xf32>
      %mul3A_324 = arith.mulf %get3A_89, %get3A_323 : vector<16xf32>
      %add3A_325 = arith.addf %add3A_319, %mul3A_324 : vector<16xf32>
      %swap3A_326 = arith.index_cast %scan3A_76 : i32 to index
      %swap3A_327 = arith.constant 160 : index
      %swap3A_328 = tpu.vector_load %arg8[%swap3A_326, %swap3A_327] {strides = array<i32>} : memref<32x768xf32, #tpu.memory_space<vmem>>, vector<1x16xf32>,
      %swap3A_329 = vector.shape_cast %swap3A_328 : vector<1x16xf32> to vector<16xf32>
      %swap3A_330 = vector.shape_cast %add3A_325 : vector<16xf32> to vector<1x16xf32>
      tpu.vector_store %arg8[%swap3A_326, %swap3A_327], %swap3A_330 {strides = array<i32>} : memref<32x768xf32, #tpu.memory_space<vmem>>, vector<1x16xf32>,
      %get3A_331 = arith.index_cast %scan3A_76 : i32 to index
      %get3A_332 = arith.constant 176 : index
      %get3A_333 = tpu.vector_load %arg8[%get3A_331, %get3A_332] {strides = array<i32>} : memref<32x768xf32, #tpu.memory_space<vmem>>, vector<1x16xf32>,
      %get3A_334 = vector.shape_cast %get3A_333 : vector<1x16xf32> to vector<16xf32>
      %mul3A_335 = arith.mulf %get3A_81, %get3A_334 : vector<16xf32>
      %get3A_336 = arith.index_cast %scan3A_76 : i32 to index
      %get3A_337 = arith.constant 176 : index
      %get3A_338 = tpu.vector_load %arg9[%get3A_336, %get3A_337] {strides = array<i32>} : memref<32x768xf32, #tpu.memory_space<vmem>>, vector<1x16xf32>,
      %get3A_339 = vector.shape_cast %get3A_338 : vector<1x16xf32> to vector<16xf32>
      %mul3A_340 = arith.mulf %get3A_85, %get3A_339 : vector<16xf32>
      %add3A_341 = arith.addf %mul3A_335, %mul3A_340 : vector<16xf32>
      %get3A_342 = arith.index_cast %scan3A_76 : i32 to index
      %get3A_343 = arith.constant 176 : index
      %get3A_344 = tpu.vector_load %arg10[%get3A_342, %get3A_343] {strides = array<i32>} : memref<32x768xf32, #tpu.memory_space<vmem>>, vector<1x16xf32>,
      %get3A_345 = vector.shape_cast %get3A_344 : vector<1x16xf32> to vector<16xf32>
      %mul3A_346 = arith.mulf %get3A_89, %get3A_345 : vector<16xf32>
      %add3A_347 = arith.addf %add3A_341, %mul3A_346 : vector<16xf32>
      %swap3A_348 = arith.index_cast %scan3A_76 : i32 to index
      %swap3A_349 = arith.constant 176 : index
      %swap3A_350 = tpu.vector_load %arg8[%swap3A_348, %swap3A_349] {strides = array<i32>} : memref<32x768xf32, #tpu.memory_space<vmem>>, vector<1x16xf32>,
      %swap3A_351 = vector.shape_cast %swap3A_350 : vector<1x16xf32> to vector<16xf32>
      %swap3A_352 = vector.shape_cast %add3A_347 : vector<16xf32> to vector<1x16xf32>
      tpu.vector_store %arg8[%swap3A_348, %swap3A_349], %swap3A_352 {strides = array<i32>} : memref<32x768xf32, #tpu.memory_space<vmem>>, vector<1x16xf32>,
      %get3A_353 = arith.index_cast %scan3A_76 : i32 to index
      %get3A_354 = arith.constant 192 : index
      %get3A_355 = tpu.vector_load %arg8[%get3A_353, %get3A_354] {strides = array<i32>} : memref<32x768xf32, #tpu.memory_space<vmem>>, vector<1x16xf32>,
      %get3A_356 = vector.shape_cast %get3A_355 : vector<1x16xf32> to vector<16xf32>
      %mul3A_357 = arith.mulf %get3A_81, %get3A_356 : vector<16xf32>
      %get3A_358 = arith.index_cast %scan3A_76 : i32 to index
      %get3A_359 = arith.constant 192 : index
      %get3A_360 = tpu.vector_load %arg9[%get3A_358, %get3A_359] {strides = array<i32>} : memref<32x768xf32, #tpu.memory_space<vmem>>, vector<1x16xf32>,
      %get3A_361 = vector.shape_cast %get3A_360 : vector<1x16xf32> to vector<16xf32>
      %mul3A_362 = arith.mulf %get3A_85, %get3A_361 : vector<16xf32>
      %add3A_363 = arith.addf %mul3A_357, %mul3A_362 : vector<16xf32>
      %get3A_364 = arith.index_cast %scan3A_76 : i32 to index
      %get3A_365 = arith.constant 192 : index
      %get3A_366 = tpu.vector_load %arg10[%get3A_364, %get3A_365] {strides = array<i32>} : memref<32x768xf32, #tpu.memory_space<vmem>>, vector<1x16xf32>,
      %get3A_367 = vector.shape_cast %get3A_366 : vector<1x16xf32> to vector<16xf32>
      %mul3A_368 = arith.mulf %get3A_89, %get3A_367 : vector<16xf32>
      %add3A_369 = arith.addf %add3A_363, %mul3A_368 : vector<16xf32>
      %swap3A_370 = arith.index_cast %scan3A_76 : i32 to index
      %swap3A_371 = arith.constant 192 : index
      %swap3A_372 = tpu.vector_load %arg8[%swap3A_370, %swap3A_371] {strides = array<i32>} : memref<32x768xf32, #tpu.memory_space<vmem>>, vector<1x16xf32>,
      %swap3A_373 = vector.shape_cast %swap3A_372 : vector<1x16xf32> to vector<16xf32>
      %swap3A_374 = vector.shape_cast %add3A_369 : vector<16xf32> to vector<1x16xf32>
      tpu.vector_store %arg8[%swap3A_370, %swap3A_371], %swap3A_374 {strides = array<i32>} : memref<32x768xf32, #tpu.memory_space<vmem>>, vector<1x16xf32>,
      %get3A_375 = arith.index_cast %scan3A_76 : i32 to index
      %get3A_376 = arith.constant 208 : index
      %get3A_377 = tpu.vector_load %arg8[%get3A_375, %get3A_376] {strides = array<i32>} : memref<32x768xf32, #tpu.memory_space<vmem>>, vector<1x16xf32>,
      %get3A_378 = vector.shape_cast %get3A_377 : vector<1x16xf32> to vector<16xf32>
      %mul3A_379 = arith.mulf %get3A_81, %get3A_378 : vector<16xf32>
      %get3A_380 = arith.index_cast %scan3A_76 : i32 to index
      %get3A_381 = arith.constant 208 : index
      %get3A_382 = tpu.vector_load %arg9[%get3A_380, %get3A_381] {strides = array<i32>} : memref<32x768xf32, #tpu.memory_space<vmem>>, vector<1x16xf32>,
      %get3A_383 = vector.shape_cast %get3A_382 : vector<1x16xf32> to vector<16xf32>
      %mul3A_384 = arith.mulf %get3A_85, %get3A_383 : vector<16xf32>
      %add3A_385 = arith.addf %mul3A_379, %mul3A_384 : vector<16xf32>
      %get3A_386 = arith.index_cast %scan3A_76 : i32 to index
      %get3A_387 = arith.constant 208 : index
      %get3A_388 = tpu.vector_load %arg10[%get3A_386, %get3A_387] {strides = array<i32>} : memref<32x768xf32, #tpu.memory_space<vmem>>, vector<1x16xf32>,
      %get3A_389 = vector.shape_cast %get3A_388 : vector<1x16xf32> to vector<16xf32>
      %mul3A_390 = arith.mulf %get3A_89, %get3A_389 : vector<16xf32>
      %add3A_391 = arith.addf %add3A_385, %mul3A_390 : vector<16xf32>
      %swap3A_392 = arith.index_cast %scan3A_76 : i32 to index
      %swap3A_393 = arith.constant 208 : index
      %swap3A_394 = tpu.vector_load %arg8[%swap3A_392, %swap3A_393] {strides = array<i32>} : memref<32x768xf32, #tpu.memory_space<vmem>>, vector<1x16xf32>,
      %swap3A_395 = vector.shape_cast %swap3A_394 : vector<1x16xf32> to vector<16xf32>
      %swap3A_396 = vector.shape_cast %add3A_391 : vector<16xf32> to vector<1x16xf32>
      tpu.vector_store %arg8[%swap3A_392, %swap3A_393], %swap3A_396 {strides = array<i32>} : memref<32x768xf32, #tpu.memory_space<vmem>>, vector<1x16xf32>,
      %get3A_397 = arith.index_cast %scan3A_76 : i32 to index
      %get3A_398 = arith.constant 224 : index
      %get3A_399 = tpu.vector_load %arg8[%get3A_397, %get3A_398] {strides = array<i32>} : memref<32x768xf32, #tpu.memory_space<vmem>>, vector<1x16xf32>,
      %get3A_400 = vector.shape_cast %get3A_399 : vector<1x16xf32> to vector<16xf32>
      %mul3A_401 = arith.mulf %get3A_81, %get3A_400 : vector<16xf32>
      %get3A_402 = arith.index_cast %scan3A_76 : i32 to index
      %get3A_403 = arith.constant 224 : index
      %get3A_404 = tpu.vector_load %arg9[%get3A_402, %get3A_403] {strides = array<i32>} : memref<32x768xf32, #tpu.memory_space<vmem>>, vector<1x16xf32>,
      %get3A_405 = vector.shape_cast %get3A_404 : vector<1x16xf32> to vector<16xf32>
      %mul3A_406 = arith.mulf %get3A_85, %get3A_405 : vector<16xf32>
      %add3A_407 = arith.addf %mul3A_401, %mul3A_406 : vector<16xf32>
      %get3A_408 = arith.index_cast %scan3A_76 : i32 to index
      %get3A_409 = arith.constant 224 : index
      %get3A_410 = tpu.vector_load %arg10[%get3A_408, %get3A_409] {strides = array<i32>} : memref<32x768xf32, #tpu.memory_space<vmem>>, vector<1x16xf32>,
      %get3A_411 = vector.shape_cast %get3A_410 : vector<1x16xf32> to vector<16xf32>
      %mul3A_412 = arith.mulf %get3A_89, %get3A_411 : vector<16xf32>
      %add3A_413 = arith.addf %add3A_407, %mul3A_412 : vector<16xf32>
      %swap3A_414 = arith.index_cast %scan3A_76 : i32 to index
      %swap3A_415 = arith.constant 224 : index
      %swap3A_416 = tpu.vector_load %arg8[%swap3A_414, %swap3A_415] {strides = array<i32>} : memref<32x768xf32, #tpu.memory_space<vmem>>, vector<1x16xf32>,
      %swap3A_417 = vector.shape_cast %swap3A_416 : vector<1x16xf32> to vector<16xf32>
      %swap3A_418 = vector.shape_cast %add3A_413 : vector<16xf32> to vector<1x16xf32>
      tpu.vector_store %arg8[%swap3A_414, %swap3A_415], %swap3A_418 {strides = array<i32>} : memref<32x768xf32, #tpu.memory_space<vmem>>, vector<1x16xf32>,
      %get3A_419 = arith.index_cast %scan3A_76 : i32 to index
      %get3A_420 = arith.constant 240 : index
      %get3A_421 = tpu.vector_load %arg8[%get3A_419, %get3A_420] {strides = array<i32>} : memref<32x768xf32, #tpu.memory_space<vmem>>, vector<1x16xf32>,
      %get3A_422 = vector.shape_cast %get3A_421 : vector<1x16xf32> to vector<16xf32>
      %mul3A_423 = arith.mulf %get3A_81, %get3A_422 : vector<16xf32>
      %get3A_424 = arith.index_cast %scan3A_76 : i32 to index
      %get3A_425 = arith.constant 240 : index
      %get3A_426 = tpu.vector_load %arg9[%get3A_424, %get3A_425] {strides = array<i32>} : memref<32x768xf32, #tpu.memory_space<vmem>>, vector<1x16xf32>,
      %get3A_427 = vector.shape_cast %get3A_426 : vector<1x16xf32> to vector<16xf32>
      %mul3A_428 = arith.mulf %get3A_85, %get3A_427 : vector<16xf32>
      %add3A_429 = arith.addf %mul3A_423, %mul3A_428 : vector<16xf32>
      %get3A_430 = arith.index_cast %scan3A_76 : i32 to index
      %get3A_431 = arith.constant 240 : index
      %get3A_432 = tpu.vector_load %arg10[%get3A_430, %get3A_431] {strides = array<i32>} : memref<32x768xf32, #tpu.memory_space<vmem>>, vector<1x16xf32>,
      %get3A_433 = vector.shape_cast %get3A_432 : vector<1x16xf32> to vector<16xf32>
      %mul3A_434 = arith.mulf %get3A_89, %get3A_433 : vector<16xf32>
      %add3A_435 = arith.addf %add3A_429, %mul3A_434 : vector<16xf32>
      %swap3A_436 = arith.index_cast %scan3A_76 : i32 to index
      %swap3A_437 = arith.constant 240 : index
      %swap3A_438 = tpu.vector_load %arg8[%swap3A_436, %swap3A_437] {strides = array<i32>} : memref<32x768xf32, #tpu.memory_space<vmem>>, vector<1x16xf32>,
      %swap3A_439 = vector.shape_cast %swap3A_438 : vector<1x16xf32> to vector<16xf32>
      %swap3A_440 = vector.shape_cast %add3A_435 : vector<16xf32> to vector<1x16xf32>
      tpu.vector_store %arg8[%swap3A_436, %swap3A_437], %swap3A_440 {strides = array<i32>} : memref<32x768xf32, #tpu.memory_space<vmem>>, vector<1x16xf32>,
      %get3A_441 = arith.index_cast %scan3A_76 : i32 to index
      %get3A_442 = arith.constant 256 : index
      %get3A_443 = tpu.vector_load %arg8[%get3A_441, %get3A_442] {strides = array<i32>} : memref<32x768xf32, #tpu.memory_space<vmem>>, vector<1x16xf32>,
      %get3A_444 = vector.shape_cast %get3A_443 : vector<1x16xf32> to vector<16xf32>
      %mul3A_445 = arith.mulf %get3A_81, %get3A_444 : vector<16xf32>
      %get3A_446 = arith.index_cast %scan3A_76 : i32 to index
      %get3A_447 = arith.constant 256 : index
      %get3A_448 = tpu.vector_load %arg9[%get3A_446, %get3A_447] {strides = array<i32>} : memref<32x768xf32, #tpu.memory_space<vmem>>, vector<1x16xf32>,
      %get3A_449 = vector.shape_cast %get3A_448 : vector<1x16xf32> to vector<16xf32>
      %mul3A_450 = arith.mulf %get3A_85, %get3A_449 : vector<16xf32>
      %add3A_451 = arith.addf %mul3A_445, %mul3A_450 : vector<16xf32>
      %get3A_452 = arith.index_cast %scan3A_76 : i32 to index
      %get3A_453 = arith.constant 256 : index
      %get3A_454 = tpu.vector_load %arg10[%get3A_452, %get3A_453] {strides = array<i32>} : memref<32x768xf32, #tpu.memory_space<vmem>>, vector<1x16xf32>,
      %get3A_455 = vector.shape_cast %get3A_454 : vector<1x16xf32> to vector<16xf32>
      %mul3A_456 = arith.mulf %get3A_89, %get3A_455 : vector<16xf32>
      %add3A_457 = arith.addf %add3A_451, %mul3A_456 : vector<16xf32>
      %swap3A_458 = arith.index_cast %scan3A_76 : i32 to index
      %swap3A_459 = arith.constant 256 : index
      %swap3A_460 = tpu.vector_load %arg8[%swap3A_458, %swap3A_459] {strides = array<i32>} : memref<32x768xf32, #tpu.memory_space<vmem>>, vector<1x16xf32>,
      %swap3A_461 = vector.shape_cast %swap3A_460 : vector<1x16xf32> to vector<16xf32>
      %swap3A_462 = vector.shape_cast %add3A_457 : vector<16xf32> to vector<1x16xf32>
      tpu.vector_store %arg8[%swap3A_458, %swap3A_459], %swap3A_462 {strides = array<i32>} : memref<32x768xf32, #tpu.memory_space<vmem>>, vector<1x16xf32>,
      %get3A_463 = arith.index_cast %scan3A_76 : i32 to index
      %get3A_464 = arith.constant 272 : index
      %get3A_465 = tpu.vector_load %arg8[%get3A_463, %get3A_464] {strides = array<i32>} : memref<32x768xf32, #tpu.memory_space<vmem>>, vector<1x16xf32>,
      %get3A_466 = vector.shape_cast %get3A_465 : vector<1x16xf32> to vector<16xf32>
      %mul3A_467 = arith.mulf %get3A_81, %get3A_466 : vector<16xf32>
      %get3A_468 = arith.index_cast %scan3A_76 : i32 to index
      %get3A_469 = arith.constant 272 : index
      %get3A_470 = tpu.vector_load %arg9[%get3A_468, %get3A_469] {strides = array<i32>} : memref<32x768xf32, #tpu.memory_space<vmem>>, vector<1x16xf32>,
      %get3A_471 = vector.shape_cast %get3A_470 : vector<1x16xf32> to vector<16xf32>
      %mul3A_472 = arith.mulf %get3A_85, %get3A_471 : vector<16xf32>
      %add3A_473 = arith.addf %mul3A_467, %mul3A_472 : vector<16xf32>
      %get3A_474 = arith.index_cast %scan3A_76 : i32 to index
      %get3A_475 = arith.constant 272 : index
      %get3A_476 = tpu.vector_load %arg10[%get3A_474, %get3A_475] {strides = array<i32>} : memref<32x768xf32, #tpu.memory_space<vmem>>, vector<1x16xf32>,
      %get3A_477 = vector.shape_cast %get3A_476 : vector<1x16xf32> to vector<16xf32>
      %mul3A_478 = arith.mulf %get3A_89, %get3A_477 : vector<16xf32>
      %add3A_479 = arith.addf %add3A_473, %mul3A_478 : vector<16xf32>
      %swap3A_480 = arith.index_cast %scan3A_76 : i32 to index
      %swap3A_481 = arith.constant 272 : index
      %swap3A_482 = tpu.vector_load %arg8[%swap3A_480, %swap3A_481] {strides = array<i32>} : memref<32x768xf32, #tpu.memory_space<vmem>>, vector<1x16xf32>,
      %swap3A_483 = vector.shape_cast %swap3A_482 : vector<1x16xf32> to vector<16xf32>
      %swap3A_484 = vector.shape_cast %add3A_479 : vector<16xf32> to vector<1x16xf32>
      tpu.vector_store %arg8[%swap3A_480, %swap3A_481], %swap3A_484 {strides = array<i32>} : memref<32x768xf32, #tpu.memory_space<vmem>>, vector<1x16xf32>,
      %get3A_485 = arith.index_cast %scan3A_76 : i32 to index
      %get3A_486 = arith.constant 288 : index
      %get3A_487 = tpu.vector_load %arg8[%get3A_485, %get3A_486] {strides = array<i32>} : memref<32x768xf32, #tpu.memory_space<vmem>>, vector<1x16xf32>,
      %get3A_488 = vector.shape_cast %get3A_487 : vector<1x16xf32> to vector<16xf32>
      %mul3A_489 = arith.mulf %get3A_81, %get3A_488 : vector<16xf32>
      %get3A_490 = arith.index_cast %scan3A_76 : i32 to index
      %get3A_491 = arith.constant 288 : index
      %get3A_492 = tpu.vector_load %arg9[%get3A_490, %get3A_491] {strides = array<i32>} : memref<32x768xf32, #tpu.memory_space<vmem>>, vector<1x16xf32>,
      %get3A_493 = vector.shape_cast %get3A_492 : vector<1x16xf32> to vector<16xf32>
      %mul3A_494 = arith.mulf %get3A_85, %get3A_493 : vector<16xf32>
      %add3A_495 = arith.addf %mul3A_489, %mul3A_494 : vector<16xf32>
      %get3A_496 = arith.index_cast %scan3A_76 : i32 to index
      %get3A_497 = arith.constant 288 : index
      %get3A_498 = tpu.vector_load %arg10[%get3A_496, %get3A_497] {strides = array<i32>} : memref<32x768xf32, #tpu.memory_space<vmem>>, vector<1x16xf32>,
      %get3A_499 = vector.shape_cast %get3A_498 : vector<1x16xf32> to vector<16xf32>
      %mul3A_500 = arith.mulf %get3A_89, %get3A_499 : vector<16xf32>
      %add3A_501 = arith.addf %add3A_495, %mul3A_500 : vector<16xf32>
      %swap3A_502 = arith.index_cast %scan3A_76 : i32 to index
      %swap3A_503 = arith.constant 288 : index
      %swap3A_504 = tpu.vector_load %arg8[%swap3A_502, %swap3A_503] {strides = array<i32>} : memref<32x768xf32, #tpu.memory_space<vmem>>, vector<1x16xf32>,
      %swap3A_505 = vector.shape_cast %swap3A_504 : vector<1x16xf32> to vector<16xf32>
      %swap3A_506 = vector.shape_cast %add3A_501 : vector<16xf32> to vector<1x16xf32>
      tpu.vector_store %arg8[%swap3A_502, %swap3A_503], %swap3A_506 {strides = array<i32>} : memref<32x768xf32, #tpu.memory_space<vmem>>, vector<1x16xf32>,
      %get3A_507 = arith.index_cast %scan3A_76 : i32 to index
      %get3A_508 = arith.constant 304 : index
      %get3A_509 = tpu.vector_load %arg8[%get3A_507, %get3A_508] {strides = array<i32>} : memref<32x768xf32, #tpu.memory_space<vmem>>, vector<1x16xf32>,
      %get3A_510 = vector.shape_cast %get3A_509 : vector<1x16xf32> to vector<16xf32>
      %mul3A_511 = arith.mulf %get3A_81, %get3A_510 : vector<16xf32>
      %get3A_512 = arith.index_cast %scan3A_76 : i32 to index
      %get3A_513 = arith.constant 304 : index
      %get3A_514 = tpu.vector_load %arg9[%get3A_512, %get3A_513] {strides = array<i32>} : memref<32x768xf32, #tpu.memory_space<vmem>>, vector<1x16xf32>,
      %get3A_515 = vector.shape_cast %get3A_514 : vector<1x16xf32> to vector<16xf32>
      %mul3A_516 = arith.mulf %get3A_85, %get3A_515 : vector<16xf32>
      %add3A_517 = arith.addf %mul3A_511, %mul3A_516 : vector<16xf32>
      %get3A_518 = arith.index_cast %scan3A_76 : i32 to index
      %get3A_519 = arith.constant 304 : index
      %get3A_520 = tpu.vector_load %arg10[%get3A_518, %get3A_519] {strides = array<i32>} : memref<32x768xf32, #tpu.memory_space<vmem>>, vector<1x16xf32>,
      %get3A_521 = vector.shape_cast %get3A_520 : vector<1x16xf32> to vector<16xf32>
      %mul3A_522 = arith.mulf %get3A_89, %get3A_521 : vector<16xf32>
      %add3A_523 = arith.addf %add3A_517, %mul3A_522 : vector<16xf32>
      %swap3A_524 = arith.index_cast %scan3A_76 : i32 to index
      %swap3A_525 = arith.constant 304 : index
      %swap3A_526 = tpu.vector_load %arg8[%swap3A_524, %swap3A_525] {strides = array<i32>} : memref<32x768xf32, #tpu.memory_space<vmem>>, vector<1x16xf32>,
      %swap3A_527 = vector.shape_cast %swap3A_526 : vector<1x16xf32> to vector<16xf32>
      %swap3A_528 = vector.shape_cast %add3A_523 : vector<16xf32> to vector<1x16xf32>
      tpu.vector_store %arg8[%swap3A_524, %swap3A_525], %swap3A_528 {strides = array<i32>} : memref<32x768xf32, #tpu.memory_space<vmem>>, vector<1x16xf32>,
      %get3A_529 = arith.index_cast %scan3A_76 : i32 to index
      %get3A_530 = arith.constant 320 : index
      %get3A_531 = tpu.vector_load %arg8[%get3A_529, %get3A_530] {strides = array<i32>} : memref<32x768xf32, #tpu.memory_space<vmem>>, vector<1x16xf32>,
      %get3A_532 = vector.shape_cast %get3A_531 : vector<1x16xf32> to vector<16xf32>
      %mul3A_533 = arith.mulf %get3A_81, %get3A_532 : vector<16xf32>
      %get3A_534 = arith.index_cast %scan3A_76 : i32 to index
      %get3A_535 = arith.constant 320 : index
      %get3A_536 = tpu.vector_load %arg9[%get3A_534, %get3A_535] {strides = array<i32>} : memref<32x768xf32, #tpu.memory_space<vmem>>, vector<1x16xf32>,
      %get3A_537 = vector.shape_cast %get3A_536 : vector<1x16xf32> to vector<16xf32>
      %mul3A_538 = arith.mulf %get3A_85, %get3A_537 : vector<16xf32>
      %add3A_539 = arith.addf %mul3A_533, %mul3A_538 : vector<16xf32>
      %get3A_540 = arith.index_cast %scan3A_76 : i32 to index
      %get3A_541 = arith.constant 320 : index
      %get3A_542 = tpu.vector_load %arg10[%get3A_540, %get3A_541] {strides = array<i32>} : memref<32x768xf32, #tpu.memory_space<vmem>>, vector<1x16xf32>,
      %get3A_543 = vector.shape_cast %get3A_542 : vector<1x16xf32> to vector<16xf32>
      %mul3A_544 = arith.mulf %get3A_89, %get3A_543 : vector<16xf32>
      %add3A_545 = arith.addf %add3A_539, %mul3A_544 : vector<16xf32>
      %swap3A_546 = arith.index_cast %scan3A_76 : i32 to index
      %swap3A_547 = arith.constant 320 : index
      %swap3A_548 = tpu.vector_load %arg8[%swap3A_546, %swap3A_547] {strides = array<i32>} : memref<32x768xf32, #tpu.memory_space<vmem>>, vector<1x16xf32>,
      %swap3A_549 = vector.shape_cast %swap3A_548 : vector<1x16xf32> to vector<16xf32>
      %swap3A_550 = vector.shape_cast %add3A_545 : vector<16xf32> to vector<1x16xf32>
      tpu.vector_store %arg8[%swap3A_546, %swap3A_547], %swap3A_550 {strides = array<i32>} : memref<32x768xf32, #tpu.memory_space<vmem>>, vector<1x16xf32>,
      %get3A_551 = arith.index_cast %scan3A_76 : i32 to index
      %get3A_552 = arith.constant 336 : index
      %get3A_553 = tpu.vector_load %arg8[%get3A_551, %get3A_552] {strides = array<i32>} : memref<32x768xf32, #tpu.memory_space<vmem>>, vector<1x16xf32>,
      %get3A_554 = vector.shape_cast %get3A_553 : vector<1x16xf32> to vector<16xf32>
      %mul3A_555 = arith.mulf %get3A_81, %get3A_554 : vector<16xf32>
      %get3A_556 = arith.index_cast %scan3A_76 : i32 to index
      %get3A_557 = arith.constant 336 : index
      %get3A_558 = tpu.vector_load %arg9[%get3A_556, %get3A_557] {strides = array<i32>} : memref<32x768xf32, #tpu.memory_space<vmem>>, vector<1x16xf32>,
      %get3A_559 = vector.shape_cast %get3A_558 : vector<1x16xf32> to vector<16xf32>
      %mul3A_560 = arith.mulf %get3A_85, %get3A_559 : vector<16xf32>
      %add3A_561 = arith.addf %mul3A_555, %mul3A_560 : vector<16xf32>
      %get3A_562 = arith.index_cast %scan3A_76 : i32 to index
      %get3A_563 = arith.constant 336 : index
      %get3A_564 = tpu.vector_load %arg10[%get3A_562, %get3A_563] {strides = array<i32>} : memref<32x768xf32, #tpu.memory_space<vmem>>, vector<1x16xf32>,
      %get3A_565 = vector.shape_cast %get3A_564 : vector<1x16xf32> to vector<16xf32>
      %mul3A_566 = arith.mulf %get3A_89, %get3A_565 : vector<16xf32>
      %add3A_567 = arith.addf %add3A_561, %mul3A_566 : vector<16xf32>
      %swap3A_568 = arith.index_cast %scan3A_76 : i32 to index
      %swap3A_569 = arith.constant 336 : index
      %swap3A_570 = tpu.vector_load %arg8[%swap3A_568, %swap3A_569] {strides = array<i32>} : memref<32x768xf32, #tpu.memory_space<vmem>>, vector<1x16xf32>,
      %swap3A_571 = vector.shape_cast %swap3A_570 : vector<1x16xf32> to vector<16xf32>
      %swap3A_572 = vector.shape_cast %add3A_567 : vector<16xf32> to vector<1x16xf32>
      tpu.vector_store %arg8[%swap3A_568, %swap3A_569], %swap3A_572 {strides = array<i32>} : memref<32x768xf32, #tpu.memory_space<vmem>>, vector<1x16xf32>,
      %get3A_573 = arith.index_cast %scan3A_76 : i32 to index
      %get3A_574 = arith.constant 352 : index
      %get3A_575 = tpu.vector_load %arg8[%get3A_573, %get3A_574] {strides = array<i32>} : memref<32x768xf32, #tpu.memory_space<vmem>>, vector<1x16xf32>,
      %get3A_576 = vector.shape_cast %get3A_575 : vector<1x16xf32> to vector<16xf32>
      %mul3A_577 = arith.mulf %get3A_81, %get3A_576 : vector<16xf32>
      %get3A_578 = arith.index_cast %scan3A_76 : i32 to index
      %get3A_579 = arith.constant 352 : index
      %get3A_580 = tpu.vector_load %arg9[%get3A_578, %get3A_579] {strides = array<i32>} : memref<32x768xf32, #tpu.memory_space<vmem>>, vector<1x16xf32>,
      %get3A_581 = vector.shape_cast %get3A_580 : vector<1x16xf32> to vector<16xf32>
      %mul3A_582 = arith.mulf %get3A_85, %get3A_581 : vector<16xf32>
      %add3A_583 = arith.addf %mul3A_577, %mul3A_582 : vector<16xf32>
      %get3A_584 = arith.index_cast %scan3A_76 : i32 to index
      %get3A_585 = arith.constant 352 : index
      %get3A_586 = tpu.vector_load %arg10[%get3A_584, %get3A_585] {strides = array<i32>} : memref<32x768xf32, #tpu.memory_space<vmem>>, vector<1x16xf32>,
      %get3A_587 = vector.shape_cast %get3A_586 : vector<1x16xf32> to vector<16xf32>
      %mul3A_588 = arith.mulf %get3A_89, %get3A_587 : vector<16xf32>
      %add3A_589 = arith.addf %add3A_583, %mul3A_588 : vector<16xf32>
      %swap3A_590 = arith.index_cast %scan3A_76 : i32 to index
      %swap3A_591 = arith.constant 352 : index
      %swap3A_592 = tpu.vector_load %arg8[%swap3A_590, %swap3A_591] {strides = array<i32>} : memref<32x768xf32, #tpu.memory_space<vmem>>, vector<1x16xf32>,
      %swap3A_593 = vector.shape_cast %swap3A_592 : vector<1x16xf32> to vector<16xf32>
      %swap3A_594 = vector.shape_cast %add3A_589 : vector<16xf32> to vector<1x16xf32>
      tpu.vector_store %arg8[%swap3A_590, %swap3A_591], %swap3A_594 {strides = array<i32>} : memref<32x768xf32, #tpu.memory_space<vmem>>, vector<1x16xf32>,
      %get3A_595 = arith.index_cast %scan3A_76 : i32 to index
      %get3A_596 = arith.constant 368 : index
      %get3A_597 = tpu.vector_load %arg8[%get3A_595, %get3A_596] {strides = array<i32>} : memref<32x768xf32, #tpu.memory_space<vmem>>, vector<1x16xf32>,
      %get3A_598 = vector.shape_cast %get3A_597 : vector<1x16xf32> to vector<16xf32>
      %mul3A_599 = arith.mulf %get3A_81, %get3A_598 : vector<16xf32>
      %get3A_600 = arith.index_cast %scan3A_76 : i32 to index
      %get3A_601 = arith.constant 368 : index
      %get3A_602 = tpu.vector_load %arg9[%get3A_600, %get3A_601] {strides = array<i32>} : memref<32x768xf32, #tpu.memory_space<vmem>>, vector<1x16xf32>,
      %get3A_603 = vector.shape_cast %get3A_602 : vector<1x16xf32> to vector<16xf32>
      %mul3A_604 = arith.mulf %get3A_85, %get3A_603 : vector<16xf32>
      %add3A_605 = arith.addf %mul3A_599, %mul3A_604 : vector<16xf32>
      %get3A_606 = arith.index_cast %scan3A_76 : i32 to index
      %get3A_607 = arith.constant 368 : index
      %get3A_608 = tpu.vector_load %arg10[%get3A_606, %get3A_607] {strides = array<i32>} : memref<32x768xf32, #tpu.memory_space<vmem>>, vector<1x16xf32>,
      %get3A_609 = vector.shape_cast %get3A_608 : vector<1x16xf32> to vector<16xf32>
      %mul3A_610 = arith.mulf %get3A_89, %get3A_609 : vector<16xf32>
      %add3A_611 = arith.addf %add3A_605, %mul3A_610 : vector<16xf32>
      %swap3A_612 = arith.index_cast %scan3A_76 : i32 to index
      %swap3A_613 = arith.constant 368 : index
      %swap3A_614 = tpu.vector_load %arg8[%swap3A_612, %swap3A_613] {strides = array<i32>} : memref<32x768xf32, #tpu.memory_space<vmem>>, vector<1x16xf32>,
      %swap3A_615 = vector.shape_cast %swap3A_614 : vector<1x16xf32> to vector<16xf32>
      %swap3A_616 = vector.shape_cast %add3A_611 : vector<16xf32> to vector<1x16xf32>
      tpu.vector_store %arg8[%swap3A_612, %swap3A_613], %swap3A_616 {strides = array<i32>} : memref<32x768xf32, #tpu.memory_space<vmem>>, vector<1x16xf32>,
      %get3A_617 = arith.index_cast %scan3A_76 : i32 to index
      %get3A_618 = arith.constant 384 : index
      %get3A_619 = tpu.vector_load %arg8[%get3A_617, %get3A_618] {strides = array<i32>} : memref<32x768xf32, #tpu.memory_space<vmem>>, vector<1x16xf32>,
      %get3A_620 = vector.shape_cast %get3A_619 : vector<1x16xf32> to vector<16xf32>
      %mul3A_621 = arith.mulf %get3A_81, %get3A_620 : vector<16xf32>
      %get3A_622 = arith.index_cast %scan3A_76 : i32 to index
      %get3A_623 = arith.constant 384 : index
      %get3A_624 = tpu.vector_load %arg9[%get3A_622, %get3A_623] {strides = array<i32>} : memref<32x768xf32, #tpu.memory_space<vmem>>, vector<1x16xf32>,
      %get3A_625 = vector.shape_cast %get3A_624 : vector<1x16xf32> to vector<16xf32>
      %mul3A_626 = arith.mulf %get3A_85, %get3A_625 : vector<16xf32>
      %add3A_627 = arith.addf %mul3A_621, %mul3A_626 : vector<16xf32>
      %get3A_628 = arith.index_cast %scan3A_76 : i32 to index
      %get3A_629 = arith.constant 384 : index
      %get3A_630 = tpu.vector_load %arg10[%get3A_628, %get3A_629] {strides = array<i32>} : memref<32x768xf32, #tpu.memory_space<vmem>>, vector<1x16xf32>,
      %get3A_631 = vector.shape_cast %get3A_630 : vector<1x16xf32> to vector<16xf32>
      %mul3A_632 = arith.mulf %get3A_89, %get3A_631 : vector<16xf32>
      %add3A_633 = arith.addf %add3A_627, %mul3A_632 : vector<16xf32>
      %swap3A_634 = arith.index_cast %scan3A_76 : i32 to index
      %swap3A_635 = arith.constant 384 : index
      %swap3A_636 = tpu.vector_load %arg8[%swap3A_634, %swap3A_635] {strides = array<i32>} : memref<32x768xf32, #tpu.memory_space<vmem>>, vector<1x16xf32>,
      %swap3A_637 = vector.shape_cast %swap3A_636 : vector<1x16xf32> to vector<16xf32>
      %swap3A_638 = vector.shape_cast %add3A_633 : vector<16xf32> to vector<1x16xf32>
      tpu.vector_store %arg8[%swap3A_634, %swap3A_635], %swap3A_638 {strides = array<i32>} : memref<32x768xf32, #tpu.memory_space<vmem>>, vector<1x16xf32>,
      %get3A_639 = arith.index_cast %scan3A_76 : i32 to index
      %get3A_640 = arith.constant 400 : index
      %get3A_641 = tpu.vector_load %arg8[%get3A_639, %get3A_640] {strides = array<i32>} : memref<32x768xf32, #tpu.memory_space<vmem>>, vector<1x16xf32>,
      %get3A_642 = vector.shape_cast %get3A_641 : vector<1x16xf32> to vector<16xf32>
      %mul3A_643 = arith.mulf %get3A_81, %get3A_642 : vector<16xf32>
      %get3A_644 = arith.index_cast %scan3A_76 : i32 to index
      %get3A_645 = arith.constant 400 : index
      %get3A_646 = tpu.vector_load %arg9[%get3A_644, %get3A_645] {strides = array<i32>} : memref<32x768xf32, #tpu.memory_space<vmem>>, vector<1x16xf32>,
      %get3A_647 = vector.shape_cast %get3A_646 : vector<1x16xf32> to vector<16xf32>
      %mul3A_648 = arith.mulf %get3A_85, %get3A_647 : vector<16xf32>
      %add3A_649 = arith.addf %mul3A_643, %mul3A_648 : vector<16xf32>
      %get3A_650 = arith.index_cast %scan3A_76 : i32 to index
      %get3A_651 = arith.constant 400 : index
      %get3A_652 = tpu.vector_load %arg10[%get3A_650, %get3A_651] {strides = array<i32>} : memref<32x768xf32, #tpu.memory_space<vmem>>, vector<1x16xf32>,
      %get3A_653 = vector.shape_cast %get3A_652 : vector<1x16xf32> to vector<16xf32>
      %mul3A_654 = arith.mulf %get3A_89, %get3A_653 : vector<16xf32>
      %add3A_655 = arith.addf %add3A_649, %mul3A_654 : vector<16xf32>
      %swap3A_656 = arith.index_cast %scan3A_76 : i32 to index
      %swap3A_657 = arith.constant 400 : index
      %swap3A_658 = tpu.vector_load %arg8[%swap3A_656, %swap3A_657] {strides = array<i32>} : memref<32x768xf32, #tpu.memory_space<vmem>>, vector<1x16xf32>,
      %swap3A_659 = vector.shape_cast %swap3A_658 : vector<1x16xf32> to vector<16xf32>
      %swap3A_660 = vector.shape_cast %add3A_655 : vector<16xf32> to vector<1x16xf32>
      tpu.vector_store %arg8[%swap3A_656, %swap3A_657], %swap3A_660 {strides = array<i32>} : memref<32x768xf32, #tpu.memory_space<vmem>>, vector<1x16xf32>,
      %get3A_661 = arith.index_cast %scan3A_76 : i32 to index
      %get3A_662 = arith.constant 416 : index
      %get3A_663 = tpu.vector_load %arg8[%get3A_661, %get3A_662] {strides = array<i32>} : memref<32x768xf32, #tpu.memory_space<vmem>>, vector<1x16xf32>,
      %get3A_664 = vector.shape_cast %get3A_663 : vector<1x16xf32> to vector<16xf32>
      %mul3A_665 = arith.mulf %get3A_81, %get3A_664 : vector<16xf32>
      %get3A_666 = arith.index_cast %scan3A_76 : i32 to index
      %get3A_667 = arith.constant 416 : index
      %get3A_668 = tpu.vector_load %arg9[%get3A_666, %get3A_667] {strides = array<i32>} : memref<32x768xf32, #tpu.memory_space<vmem>>, vector<1x16xf32>,
      %get3A_669 = vector.shape_cast %get3A_668 : vector<1x16xf32> to vector<16xf32>
      %mul3A_670 = arith.mulf %get3A_85, %get3A_669 : vector<16xf32>
      %add3A_671 = arith.addf %mul3A_665, %mul3A_670 : vector<16xf32>
      %get3A_672 = arith.index_cast %scan3A_76 : i32 to index
      %get3A_673 = arith.constant 416 : index
      %get3A_674 = tpu.vector_load %arg10[%get3A_672, %get3A_673] {strides = array<i32>} : memref<32x768xf32, #tpu.memory_space<vmem>>, vector<1x16xf32>,
      %get3A_675 = vector.shape_cast %get3A_674 : vector<1x16xf32> to vector<16xf32>
      %mul3A_676 = arith.mulf %get3A_89, %get3A_675 : vector<16xf32>
      %add3A_677 = arith.addf %add3A_671, %mul3A_676 : vector<16xf32>
      %swap3A_678 = arith.index_cast %scan3A_76 : i32 to index
      %swap3A_679 = arith.constant 416 : index
      %swap3A_680 = tpu.vector_load %arg8[%swap3A_678, %swap3A_679] {strides = array<i32>} : memref<32x768xf32, #tpu.memory_space<vmem>>, vector<1x16xf32>,
      %swap3A_681 = vector.shape_cast %swap3A_680 : vector<1x16xf32> to vector<16xf32>
      %swap3A_682 = vector.shape_cast %add3A_677 : vector<16xf32> to vector<1x16xf32>
      tpu.vector_store %arg8[%swap3A_678, %swap3A_679], %swap3A_682 {strides = array<i32>} : memref<32x768xf32, #tpu.memory_space<vmem>>, vector<1x16xf32>,
      %get3A_683 = arith.index_cast %scan3A_76 : i32 to index
      %get3A_684 = arith.constant 432 : index
      %get3A_685 = tpu.vector_load %arg8[%get3A_683, %get3A_684] {strides = array<i32>} : memref<32x768xf32, #tpu.memory_space<vmem>>, vector<1x16xf32>,
      %get3A_686 = vector.shape_cast %get3A_685 : vector<1x16xf32> to vector<16xf32>
      %mul3A_687 = arith.mulf %get3A_81, %get3A_686 : vector<16xf32>
      %get3A_688 = arith.index_cast %scan3A_76 : i32 to index
      %get3A_689 = arith.constant 432 : index
      %get3A_690 = tpu.vector_load %arg9[%get3A_688, %get3A_689] {strides = array<i32>} : memref<32x768xf32, #tpu.memory_space<vmem>>, vector<1x16xf32>,
      %get3A_691 = vector.shape_cast %get3A_690 : vector<1x16xf32> to vector<16xf32>
      %mul3A_692 = arith.mulf %get3A_85, %get3A_691 : vector<16xf32>
      %add3A_693 = arith.addf %mul3A_687, %mul3A_692 : vector<16xf32>
      %get3A_694 = arith.index_cast %scan3A_76 : i32 to index
      %get3A_695 = arith.constant 432 : index
      %get3A_696 = tpu.vector_load %arg10[%get3A_694, %get3A_695] {strides = array<i32>} : memref<32x768xf32, #tpu.memory_space<vmem>>, vector<1x16xf32>,
      %get3A_697 = vector.shape_cast %get3A_696 : vector<1x16xf32> to vector<16xf32>
      %mul3A_698 = arith.mulf %get3A_89, %get3A_697 : vector<16xf32>
      %add3A_699 = arith.addf %add3A_693, %mul3A_698 : vector<16xf32>
      %swap3A_700 = arith.index_cast %scan3A_76 : i32 to index
      %swap3A_701 = arith.constant 432 : index
      %swap3A_702 = tpu.vector_load %arg8[%swap3A_700, %swap3A_701] {strides = array<i32>} : memref<32x768xf32, #tpu.memory_space<vmem>>, vector<1x16xf32>,
      %swap3A_703 = vector.shape_cast %swap3A_702 : vector<1x16xf32> to vector<16xf32>
      %swap3A_704 = vector.shape_cast %add3A_699 : vector<16xf32> to vector<1x16xf32>
      tpu.vector_store %arg8[%swap3A_700, %swap3A_701], %swap3A_704 {strides = array<i32>} : memref<32x768xf32, #tpu.memory_space<vmem>>, vector<1x16xf32>,
      %get3A_705 = arith.index_cast %scan3A_76 : i32 to index
      %get3A_706 = arith.constant 448 : index
      %get3A_707 = tpu.vector_load %arg8[%get3A_705, %get3A_706] {strides = array<i32>} : memref<32x768xf32, #tpu.memory_space<vmem>>, vector<1x16xf32>,
      %get3A_708 = vector.shape_cast %get3A_707 : vector<1x16xf32> to vector<16xf32>
      %mul3A_709 = arith.mulf %get3A_81, %get3A_708 : vector<16xf32>
      %get3A_710 = arith.index_cast %scan3A_76 : i32 to index
      %get3A_711 = arith.constant 448 : index
      %get3A_712 = tpu.vector_load %arg9[%get3A_710, %get3A_711] {strides = array<i32>} : memref<32x768xf32, #tpu.memory_space<vmem>>, vector<1x16xf32>,
      %get3A_713 = vector.shape_cast %get3A_712 : vector<1x16xf32> to vector<16xf32>
      %mul3A_714 = arith.mulf %get3A_85, %get3A_713 : vector<16xf32>
      %add3A_715 = arith.addf %mul3A_709, %mul3A_714 : vector<16xf32>
      %get3A_716 = arith.index_cast %scan3A_76 : i32 to index
      %get3A_717 = arith.constant 448 : index
      %get3A_718 = tpu.vector_load %arg10[%get3A_716, %get3A_717] {strides = array<i32>} : memref<32x768xf32, #tpu.memory_space<vmem>>, vector<1x16xf32>,
      %get3A_719 = vector.shape_cast %get3A_718 : vector<1x16xf32> to vector<16xf32>
      %mul3A_720 = arith.mulf %get3A_89, %get3A_719 : vector<16xf32>
      %add3A_721 = arith.addf %add3A_715, %mul3A_720 : vector<16xf32>
      %swap3A_722 = arith.index_cast %scan3A_76 : i32 to index
      %swap3A_723 = arith.constant 448 : index
      %swap3A_724 = tpu.vector_load %arg8[%swap3A_722, %swap3A_723] {strides = array<i32>} : memref<32x768xf32, #tpu.memory_space<vmem>>, vector<1x16xf32>,
      %swap3A_725 = vector.shape_cast %swap3A_724 : vector<1x16xf32> to vector<16xf32>
      %swap3A_726 = vector.shape_cast %add3A_721 : vector<16xf32> to vector<1x16xf32>
      tpu.vector_store %arg8[%swap3A_722, %swap3A_723], %swap3A_726 {strides = array<i32>} : memref<32x768xf32, #tpu.memory_space<vmem>>, vector<1x16xf32>,
      %get3A_727 = arith.index_cast %scan3A_76 : i32 to index
      %get3A_728 = arith.constant 464 : index
      %get3A_729 = tpu.vector_load %arg8[%get3A_727, %get3A_728] {strides = array<i32>} : memref<32x768xf32, #tpu.memory_space<vmem>>, vector<1x16xf32>,
      %get3A_730 = vector.shape_cast %get3A_729 : vector<1x16xf32> to vector<16xf32>
      %mul3A_731 = arith.mulf %get3A_81, %get3A_730 : vector<16xf32>
      %get3A_732 = arith.index_cast %scan3A_76 : i32 to index
      %get3A_733 = arith.constant 464 : index
      %get3A_734 = tpu.vector_load %arg9[%get3A_732, %get3A_733] {strides = array<i32>} : memref<32x768xf32, #tpu.memory_space<vmem>>, vector<1x16xf32>,
      %get3A_735 = vector.shape_cast %get3A_734 : vector<1x16xf32> to vector<16xf32>
      %mul3A_736 = arith.mulf %get3A_85, %get3A_735 : vector<16xf32>
      %add3A_737 = arith.addf %mul3A_731, %mul3A_736 : vector<16xf32>
      %get3A_738 = arith.index_cast %scan3A_76 : i32 to index
      %get3A_739 = arith.constant 464 : index
      %get3A_740 = tpu.vector_load %arg10[%get3A_738, %get3A_739] {strides = array<i32>} : memref<32x768xf32, #tpu.memory_space<vmem>>, vector<1x16xf32>,
      %get3A_741 = vector.shape_cast %get3A_740 : vector<1x16xf32> to vector<16xf32>
      %mul3A_742 = arith.mulf %get3A_89, %get3A_741 : vector<16xf32>
      %add3A_743 = arith.addf %add3A_737, %mul3A_742 : vector<16xf32>
      %swap3A_744 = arith.index_cast %scan3A_76 : i32 to index
      %swap3A_745 = arith.constant 464 : index
      %swap3A_746 = tpu.vector_load %arg8[%swap3A_744, %swap3A_745] {strides = array<i32>} : memref<32x768xf32, #tpu.memory_space<vmem>>, vector<1x16xf32>,
      %swap3A_747 = vector.shape_cast %swap3A_746 : vector<1x16xf32> to vector<16xf32>
      %swap3A_748 = vector.shape_cast %add3A_743 : vector<16xf32> to vector<1x16xf32>
      tpu.vector_store %arg8[%swap3A_744, %swap3A_745], %swap3A_748 {strides = array<i32>} : memref<32x768xf32, #tpu.memory_space<vmem>>, vector<1x16xf32>,
      %get3A_749 = arith.index_cast %scan3A_76 : i32 to index
      %get3A_750 = arith.constant 480 : index
      %get3A_751 = tpu.vector_load %arg8[%get3A_749, %get3A_750] {strides = array<i32>} : memref<32x768xf32, #tpu.memory_space<vmem>>, vector<1x16xf32>,
      %get3A_752 = vector.shape_cast %get3A_751 : vector<1x16xf32> to vector<16xf32>
      %mul3A_753 = arith.mulf %get3A_81, %get3A_752 : vector<16xf32>
      %get3A_754 = arith.index_cast %scan3A_76 : i32 to index
      %get3A_755 = arith.constant 480 : index
      %get3A_756 = tpu.vector_load %arg9[%get3A_754, %get3A_755] {strides = array<i32>} : memref<32x768xf32, #tpu.memory_space<vmem>>, vector<1x16xf32>,
      %get3A_757 = vector.shape_cast %get3A_756 : vector<1x16xf32> to vector<16xf32>
      %mul3A_758 = arith.mulf %get3A_85, %get3A_757 : vector<16xf32>
      %add3A_759 = arith.addf %mul3A_753, %mul3A_758 : vector<16xf32>
      %get3A_760 = arith.index_cast %scan3A_76 : i32 to index
      %get3A_761 = arith.constant 480 : index
      %get3A_762 = tpu.vector_load %arg10[%get3A_760, %get3A_761] {strides = array<i32>} : memref<32x768xf32, #tpu.memory_space<vmem>>, vector<1x16xf32>,
      %get3A_763 = vector.shape_cast %get3A_762 : vector<1x16xf32> to vector<16xf32>
      %mul3A_764 = arith.mulf %get3A_89, %get3A_763 : vector<16xf32>
      %add3A_765 = arith.addf %add3A_759, %mul3A_764 : vector<16xf32>
      %swap3A_766 = arith.index_cast %scan3A_76 : i32 to index
      %swap3A_767 = arith.constant 480 : index
      %swap3A_768 = tpu.vector_load %arg8[%swap3A_766, %swap3A_767] {strides = array<i32>} : memref<32x768xf32, #tpu.memory_space<vmem>>, vector<1x16xf32>,
      %swap3A_769 = vector.shape_cast %swap3A_768 : vector<1x16xf32> to vector<16xf32>
      %swap3A_770 = vector.shape_cast %add3A_765 : vector<16xf32> to vector<1x16xf32>
      tpu.vector_store %arg8[%swap3A_766, %swap3A_767], %swap3A_770 {strides = array<i32>} : memref<32x768xf32, #tpu.memory_space<vmem>>, vector<1x16xf32>,
      %get3A_771 = arith.index_cast %scan3A_76 : i32 to index
      %get3A_772 = arith.constant 496 : index
      %get3A_773 = tpu.vector_load %arg8[%get3A_771, %get3A_772] {strides = array<i32>} : memref<32x768xf32, #tpu.memory_space<vmem>>, vector<1x16xf32>,
      %get3A_774 = vector.shape_cast %get3A_773 : vector<1x16xf32> to vector<16xf32>
      %mul3A_775 = arith.mulf %get3A_81, %get3A_774 : vector<16xf32>
      %get3A_776 = arith.index_cast %scan3A_76 : i32 to index
      %get3A_777 = arith.constant 496 : index
      %get3A_778 = tpu.vector_load %arg9[%get3A_776, %get3A_777] {strides = array<i32>} : memref<32x768xf32, #tpu.memory_space<vmem>>, vector<1x16xf32>,
      %get3A_779 = vector.shape_cast %get3A_778 : vector<1x16xf32> to vector<16xf32>
      %mul3A_780 = arith.mulf %get3A_85, %get3A_779 : vector<16xf32>
      %add3A_781 = arith.addf %mul3A_775, %mul3A_780 : vector<16xf32>
      %get3A_782 = arith.index_cast %scan3A_76 : i32 to index
      %get3A_783 = arith.constant 496 : index
      %get3A_784 = tpu.vector_load %arg10[%get3A_782, %get3A_783] {strides = array<i32>} : memref<32x768xf32, #tpu.memory_space<vmem>>, vector<1x16xf32>,
      %get3A_785 = vector.shape_cast %get3A_784 : vector<1x16xf32> to vector<16xf32>
      %mul3A_786 = arith.mulf %get3A_89, %get3A_785 : vector<16xf32>
      %add3A_787 = arith.addf %add3A_781, %mul3A_786 : vector<16xf32>
      %swap3A_788 = arith.index_cast %scan3A_76 : i32 to index
      %swap3A_789 = arith.constant 496 : index
      %swap3A_790 = tpu.vector_load %arg8[%swap3A_788, %swap3A_789] {strides = array<i32>} : memref<32x768xf32, #tpu.memory_space<vmem>>, vector<1x16xf32>,
      %swap3A_791 = vector.shape_cast %swap3A_790 : vector<1x16xf32> to vector<16xf32>
      %swap3A_792 = vector.shape_cast %add3A_787 : vector<16xf32> to vector<1x16xf32>
      tpu.vector_store %arg8[%swap3A_788, %swap3A_789], %swap3A_792 {strides = array<i32>} : memref<32x768xf32, #tpu.memory_space<vmem>>, vector<1x16xf32>,
      %get3A_793 = arith.index_cast %scan3A_76 : i32 to index
      %get3A_794 = arith.constant 512 : index
      %get3A_795 = tpu.vector_load %arg8[%get3A_793, %get3A_794] {strides = array<i32>} : memref<32x768xf32, #tpu.memory_space<vmem>>, vector<1x16xf32>,
      %get3A_796 = vector.shape_cast %get3A_795 : vector<1x16xf32> to vector<16xf32>
      %mul3A_797 = arith.mulf %get3A_81, %get3A_796 : vector<16xf32>
      %get3A_798 = arith.index_cast %scan3A_76 : i32 to index
      %get3A_799 = arith.constant 512 : index
      %get3A_800 = tpu.vector_load %arg9[%get3A_798, %get3A_799] {strides = array<i32>} : memref<32x768xf32, #tpu.memory_space<vmem>>, vector<1x16xf32>,
      %get3A_801 = vector.shape_cast %get3A_800 : vector<1x16xf32> to vector<16xf32>
      %mul3A_802 = arith.mulf %get3A_85, %get3A_801 : vector<16xf32>
      %add3A_803 = arith.addf %mul3A_797, %mul3A_802 : vector<16xf32>
      %get3A_804 = arith.index_cast %scan3A_76 : i32 to index
      %get3A_805 = arith.constant 512 : index
      %get3A_806 = tpu.vector_load %arg10[%get3A_804, %get3A_805] {strides = array<i32>} : memref<32x768xf32, #tpu.memory_space<vmem>>, vector<1x16xf32>,
      %get3A_807 = vector.shape_cast %get3A_806 : vector<1x16xf32> to vector<16xf32>
      %mul3A_808 = arith.mulf %get3A_89, %get3A_807 : vector<16xf32>
      %add3A_809 = arith.addf %add3A_803, %mul3A_808 : vector<16xf32>
      %swap3A_810 = arith.index_cast %scan3A_76 : i32 to index
      %swap3A_811 = arith.constant 512 : index
      %swap3A_812 = tpu.vector_load %arg8[%swap3A_810, %swap3A_811] {strides = array<i32>} : memref<32x768xf32, #tpu.memory_space<vmem>>, vector<1x16xf32>,
      %swap3A_813 = vector.shape_cast %swap3A_812 : vector<1x16xf32> to vector<16xf32>
      %swap3A_814 = vector.shape_cast %add3A_809 : vector<16xf32> to vector<1x16xf32>
      tpu.vector_store %arg8[%swap3A_810, %swap3A_811], %swap3A_814 {strides = array<i32>} : memref<32x768xf32, #tpu.memory_space<vmem>>, vector<1x16xf32>,
      %get3A_815 = arith.index_cast %scan3A_76 : i32 to index
      %get3A_816 = arith.constant 528 : index
      %get3A_817 = tpu.vector_load %arg8[%get3A_815, %get3A_816] {strides = array<i32>} : memref<32x768xf32, #tpu.memory_space<vmem>>, vector<1x16xf32>,
      %get3A_818 = vector.shape_cast %get3A_817 : vector<1x16xf32> to vector<16xf32>
      %mul3A_819 = arith.mulf %get3A_81, %get3A_818 : vector<16xf32>
      %get3A_820 = arith.index_cast %scan3A_76 : i32 to index
      %get3A_821 = arith.constant 528 : index
      %get3A_822 = tpu.vector_load %arg9[%get3A_820, %get3A_821] {strides = array<i32>} : memref<32x768xf32, #tpu.memory_space<vmem>>, vector<1x16xf32>,
      %get3A_823 = vector.shape_cast %get3A_822 : vector<1x16xf32> to vector<16xf32>
      %mul3A_824 = arith.mulf %get3A_85, %get3A_823 : vector<16xf32>
      %add3A_825 = arith.addf %mul3A_819, %mul3A_824 : vector<16xf32>
      %get3A_826 = arith.index_cast %scan3A_76 : i32 to index
      %get3A_827 = arith.constant 528 : index
      %get3A_828 = tpu.vector_load %arg10[%get3A_826, %get3A_827] {strides = array<i32>} : memref<32x768xf32, #tpu.memory_space<vmem>>, vector<1x16xf32>,
      %get3A_829 = vector.shape_cast %get3A_828 : vector<1x16xf32> to vector<16xf32>
      %mul3A_830 = arith.mulf %get3A_89, %get3A_829 : vector<16xf32>
      %add3A_831 = arith.addf %add3A_825, %mul3A_830 : vector<16xf32>
      %swap3A_832 = arith.index_cast %scan3A_76 : i32 to index
      %swap3A_833 = arith.constant 528 : index
      %swap3A_834 = tpu.vector_load %arg8[%swap3A_832, %swap3A_833] {strides = array<i32>} : memref<32x768xf32, #tpu.memory_space<vmem>>, vector<1x16xf32>,
      %swap3A_835 = vector.shape_cast %swap3A_834 : vector<1x16xf32> to vector<16xf32>
      %swap3A_836 = vector.shape_cast %add3A_831 : vector<16xf32> to vector<1x16xf32>
      tpu.vector_store %arg8[%swap3A_832, %swap3A_833], %swap3A_836 {strides = array<i32>} : memref<32x768xf32, #tpu.memory_space<vmem>>, vector<1x16xf32>,
      %get3A_837 = arith.index_cast %scan3A_76 : i32 to index
      %get3A_838 = arith.constant 544 : index
      %get3A_839 = tpu.vector_load %arg8[%get3A_837, %get3A_838] {strides = array<i32>} : memref<32x768xf32, #tpu.memory_space<vmem>>, vector<1x16xf32>,
      %get3A_840 = vector.shape_cast %get3A_839 : vector<1x16xf32> to vector<16xf32>
      %mul3A_841 = arith.mulf %get3A_81, %get3A_840 : vector<16xf32>
      %get3A_842 = arith.index_cast %scan3A_76 : i32 to index
      %get3A_843 = arith.constant 544 : index
      %get3A_844 = tpu.vector_load %arg9[%get3A_842, %get3A_843] {strides = array<i32>} : memref<32x768xf32, #tpu.memory_space<vmem>>, vector<1x16xf32>,
      %get3A_845 = vector.shape_cast %get3A_844 : vector<1x16xf32> to vector<16xf32>
      %mul3A_846 = arith.mulf %get3A_85, %get3A_845 : vector<16xf32>
      %add3A_847 = arith.addf %mul3A_841, %mul3A_846 : vector<16xf32>
      %get3A_848 = arith.index_cast %scan3A_76 : i32 to index
      %get3A_849 = arith.constant 544 : index
      %get3A_850 = tpu.vector_load %arg10[%get3A_848, %get3A_849] {strides = array<i32>} : memref<32x768xf32, #tpu.memory_space<vmem>>, vector<1x16xf32>,
      %get3A_851 = vector.shape_cast %get3A_850 : vector<1x16xf32> to vector<16xf32>
      %mul3A_852 = arith.mulf %get3A_89, %get3A_851 : vector<16xf32>
      %add3A_853 = arith.addf %add3A_847, %mul3A_852 : vector<16xf32>
      %swap3A_854 = arith.index_cast %scan3A_76 : i32 to index
      %swap3A_855 = arith.constant 544 : index
      %swap3A_856 = tpu.vector_load %arg8[%swap3A_854, %swap3A_855] {strides = array<i32>} : memref<32x768xf32, #tpu.memory_space<vmem>>, vector<1x16xf32>,
      %swap3A_857 = vector.shape_cast %swap3A_856 : vector<1x16xf32> to vector<16xf32>
      %swap3A_858 = vector.shape_cast %add3A_853 : vector<16xf32> to vector<1x16xf32>
      tpu.vector_store %arg8[%swap3A_854, %swap3A_855], %swap3A_858 {strides = array<i32>} : memref<32x768xf32, #tpu.memory_space<vmem>>, vector<1x16xf32>,
      %get3A_859 = arith.index_cast %scan3A_76 : i32 to index
      %get3A_860 = arith.constant 560 : index
      %get3A_861 = tpu.vector_load %arg8[%get3A_859, %get3A_860] {strides = array<i32>} : memref<32x768xf32, #tpu.memory_space<vmem>>, vector<1x16xf32>,
      %get3A_862 = vector.shape_cast %get3A_861 : vector<1x16xf32> to vector<16xf32>
      %mul3A_863 = arith.mulf %get3A_81, %get3A_862 : vector<16xf32>
      %get3A_864 = arith.index_cast %scan3A_76 : i32 to index
      %get3A_865 = arith.constant 560 : index
      %get3A_866 = tpu.vector_load %arg9[%get3A_864, %get3A_865] {strides = array<i32>} : memref<32x768xf32, #tpu.memory_space<vmem>>, vector<1x16xf32>,
      %get3A_867 = vector.shape_cast %get3A_866 : vector<1x16xf32> to vector<16xf32>
      %mul3A_868 = arith.mulf %get3A_85, %get3A_867 : vector<16xf32>
      %add3A_869 = arith.addf %mul3A_863, %mul3A_868 : vector<16xf32>
      %get3A_870 = arith.index_cast %scan3A_76 : i32 to index
      %get3A_871 = arith.constant 560 : index
      %get3A_872 = tpu.vector_load %arg10[%get3A_870, %get3A_871] {strides = array<i32>} : memref<32x768xf32, #tpu.memory_space<vmem>>, vector<1x16xf32>,
      %get3A_873 = vector.shape_cast %get3A_872 : vector<1x16xf32> to vector<16xf32>
      %mul3A_874 = arith.mulf %get3A_89, %get3A_873 : vector<16xf32>
      %add3A_875 = arith.addf %add3A_869, %mul3A_874 : vector<16xf32>
      %swap3A_876 = arith.index_cast %scan3A_76 : i32 to index
      %swap3A_877 = arith.constant 560 : index
      %swap3A_878 = tpu.vector_load %arg8[%swap3A_876, %swap3A_877] {strides = array<i32>} : memref<32x768xf32, #tpu.memory_space<vmem>>, vector<1x16xf32>,
      %swap3A_879 = vector.shape_cast %swap3A_878 : vector<1x16xf32> to vector<16xf32>
      %swap3A_880 = vector.shape_cast %add3A_875 : vector<16xf32> to vector<1x16xf32>
      tpu.vector_store %arg8[%swap3A_876, %swap3A_877], %swap3A_880 {strides = array<i32>} : memref<32x768xf32, #tpu.memory_space<vmem>>, vector<1x16xf32>,
      %get3A_881 = arith.index_cast %scan3A_76 : i32 to index
      %get3A_882 = arith.constant 576 : index
      %get3A_883 = tpu.vector_load %arg8[%get3A_881, %get3A_882] {strides = array<i32>} : memref<32x768xf32, #tpu.memory_space<vmem>>, vector<1x16xf32>,
      %get3A_884 = vector.shape_cast %get3A_883 : vector<1x16xf32> to vector<16xf32>
      %mul3A_885 = arith.mulf %get3A_81, %get3A_884 : vector<16xf32>
      %get3A_886 = arith.index_cast %scan3A_76 : i32 to index
      %get3A_887 = arith.constant 576 : index
      %get3A_888 = tpu.vector_load %arg9[%get3A_886, %get3A_887] {strides = array<i32>} : memref<32x768xf32, #tpu.memory_space<vmem>>, vector<1x16xf32>,
      %get3A_889 = vector.shape_cast %get3A_888 : vector<1x16xf32> to vector<16xf32>
      %mul3A_890 = arith.mulf %get3A_85, %get3A_889 : vector<16xf32>
      %add3A_891 = arith.addf %mul3A_885, %mul3A_890 : vector<16xf32>
      %get3A_892 = arith.index_cast %scan3A_76 : i32 to index
      %get3A_893 = arith.constant 576 : index
      %get3A_894 = tpu.vector_load %arg10[%get3A_892, %get3A_893] {strides = array<i32>} : memref<32x768xf32, #tpu.memory_space<vmem>>, vector<1x16xf32>,
      %get3A_895 = vector.shape_cast %get3A_894 : vector<1x16xf32> to vector<16xf32>
      %mul3A_896 = arith.mulf %get3A_89, %get3A_895 : vector<16xf32>
      %add3A_897 = arith.addf %add3A_891, %mul3A_896 : vector<16xf32>
      %swap3A_898 = arith.index_cast %scan3A_76 : i32 to index
      %swap3A_899 = arith.constant 576 : index
      %swap3A_900 = tpu.vector_load %arg8[%swap3A_898, %swap3A_899] {strides = array<i32>} : memref<32x768xf32, #tpu.memory_space<vmem>>, vector<1x16xf32>,
      %swap3A_901 = vector.shape_cast %swap3A_900 : vector<1x16xf32> to vector<16xf32>
      %swap3A_902 = vector.shape_cast %add3A_897 : vector<16xf32> to vector<1x16xf32>
      tpu.vector_store %arg8[%swap3A_898, %swap3A_899], %swap3A_902 {strides = array<i32>} : memref<32x768xf32, #tpu.memory_space<vmem>>, vector<1x16xf32>,
      %get3A_903 = arith.index_cast %scan3A_76 : i32 to index
      %get3A_904 = arith.constant 592 : index
      %get3A_905 = tpu.vector_load %arg8[%get3A_903, %get3A_904] {strides = array<i32>} : memref<32x768xf32, #tpu.memory_space<vmem>>, vector<1x16xf32>,
      %get3A_906 = vector.shape_cast %get3A_905 : vector<1x16xf32> to vector<16xf32>
      %mul3A_907 = arith.mulf %get3A_81, %get3A_906 : vector<16xf32>
      %get3A_908 = arith.index_cast %scan3A_76 : i32 to index
      %get3A_909 = arith.constant 592 : index
      %get3A_910 = tpu.vector_load %arg9[%get3A_908, %get3A_909] {strides = array<i32>} : memref<32x768xf32, #tpu.memory_space<vmem>>, vector<1x16xf32>,
      %get3A_911 = vector.shape_cast %get3A_910 : vector<1x16xf32> to vector<16xf32>
      %mul3A_912 = arith.mulf %get3A_85, %get3A_911 : vector<16xf32>
      %add3A_913 = arith.addf %mul3A_907, %mul3A_912 : vector<16xf32>
      %get3A_914 = arith.index_cast %scan3A_76 : i32 to index
      %get3A_915 = arith.constant 592 : index
      %get3A_916 = tpu.vector_load %arg10[%get3A_914, %get3A_915] {strides = array<i32>} : memref<32x768xf32, #tpu.memory_space<vmem>>, vector<1x16xf32>,
      %get3A_917 = vector.shape_cast %get3A_916 : vector<1x16xf32> to vector<16xf32>
      %mul3A_918 = arith.mulf %get3A_89, %get3A_917 : vector<16xf32>
      %add3A_919 = arith.addf %add3A_913, %mul3A_918 : vector<16xf32>
      %swap3A_920 = arith.index_cast %scan3A_76 : i32 to index
      %swap3A_921 = arith.constant 592 : index
      %swap3A_922 = tpu.vector_load %arg8[%swap3A_920, %swap3A_921] {strides = array<i32>} : memref<32x768xf32, #tpu.memory_space<vmem>>, vector<1x16xf32>,
      %swap3A_923 = vector.shape_cast %swap3A_922 : vector<1x16xf32> to vector<16xf32>
      %swap3A_924 = vector.shape_cast %add3A_919 : vector<16xf32> to vector<1x16xf32>
      tpu.vector_store %arg8[%swap3A_920, %swap3A_921], %swap3A_924 {strides = array<i32>} : memref<32x768xf32, #tpu.memory_space<vmem>>, vector<1x16xf32>,
      %get3A_925 = arith.index_cast %scan3A_76 : i32 to index
      %get3A_926 = arith.constant 608 : index
      %get3A_927 = tpu.vector_load %arg8[%get3A_925, %get3A_926] {strides = array<i32>} : memref<32x768xf32, #tpu.memory_space<vmem>>, vector<1x16xf32>,
      %get3A_928 = vector.shape_cast %get3A_927 : vector<1x16xf32> to vector<16xf32>
      %mul3A_929 = arith.mulf %get3A_81, %get3A_928 : vector<16xf32>
      %get3A_930 = arith.index_cast %scan3A_76 : i32 to index
      %get3A_931 = arith.constant 608 : index
      %get3A_932 = tpu.vector_load %arg9[%get3A_930, %get3A_931] {strides = array<i32>} : memref<32x768xf32, #tpu.memory_space<vmem>>, vector<1x16xf32>,
      %get3A_933 = vector.shape_cast %get3A_932 : vector<1x16xf32> to vector<16xf32>
      %mul3A_934 = arith.mulf %get3A_85, %get3A_933 : vector<16xf32>
      %add3A_935 = arith.addf %mul3A_929, %mul3A_934 : vector<16xf32>
      %get3A_936 = arith.index_cast %scan3A_76 : i32 to index
      %get3A_937 = arith.constant 608 : index
      %get3A_938 = tpu.vector_load %arg10[%get3A_936, %get3A_937] {strides = array<i32>} : memref<32x768xf32, #tpu.memory_space<vmem>>, vector<1x16xf32>,
      %get3A_939 = vector.shape_cast %get3A_938 : vector<1x16xf32> to vector<16xf32>
      %mul3A_940 = arith.mulf %get3A_89, %get3A_939 : vector<16xf32>
      %add3A_941 = arith.addf %add3A_935, %mul3A_940 : vector<16xf32>
      %swap3A_942 = arith.index_cast %scan3A_76 : i32 to index
      %swap3A_943 = arith.constant 608 : index
      %swap3A_944 = tpu.vector_load %arg8[%swap3A_942, %swap3A_943] {strides = array<i32>} : memref<32x768xf32, #tpu.memory_space<vmem>>, vector<1x16xf32>,
      %swap3A_945 = vector.shape_cast %swap3A_944 : vector<1x16xf32> to vector<16xf32>
      %swap3A_946 = vector.shape_cast %add3A_941 : vector<16xf32> to vector<1x16xf32>
      tpu.vector_store %arg8[%swap3A_942, %swap3A_943], %swap3A_946 {strides = array<i32>} : memref<32x768xf32, #tpu.memory_space<vmem>>, vector<1x16xf32>,
      %get3A_947 = arith.index_cast %scan3A_76 : i32 to index
      %get3A_948 = arith.constant 624 : index
      %get3A_949 = tpu.vector_load %arg8[%get3A_947, %get3A_948] {strides = array<i32>} : memref<32x768xf32, #tpu.memory_space<vmem>>, vector<1x16xf32>,
      %get3A_950 = vector.shape_cast %get3A_949 : vector<1x16xf32> to vector<16xf32>
      %mul3A_951 = arith.mulf %get3A_81, %get3A_950 : vector<16xf32>
      %get3A_952 = arith.index_cast %scan3A_76 : i32 to index
      %get3A_953 = arith.constant 624 : index
      %get3A_954 = tpu.vector_load %arg9[%get3A_952, %get3A_953] {strides = array<i32>} : memref<32x768xf32, #tpu.memory_space<vmem>>, vector<1x16xf32>,
      %get3A_955 = vector.shape_cast %get3A_954 : vector<1x16xf32> to vector<16xf32>
      %mul3A_956 = arith.mulf %get3A_85, %get3A_955 : vector<16xf32>
      %add3A_957 = arith.addf %mul3A_951, %mul3A_956 : vector<16xf32>
      %get3A_958 = arith.index_cast %scan3A_76 : i32 to index
      %get3A_959 = arith.constant 624 : index
      %get3A_960 = tpu.vector_load %arg10[%get3A_958, %get3A_959] {strides = array<i32>} : memref<32x768xf32, #tpu.memory_space<vmem>>, vector<1x16xf32>,
      %get3A_961 = vector.shape_cast %get3A_960 : vector<1x16xf32> to vector<16xf32>
      %mul3A_962 = arith.mulf %get3A_89, %get3A_961 : vector<16xf32>
      %add3A_963 = arith.addf %add3A_957, %mul3A_962 : vector<16xf32>
      %swap3A_964 = arith.index_cast %scan3A_76 : i32 to index
      %swap3A_965 = arith.constant 624 : index
      %swap3A_966 = tpu.vector_load %arg8[%swap3A_964, %swap3A_965] {strides = array<i32>} : memref<32x768xf32, #tpu.memory_space<vmem>>, vector<1x16xf32>,
      %swap3A_967 = vector.shape_cast %swap3A_966 : vector<1x16xf32> to vector<16xf32>
      %swap3A_968 = vector.shape_cast %add3A_963 : vector<16xf32> to vector<1x16xf32>
      tpu.vector_store %arg8[%swap3A_964, %swap3A_965], %swap3A_968 {strides = array<i32>} : memref<32x768xf32, #tpu.memory_space<vmem>>, vector<1x16xf32>,
      %get3A_969 = arith.index_cast %scan3A_76 : i32 to index
      %get3A_970 = arith.constant 640 : index
      %get3A_971 = tpu.vector_load %arg8[%get3A_969, %get3A_970] {strides = array<i32>} : memref<32x768xf32, #tpu.memory_space<vmem>>, vector<1x16xf32>,
      %get3A_972 = vector.shape_cast %get3A_971 : vector<1x16xf32> to vector<16xf32>
      %mul3A_973 = arith.mulf %get3A_81, %get3A_972 : vector<16xf32>
      %get3A_974 = arith.index_cast %scan3A_76 : i32 to index
      %get3A_975 = arith.constant 640 : index
      %get3A_976 = tpu.vector_load %arg9[%get3A_974, %get3A_975] {strides = array<i32>} : memref<32x768xf32, #tpu.memory_space<vmem>>, vector<1x16xf32>,
      %get3A_977 = vector.shape_cast %get3A_976 : vector<1x16xf32> to vector<16xf32>
      %mul3A_978 = arith.mulf %get3A_85, %get3A_977 : vector<16xf32>
      %add3A_979 = arith.addf %mul3A_973, %mul3A_978 : vector<16xf32>
      %get3A_980 = arith.index_cast %scan3A_76 : i32 to index
      %get3A_981 = arith.constant 640 : index
      %get3A_982 = tpu.vector_load %arg10[%get3A_980, %get3A_981] {strides = array<i32>} : memref<32x768xf32, #tpu.memory_space<vmem>>, vector<1x16xf32>,
      %get3A_983 = vector.shape_cast %get3A_982 : vector<1x16xf32> to vector<16xf32>
      %mul3A_984 = arith.mulf %get3A_89, %get3A_983 : vector<16xf32>
      %add3A_985 = arith.addf %add3A_979, %mul3A_984 : vector<16xf32>
      %swap3A_986 = arith.index_cast %scan3A_76 : i32 to index
      %swap3A_987 = arith.constant 640 : index
      %swap3A_988 = tpu.vector_load %arg8[%swap3A_986, %swap3A_987] {strides = array<i32>} : memref<32x768xf32, #tpu.memory_space<vmem>>, vector<1x16xf32>,
      %swap3A_989 = vector.shape_cast %swap3A_988 : vector<1x16xf32> to vector<16xf32>
      %swap3A_990 = vector.shape_cast %add3A_985 : vector<16xf32> to vector<1x16xf32>
      tpu.vector_store %arg8[%swap3A_986, %swap3A_987], %swap3A_990 {strides = array<i32>} : memref<32x768xf32, #tpu.memory_space<vmem>>, vector<1x16xf32>,
      %get3A_991 = arith.index_cast %scan3A_76 : i32 to index
      %get3A_992 = arith.constant 656 : index
      %get3A_993 = tpu.vector_load %arg8[%get3A_991, %get3A_992] {strides = array<i32>} : memref<32x768xf32, #tpu.memory_space<vmem>>, vector<1x16xf32>,
      %get3A_994 = vector.shape_cast %get3A_993 : vector<1x16xf32> to vector<16xf32>
      %mul3A_995 = arith.mulf %get3A_81, %get3A_994 : vector<16xf32>
      %get3A_996 = arith.index_cast %scan3A_76 : i32 to index
      %get3A_997 = arith.constant 656 : index
      %get3A_998 = tpu.vector_load %arg9[%get3A_996, %get3A_997] {strides = array<i32>} : memref<32x768xf32, #tpu.memory_space<vmem>>, vector<1x16xf32>,
      %get3A_999 = vector.shape_cast %get3A_998 : vector<1x16xf32> to vector<16xf32>
      %mul3A_1000 = arith.mulf %get3A_85, %get3A_999 : vector<16xf32>
      %add3A_1001 = arith.addf %mul3A_995, %mul3A_1000 : vector<16xf32>
      %get3A_1002 = arith.index_cast %scan3A_76 : i32 to index
      %get3A_1003 = arith.constant 656 : index
      %get3A_1004 = tpu.vector_load %arg10[%get3A_1002, %get3A_1003] {strides = array<i32>} : memref<32x768xf32, #tpu.memory_space<vmem>>, vector<1x16xf32>,
      %get3A_1005 = vector.shape_cast %get3A_1004 : vector<1x16xf32> to vector<16xf32>
      %mul3A_1006 = arith.mulf %get3A_89, %get3A_1005 : vector<16xf32>
      %add3A_1007 = arith.addf %add3A_1001, %mul3A_1006 : vector<16xf32>
      %swap3A_1008 = arith.index_cast %scan3A_76 : i32 to index
      %swap3A_1009 = arith.constant 656 : index
      %swap3A_1010 = tpu.vector_load %arg8[%swap3A_1008, %swap3A_1009] {strides = array<i32>} : memref<32x768xf32, #tpu.memory_space<vmem>>, vector<1x16xf32>,
      %swap3A_1011 = vector.shape_cast %swap3A_1010 : vector<1x16xf32> to vector<16xf32>
      %swap3A_1012 = vector.shape_cast %add3A_1007 : vector<16xf32> to vector<1x16xf32>
      tpu.vector_store %arg8[%swap3A_1008, %swap3A_1009], %swap3A_1012 {strides = array<i32>} : memref<32x768xf32, #tpu.memory_space<vmem>>, vector<1x16xf32>,
      %get3A_1013 = arith.index_cast %scan3A_76 : i32 to index
      %get3A_1014 = arith.constant 672 : index
      %get3A_1015 = tpu.vector_load %arg8[%get3A_1013, %get3A_1014] {strides = array<i32>} : memref<32x768xf32, #tpu.memory_space<vmem>>, vector<1x16xf32>,
      %get3A_1016 = vector.shape_cast %get3A_1015 : vector<1x16xf32> to vector<16xf32>
      %mul3A_1017 = arith.mulf %get3A_81, %get3A_1016 : vector<16xf32>
      %get3A_1018 = arith.index_cast %scan3A_76 : i32 to index
      %get3A_1019 = arith.constant 672 : index
      %get3A_1020 = tpu.vector_load %arg9[%get3A_1018, %get3A_1019] {strides = array<i32>} : memref<32x768xf32, #tpu.memory_space<vmem>>, vector<1x16xf32>,
      %get3A_1021 = vector.shape_cast %get3A_1020 : vector<1x16xf32> to vector<16xf32>
      %mul3A_1022 = arith.mulf %get3A_85, %get3A_1021 : vector<16xf32>
      %add3A_1023 = arith.addf %mul3A_1017, %mul3A_1022 : vector<16xf32>
      %get3A_1024 = arith.index_cast %scan3A_76 : i32 to index
      %get3A_1025 = arith.constant 672 : index
      %get3A_1026 = tpu.vector_load %arg10[%get3A_1024, %get3A_1025] {strides = array<i32>} : memref<32x768xf32, #tpu.memory_space<vmem>>, vector<1x16xf32>,
      %get3A_1027 = vector.shape_cast %get3A_1026 : vector<1x16xf32> to vector<16xf32>
      %mul3A_1028 = arith.mulf %get3A_89, %get3A_1027 : vector<16xf32>
      %add3A_1029 = arith.addf %add3A_1023, %mul3A_1028 : vector<16xf32>
      %swap3A_1030 = arith.index_cast %scan3A_76 : i32 to index
      %swap3A_1031 = arith.constant 672 : index
      %swap3A_1032 = tpu.vector_load %arg8[%swap3A_1030, %swap3A_1031] {strides = array<i32>} : memref<32x768xf32, #tpu.memory_space<vmem>>, vector<1x16xf32>,
      %swap3A_1033 = vector.shape_cast %swap3A_1032 : vector<1x16xf32> to vector<16xf32>
      %swap3A_1034 = vector.shape_cast %add3A_1029 : vector<16xf32> to vector<1x16xf32>
      tpu.vector_store %arg8[%swap3A_1030, %swap3A_1031], %swap3A_1034 {strides = array<i32>} : memref<32x768xf32, #tpu.memory_space<vmem>>, vector<1x16xf32>,
      %get3A_1035 = arith.index_cast %scan3A_76 : i32 to index
      %get3A_1036 = arith.constant 688 : index
      %get3A_1037 = tpu.vector_load %arg8[%get3A_1035, %get3A_1036] {strides = array<i32>} : memref<32x768xf32, #tpu.memory_space<vmem>>, vector<1x16xf32>,
      %get3A_1038 = vector.shape_cast %get3A_1037 : vector<1x16xf32> to vector<16xf32>
      %mul3A_1039 = arith.mulf %get3A_81, %get3A_1038 : vector<16xf32>
      %get3A_1040 = arith.index_cast %scan3A_76 : i32 to index
      %get3A_1041 = arith.constant 688 : index
      %get3A_1042 = tpu.vector_load %arg9[%get3A_1040, %get3A_1041] {strides = array<i32>} : memref<32x768xf32, #tpu.memory_space<vmem>>, vector<1x16xf32>,
      %get3A_1043 = vector.shape_cast %get3A_1042 : vector<1x16xf32> to vector<16xf32>
      %mul3A_1044 = arith.mulf %get3A_85, %get3A_1043 : vector<16xf32>
      %add3A_1045 = arith.addf %mul3A_1039, %mul3A_1044 : vector<16xf32>
      %get3A_1046 = arith.index_cast %scan3A_76 : i32 to index
      %get3A_1047 = arith.constant 688 : index
      %get3A_1048 = tpu.vector_load %arg10[%get3A_1046, %get3A_1047] {strides = array<i32>} : memref<32x768xf32, #tpu.memory_space<vmem>>, vector<1x16xf32>,
      %get3A_1049 = vector.shape_cast %get3A_1048 : vector<1x16xf32> to vector<16xf32>
      %mul3A_1050 = arith.mulf %get3A_89, %get3A_1049 : vector<16xf32>
      %add3A_1051 = arith.addf %add3A_1045, %mul3A_1050 : vector<16xf32>
      %swap3A_1052 = arith.index_cast %scan3A_76 : i32 to index
      %swap3A_1053 = arith.constant 688 : index
      %swap3A_1054 = tpu.vector_load %arg8[%swap3A_1052, %swap3A_1053] {strides = array<i32>} : memref<32x768xf32, #tpu.memory_space<vmem>>, vector<1x16xf32>,
      %swap3A_1055 = vector.shape_cast %swap3A_1054 : vector<1x16xf32> to vector<16xf32>
      %swap3A_1056 = vector.shape_cast %add3A_1051 : vector<16xf32> to vector<1x16xf32>
      tpu.vector_store %arg8[%swap3A_1052, %swap3A_1053], %swap3A_1056 {strides = array<i32>} : memref<32x768xf32, #tpu.memory_space<vmem>>, vector<1x16xf32>,
      %get3A_1057 = arith.index_cast %scan3A_76 : i32 to index
      %get3A_1058 = arith.constant 704 : index
      %get3A_1059 = tpu.vector_load %arg8[%get3A_1057, %get3A_1058] {strides = array<i32>} : memref<32x768xf32, #tpu.memory_space<vmem>>, vector<1x16xf32>,
      %get3A_1060 = vector.shape_cast %get3A_1059 : vector<1x16xf32> to vector<16xf32>
      %mul3A_1061 = arith.mulf %get3A_81, %get3A_1060 : vector<16xf32>
      %get3A_1062 = arith.index_cast %scan3A_76 : i32 to index
      %get3A_1063 = arith.constant 704 : index
      %get3A_1064 = tpu.vector_load %arg9[%get3A_1062, %get3A_1063] {strides = array<i32>} : memref<32x768xf32, #tpu.memory_space<vmem>>, vector<1x16xf32>,
      %get3A_1065 = vector.shape_cast %get3A_1064 : vector<1x16xf32> to vector<16xf32>
      %mul3A_1066 = arith.mulf %get3A_85, %get3A_1065 : vector<16xf32>
      %add3A_1067 = arith.addf %mul3A_1061, %mul3A_1066 : vector<16xf32>
      %get3A_1068 = arith.index_cast %scan3A_76 : i32 to index
      %get3A_1069 = arith.constant 704 : index
      %get3A_1070 = tpu.vector_load %arg10[%get3A_1068, %get3A_1069] {strides = array<i32>} : memref<32x768xf32, #tpu.memory_space<vmem>>, vector<1x16xf32>,
      %get3A_1071 = vector.shape_cast %get3A_1070 : vector<1x16xf32> to vector<16xf32>
      %mul3A_1072 = arith.mulf %get3A_89, %get3A_1071 : vector<16xf32>
      %add3A_1073 = arith.addf %add3A_1067, %mul3A_1072 : vector<16xf32>
      %swap3A_1074 = arith.index_cast %scan3A_76 : i32 to index
      %swap3A_1075 = arith.constant 704 : index
      %swap3A_1076 = tpu.vector_load %arg8[%swap3A_1074, %swap3A_1075] {strides = array<i32>} : memref<32x768xf32, #tpu.memory_space<vmem>>, vector<1x16xf32>,
      %swap3A_1077 = vector.shape_cast %swap3A_1076 : vector<1x16xf32> to vector<16xf32>
      %swap3A_1078 = vector.shape_cast %add3A_1073 : vector<16xf32> to vector<1x16xf32>
      tpu.vector_store %arg8[%swap3A_1074, %swap3A_1075], %swap3A_1078 {strides = array<i32>} : memref<32x768xf32, #tpu.memory_space<vmem>>, vector<1x16xf32>,
      %get3A_1079 = arith.index_cast %scan3A_76 : i32 to index
      %get3A_1080 = arith.constant 720 : index
      %get3A_1081 = tpu.vector_load %arg8[%get3A_1079, %get3A_1080] {strides = array<i32>} : memref<32x768xf32, #tpu.memory_space<vmem>>, vector<1x16xf32>,
      %get3A_1082 = vector.shape_cast %get3A_1081 : vector<1x16xf32> to vector<16xf32>
      %mul3A_1083 = arith.mulf %get3A_81, %get3A_1082 : vector<16xf32>
      %get3A_1084 = arith.index_cast %scan3A_76 : i32 to index
      %get3A_1085 = arith.constant 720 : index
      %get3A_1086 = tpu.vector_load %arg9[%get3A_1084, %get3A_1085] {strides = array<i32>} : memref<32x768xf32, #tpu.memory_space<vmem>>, vector<1x16xf32>,
      %get3A_1087 = vector.shape_cast %get3A_1086 : vector<1x16xf32> to vector<16xf32>
      %mul3A_1088 = arith.mulf %get3A_85, %get3A_1087 : vector<16xf32>
      %add3A_1089 = arith.addf %mul3A_1083, %mul3A_1088 : vector<16xf32>
      %get3A_1090 = arith.index_cast %scan3A_76 : i32 to index
      %get3A_1091 = arith.constant 720 : index
      %get3A_1092 = tpu.vector_load %arg10[%get3A_1090, %get3A_1091] {strides = array<i32>} : memref<32x768xf32, #tpu.memory_space<vmem>>, vector<1x16xf32>,
      %get3A_1093 = vector.shape_cast %get3A_1092 : vector<1x16xf32> to vector<16xf32>
      %mul3A_1094 = arith.mulf %get3A_89, %get3A_1093 : vector<16xf32>
      %add3A_1095 = arith.addf %add3A_1089, %mul3A_1094 : vector<16xf32>
      %swap3A_1096 = arith.index_cast %scan3A_76 : i32 to index
      %swap3A_1097 = arith.constant 720 : index
      %swap3A_1098 = tpu.vector_load %arg8[%swap3A_1096, %swap3A_1097] {strides = array<i32>} : memref<32x768xf32, #tpu.memory_space<vmem>>, vector<1x16xf32>,
      %swap3A_1099 = vector.shape_cast %swap3A_1098 : vector<1x16xf32> to vector<16xf32>
      %swap3A_1100 = vector.shape_cast %add3A_1095 : vector<16xf32> to vector<1x16xf32>
      tpu.vector_store %arg8[%swap3A_1096, %swap3A_1097], %swap3A_1100 {strides = array<i32>} : memref<32x768xf32, #tpu.memory_space<vmem>>, vector<1x16xf32>,
      %get3A_1101 = arith.index_cast %scan3A_76 : i32 to index
      %get3A_1102 = arith.constant 736 : index
      %get3A_1103 = tpu.vector_load %arg8[%get3A_1101, %get3A_1102] {strides = array<i32>} : memref<32x768xf32, #tpu.memory_space<vmem>>, vector<1x16xf32>,
      %get3A_1104 = vector.shape_cast %get3A_1103 : vector<1x16xf32> to vector<16xf32>
      %mul3A_1105 = arith.mulf %get3A_81, %get3A_1104 : vector<16xf32>
      %get3A_1106 = arith.index_cast %scan3A_76 : i32 to index
      %get3A_1107 = arith.constant 736 : index
      %get3A_1108 = tpu.vector_load %arg9[%get3A_1106, %get3A_1107] {strides = array<i32>} : memref<32x768xf32, #tpu.memory_space<vmem>>, vector<1x16xf32>,
      %get3A_1109 = vector.shape_cast %get3A_1108 : vector<1x16xf32> to vector<16xf32>
      %mul3A_1110 = arith.mulf %get3A_85, %get3A_1109 : vector<16xf32>
      %add3A_1111 = arith.addf %mul3A_1105, %mul3A_1110 : vector<16xf32>
      %get3A_1112 = arith.index_cast %scan3A_76 : i32 to index
      %get3A_1113 = arith.constant 736 : index
      %get3A_1114 = tpu.vector_load %arg10[%get3A_1112, %get3A_1113] {strides = array<i32>} : memref<32x768xf32, #tpu.memory_space<vmem>>, vector<1x16xf32>,
      %get3A_1115 = vector.shape_cast %get3A_1114 : vector<1x16xf32> to vector<16xf32>
      %mul3A_1116 = arith.mulf %get3A_89, %get3A_1115 : vector<16xf32>
      %add3A_1117 = arith.addf %add3A_1111, %mul3A_1116 : vector<16xf32>
      %swap3A_1118 = arith.index_cast %scan3A_76 : i32 to index
      %swap3A_1119 = arith.constant 736 : index
      %swap3A_1120 = tpu.vector_load %arg8[%swap3A_1118, %swap3A_1119] {strides = array<i32>} : memref<32x768xf32, #tpu.memory_space<vmem>>, vector<1x16xf32>,
      %swap3A_1121 = vector.shape_cast %swap3A_1120 : vector<1x16xf32> to vector<16xf32>
      %swap3A_1122 = vector.shape_cast %add3A_1117 : vector<16xf32> to vector<1x16xf32>
      tpu.vector_store %arg8[%swap3A_1118, %swap3A_1119], %swap3A_1122 {strides = array<i32>} : memref<32x768xf32, #tpu.memory_space<vmem>>, vector<1x16xf32>,
      %get3A_1123 = arith.index_cast %scan3A_76 : i32 to index
      %get3A_1124 = arith.constant 752 : index
      %get3A_1125 = tpu.vector_load %arg8[%get3A_1123, %get3A_1124] {strides = array<i32>} : memref<32x768xf32, #tpu.memory_space<vmem>>, vector<1x16xf32>,
      %get3A_1126 = vector.shape_cast %get3A_1125 : vector<1x16xf32> to vector<16xf32>
      %mul3A_1127 = arith.mulf %get3A_81, %get3A_1126 : vector<16xf32>
      %get3A_1128 = arith.index_cast %scan3A_76 : i32 to index
      %get3A_1129 = arith.constant 752 : index
      %get3A_1130 = tpu.vector_load %arg9[%get3A_1128, %get3A_1129] {strides = array<i32>} : memref<32x768xf32, #tpu.memory_space<vmem>>, vector<1x16xf32>,
      %get3A_1131 = vector.shape_cast %get3A_1130 : vector<1x16xf32> to vector<16xf32>
      %mul3A_1132 = arith.mulf %get3A_85, %get3A_1131 : vector<16xf32>
      %add3A_1133 = arith.addf %mul3A_1127, %mul3A_1132 : vector<16xf32>
      %get3A_1134 = arith.index_cast %scan3A_76 : i32 to index
      %get3A_1135 = arith.constant 752 : index
      %get3A_1136 = tpu.vector_load %arg10[%get3A_1134, %get3A_1135] {strides = array<i32>} : memref<32x768xf32, #tpu.memory_space<vmem>>, vector<1x16xf32>,
      %get3A_1137 = vector.shape_cast %get3A_1136 : vector<1x16xf32> to vector<16xf32>
      %mul3A_1138 = arith.mulf %get3A_89, %get3A_1137 : vector<16xf32>
      %add3A_1139 = arith.addf %add3A_1133, %mul3A_1138 : vector<16xf32>
      %swap3A_1140 = arith.index_cast %scan3A_76 : i32 to index
      %swap3A_1141 = arith.constant 752 : index
      %swap3A_1142 = tpu.vector_load %arg8[%swap3A_1140, %swap3A_1141] {strides = array<i32>} : memref<32x768xf32, #tpu.memory_space<vmem>>, vector<1x16xf32>,
      %swap3A_1143 = vector.shape_cast %swap3A_1142 : vector<1x16xf32> to vector<16xf32>
      %swap3A_1144 = vector.shape_cast %add3A_1139 : vector<16xf32> to vector<1x16xf32>
      tpu.vector_store %arg8[%swap3A_1140, %swap3A_1141], %swap3A_1144 {strides = array<i32>} : memref<32x768xf32, #tpu.memory_space<vmem>>, vector<1x16xf32>,
    }
    %scan3A_35 = arith.constant 32 : i32
    %add3A_36 = arith.constant 0 : i32
    %add3A_37 = arith.addi %mul3A_2, %add3A_36 : i32
    "tpu.region"() ({
      %run_scoped3A = tpu.sem_alloc : memref<!tpu.dma_semaphore, #tpu.memory_space<semaphore_mem>>
      %dma_start3A_76 = arith.constant 0 : i32
      %dma_start3A_77 = tpu.memref_slice %arg6[%add3A_37, %dma_start3A_76] : memref<2048x768xf32, #tpu.memory_space<hbm>> -> memref<32x768xf32, #tpu.memory_space<hbm>>
      %dma_start3A_78 = arith.constant 0 : i32
      %dma_start3A_79 = tpu.memref_slice %arg6[%add3A_37, %dma_start3A_78] : memref<2048x768xf32, #tpu.memory_space<hbm>> -> memref<32x768xf32, #tpu.memory_space<hbm>>
      tpu.enqueue_dma source(%arg8 : memref<32x768xf32, #tpu.memory_space<vmem>>) target(%dma_start3A_79 : memref<32x768xf32, #tpu.memory_space<hbm>>) target_semaphore(%run_scoped3A : memref<!tpu.dma_semaphore, #tpu.memory_space<semaphore_mem>>)
      %dma_wait3A_80 = arith.constant 0 : i32
      %dma_wait3A_81 = tpu.memref_slice %arg6[%add3A_37, %dma_wait3A_80] : memref<2048x768xf32, #tpu.memory_space<hbm>> -> memref<32x768xf32, #tpu.memory_space<hbm>>
      %dma_wait3A_82 = arith.constant 0 : i32
      %dma_wait3A_83 = tpu.memref_slice %arg6[%add3A_37, %dma_wait3A_82] : memref<2048x768xf32, #tpu.memory_space<hbm>> -> memref<32x768xf32, #tpu.memory_space<hbm>>
      tpu.wait_dma2 semaphore(%run_scoped3A : memref<!tpu.dma_semaphore, #tpu.memory_space<semaphore_mem>>) src(%arg8 : memref<32x768xf32, #tpu.memory_space<vmem>>) dst(%dma_wait3A_83 : memref<32x768xf32, #tpu.memory_space<hbm>>)
      tpu.yield
    }) : () -> ()
    %dma_start3A_38 = arith.constant 0 : i32
    %dma_start3A_39 = arith.constant 32 : i32
    %dma_start3A_40 = tpu.memref_slice %arg7[%dma_start3A_38, %dma_start3A_39] : memref<1x128xi32, #tpu.memory_space<vmem>> -> memref<1x32xi32, #tpu.memory_space<vmem>>
    %dma_start3A_41 = tpu.memref_squeeze %dma_start3A_40 : memref<1x32xi32, #tpu.memory_space<vmem>> -> memref<32xi32, #tpu.memory_space<vmem>>
    %dma_start3A_42 = arith.constant 0 : i32
    %dma_start3A_43 = arith.constant 0 : i32
    %dma_start3A_44 = tpu.memref_slice %arg2[%dma_start3A_42, %dma_start3A_43] : memref<7680x768xf32, #tpu.memory_space<hbm>> -> memref<7680x768xf32, #tpu.memory_space<hbm>>
    tpu.enqueue_indirect_dma source(%dma_start3A_44 : memref<7680x768xf32, #tpu.memory_space<hbm>>) target(%arg8 : memref<32x768xf32, #tpu.memory_space<vmem>>) offsets(%dma_start3A_41 : memref<32xi32, #tpu.memory_space<vmem>>) semaphore(%arg12 : memref<!tpu.dma_semaphore, #tpu.memory_space<semaphore_mem>>)
    %dma_start3A_45 = arith.constant 0 : i32
    %dma_start3A_46 = arith.constant 96 : i32
    %dma_start3A_47 = tpu.memref_slice %arg7[%dma_start3A_45, %dma_start3A_46] : memref<1x128xi32, #tpu.memory_space<vmem>> -> memref<1x32xi32, #tpu.memory_space<vmem>>
    %dma_start3A_48 = tpu.memref_squeeze %dma_start3A_47 : memref<1x32xi32, #tpu.memory_space<vmem>> -> memref<32xi32, #tpu.memory_space<vmem>>
    %dma_start3A_49 = arith.constant 0 : i32
    %dma_start3A_50 = arith.constant 0 : i32
    %dma_start3A_51 = tpu.memref_slice %arg2[%dma_start3A_49, %dma_start3A_50] : memref<7680x768xf32, #tpu.memory_space<hbm>> -> memref<7680x768xf32, #tpu.memory_space<hbm>>
    tpu.enqueue_indirect_dma source(%dma_start3A_51 : memref<7680x768xf32, #tpu.memory_space<hbm>>) target(%arg9 : memref<32x768xf32, #tpu.memory_space<vmem>>) offsets(%dma_start3A_48 : memref<32xi32, #tpu.memory_space<vmem>>) semaphore(%arg12 : memref<!tpu.dma_semaphore, #tpu.memory_space<semaphore_mem>>)
    %add3A_52 = arith.constant 32 : i32
    %add3A_53 = arith.addi %mul3A_2, %add3A_52 : i32
    "tpu.region"() ({
      %run_scoped3A = tpu.sem_alloc : memref<!tpu.dma_semaphore, #tpu.memory_space<semaphore_mem>>
      %dma_start3A_76 = arith.constant 0 : i32
      %dma_start3A_77 = tpu.memref_slice %arg5[%add3A_53, %dma_start3A_76] : memref<2048x768xf32, #tpu.memory_space<hbm>> -> memref<32x768xf32, #tpu.memory_space<hbm>>
      %dma_start3A_78 = arith.constant 0 : i32
      %dma_start3A_79 = tpu.memref_slice %arg5[%add3A_53, %dma_start3A_78] : memref<2048x768xf32, #tpu.memory_space<hbm>> -> memref<32x768xf32, #tpu.memory_space<hbm>>
      tpu.enqueue_dma source(%dma_start3A_79 : memref<32x768xf32, #tpu.memory_space<hbm>>) target(%arg10 : memref<32x768xf32, #tpu.memory_space<vmem>>) target_semaphore(%run_scoped3A : memref<!tpu.dma_semaphore, #tpu.memory_space<semaphore_mem>>)
      %dma_wait3A_80 = arith.constant 0 : i32
      %dma_wait3A_81 = tpu.memref_slice %arg5[%add3A_53, %dma_wait3A_80] : memref<2048x768xf32, #tpu.memory_space<hbm>> -> memref<32x768xf32, #tpu.memory_space<hbm>>
      %dma_wait3A_82 = arith.constant 0 : i32
      %dma_wait3A_83 = tpu.memref_slice %arg5[%add3A_53, %dma_wait3A_82] : memref<2048x768xf32, #tpu.memory_space<hbm>> -> memref<32x768xf32, #tpu.memory_space<hbm>>
      tpu.wait_dma2 semaphore(%run_scoped3A : memref<!tpu.dma_semaphore, #tpu.memory_space<semaphore_mem>>) src(%dma_wait3A_83 : memref<32x768xf32, #tpu.memory_space<hbm>>) dst(%arg10 : memref<32x768xf32, #tpu.memory_space<vmem>>)
      tpu.yield
    }) : () -> ()
    %dma_wait3A_54 = arith.constant 0 : i32
    %dma_wait3A_55 = arith.constant 32 : i32
    %dma_wait3A_56 = tpu.memref_slice %arg7[%dma_wait3A_54, %dma_wait3A_55] : memref<1x128xi32, #tpu.memory_space<vmem>> -> memref<1x32xi32, #tpu.memory_space<vmem>>
    %dma_wait3A_57 = tpu.memref_squeeze %dma_wait3A_56 : memref<1x32xi32, #tpu.memory_space<vmem>> -> memref<32xi32, #tpu.memory_space<vmem>>
    %dma_wait3A_58 = arith.constant 0 : i32
    %dma_wait3A_59 = arith.constant 0 : i32
    %dma_wait3A_60 = tpu.memref_slice %arg2[%dma_wait3A_58, %dma_wait3A_59] : memref<7680x768xf32, #tpu.memory_space<hbm>> -> memref<7680x768xf32, #tpu.memory_space<hbm>>
    tpu.wait_indirect_dma semaphore(%arg12 : memref<!tpu.dma_semaphore, #tpu.memory_space<semaphore_mem>>) src(%dma_wait3A_60 : memref<7680x768xf32, #tpu.memory_space<hbm>>) dst(%arg8 : memref<32x768xf32, #tpu.memory_space<vmem>>)
    %dma_wait3A_61 = arith.constant 0 : i32
    %dma_wait3A_62 = arith.constant 96 : i32
    %dma_wait3A_63 = tpu.memref_slice %arg7[%dma_wait3A_61, %dma_wait3A_62] : memref<1x128xi32, #tpu.memory_space<vmem>> -> memref<1x32xi32, #tpu.memory_space<vmem>>
    %dma_wait3A_64 = tpu.memref_squeeze %dma_wait3A_63 : memref<1x32xi32, #tpu.memory_space<vmem>> -> memref<32xi32, #tpu.memory_space<vmem>>
    %dma_wait3A_65 = arith.constant 0 : i32
    %dma_wait3A_66 = arith.constant 0 : i32
    %dma_wait3A_67 = tpu.memref_slice %arg2[%dma_wait3A_65, %dma_wait3A_66] : memref<7680x768xf32, #tpu.memory_space<hbm>> -> memref<7680x768xf32, #tpu.memory_space<hbm>>
    tpu.wait_indirect_dma semaphore(%arg12 : memref<!tpu.dma_semaphore, #tpu.memory_space<semaphore_mem>>) src(%dma_wait3A_67 : memref<7680x768xf32, #tpu.memory_space<hbm>>) dst(%arg9 : memref<32x768xf32, #tpu.memory_space<vmem>>)
    %scan3A_68 = arith.constant 0 : i32
    %scan3A_69 = arith.constant 0 : i32
    %scan3A_70 = arith.constant 32 : i32
    %scan3A_71 = arith.addi %scan3A_69, %scan3A_70 : i32
    %scan3A_72 = arith.constant 1 : i32
    scf.for %scan3A_76 = %scan3A_69 to %scan3A_71 step %scan3A_72  : i32 {
      %add3A_77 = arith.constant 32 : i32
      %add3A_78 = arith.addi %add3A_77, %scan3A_76 : i32
      %get3A = arith.index_cast %add3A_78 : i32 to index
      %get3A_79 = arith.constant 0 : index
      %get3A_80 = tpu.vector_load %arg11[%get3A, %get3A_79] {strides = array<i32>} : memref<64x48xf32, #tpu.memory_space<vmem>>, vector<1x16xf32>,
      %get3A_81 = vector.shape_cast %get3A_80 : vector<1x16xf32> to vector<16xf32>
      %get3A_82 = arith.index_cast %add3A_78 : i32 to index
      %get3A_83 = arith.constant 16 : index
      %get3A_84 = tpu.vector_load %arg11[%get3A_82, %get3A_83] {strides = array<i32>} : memref<64x48xf32, #tpu.memory_space<vmem>>, vector<1x16xf32>,
      %get3A_85 = vector.shape_cast %get3A_84 : vector<1x16xf32> to vector<16xf32>
      %get3A_86 = arith.index_cast %add3A_78 : i32 to index
      %get3A_87 = arith.constant 32 : index
      %get3A_88 = tpu.vector_load %arg11[%get3A_86, %get3A_87] {strides = array<i32>} : memref<64x48xf32, #tpu.memory_space<vmem>>, vector<1x16xf32>,
      %get3A_89 = vector.shape_cast %get3A_88 : vector<1x16xf32> to vector<16xf32>
      %get3A_90 = arith.index_cast %scan3A_76 : i32 to index
      %get3A_91 = arith.constant 0 : index
      %get3A_92 = tpu.vector_load %arg8[%get3A_90, %get3A_91] {strides = array<i32>} : memref<32x768xf32, #tpu.memory_space<vmem>>, vector<1x16xf32>,
      %get3A_93 = vector.shape_cast %get3A_92 : vector<1x16xf32> to vector<16xf32>
      %mul3A_94 = arith.mulf %get3A_81, %get3A_93 : vector<16xf32>
      %get3A_95 = arith.index_cast %scan3A_76 : i32 to index
      %get3A_96 = arith.constant 0 : index
      %get3A_97 = tpu.vector_load %arg9[%get3A_95, %get3A_96] {strides = array<i32>} : memref<32x768xf32, #tpu.memory_space<vmem>>, vector<1x16xf32>,
      %get3A_98 = vector.shape_cast %get3A_97 : vector<1x16xf32> to vector<16xf32>
      %mul3A_99 = arith.mulf %get3A_85, %get3A_98 : vector<16xf32>
      %add3A_100 = arith.addf %mul3A_94, %mul3A_99 : vector<16xf32>
      %get3A_101 = arith.index_cast %scan3A_76 : i32 to index
      %get3A_102 = arith.constant 0 : index
      %get3A_103 = tpu.vector_load %arg10[%get3A_101, %get3A_102] {strides = array<i32>} : memref<32x768xf32, #tpu.memory_space<vmem>>, vector<1x16xf32>,
      %get3A_104 = vector.shape_cast %get3A_103 : vector<1x16xf32> to vector<16xf32>
      %mul3A_105 = arith.mulf %get3A_89, %get3A_104 : vector<16xf32>
      %add3A_106 = arith.addf %add3A_100, %mul3A_105 : vector<16xf32>
      %swap3A = arith.index_cast %scan3A_76 : i32 to index
      %swap3A_107 = arith.constant 0 : index
      %swap3A_108 = tpu.vector_load %arg8[%swap3A, %swap3A_107] {strides = array<i32>} : memref<32x768xf32, #tpu.memory_space<vmem>>, vector<1x16xf32>,
      %swap3A_109 = vector.shape_cast %swap3A_108 : vector<1x16xf32> to vector<16xf32>
      %swap3A_110 = vector.shape_cast %add3A_106 : vector<16xf32> to vector<1x16xf32>
      tpu.vector_store %arg8[%swap3A, %swap3A_107], %swap3A_110 {strides = array<i32>} : memref<32x768xf32, #tpu.memory_space<vmem>>, vector<1x16xf32>,
      %get3A_111 = arith.index_cast %scan3A_76 : i32 to index
      %get3A_112 = arith.constant 16 : index
      %get3A_113 = tpu.vector_load %arg8[%get3A_111, %get3A_112] {strides = array<i32>} : memref<32x768xf32, #tpu.memory_space<vmem>>, vector<1x16xf32>,
      %get3A_114 = vector.shape_cast %get3A_113 : vector<1x16xf32> to vector<16xf32>
      %mul3A_115 = arith.mulf %get3A_81, %get3A_114 : vector<16xf32>
      %get3A_116 = arith.index_cast %scan3A_76 : i32 to index
      %get3A_117 = arith.constant 16 : index
      %get3A_118 = tpu.vector_load %arg9[%get3A_116, %get3A_117] {strides = array<i32>} : memref<32x768xf32, #tpu.memory_space<vmem>>, vector<1x16xf32>,
      %get3A_119 = vector.shape_cast %get3A_118 : vector<1x16xf32> to vector<16xf32>
      %mul3A_120 = arith.mulf %get3A_85, %get3A_119 : vector<16xf32>
      %add3A_121 = arith.addf %mul3A_115, %mul3A_120 : vector<16xf32>
      %get3A_122 = arith.index_cast %scan3A_76 : i32 to index
      %get3A_123 = arith.constant 16 : index
      %get3A_124 = tpu.vector_load %arg10[%get3A_122, %get3A_123] {strides = array<i32>} : memref<32x768xf32, #tpu.memory_space<vmem>>, vector<1x16xf32>,
      %get3A_125 = vector.shape_cast %get3A_124 : vector<1x16xf32> to vector<16xf32>
      %mul3A_126 = arith.mulf %get3A_89, %get3A_125 : vector<16xf32>
      %add3A_127 = arith.addf %add3A_121, %mul3A_126 : vector<16xf32>
      %swap3A_128 = arith.index_cast %scan3A_76 : i32 to index
      %swap3A_129 = arith.constant 16 : index
      %swap3A_130 = tpu.vector_load %arg8[%swap3A_128, %swap3A_129] {strides = array<i32>} : memref<32x768xf32, #tpu.memory_space<vmem>>, vector<1x16xf32>,
      %swap3A_131 = vector.shape_cast %swap3A_130 : vector<1x16xf32> to vector<16xf32>
      %swap3A_132 = vector.shape_cast %add3A_127 : vector<16xf32> to vector<1x16xf32>
      tpu.vector_store %arg8[%swap3A_128, %swap3A_129], %swap3A_132 {strides = array<i32>} : memref<32x768xf32, #tpu.memory_space<vmem>>, vector<1x16xf32>,
      %get3A_133 = arith.index_cast %scan3A_76 : i32 to index
      %get3A_134 = arith.constant 32 : index
      %get3A_135 = tpu.vector_load %arg8[%get3A_133, %get3A_134] {strides = array<i32>} : memref<32x768xf32, #tpu.memory_space<vmem>>, vector<1x16xf32>,
      %get3A_136 = vector.shape_cast %get3A_135 : vector<1x16xf32> to vector<16xf32>
      %mul3A_137 = arith.mulf %get3A_81, %get3A_136 : vector<16xf32>
      %get3A_138 = arith.index_cast %scan3A_76 : i32 to index
      %get3A_139 = arith.constant 32 : index
      %get3A_140 = tpu.vector_load %arg9[%get3A_138, %get3A_139] {strides = array<i32>} : memref<32x768xf32, #tpu.memory_space<vmem>>, vector<1x16xf32>,
      %get3A_141 = vector.shape_cast %get3A_140 : vector<1x16xf32> to vector<16xf32>
      %mul3A_142 = arith.mulf %get3A_85, %get3A_141 : vector<16xf32>
      %add3A_143 = arith.addf %mul3A_137, %mul3A_142 : vector<16xf32>
      %get3A_144 = arith.index_cast %scan3A_76 : i32 to index
      %get3A_145 = arith.constant 32 : index
      %get3A_146 = tpu.vector_load %arg10[%get3A_144, %get3A_145] {strides = array<i32>} : memref<32x768xf32, #tpu.memory_space<vmem>>, vector<1x16xf32>,
      %get3A_147 = vector.shape_cast %get3A_146 : vector<1x16xf32> to vector<16xf32>
      %mul3A_148 = arith.mulf %get3A_89, %get3A_147 : vector<16xf32>
      %add3A_149 = arith.addf %add3A_143, %mul3A_148 : vector<16xf32>
      %swap3A_150 = arith.index_cast %scan3A_76 : i32 to index
      %swap3A_151 = arith.constant 32 : index
      %swap3A_152 = tpu.vector_load %arg8[%swap3A_150, %swap3A_151] {strides = array<i32>} : memref<32x768xf32, #tpu.memory_space<vmem>>, vector<1x16xf32>,
      %swap3A_153 = vector.shape_cast %swap3A_152 : vector<1x16xf32> to vector<16xf32>
      %swap3A_154 = vector.shape_cast %add3A_149 : vector<16xf32> to vector<1x16xf32>
      tpu.vector_store %arg8[%swap3A_150, %swap3A_151], %swap3A_154 {strides = array<i32>} : memref<32x768xf32, #tpu.memory_space<vmem>>, vector<1x16xf32>,
      %get3A_155 = arith.index_cast %scan3A_76 : i32 to index
      %get3A_156 = arith.constant 48 : index
      %get3A_157 = tpu.vector_load %arg8[%get3A_155, %get3A_156] {strides = array<i32>} : memref<32x768xf32, #tpu.memory_space<vmem>>, vector<1x16xf32>,
      %get3A_158 = vector.shape_cast %get3A_157 : vector<1x16xf32> to vector<16xf32>
      %mul3A_159 = arith.mulf %get3A_81, %get3A_158 : vector<16xf32>
      %get3A_160 = arith.index_cast %scan3A_76 : i32 to index
      %get3A_161 = arith.constant 48 : index
      %get3A_162 = tpu.vector_load %arg9[%get3A_160, %get3A_161] {strides = array<i32>} : memref<32x768xf32, #tpu.memory_space<vmem>>, vector<1x16xf32>,
      %get3A_163 = vector.shape_cast %get3A_162 : vector<1x16xf32> to vector<16xf32>
      %mul3A_164 = arith.mulf %get3A_85, %get3A_163 : vector<16xf32>
      %add3A_165 = arith.addf %mul3A_159, %mul3A_164 : vector<16xf32>
      %get3A_166 = arith.index_cast %scan3A_76 : i32 to index
      %get3A_167 = arith.constant 48 : index
      %get3A_168 = tpu.vector_load %arg10[%get3A_166, %get3A_167] {strides = array<i32>} : memref<32x768xf32, #tpu.memory_space<vmem>>, vector<1x16xf32>,
      %get3A_169 = vector.shape_cast %get3A_168 : vector<1x16xf32> to vector<16xf32>
      %mul3A_170 = arith.mulf %get3A_89, %get3A_169 : vector<16xf32>
      %add3A_171 = arith.addf %add3A_165, %mul3A_170 : vector<16xf32>
      %swap3A_172 = arith.index_cast %scan3A_76 : i32 to index
      %swap3A_173 = arith.constant 48 : index
      %swap3A_174 = tpu.vector_load %arg8[%swap3A_172, %swap3A_173] {strides = array<i32>} : memref<32x768xf32, #tpu.memory_space<vmem>>, vector<1x16xf32>,
      %swap3A_175 = vector.shape_cast %swap3A_174 : vector<1x16xf32> to vector<16xf32>
      %swap3A_176 = vector.shape_cast %add3A_171 : vector<16xf32> to vector<1x16xf32>
      tpu.vector_store %arg8[%swap3A_172, %swap3A_173], %swap3A_176 {strides = array<i32>} : memref<32x768xf32, #tpu.memory_space<vmem>>, vector<1x16xf32>,
      %get3A_177 = arith.index_cast %scan3A_76 : i32 to index
      %get3A_178 = arith.constant 64 : index
      %get3A_179 = tpu.vector_load %arg8[%get3A_177, %get3A_178] {strides = array<i32>} : memref<32x768xf32, #tpu.memory_space<vmem>>, vector<1x16xf32>,
      %get3A_180 = vector.shape_cast %get3A_179 : vector<1x16xf32> to vector<16xf32>
      %mul3A_181 = arith.mulf %get3A_81, %get3A_180 : vector<16xf32>
      %get3A_182 = arith.index_cast %scan3A_76 : i32 to index
      %get3A_183 = arith.constant 64 : index
      %get3A_184 = tpu.vector_load %arg9[%get3A_182, %get3A_183] {strides = array<i32>} : memref<32x768xf32, #tpu.memory_space<vmem>>, vector<1x16xf32>,
      %get3A_185 = vector.shape_cast %get3A_184 : vector<1x16xf32> to vector<16xf32>
      %mul3A_186 = arith.mulf %get3A_85, %get3A_185 : vector<16xf32>
      %add3A_187 = arith.addf %mul3A_181, %mul3A_186 : vector<16xf32>
      %get3A_188 = arith.index_cast %scan3A_76 : i32 to index
      %get3A_189 = arith.constant 64 : index
      %get3A_190 = tpu.vector_load %arg10[%get3A_188, %get3A_189] {strides = array<i32>} : memref<32x768xf32, #tpu.memory_space<vmem>>, vector<1x16xf32>,
      %get3A_191 = vector.shape_cast %get3A_190 : vector<1x16xf32> to vector<16xf32>
      %mul3A_192 = arith.mulf %get3A_89, %get3A_191 : vector<16xf32>
      %add3A_193 = arith.addf %add3A_187, %mul3A_192 : vector<16xf32>
      %swap3A_194 = arith.index_cast %scan3A_76 : i32 to index
      %swap3A_195 = arith.constant 64 : index
      %swap3A_196 = tpu.vector_load %arg8[%swap3A_194, %swap3A_195] {strides = array<i32>} : memref<32x768xf32, #tpu.memory_space<vmem>>, vector<1x16xf32>,
      %swap3A_197 = vector.shape_cast %swap3A_196 : vector<1x16xf32> to vector<16xf32>
      %swap3A_198 = vector.shape_cast %add3A_193 : vector<16xf32> to vector<1x16xf32>
      tpu.vector_store %arg8[%swap3A_194, %swap3A_195], %swap3A_198 {strides = array<i32>} : memref<32x768xf32, #tpu.memory_space<vmem>>, vector<1x16xf32>,
      %get3A_199 = arith.index_cast %scan3A_76 : i32 to index
      %get3A_200 = arith.constant 80 : index
      %get3A_201 = tpu.vector_load %arg8[%get3A_199, %get3A_200] {strides = array<i32>} : memref<32x768xf32, #tpu.memory_space<vmem>>, vector<1x16xf32>,
      %get3A_202 = vector.shape_cast %get3A_201 : vector<1x16xf32> to vector<16xf32>
      %mul3A_203 = arith.mulf %get3A_81, %get3A_202 : vector<16xf32>
      %get3A_204 = arith.index_cast %scan3A_76 : i32 to index
      %get3A_205 = arith.constant 80 : index
      %get3A_206 = tpu.vector_load %arg9[%get3A_204, %get3A_205] {strides = array<i32>} : memref<32x768xf32, #tpu.memory_space<vmem>>, vector<1x16xf32>,
      %get3A_207 = vector.shape_cast %get3A_206 : vector<1x16xf32> to vector<16xf32>
      %mul3A_208 = arith.mulf %get3A_85, %get3A_207 : vector<16xf32>
      %add3A_209 = arith.addf %mul3A_203, %mul3A_208 : vector<16xf32>
      %get3A_210 = arith.index_cast %scan3A_76 : i32 to index
      %get3A_211 = arith.constant 80 : index
      %get3A_212 = tpu.vector_load %arg10[%get3A_210, %get3A_211] {strides = array<i32>} : memref<32x768xf32, #tpu.memory_space<vmem>>, vector<1x16xf32>,
      %get3A_213 = vector.shape_cast %get3A_212 : vector<1x16xf32> to vector<16xf32>
      %mul3A_214 = arith.mulf %get3A_89, %get3A_213 : vector<16xf32>
      %add3A_215 = arith.addf %add3A_209, %mul3A_214 : vector<16xf32>
      %swap3A_216 = arith.index_cast %scan3A_76 : i32 to index
      %swap3A_217 = arith.constant 80 : index
      %swap3A_218 = tpu.vector_load %arg8[%swap3A_216, %swap3A_217] {strides = array<i32>} : memref<32x768xf32, #tpu.memory_space<vmem>>, vector<1x16xf32>,
      %swap3A_219 = vector.shape_cast %swap3A_218 : vector<1x16xf32> to vector<16xf32>
      %swap3A_220 = vector.shape_cast %add3A_215 : vector<16xf32> to vector<1x16xf32>
      tpu.vector_store %arg8[%swap3A_216, %swap3A_217], %swap3A_220 {strides = array<i32>} : memref<32x768xf32, #tpu.memory_space<vmem>>, vector<1x16xf32>,
      %get3A_221 = arith.index_cast %scan3A_76 : i32 to index
      %get3A_222 = arith.constant 96 : index
      %get3A_223 = tpu.vector_load %arg8[%get3A_221, %get3A_222] {strides = array<i32>} : memref<32x768xf32, #tpu.memory_space<vmem>>, vector<1x16xf32>,
      %get3A_224 = vector.shape_cast %get3A_223 : vector<1x16xf32> to vector<16xf32>
      %mul3A_225 = arith.mulf %get3A_81, %get3A_224 : vector<16xf32>
      %get3A_226 = arith.index_cast %scan3A_76 : i32 to index
      %get3A_227 = arith.constant 96 : index
      %get3A_228 = tpu.vector_load %arg9[%get3A_226, %get3A_227] {strides = array<i32>} : memref<32x768xf32, #tpu.memory_space<vmem>>, vector<1x16xf32>,
      %get3A_229 = vector.shape_cast %get3A_228 : vector<1x16xf32> to vector<16xf32>
      %mul3A_230 = arith.mulf %get3A_85, %get3A_229 : vector<16xf32>
      %add3A_231 = arith.addf %mul3A_225, %mul3A_230 : vector<16xf32>
      %get3A_232 = arith.index_cast %scan3A_76 : i32 to index
      %get3A_233 = arith.constant 96 : index
      %get3A_234 = tpu.vector_load %arg10[%get3A_232, %get3A_233] {strides = array<i32>} : memref<32x768xf32, #tpu.memory_space<vmem>>, vector<1x16xf32>,
      %get3A_235 = vector.shape_cast %get3A_234 : vector<1x16xf32> to vector<16xf32>
      %mul3A_236 = arith.mulf %get3A_89, %get3A_235 : vector<16xf32>
      %add3A_237 = arith.addf %add3A_231, %mul3A_236 : vector<16xf32>
      %swap3A_238 = arith.index_cast %scan3A_76 : i32 to index
      %swap3A_239 = arith.constant 96 : index
      %swap3A_240 = tpu.vector_load %arg8[%swap3A_238, %swap3A_239] {strides = array<i32>} : memref<32x768xf32, #tpu.memory_space<vmem>>, vector<1x16xf32>,
      %swap3A_241 = vector.shape_cast %swap3A_240 : vector<1x16xf32> to vector<16xf32>
      %swap3A_242 = vector.shape_cast %add3A_237 : vector<16xf32> to vector<1x16xf32>
      tpu.vector_store %arg8[%swap3A_238, %swap3A_239], %swap3A_242 {strides = array<i32>} : memref<32x768xf32, #tpu.memory_space<vmem>>, vector<1x16xf32>,
      %get3A_243 = arith.index_cast %scan3A_76 : i32 to index
      %get3A_244 = arith.constant 112 : index
      %get3A_245 = tpu.vector_load %arg8[%get3A_243, %get3A_244] {strides = array<i32>} : memref<32x768xf32, #tpu.memory_space<vmem>>, vector<1x16xf32>,
      %get3A_246 = vector.shape_cast %get3A_245 : vector<1x16xf32> to vector<16xf32>
      %mul3A_247 = arith.mulf %get3A_81, %get3A_246 : vector<16xf32>
      %get3A_248 = arith.index_cast %scan3A_76 : i32 to index
      %get3A_249 = arith.constant 112 : index
      %get3A_250 = tpu.vector_load %arg9[%get3A_248, %get3A_249] {strides = array<i32>} : memref<32x768xf32, #tpu.memory_space<vmem>>, vector<1x16xf32>,
      %get3A_251 = vector.shape_cast %get3A_250 : vector<1x16xf32> to vector<16xf32>
      %mul3A_252 = arith.mulf %get3A_85, %get3A_251 : vector<16xf32>
      %add3A_253 = arith.addf %mul3A_247, %mul3A_252 : vector<16xf32>
      %get3A_254 = arith.index_cast %scan3A_76 : i32 to index
      %get3A_255 = arith.constant 112 : index
      %get3A_256 = tpu.vector_load %arg10[%get3A_254, %get3A_255] {strides = array<i32>} : memref<32x768xf32, #tpu.memory_space<vmem>>, vector<1x16xf32>,
      %get3A_257 = vector.shape_cast %get3A_256 : vector<1x16xf32> to vector<16xf32>
      %mul3A_258 = arith.mulf %get3A_89, %get3A_257 : vector<16xf32>
      %add3A_259 = arith.addf %add3A_253, %mul3A_258 : vector<16xf32>
      %swap3A_260 = arith.index_cast %scan3A_76 : i32 to index
      %swap3A_261 = arith.constant 112 : index
      %swap3A_262 = tpu.vector_load %arg8[%swap3A_260, %swap3A_261] {strides = array<i32>} : memref<32x768xf32, #tpu.memory_space<vmem>>, vector<1x16xf32>,
      %swap3A_263 = vector.shape_cast %swap3A_262 : vector<1x16xf32> to vector<16xf32>
      %swap3A_264 = vector.shape_cast %add3A_259 : vector<16xf32> to vector<1x16xf32>
      tpu.vector_store %arg8[%swap3A_260, %swap3A_261], %swap3A_264 {strides = array<i32>} : memref<32x768xf32, #tpu.memory_space<vmem>>, vector<1x16xf32>,
      %get3A_265 = arith.index_cast %scan3A_76 : i32 to index
      %get3A_266 = arith.constant 128 : index
      %get3A_267 = tpu.vector_load %arg8[%get3A_265, %get3A_266] {strides = array<i32>} : memref<32x768xf32, #tpu.memory_space<vmem>>, vector<1x16xf32>,
      %get3A_268 = vector.shape_cast %get3A_267 : vector<1x16xf32> to vector<16xf32>
      %mul3A_269 = arith.mulf %get3A_81, %get3A_268 : vector<16xf32>
      %get3A_270 = arith.index_cast %scan3A_76 : i32 to index
      %get3A_271 = arith.constant 128 : index
      %get3A_272 = tpu.vector_load %arg9[%get3A_270, %get3A_271] {strides = array<i32>} : memref<32x768xf32, #tpu.memory_space<vmem>>, vector<1x16xf32>,
      %get3A_273 = vector.shape_cast %get3A_272 : vector<1x16xf32> to vector<16xf32>
      %mul3A_274 = arith.mulf %get3A_85, %get3A_273 : vector<16xf32>
      %add3A_275 = arith.addf %mul3A_269, %mul3A_274 : vector<16xf32>
      %get3A_276 = arith.index_cast %scan3A_76 : i32 to index
      %get3A_277 = arith.constant 128 : index
      %get3A_278 = tpu.vector_load %arg10[%get3A_276, %get3A_277] {strides = array<i32>} : memref<32x768xf32, #tpu.memory_space<vmem>>, vector<1x16xf32>,
      %get3A_279 = vector.shape_cast %get3A_278 : vector<1x16xf32> to vector<16xf32>
      %mul3A_280 = arith.mulf %get3A_89, %get3A_279 : vector<16xf32>
      %add3A_281 = arith.addf %add3A_275, %mul3A_280 : vector<16xf32>
      %swap3A_282 = arith.index_cast %scan3A_76 : i32 to index
      %swap3A_283 = arith.constant 128 : index
      %swap3A_284 = tpu.vector_load %arg8[%swap3A_282, %swap3A_283] {strides = array<i32>} : memref<32x768xf32, #tpu.memory_space<vmem>>, vector<1x16xf32>,
      %swap3A_285 = vector.shape_cast %swap3A_284 : vector<1x16xf32> to vector<16xf32>
      %swap3A_286 = vector.shape_cast %add3A_281 : vector<16xf32> to vector<1x16xf32>
      tpu.vector_store %arg8[%swap3A_282, %swap3A_283], %swap3A_286 {strides = array<i32>} : memref<32x768xf32, #tpu.memory_space<vmem>>, vector<1x16xf32>,
      %get3A_287 = arith.index_cast %scan3A_76 : i32 to index
      %get3A_288 = arith.constant 144 : index
      %get3A_289 = tpu.vector_load %arg8[%get3A_287, %get3A_288] {strides = array<i32>} : memref<32x768xf32, #tpu.memory_space<vmem>>, vector<1x16xf32>,
      %get3A_290 = vector.shape_cast %get3A_289 : vector<1x16xf32> to vector<16xf32>
      %mul3A_291 = arith.mulf %get3A_81, %get3A_290 : vector<16xf32>
      %get3A_292 = arith.index_cast %scan3A_76 : i32 to index
      %get3A_293 = arith.constant 144 : index
      %get3A_294 = tpu.vector_load %arg9[%get3A_292, %get3A_293] {strides = array<i32>} : memref<32x768xf32, #tpu.memory_space<vmem>>, vector<1x16xf32>,
      %get3A_295 = vector.shape_cast %get3A_294 : vector<1x16xf32> to vector<16xf32>
      %mul3A_296 = arith.mulf %get3A_85, %get3A_295 : vector<16xf32>
      %add3A_297 = arith.addf %mul3A_291, %mul3A_296 : vector<16xf32>
      %get3A_298 = arith.index_cast %scan3A_76 : i32 to index
      %get3A_299 = arith.constant 144 : index
      %get3A_300 = tpu.vector_load %arg10[%get3A_298, %get3A_299] {strides = array<i32>} : memref<32x768xf32, #tpu.memory_space<vmem>>, vector<1x16xf32>,
      %get3A_301 = vector.shape_cast %get3A_300 : vector<1x16xf32> to vector<16xf32>
      %mul3A_302 = arith.mulf %get3A_89, %get3A_301 : vector<16xf32>
      %add3A_303 = arith.addf %add3A_297, %mul3A_302 : vector<16xf32>
      %swap3A_304 = arith.index_cast %scan3A_76 : i32 to index
      %swap3A_305 = arith.constant 144 : index
      %swap3A_306 = tpu.vector_load %arg8[%swap3A_304, %swap3A_305] {strides = array<i32>} : memref<32x768xf32, #tpu.memory_space<vmem>>, vector<1x16xf32>,
      %swap3A_307 = vector.shape_cast %swap3A_306 : vector<1x16xf32> to vector<16xf32>
      %swap3A_308 = vector.shape_cast %add3A_303 : vector<16xf32> to vector<1x16xf32>
      tpu.vector_store %arg8[%swap3A_304, %swap3A_305], %swap3A_308 {strides = array<i32>} : memref<32x768xf32, #tpu.memory_space<vmem>>, vector<1x16xf32>,
      %get3A_309 = arith.index_cast %scan3A_76 : i32 to index
      %get3A_310 = arith.constant 160 : index
      %get3A_311 = tpu.vector_load %arg8[%get3A_309, %get3A_310] {strides = array<i32>} : memref<32x768xf32, #tpu.memory_space<vmem>>, vector<1x16xf32>,
      %get3A_312 = vector.shape_cast %get3A_311 : vector<1x16xf32> to vector<16xf32>
      %mul3A_313 = arith.mulf %get3A_81, %get3A_312 : vector<16xf32>
      %get3A_314 = arith.index_cast %scan3A_76 : i32 to index
      %get3A_315 = arith.constant 160 : index
      %get3A_316 = tpu.vector_load %arg9[%get3A_314, %get3A_315] {strides = array<i32>} : memref<32x768xf32, #tpu.memory_space<vmem>>, vector<1x16xf32>,
      %get3A_317 = vector.shape_cast %get3A_316 : vector<1x16xf32> to vector<16xf32>
      %mul3A_318 = arith.mulf %get3A_85, %get3A_317 : vector<16xf32>
      %add3A_319 = arith.addf %mul3A_313, %mul3A_318 : vector<16xf32>
      %get3A_320 = arith.index_cast %scan3A_76 : i32 to index
      %get3A_321 = arith.constant 160 : index
      %get3A_322 = tpu.vector_load %arg10[%get3A_320, %get3A_321] {strides = array<i32>} : memref<32x768xf32, #tpu.memory_space<vmem>>, vector<1x16xf32>,
      %get3A_323 = vector.shape_cast %get3A_322 : vector<1x16xf32> to vector<16xf32>
      %mul3A_324 = arith.mulf %get3A_89, %get3A_323 : vector<16xf32>
      %add3A_325 = arith.addf %add3A_319, %mul3A_324 : vector<16xf32>
      %swap3A_326 = arith.index_cast %scan3A_76 : i32 to index
      %swap3A_327 = arith.constant 160 : index
      %swap3A_328 = tpu.vector_load %arg8[%swap3A_326, %swap3A_327] {strides = array<i32>} : memref<32x768xf32, #tpu.memory_space<vmem>>, vector<1x16xf32>,
      %swap3A_329 = vector.shape_cast %swap3A_328 : vector<1x16xf32> to vector<16xf32>
      %swap3A_330 = vector.shape_cast %add3A_325 : vector<16xf32> to vector<1x16xf32>
      tpu.vector_store %arg8[%swap3A_326, %swap3A_327], %swap3A_330 {strides = array<i32>} : memref<32x768xf32, #tpu.memory_space<vmem>>, vector<1x16xf32>,
      %get3A_331 = arith.index_cast %scan3A_76 : i32 to index
      %get3A_332 = arith.constant 176 : index
      %get3A_333 = tpu.vector_load %arg8[%get3A_331, %get3A_332] {strides = array<i32>} : memref<32x768xf32, #tpu.memory_space<vmem>>, vector<1x16xf32>,
      %get3A_334 = vector.shape_cast %get3A_333 : vector<1x16xf32> to vector<16xf32>
      %mul3A_335 = arith.mulf %get3A_81, %get3A_334 : vector<16xf32>
      %get3A_336 = arith.index_cast %scan3A_76 : i32 to index
      %get3A_337 = arith.constant 176 : index
      %get3A_338 = tpu.vector_load %arg9[%get3A_336, %get3A_337] {strides = array<i32>} : memref<32x768xf32, #tpu.memory_space<vmem>>, vector<1x16xf32>,
      %get3A_339 = vector.shape_cast %get3A_338 : vector<1x16xf32> to vector<16xf32>
      %mul3A_340 = arith.mulf %get3A_85, %get3A_339 : vector<16xf32>
      %add3A_341 = arith.addf %mul3A_335, %mul3A_340 : vector<16xf32>
      %get3A_342 = arith.index_cast %scan3A_76 : i32 to index
      %get3A_343 = arith.constant 176 : index
      %get3A_344 = tpu.vector_load %arg10[%get3A_342, %get3A_343] {strides = array<i32>} : memref<32x768xf32, #tpu.memory_space<vmem>>, vector<1x16xf32>,
      %get3A_345 = vector.shape_cast %get3A_344 : vector<1x16xf32> to vector<16xf32>
      %mul3A_346 = arith.mulf %get3A_89, %get3A_345 : vector<16xf32>
      %add3A_347 = arith.addf %add3A_341, %mul3A_346 : vector<16xf32>
      %swap3A_348 = arith.index_cast %scan3A_76 : i32 to index
      %swap3A_349 = arith.constant 176 : index
      %swap3A_350 = tpu.vector_load %arg8[%swap3A_348, %swap3A_349] {strides = array<i32>} : memref<32x768xf32, #tpu.memory_space<vmem>>, vector<1x16xf32>,
      %swap3A_351 = vector.shape_cast %swap3A_350 : vector<1x16xf32> to vector<16xf32>
      %swap3A_352 = vector.shape_cast %add3A_347 : vector<16xf32> to vector<1x16xf32>
      tpu.vector_store %arg8[%swap3A_348, %swap3A_349], %swap3A_352 {strides = array<i32>} : memref<32x768xf32, #tpu.memory_space<vmem>>, vector<1x16xf32>,
      %get3A_353 = arith.index_cast %scan3A_76 : i32 to index
      %get3A_354 = arith.constant 192 : index
      %get3A_355 = tpu.vector_load %arg8[%get3A_353, %get3A_354] {strides = array<i32>} : memref<32x768xf32, #tpu.memory_space<vmem>>, vector<1x16xf32>,
      %get3A_356 = vector.shape_cast %get3A_355 : vector<1x16xf32> to vector<16xf32>
      %mul3A_357 = arith.mulf %get3A_81, %get3A_356 : vector<16xf32>
      %get3A_358 = arith.index_cast %scan3A_76 : i32 to index
      %get3A_359 = arith.constant 192 : index
      %get3A_360 = tpu.vector_load %arg9[%get3A_358, %get3A_359] {strides = array<i32>} : memref<32x768xf32, #tpu.memory_space<vmem>>, vector<1x16xf32>,
      %get3A_361 = vector.shape_cast %get3A_360 : vector<1x16xf32> to vector<16xf32>
      %mul3A_362 = arith.mulf %get3A_85, %get3A_361 : vector<16xf32>
      %add3A_363 = arith.addf %mul3A_357, %mul3A_362 : vector<16xf32>
      %get3A_364 = arith.index_cast %scan3A_76 : i32 to index
      %get3A_365 = arith.constant 192 : index
      %get3A_366 = tpu.vector_load %arg10[%get3A_364, %get3A_365] {strides = array<i32>} : memref<32x768xf32, #tpu.memory_space<vmem>>, vector<1x16xf32>,
      %get3A_367 = vector.shape_cast %get3A_366 : vector<1x16xf32> to vector<16xf32>
      %mul3A_368 = arith.mulf %get3A_89, %get3A_367 : vector<16xf32>
      %add3A_369 = arith.addf %add3A_363, %mul3A_368 : vector<16xf32>
      %swap3A_370 = arith.index_cast %scan3A_76 : i32 to index
      %swap3A_371 = arith.constant 192 : index
      %swap3A_372 = tpu.vector_load %arg8[%swap3A_370, %swap3A_371] {strides = array<i32>} : memref<32x768xf32, #tpu.memory_space<vmem>>, vector<1x16xf32>,
      %swap3A_373 = vector.shape_cast %swap3A_372 : vector<1x16xf32> to vector<16xf32>
      %swap3A_374 = vector.shape_cast %add3A_369 : vector<16xf32> to vector<1x16xf32>
      tpu.vector_store %arg8[%swap3A_370, %swap3A_371], %swap3A_374 {strides = array<i32>} : memref<32x768xf32, #tpu.memory_space<vmem>>, vector<1x16xf32>,
      %get3A_375 = arith.index_cast %scan3A_76 : i32 to index
      %get3A_376 = arith.constant 208 : index
      %get3A_377 = tpu.vector_load %arg8[%get3A_375, %get3A_376] {strides = array<i32>} : memref<32x768xf32, #tpu.memory_space<vmem>>, vector<1x16xf32>,
      %get3A_378 = vector.shape_cast %get3A_377 : vector<1x16xf32> to vector<16xf32>
      %mul3A_379 = arith.mulf %get3A_81, %get3A_378 : vector<16xf32>
      %get3A_380 = arith.index_cast %scan3A_76 : i32 to index
      %get3A_381 = arith.constant 208 : index
      %get3A_382 = tpu.vector_load %arg9[%get3A_380, %get3A_381] {strides = array<i32>} : memref<32x768xf32, #tpu.memory_space<vmem>>, vector<1x16xf32>,
      %get3A_383 = vector.shape_cast %get3A_382 : vector<1x16xf32> to vector<16xf32>
      %mul3A_384 = arith.mulf %get3A_85, %get3A_383 : vector<16xf32>
      %add3A_385 = arith.addf %mul3A_379, %mul3A_384 : vector<16xf32>
      %get3A_386 = arith.index_cast %scan3A_76 : i32 to index
      %get3A_387 = arith.constant 208 : index
      %get3A_388 = tpu.vector_load %arg10[%get3A_386, %get3A_387] {strides = array<i32>} : memref<32x768xf32, #tpu.memory_space<vmem>>, vector<1x16xf32>,
      %get3A_389 = vector.shape_cast %get3A_388 : vector<1x16xf32> to vector<16xf32>
      %mul3A_390 = arith.mulf %get3A_89, %get3A_389 : vector<16xf32>
      %add3A_391 = arith.addf %add3A_385, %mul3A_390 : vector<16xf32>
      %swap3A_392 = arith.index_cast %scan3A_76 : i32 to index
      %swap3A_393 = arith.constant 208 : index
      %swap3A_394 = tpu.vector_load %arg8[%swap3A_392, %swap3A_393] {strides = array<i32>} : memref<32x768xf32, #tpu.memory_space<vmem>>, vector<1x16xf32>,
      %swap3A_395 = vector.shape_cast %swap3A_394 : vector<1x16xf32> to vector<16xf32>
      %swap3A_396 = vector.shape_cast %add3A_391 : vector<16xf32> to vector<1x16xf32>
      tpu.vector_store %arg8[%swap3A_392, %swap3A_393], %swap3A_396 {strides = array<i32>} : memref<32x768xf32, #tpu.memory_space<vmem>>, vector<1x16xf32>,
      %get3A_397 = arith.index_cast %scan3A_76 : i32 to index
      %get3A_398 = arith.constant 224 : index
      %get3A_399 = tpu.vector_load %arg8[%get3A_397, %get3A_398] {strides = array<i32>} : memref<32x768xf32, #tpu.memory_space<vmem>>, vector<1x16xf32>,
      %get3A_400 = vector.shape_cast %get3A_399 : vector<1x16xf32> to vector<16xf32>
      %mul3A_401 = arith.mulf %get3A_81, %get3A_400 : vector<16xf32>
      %get3A_402 = arith.index_cast %scan3A_76 : i32 to index
      %get3A_403 = arith.constant 224 : index
      %get3A_404 = tpu.vector_load %arg9[%get3A_402, %get3A_403] {strides = array<i32>} : memref<32x768xf32, #tpu.memory_space<vmem>>, vector<1x16xf32>,
      %get3A_405 = vector.shape_cast %get3A_404 : vector<1x16xf32> to vector<16xf32>
      %mul3A_406 = arith.mulf %get3A_85, %get3A_405 : vector<16xf32>
      %add3A_407 = arith.addf %mul3A_401, %mul3A_406 : vector<16xf32>
      %get3A_408 = arith.index_cast %scan3A_76 : i32 to index
      %get3A_409 = arith.constant 224 : index
      %get3A_410 = tpu.vector_load %arg10[%get3A_408, %get3A_409] {strides = array<i32>} : memref<32x768xf32, #tpu.memory_space<vmem>>, vector<1x16xf32>,
      %get3A_411 = vector.shape_cast %get3A_410 : vector<1x16xf32> to vector<16xf32>
      %mul3A_412 = arith.mulf %get3A_89, %get3A_411 : vector<16xf32>
      %add3A_413 = arith.addf %add3A_407, %mul3A_412 : vector<16xf32>
      %swap3A_414 = arith.index_cast %scan3A_76 : i32 to index
      %swap3A_415 = arith.constant 224 : index
      %swap3A_416 = tpu.vector_load %arg8[%swap3A_414, %swap3A_415] {strides = array<i32>} : memref<32x768xf32, #tpu.memory_space<vmem>>, vector<1x16xf32>,
      %swap3A_417 = vector.shape_cast %swap3A_416 : vector<1x16xf32> to vector<16xf32>
      %swap3A_418 = vector.shape_cast %add3A_413 : vector<16xf32> to vector<1x16xf32>
      tpu.vector_store %arg8[%swap3A_414, %swap3A_415], %swap3A_418 {strides = array<i32>} : memref<32x768xf32, #tpu.memory_space<vmem>>, vector<1x16xf32>,
      %get3A_419 = arith.index_cast %scan3A_76 : i32 to index
      %get3A_420 = arith.constant 240 : index
      %get3A_421 = tpu.vector_load %arg8[%get3A_419, %get3A_420] {strides = array<i32>} : memref<32x768xf32, #tpu.memory_space<vmem>>, vector<1x16xf32>,
      %get3A_422 = vector.shape_cast %get3A_421 : vector<1x16xf32> to vector<16xf32>
      %mul3A_423 = arith.mulf %get3A_81, %get3A_422 : vector<16xf32>
      %get3A_424 = arith.index_cast %scan3A_76 : i32 to index
      %get3A_425 = arith.constant 240 : index
      %get3A_426 = tpu.vector_load %arg9[%get3A_424, %get3A_425] {strides = array<i32>} : memref<32x768xf32, #tpu.memory_space<vmem>>, vector<1x16xf32>,
      %get3A_427 = vector.shape_cast %get3A_426 : vector<1x16xf32> to vector<16xf32>
      %mul3A_428 = arith.mulf %get3A_85, %get3A_427 : vector<16xf32>
      %add3A_429 = arith.addf %mul3A_423, %mul3A_428 : vector<16xf32>
      %get3A_430 = arith.index_cast %scan3A_76 : i32 to index
      %get3A_431 = arith.constant 240 : index
      %get3A_432 = tpu.vector_load %arg10[%get3A_430, %get3A_431] {strides = array<i32>} : memref<32x768xf32, #tpu.memory_space<vmem>>, vector<1x16xf32>,
      %get3A_433 = vector.shape_cast %get3A_432 : vector<1x16xf32> to vector<16xf32>
      %mul3A_434 = arith.mulf %get3A_89, %get3A_433 : vector<16xf32>
      %add3A_435 = arith.addf %add3A_429, %mul3A_434 : vector<16xf32>
      %swap3A_436 = arith.index_cast %scan3A_76 : i32 to index
      %swap3A_437 = arith.constant 240 : index
      %swap3A_438 = tpu.vector_load %arg8[%swap3A_436, %swap3A_437] {strides = array<i32>} : memref<32x768xf32, #tpu.memory_space<vmem>>, vector<1x16xf32>,
      %swap3A_439 = vector.shape_cast %swap3A_438 : vector<1x16xf32> to vector<16xf32>
      %swap3A_440 = vector.shape_cast %add3A_435 : vector<16xf32> to vector<1x16xf32>
      tpu.vector_store %arg8[%swap3A_436, %swap3A_437], %swap3A_440 {strides = array<i32>} : memref<32x768xf32, #tpu.memory_space<vmem>>, vector<1x16xf32>,
      %get3A_441 = arith.index_cast %scan3A_76 : i32 to index
      %get3A_442 = arith.constant 256 : index
      %get3A_443 = tpu.vector_load %arg8[%get3A_441, %get3A_442] {strides = array<i32>} : memref<32x768xf32, #tpu.memory_space<vmem>>, vector<1x16xf32>,
      %get3A_444 = vector.shape_cast %get3A_443 : vector<1x16xf32> to vector<16xf32>
      %mul3A_445 = arith.mulf %get3A_81, %get3A_444 : vector<16xf32>
      %get3A_446 = arith.index_cast %scan3A_76 : i32 to index
      %get3A_447 = arith.constant 256 : index
      %get3A_448 = tpu.vector_load %arg9[%get3A_446, %get3A_447] {strides = array<i32>} : memref<32x768xf32, #tpu.memory_space<vmem>>, vector<1x16xf32>,
      %get3A_449 = vector.shape_cast %get3A_448 : vector<1x16xf32> to vector<16xf32>
      %mul3A_450 = arith.mulf %get3A_85, %get3A_449 : vector<16xf32>
      %add3A_451 = arith.addf %mul3A_445, %mul3A_450 : vector<16xf32>
      %get3A_452 = arith.index_cast %scan3A_76 : i32 to index
      %get3A_453 = arith.constant 256 : index
      %get3A_454 = tpu.vector_load %arg10[%get3A_452, %get3A_453] {strides = array<i32>} : memref<32x768xf32, #tpu.memory_space<vmem>>, vector<1x16xf32>,
      %get3A_455 = vector.shape_cast %get3A_454 : vector<1x16xf32> to vector<16xf32>
      %mul3A_456 = arith.mulf %get3A_89, %get3A_455 : vector<16xf32>
      %add3A_457 = arith.addf %add3A_451, %mul3A_456 : vector<16xf32>
      %swap3A_458 = arith.index_cast %scan3A_76 : i32 to index
      %swap3A_459 = arith.constant 256 : index
      %swap3A_460 = tpu.vector_load %arg8[%swap3A_458, %swap3A_459] {strides = array<i32>} : memref<32x768xf32, #tpu.memory_space<vmem>>, vector<1x16xf32>,
      %swap3A_461 = vector.shape_cast %swap3A_460 : vector<1x16xf32> to vector<16xf32>
      %swap3A_462 = vector.shape_cast %add3A_457 : vector<16xf32> to vector<1x16xf32>
      tpu.vector_store %arg8[%swap3A_458, %swap3A_459], %swap3A_462 {strides = array<i32>} : memref<32x768xf32, #tpu.memory_space<vmem>>, vector<1x16xf32>,
      %get3A_463 = arith.index_cast %scan3A_76 : i32 to index
      %get3A_464 = arith.constant 272 : index
      %get3A_465 = tpu.vector_load %arg8[%get3A_463, %get3A_464] {strides = array<i32>} : memref<32x768xf32, #tpu.memory_space<vmem>>, vector<1x16xf32>,
      %get3A_466 = vector.shape_cast %get3A_465 : vector<1x16xf32> to vector<16xf32>
      %mul3A_467 = arith.mulf %get3A_81, %get3A_466 : vector<16xf32>
      %get3A_468 = arith.index_cast %scan3A_76 : i32 to index
      %get3A_469 = arith.constant 272 : index
      %get3A_470 = tpu.vector_load %arg9[%get3A_468, %get3A_469] {strides = array<i32>} : memref<32x768xf32, #tpu.memory_space<vmem>>, vector<1x16xf32>,
      %get3A_471 = vector.shape_cast %get3A_470 : vector<1x16xf32> to vector<16xf32>
      %mul3A_472 = arith.mulf %get3A_85, %get3A_471 : vector<16xf32>
      %add3A_473 = arith.addf %mul3A_467, %mul3A_472 : vector<16xf32>
      %get3A_474 = arith.index_cast %scan3A_76 : i32 to index
      %get3A_475 = arith.constant 272 : index
      %get3A_476 = tpu.vector_load %arg10[%get3A_474, %get3A_475] {strides = array<i32>} : memref<32x768xf32, #tpu.memory_space<vmem>>, vector<1x16xf32>,
      %get3A_477 = vector.shape_cast %get3A_476 : vector<1x16xf32> to vector<16xf32>
      %mul3A_478 = arith.mulf %get3A_89, %get3A_477 : vector<16xf32>
      %add3A_479 = arith.addf %add3A_473, %mul3A_478 : vector<16xf32>
      %swap3A_480 = arith.index_cast %scan3A_76 : i32 to index
      %swap3A_481 = arith.constant 272 : index
      %swap3A_482 = tpu.vector_load %arg8[%swap3A_480, %swap3A_481] {strides = array<i32>} : memref<32x768xf32, #tpu.memory_space<vmem>>, vector<1x16xf32>,
      %swap3A_483 = vector.shape_cast %swap3A_482 : vector<1x16xf32> to vector<16xf32>
      %swap3A_484 = vector.shape_cast %add3A_479 : vector<16xf32> to vector<1x16xf32>
      tpu.vector_store %arg8[%swap3A_480, %swap3A_481], %swap3A_484 {strides = array<i32>} : memref<32x768xf32, #tpu.memory_space<vmem>>, vector<1x16xf32>,
      %get3A_485 = arith.index_cast %scan3A_76 : i32 to index
      %get3A_486 = arith.constant 288 : index
      %get3A_487 = tpu.vector_load %arg8[%get3A_485, %get3A_486] {strides = array<i32>} : memref<32x768xf32, #tpu.memory_space<vmem>>, vector<1x16xf32>,
      %get3A_488 = vector.shape_cast %get3A_487 : vector<1x16xf32> to vector<16xf32>
      %mul3A_489 = arith.mulf %get3A_81, %get3A_488 : vector<16xf32>
      %get3A_490 = arith.index_cast %scan3A_76 : i32 to index
      %get3A_491 = arith.constant 288 : index
      %get3A_492 = tpu.vector_load %arg9[%get3A_490, %get3A_491] {strides = array<i32>} : memref<32x768xf32, #tpu.memory_space<vmem>>, vector<1x16xf32>,
      %get3A_493 = vector.shape_cast %get3A_492 : vector<1x16xf32> to vector<16xf32>
      %mul3A_494 = arith.mulf %get3A_85, %get3A_493 : vector<16xf32>
      %add3A_495 = arith.addf %mul3A_489, %mul3A_494 : vector<16xf32>
      %get3A_496 = arith.index_cast %scan3A_76 : i32 to index
      %get3A_497 = arith.constant 288 : index
      %get3A_498 = tpu.vector_load %arg10[%get3A_496, %get3A_497] {strides = array<i32>} : memref<32x768xf32, #tpu.memory_space<vmem>>, vector<1x16xf32>,
      %get3A_499 = vector.shape_cast %get3A_498 : vector<1x16xf32> to vector<16xf32>
      %mul3A_500 = arith.mulf %get3A_89, %get3A_499 : vector<16xf32>
      %add3A_501 = arith.addf %add3A_495, %mul3A_500 : vector<16xf32>
      %swap3A_502 = arith.index_cast %scan3A_76 : i32 to index
      %swap3A_503 = arith.constant 288 : index
      %swap3A_504 = tpu.vector_load %arg8[%swap3A_502, %swap3A_503] {strides = array<i32>} : memref<32x768xf32, #tpu.memory_space<vmem>>, vector<1x16xf32>,
      %swap3A_505 = vector.shape_cast %swap3A_504 : vector<1x16xf32> to vector<16xf32>
      %swap3A_506 = vector.shape_cast %add3A_501 : vector<16xf32> to vector<1x16xf32>
      tpu.vector_store %arg8[%swap3A_502, %swap3A_503], %swap3A_506 {strides = array<i32>} : memref<32x768xf32, #tpu.memory_space<vmem>>, vector<1x16xf32>,
      %get3A_507 = arith.index_cast %scan3A_76 : i32 to index
      %get3A_508 = arith.constant 304 : index
      %get3A_509 = tpu.vector_load %arg8[%get3A_507, %get3A_508] {strides = array<i32>} : memref<32x768xf32, #tpu.memory_space<vmem>>, vector<1x16xf32>,
      %get3A_510 = vector.shape_cast %get3A_509 : vector<1x16xf32> to vector<16xf32>
      %mul3A_511 = arith.mulf %get3A_81, %get3A_510 : vector<16xf32>
      %get3A_512 = arith.index_cast %scan3A_76 : i32 to index
      %get3A_513 = arith.constant 304 : index
      %get3A_514 = tpu.vector_load %arg9[%get3A_512, %get3A_513] {strides = array<i32>} : memref<32x768xf32, #tpu.memory_space<vmem>>, vector<1x16xf32>,
      %get3A_515 = vector.shape_cast %get3A_514 : vector<1x16xf32> to vector<16xf32>
      %mul3A_516 = arith.mulf %get3A_85, %get3A_515 : vector<16xf32>
      %add3A_517 = arith.addf %mul3A_511, %mul3A_516 : vector<16xf32>
      %get3A_518 = arith.index_cast %scan3A_76 : i32 to index
      %get3A_519 = arith.constant 304 : index
      %get3A_520 = tpu.vector_load %arg10[%get3A_518, %get3A_519] {strides = array<i32>} : memref<32x768xf32, #tpu.memory_space<vmem>>, vector<1x16xf32>,
      %get3A_521 = vector.shape_cast %get3A_520 : vector<1x16xf32> to vector<16xf32>
      %mul3A_522 = arith.mulf %get3A_89, %get3A_521 : vector<16xf32>
      %add3A_523 = arith.addf %add3A_517, %mul3A_522 : vector<16xf32>
      %swap3A_524 = arith.index_cast %scan3A_76 : i32 to index
      %swap3A_525 = arith.constant 304 : index
      %swap3A_526 = tpu.vector_load %arg8[%swap3A_524, %swap3A_525] {strides = array<i32>} : memref<32x768xf32, #tpu.memory_space<vmem>>, vector<1x16xf32>,
      %swap3A_527 = vector.shape_cast %swap3A_526 : vector<1x16xf32> to vector<16xf32>
      %swap3A_528 = vector.shape_cast %add3A_523 : vector<16xf32> to vector<1x16xf32>
      tpu.vector_store %arg8[%swap3A_524, %swap3A_525], %swap3A_528 {strides = array<i32>} : memref<32x768xf32, #tpu.memory_space<vmem>>, vector<1x16xf32>,
      %get3A_529 = arith.index_cast %scan3A_76 : i32 to index
      %get3A_530 = arith.constant 320 : index
      %get3A_531 = tpu.vector_load %arg8[%get3A_529, %get3A_530] {strides = array<i32>} : memref<32x768xf32, #tpu.memory_space<vmem>>, vector<1x16xf32>,
      %get3A_532 = vector.shape_cast %get3A_531 : vector<1x16xf32> to vector<16xf32>
      %mul3A_533 = arith.mulf %get3A_81, %get3A_532 : vector<16xf32>
      %get3A_534 = arith.index_cast %scan3A_76 : i32 to index
      %get3A_535 = arith.constant 320 : index
      %get3A_536 = tpu.vector_load %arg9[%get3A_534, %get3A_535] {strides = array<i32>} : memref<32x768xf32, #tpu.memory_space<vmem>>, vector<1x16xf32>,
      %get3A_537 = vector.shape_cast %get3A_536 : vector<1x16xf32> to vector<16xf32>
      %mul3A_538 = arith.mulf %get3A_85, %get3A_537 : vector<16xf32>
      %add3A_539 = arith.addf %mul3A_533, %mul3A_538 : vector<16xf32>
      %get3A_540 = arith.index_cast %scan3A_76 : i32 to index
      %get3A_541 = arith.constant 320 : index
      %get3A_542 = tpu.vector_load %arg10[%get3A_540, %get3A_541] {strides = array<i32>} : memref<32x768xf32, #tpu.memory_space<vmem>>, vector<1x16xf32>,
      %get3A_543 = vector.shape_cast %get3A_542 : vector<1x16xf32> to vector<16xf32>
      %mul3A_544 = arith.mulf %get3A_89, %get3A_543 : vector<16xf32>
      %add3A_545 = arith.addf %add3A_539, %mul3A_544 : vector<16xf32>
      %swap3A_546 = arith.index_cast %scan3A_76 : i32 to index
      %swap3A_547 = arith.constant 320 : index
      %swap3A_548 = tpu.vector_load %arg8[%swap3A_546, %swap3A_547] {strides = array<i32>} : memref<32x768xf32, #tpu.memory_space<vmem>>, vector<1x16xf32>,
      %swap3A_549 = vector.shape_cast %swap3A_548 : vector<1x16xf32> to vector<16xf32>
      %swap3A_550 = vector.shape_cast %add3A_545 : vector<16xf32> to vector<1x16xf32>
      tpu.vector_store %arg8[%swap3A_546, %swap3A_547], %swap3A_550 {strides = array<i32>} : memref<32x768xf32, #tpu.memory_space<vmem>>, vector<1x16xf32>,
      %get3A_551 = arith.index_cast %scan3A_76 : i32 to index
      %get3A_552 = arith.constant 336 : index
      %get3A_553 = tpu.vector_load %arg8[%get3A_551, %get3A_552] {strides = array<i32>} : memref<32x768xf32, #tpu.memory_space<vmem>>, vector<1x16xf32>,
      %get3A_554 = vector.shape_cast %get3A_553 : vector<1x16xf32> to vector<16xf32>
      %mul3A_555 = arith.mulf %get3A_81, %get3A_554 : vector<16xf32>
      %get3A_556 = arith.index_cast %scan3A_76 : i32 to index
      %get3A_557 = arith.constant 336 : index
      %get3A_558 = tpu.vector_load %arg9[%get3A_556, %get3A_557] {strides = array<i32>} : memref<32x768xf32, #tpu.memory_space<vmem>>, vector<1x16xf32>,
      %get3A_559 = vector.shape_cast %get3A_558 : vector<1x16xf32> to vector<16xf32>
      %mul3A_560 = arith.mulf %get3A_85, %get3A_559 : vector<16xf32>
      %add3A_561 = arith.addf %mul3A_555, %mul3A_560 : vector<16xf32>
      %get3A_562 = arith.index_cast %scan3A_76 : i32 to index
      %get3A_563 = arith.constant 336 : index
      %get3A_564 = tpu.vector_load %arg10[%get3A_562, %get3A_563] {strides = array<i32>} : memref<32x768xf32, #tpu.memory_space<vmem>>, vector<1x16xf32>,
      %get3A_565 = vector.shape_cast %get3A_564 : vector<1x16xf32> to vector<16xf32>
      %mul3A_566 = arith.mulf %get3A_89, %get3A_565 : vector<16xf32>
      %add3A_567 = arith.addf %add3A_561, %mul3A_566 : vector<16xf32>
      %swap3A_568 = arith.index_cast %scan3A_76 : i32 to index
      %swap3A_569 = arith.constant 336 : index
      %swap3A_570 = tpu.vector_load %arg8[%swap3A_568, %swap3A_569] {strides = array<i32>} : memref<32x768xf32, #tpu.memory_space<vmem>>, vector<1x16xf32>,
      %swap3A_571 = vector.shape_cast %swap3A_570 : vector<1x16xf32> to vector<16xf32>
      %swap3A_572 = vector.shape_cast %add3A_567 : vector<16xf32> to vector<1x16xf32>
      tpu.vector_store %arg8[%swap3A_568, %swap3A_569], %swap3A_572 {strides = array<i32>} : memref<32x768xf32, #tpu.memory_space<vmem>>, vector<1x16xf32>,
      %get3A_573 = arith.index_cast %scan3A_76 : i32 to index
      %get3A_574 = arith.constant 352 : index
      %get3A_575 = tpu.vector_load %arg8[%get3A_573, %get3A_574] {strides = array<i32>} : memref<32x768xf32, #tpu.memory_space<vmem>>, vector<1x16xf32>,
      %get3A_576 = vector.shape_cast %get3A_575 : vector<1x16xf32> to vector<16xf32>
      %mul3A_577 = arith.mulf %get3A_81, %get3A_576 : vector<16xf32>
      %get3A_578 = arith.index_cast %scan3A_76 : i32 to index
      %get3A_579 = arith.constant 352 : index
      %get3A_580 = tpu.vector_load %arg9[%get3A_578, %get3A_579] {strides = array<i32>} : memref<32x768xf32, #tpu.memory_space<vmem>>, vector<1x16xf32>,
      %get3A_581 = vector.shape_cast %get3A_580 : vector<1x16xf32> to vector<16xf32>
      %mul3A_582 = arith.mulf %get3A_85, %get3A_581 : vector<16xf32>
      %add3A_583 = arith.addf %mul3A_577, %mul3A_582 : vector<16xf32>
      %get3A_584 = arith.index_cast %scan3A_76 : i32 to index
      %get3A_585 = arith.constant 352 : index
      %get3A_586 = tpu.vector_load %arg10[%get3A_584, %get3A_585] {strides = array<i32>} : memref<32x768xf32, #tpu.memory_space<vmem>>, vector<1x16xf32>,
      %get3A_587 = vector.shape_cast %get3A_586 : vector<1x16xf32> to vector<16xf32>
      %mul3A_588 = arith.mulf %get3A_89, %get3A_587 : vector<16xf32>
      %add3A_589 = arith.addf %add3A_583, %mul3A_588 : vector<16xf32>
      %swap3A_590 = arith.index_cast %scan3A_76 : i32 to index
      %swap3A_591 = arith.constant 352 : index
      %swap3A_592 = tpu.vector_load %arg8[%swap3A_590, %swap3A_591] {strides = array<i32>} : memref<32x768xf32, #tpu.memory_space<vmem>>, vector<1x16xf32>,
      %swap3A_593 = vector.shape_cast %swap3A_592 : vector<1x16xf32> to vector<16xf32>
      %swap3A_594 = vector.shape_cast %add3A_589 : vector<16xf32> to vector<1x16xf32>
      tpu.vector_store %arg8[%swap3A_590, %swap3A_591], %swap3A_594 {strides = array<i32>} : memref<32x768xf32, #tpu.memory_space<vmem>>, vector<1x16xf32>,
      %get3A_595 = arith.index_cast %scan3A_76 : i32 to index
      %get3A_596 = arith.constant 368 : index
      %get3A_597 = tpu.vector_load %arg8[%get3A_595, %get3A_596] {strides = array<i32>} : memref<32x768xf32, #tpu.memory_space<vmem>>, vector<1x16xf32>,
      %get3A_598 = vector.shape_cast %get3A_597 : vector<1x16xf32> to vector<16xf32>
      %mul3A_599 = arith.mulf %get3A_81, %get3A_598 : vector<16xf32>
      %get3A_600 = arith.index_cast %scan3A_76 : i32 to index
      %get3A_601 = arith.constant 368 : index
      %get3A_602 = tpu.vector_load %arg9[%get3A_600, %get3A_601] {strides = array<i32>} : memref<32x768xf32, #tpu.memory_space<vmem>>, vector<1x16xf32>,
      %get3A_603 = vector.shape_cast %get3A_602 : vector<1x16xf32> to vector<16xf32>
      %mul3A_604 = arith.mulf %get3A_85, %get3A_603 : vector<16xf32>
      %add3A_605 = arith.addf %mul3A_599, %mul3A_604 : vector<16xf32>
      %get3A_606 = arith.index_cast %scan3A_76 : i32 to index
      %get3A_607 = arith.constant 368 : index
      %get3A_608 = tpu.vector_load %arg10[%get3A_606, %get3A_607] {strides = array<i32>} : memref<32x768xf32, #tpu.memory_space<vmem>>, vector<1x16xf32>,
      %get3A_609 = vector.shape_cast %get3A_608 : vector<1x16xf32> to vector<16xf32>
      %mul3A_610 = arith.mulf %get3A_89, %get3A_609 : vector<16xf32>
      %add3A_611 = arith.addf %add3A_605, %mul3A_610 : vector<16xf32>
      %swap3A_612 = arith.index_cast %scan3A_76 : i32 to index
      %swap3A_613 = arith.constant 368 : index
      %swap3A_614 = tpu.vector_load %arg8[%swap3A_612, %swap3A_613] {strides = array<i32>} : memref<32x768xf32, #tpu.memory_space<vmem>>, vector<1x16xf32>,
      %swap3A_615 = vector.shape_cast %swap3A_614 : vector<1x16xf32> to vector<16xf32>
      %swap3A_616 = vector.shape_cast %add3A_611 : vector<16xf32> to vector<1x16xf32>
      tpu.vector_store %arg8[%swap3A_612, %swap3A_613], %swap3A_616 {strides = array<i32>} : memref<32x768xf32, #tpu.memory_space<vmem>>, vector<1x16xf32>,
      %get3A_617 = arith.index_cast %scan3A_76 : i32 to index
      %get3A_618 = arith.constant 384 : index
      %get3A_619 = tpu.vector_load %arg8[%get3A_617, %get3A_618] {strides = array<i32>} : memref<32x768xf32, #tpu.memory_space<vmem>>, vector<1x16xf32>,
      %get3A_620 = vector.shape_cast %get3A_619 : vector<1x16xf32> to vector<16xf32>
      %mul3A_621 = arith.mulf %get3A_81, %get3A_620 : vector<16xf32>
      %get3A_622 = arith.index_cast %scan3A_76 : i32 to index
      %get3A_623 = arith.constant 384 : index
      %get3A_624 = tpu.vector_load %arg9[%get3A_622, %get3A_623] {strides = array<i32>} : memref<32x768xf32, #tpu.memory_space<vmem>>, vector<1x16xf32>,
      %get3A_625 = vector.shape_cast %get3A_624 : vector<1x16xf32> to vector<16xf32>
      %mul3A_626 = arith.mulf %get3A_85, %get3A_625 : vector<16xf32>
      %add3A_627 = arith.addf %mul3A_621, %mul3A_626 : vector<16xf32>
      %get3A_628 = arith.index_cast %scan3A_76 : i32 to index
      %get3A_629 = arith.constant 384 : index
      %get3A_630 = tpu.vector_load %arg10[%get3A_628, %get3A_629] {strides = array<i32>} : memref<32x768xf32, #tpu.memory_space<vmem>>, vector<1x16xf32>,
      %get3A_631 = vector.shape_cast %get3A_630 : vector<1x16xf32> to vector<16xf32>
      %mul3A_632 = arith.mulf %get3A_89, %get3A_631 : vector<16xf32>
      %add3A_633 = arith.addf %add3A_627, %mul3A_632 : vector<16xf32>
      %swap3A_634 = arith.index_cast %scan3A_76 : i32 to index
      %swap3A_635 = arith.constant 384 : index
      %swap3A_636 = tpu.vector_load %arg8[%swap3A_634, %swap3A_635] {strides = array<i32>} : memref<32x768xf32, #tpu.memory_space<vmem>>, vector<1x16xf32>,
      %swap3A_637 = vector.shape_cast %swap3A_636 : vector<1x16xf32> to vector<16xf32>
      %swap3A_638 = vector.shape_cast %add3A_633 : vector<16xf32> to vector<1x16xf32>
      tpu.vector_store %arg8[%swap3A_634, %swap3A_635], %swap3A_638 {strides = array<i32>} : memref<32x768xf32, #tpu.memory_space<vmem>>, vector<1x16xf32>,
      %get3A_639 = arith.index_cast %scan3A_76 : i32 to index
      %get3A_640 = arith.constant 400 : index
      %get3A_641 = tpu.vector_load %arg8[%get3A_639, %get3A_640] {strides = array<i32>} : memref<32x768xf32, #tpu.memory_space<vmem>>, vector<1x16xf32>,
      %get3A_642 = vector.shape_cast %get3A_641 : vector<1x16xf32> to vector<16xf32>
      %mul3A_643 = arith.mulf %get3A_81, %get3A_642 : vector<16xf32>
      %get3A_644 = arith.index_cast %scan3A_76 : i32 to index
      %get3A_645 = arith.constant 400 : index
      %get3A_646 = tpu.vector_load %arg9[%get3A_644, %get3A_645] {strides = array<i32>} : memref<32x768xf32, #tpu.memory_space<vmem>>, vector<1x16xf32>,
      %get3A_647 = vector.shape_cast %get3A_646 : vector<1x16xf32> to vector<16xf32>
      %mul3A_648 = arith.mulf %get3A_85, %get3A_647 : vector<16xf32>
      %add3A_649 = arith.addf %mul3A_643, %mul3A_648 : vector<16xf32>
      %get3A_650 = arith.index_cast %scan3A_76 : i32 to index
      %get3A_651 = arith.constant 400 : index
      %get3A_652 = tpu.vector_load %arg10[%get3A_650, %get3A_651] {strides = array<i32>} : memref<32x768xf32, #tpu.memory_space<vmem>>, vector<1x16xf32>,
      %get3A_653 = vector.shape_cast %get3A_652 : vector<1x16xf32> to vector<16xf32>
      %mul3A_654 = arith.mulf %get3A_89, %get3A_653 : vector<16xf32>
      %add3A_655 = arith.addf %add3A_649, %mul3A_654 : vector<16xf32>
      %swap3A_656 = arith.index_cast %scan3A_76 : i32 to index
      %swap3A_657 = arith.constant 400 : index
      %swap3A_658 = tpu.vector_load %arg8[%swap3A_656, %swap3A_657] {strides = array<i32>} : memref<32x768xf32, #tpu.memory_space<vmem>>, vector<1x16xf32>,
      %swap3A_659 = vector.shape_cast %swap3A_658 : vector<1x16xf32> to vector<16xf32>
      %swap3A_660 = vector.shape_cast %add3A_655 : vector<16xf32> to vector<1x16xf32>
      tpu.vector_store %arg8[%swap3A_656, %swap3A_657], %swap3A_660 {strides = array<i32>} : memref<32x768xf32, #tpu.memory_space<vmem>>, vector<1x16xf32>,
      %get3A_661 = arith.index_cast %scan3A_76 : i32 to index
      %get3A_662 = arith.constant 416 : index
      %get3A_663 = tpu.vector_load %arg8[%get3A_661, %get3A_662] {strides = array<i32>} : memref<32x768xf32, #tpu.memory_space<vmem>>, vector<1x16xf32>,
      %get3A_664 = vector.shape_cast %get3A_663 : vector<1x16xf32> to vector<16xf32>
      %mul3A_665 = arith.mulf %get3A_81, %get3A_664 : vector<16xf32>
      %get3A_666 = arith.index_cast %scan3A_76 : i32 to index
      %get3A_667 = arith.constant 416 : index
      %get3A_668 = tpu.vector_load %arg9[%get3A_666, %get3A_667] {strides = array<i32>} : memref<32x768xf32, #tpu.memory_space<vmem>>, vector<1x16xf32>,
      %get3A_669 = vector.shape_cast %get3A_668 : vector<1x16xf32> to vector<16xf32>
      %mul3A_670 = arith.mulf %get3A_85, %get3A_669 : vector<16xf32>
      %add3A_671 = arith.addf %mul3A_665, %mul3A_670 : vector<16xf32>
      %get3A_672 = arith.index_cast %scan3A_76 : i32 to index
      %get3A_673 = arith.constant 416 : index
      %get3A_674 = tpu.vector_load %arg10[%get3A_672, %get3A_673] {strides = array<i32>} : memref<32x768xf32, #tpu.memory_space<vmem>>, vector<1x16xf32>,
      %get3A_675 = vector.shape_cast %get3A_674 : vector<1x16xf32> to vector<16xf32>
      %mul3A_676 = arith.mulf %get3A_89, %get3A_675 : vector<16xf32>
      %add3A_677 = arith.addf %add3A_671, %mul3A_676 : vector<16xf32>
      %swap3A_678 = arith.index_cast %scan3A_76 : i32 to index
      %swap3A_679 = arith.constant 416 : index
      %swap3A_680 = tpu.vector_load %arg8[%swap3A_678, %swap3A_679] {strides = array<i32>} : memref<32x768xf32, #tpu.memory_space<vmem>>, vector<1x16xf32>,
      %swap3A_681 = vector.shape_cast %swap3A_680 : vector<1x16xf32> to vector<16xf32>
      %swap3A_682 = vector.shape_cast %add3A_677 : vector<16xf32> to vector<1x16xf32>
      tpu.vector_store %arg8[%swap3A_678, %swap3A_679], %swap3A_682 {strides = array<i32>} : memref<32x768xf32, #tpu.memory_space<vmem>>, vector<1x16xf32>,
      %get3A_683 = arith.index_cast %scan3A_76 : i32 to index
      %get3A_684 = arith.constant 432 : index
      %get3A_685 = tpu.vector_load %arg8[%get3A_683, %get3A_684] {strides = array<i32>} : memref<32x768xf32, #tpu.memory_space<vmem>>, vector<1x16xf32>,
      %get3A_686 = vector.shape_cast %get3A_685 : vector<1x16xf32> to vector<16xf32>
      %mul3A_687 = arith.mulf %get3A_81, %get3A_686 : vector<16xf32>
      %get3A_688 = arith.index_cast %scan3A_76 : i32 to index
      %get3A_689 = arith.constant 432 : index
      %get3A_690 = tpu.vector_load %arg9[%get3A_688, %get3A_689] {strides = array<i32>} : memref<32x768xf32, #tpu.memory_space<vmem>>, vector<1x16xf32>,
      %get3A_691 = vector.shape_cast %get3A_690 : vector<1x16xf32> to vector<16xf32>
      %mul3A_692 = arith.mulf %get3A_85, %get3A_691 : vector<16xf32>
      %add3A_693 = arith.addf %mul3A_687, %mul3A_692 : vector<16xf32>
      %get3A_694 = arith.index_cast %scan3A_76 : i32 to index
      %get3A_695 = arith.constant 432 : index
      %get3A_696 = tpu.vector_load %arg10[%get3A_694, %get3A_695] {strides = array<i32>} : memref<32x768xf32, #tpu.memory_space<vmem>>, vector<1x16xf32>,
      %get3A_697 = vector.shape_cast %get3A_696 : vector<1x16xf32> to vector<16xf32>
      %mul3A_698 = arith.mulf %get3A_89, %get3A_697 : vector<16xf32>
      %add3A_699 = arith.addf %add3A_693, %mul3A_698 : vector<16xf32>
      %swap3A_700 = arith.index_cast %scan3A_76 : i32 to index
      %swap3A_701 = arith.constant 432 : index
      %swap3A_702 = tpu.vector_load %arg8[%swap3A_700, %swap3A_701] {strides = array<i32>} : memref<32x768xf32, #tpu.memory_space<vmem>>, vector<1x16xf32>,
      %swap3A_703 = vector.shape_cast %swap3A_702 : vector<1x16xf32> to vector<16xf32>
      %swap3A_704 = vector.shape_cast %add3A_699 : vector<16xf32> to vector<1x16xf32>
      tpu.vector_store %arg8[%swap3A_700, %swap3A_701], %swap3A_704 {strides = array<i32>} : memref<32x768xf32, #tpu.memory_space<vmem>>, vector<1x16xf32>,
      %get3A_705 = arith.index_cast %scan3A_76 : i32 to index
      %get3A_706 = arith.constant 448 : index
      %get3A_707 = tpu.vector_load %arg8[%get3A_705, %get3A_706] {strides = array<i32>} : memref<32x768xf32, #tpu.memory_space<vmem>>, vector<1x16xf32>,
      %get3A_708 = vector.shape_cast %get3A_707 : vector<1x16xf32> to vector<16xf32>
      %mul3A_709 = arith.mulf %get3A_81, %get3A_708 : vector<16xf32>
      %get3A_710 = arith.index_cast %scan3A_76 : i32 to index
      %get3A_711 = arith.constant 448 : index
      %get3A_712 = tpu.vector_load %arg9[%get3A_710, %get3A_711] {strides = array<i32>} : memref<32x768xf32, #tpu.memory_space<vmem>>, vector<1x16xf32>,
      %get3A_713 = vector.shape_cast %get3A_712 : vector<1x16xf32> to vector<16xf32>
      %mul3A_714 = arith.mulf %get3A_85, %get3A_713 : vector<16xf32>
      %add3A_715 = arith.addf %mul3A_709, %mul3A_714 : vector<16xf32>
      %get3A_716 = arith.index_cast %scan3A_76 : i32 to index
      %get3A_717 = arith.constant 448 : index
      %get3A_718 = tpu.vector_load %arg10[%get3A_716, %get3A_717] {strides = array<i32>} : memref<32x768xf32, #tpu.memory_space<vmem>>, vector<1x16xf32>,
      %get3A_719 = vector.shape_cast %get3A_718 : vector<1x16xf32> to vector<16xf32>
      %mul3A_720 = arith.mulf %get3A_89, %get3A_719 : vector<16xf32>
      %add3A_721 = arith.addf %add3A_715, %mul3A_720 : vector<16xf32>
      %swap3A_722 = arith.index_cast %scan3A_76 : i32 to index
      %swap3A_723 = arith.constant 448 : index
      %swap3A_724 = tpu.vector_load %arg8[%swap3A_722, %swap3A_723] {strides = array<i32>} : memref<32x768xf32, #tpu.memory_space<vmem>>, vector<1x16xf32>,
      %swap3A_725 = vector.shape_cast %swap3A_724 : vector<1x16xf32> to vector<16xf32>
      %swap3A_726 = vector.shape_cast %add3A_721 : vector<16xf32> to vector<1x16xf32>
      tpu.vector_store %arg8[%swap3A_722, %swap3A_723], %swap3A_726 {strides = array<i32>} : memref<32x768xf32, #tpu.memory_space<vmem>>, vector<1x16xf32>,
      %get3A_727 = arith.index_cast %scan3A_76 : i32 to index
      %get3A_728 = arith.constant 464 : index
      %get3A_729 = tpu.vector_load %arg8[%get3A_727, %get3A_728] {strides = array<i32>} : memref<32x768xf32, #tpu.memory_space<vmem>>, vector<1x16xf32>,
      %get3A_730 = vector.shape_cast %get3A_729 : vector<1x16xf32> to vector<16xf32>
      %mul3A_731 = arith.mulf %get3A_81, %get3A_730 : vector<16xf32>
      %get3A_732 = arith.index_cast %scan3A_76 : i32 to index
      %get3A_733 = arith.constant 464 : index
      %get3A_734 = tpu.vector_load %arg9[%get3A_732, %get3A_733] {strides = array<i32>} : memref<32x768xf32, #tpu.memory_space<vmem>>, vector<1x16xf32>,
      %get3A_735 = vector.shape_cast %get3A_734 : vector<1x16xf32> to vector<16xf32>
      %mul3A_736 = arith.mulf %get3A_85, %get3A_735 : vector<16xf32>
      %add3A_737 = arith.addf %mul3A_731, %mul3A_736 : vector<16xf32>
      %get3A_738 = arith.index_cast %scan3A_76 : i32 to index
      %get3A_739 = arith.constant 464 : index
      %get3A_740 = tpu.vector_load %arg10[%get3A_738, %get3A_739] {strides = array<i32>} : memref<32x768xf32, #tpu.memory_space<vmem>>, vector<1x16xf32>,
      %get3A_741 = vector.shape_cast %get3A_740 : vector<1x16xf32> to vector<16xf32>
      %mul3A_742 = arith.mulf %get3A_89, %get3A_741 : vector<16xf32>
      %add3A_743 = arith.addf %add3A_737, %mul3A_742 : vector<16xf32>
      %swap3A_744 = arith.index_cast %scan3A_76 : i32 to index
      %swap3A_745 = arith.constant 464 : index
      %swap3A_746 = tpu.vector_load %arg8[%swap3A_744, %swap3A_745] {strides = array<i32>} : memref<32x768xf32, #tpu.memory_space<vmem>>, vector<1x16xf32>,
      %swap3A_747 = vector.shape_cast %swap3A_746 : vector<1x16xf32> to vector<16xf32>
      %swap3A_748 = vector.shape_cast %add3A_743 : vector<16xf32> to vector<1x16xf32>
      tpu.vector_store %arg8[%swap3A_744, %swap3A_745], %swap3A_748 {strides = array<i32>} : memref<32x768xf32, #tpu.memory_space<vmem>>, vector<1x16xf32>,
      %get3A_749 = arith.index_cast %scan3A_76 : i32 to index
      %get3A_750 = arith.constant 480 : index
      %get3A_751 = tpu.vector_load %arg8[%get3A_749, %get3A_750] {strides = array<i32>} : memref<32x768xf32, #tpu.memory_space<vmem>>, vector<1x16xf32>,
      %get3A_752 = vector.shape_cast %get3A_751 : vector<1x16xf32> to vector<16xf32>
      %mul3A_753 = arith.mulf %get3A_81, %get3A_752 : vector<16xf32>
      %get3A_754 = arith.index_cast %scan3A_76 : i32 to index
      %get3A_755 = arith.constant 480 : index
      %get3A_756 = tpu.vector_load %arg9[%get3A_754, %get3A_755] {strides = array<i32>} : memref<32x768xf32, #tpu.memory_space<vmem>>, vector<1x16xf32>,
      %get3A_757 = vector.shape_cast %get3A_756 : vector<1x16xf32> to vector<16xf32>
      %mul3A_758 = arith.mulf %get3A_85, %get3A_757 : vector<16xf32>
      %add3A_759 = arith.addf %mul3A_753, %mul3A_758 : vector<16xf32>
      %get3A_760 = arith.index_cast %scan3A_76 : i32 to index
      %get3A_761 = arith.constant 480 : index
      %get3A_762 = tpu.vector_load %arg10[%get3A_760, %get3A_761] {strides = array<i32>} : memref<32x768xf32, #tpu.memory_space<vmem>>, vector<1x16xf32>,
      %get3A_763 = vector.shape_cast %get3A_762 : vector<1x16xf32> to vector<16xf32>
      %mul3A_764 = arith.mulf %get3A_89, %get3A_763 : vector<16xf32>
      %add3A_765 = arith.addf %add3A_759, %mul3A_764 : vector<16xf32>
      %swap3A_766 = arith.index_cast %scan3A_76 : i32 to index
      %swap3A_767 = arith.constant 480 : index
      %swap3A_768 = tpu.vector_load %arg8[%swap3A_766, %swap3A_767] {strides = array<i32>} : memref<32x768xf32, #tpu.memory_space<vmem>>, vector<1x16xf32>,
      %swap3A_769 = vector.shape_cast %swap3A_768 : vector<1x16xf32> to vector<16xf32>
      %swap3A_770 = vector.shape_cast %add3A_765 : vector<16xf32> to vector<1x16xf32>
      tpu.vector_store %arg8[%swap3A_766, %swap3A_767], %swap3A_770 {strides = array<i32>} : memref<32x768xf32, #tpu.memory_space<vmem>>, vector<1x16xf32>,
      %get3A_771 = arith.index_cast %scan3A_76 : i32 to index
      %get3A_772 = arith.constant 496 : index
      %get3A_773 = tpu.vector_load %arg8[%get3A_771, %get3A_772] {strides = array<i32>} : memref<32x768xf32, #tpu.memory_space<vmem>>, vector<1x16xf32>,
      %get3A_774 = vector.shape_cast %get3A_773 : vector<1x16xf32> to vector<16xf32>
      %mul3A_775 = arith.mulf %get3A_81, %get3A_774 : vector<16xf32>
      %get3A_776 = arith.index_cast %scan3A_76 : i32 to index
      %get3A_777 = arith.constant 496 : index
      %get3A_778 = tpu.vector_load %arg9[%get3A_776, %get3A_777] {strides = array<i32>} : memref<32x768xf32, #tpu.memory_space<vmem>>, vector<1x16xf32>,
      %get3A_779 = vector.shape_cast %get3A_778 : vector<1x16xf32> to vector<16xf32>
      %mul3A_780 = arith.mulf %get3A_85, %get3A_779 : vector<16xf32>
      %add3A_781 = arith.addf %mul3A_775, %mul3A_780 : vector<16xf32>
      %get3A_782 = arith.index_cast %scan3A_76 : i32 to index
      %get3A_783 = arith.constant 496 : index
      %get3A_784 = tpu.vector_load %arg10[%get3A_782, %get3A_783] {strides = array<i32>} : memref<32x768xf32, #tpu.memory_space<vmem>>, vector<1x16xf32>,
      %get3A_785 = vector.shape_cast %get3A_784 : vector<1x16xf32> to vector<16xf32>
      %mul3A_786 = arith.mulf %get3A_89, %get3A_785 : vector<16xf32>
      %add3A_787 = arith.addf %add3A_781, %mul3A_786 : vector<16xf32>
      %swap3A_788 = arith.index_cast %scan3A_76 : i32 to index
      %swap3A_789 = arith.constant 496 : index
      %swap3A_790 = tpu.vector_load %arg8[%swap3A_788, %swap3A_789] {strides = array<i32>} : memref<32x768xf32, #tpu.memory_space<vmem>>, vector<1x16xf32>,
      %swap3A_791 = vector.shape_cast %swap3A_790 : vector<1x16xf32> to vector<16xf32>
      %swap3A_792 = vector.shape_cast %add3A_787 : vector<16xf32> to vector<1x16xf32>
      tpu.vector_store %arg8[%swap3A_788, %swap3A_789], %swap3A_792 {strides = array<i32>} : memref<32x768xf32, #tpu.memory_space<vmem>>, vector<1x16xf32>,
      %get3A_793 = arith.index_cast %scan3A_76 : i32 to index
      %get3A_794 = arith.constant 512 : index
      %get3A_795 = tpu.vector_load %arg8[%get3A_793, %get3A_794] {strides = array<i32>} : memref<32x768xf32, #tpu.memory_space<vmem>>, vector<1x16xf32>,
      %get3A_796 = vector.shape_cast %get3A_795 : vector<1x16xf32> to vector<16xf32>
      %mul3A_797 = arith.mulf %get3A_81, %get3A_796 : vector<16xf32>
      %get3A_798 = arith.index_cast %scan3A_76 : i32 to index
      %get3A_799 = arith.constant 512 : index
      %get3A_800 = tpu.vector_load %arg9[%get3A_798, %get3A_799] {strides = array<i32>} : memref<32x768xf32, #tpu.memory_space<vmem>>, vector<1x16xf32>,
      %get3A_801 = vector.shape_cast %get3A_800 : vector<1x16xf32> to vector<16xf32>
      %mul3A_802 = arith.mulf %get3A_85, %get3A_801 : vector<16xf32>
      %add3A_803 = arith.addf %mul3A_797, %mul3A_802 : vector<16xf32>
      %get3A_804 = arith.index_cast %scan3A_76 : i32 to index
      %get3A_805 = arith.constant 512 : index
      %get3A_806 = tpu.vector_load %arg10[%get3A_804, %get3A_805] {strides = array<i32>} : memref<32x768xf32, #tpu.memory_space<vmem>>, vector<1x16xf32>,
      %get3A_807 = vector.shape_cast %get3A_806 : vector<1x16xf32> to vector<16xf32>
      %mul3A_808 = arith.mulf %get3A_89, %get3A_807 : vector<16xf32>
      %add3A_809 = arith.addf %add3A_803, %mul3A_808 : vector<16xf32>
      %swap3A_810 = arith.index_cast %scan3A_76 : i32 to index
      %swap3A_811 = arith.constant 512 : index
      %swap3A_812 = tpu.vector_load %arg8[%swap3A_810, %swap3A_811] {strides = array<i32>} : memref<32x768xf32, #tpu.memory_space<vmem>>, vector<1x16xf32>,
      %swap3A_813 = vector.shape_cast %swap3A_812 : vector<1x16xf32> to vector<16xf32>
      %swap3A_814 = vector.shape_cast %add3A_809 : vector<16xf32> to vector<1x16xf32>
      tpu.vector_store %arg8[%swap3A_810, %swap3A_811], %swap3A_814 {strides = array<i32>} : memref<32x768xf32, #tpu.memory_space<vmem>>, vector<1x16xf32>,
      %get3A_815 = arith.index_cast %scan3A_76 : i32 to index
      %get3A_816 = arith.constant 528 : index
      %get3A_817 = tpu.vector_load %arg8[%get3A_815, %get3A_816] {strides = array<i32>} : memref<32x768xf32, #tpu.memory_space<vmem>>, vector<1x16xf32>,
      %get3A_818 = vector.shape_cast %get3A_817 : vector<1x16xf32> to vector<16xf32>
      %mul3A_819 = arith.mulf %get3A_81, %get3A_818 : vector<16xf32>
      %get3A_820 = arith.index_cast %scan3A_76 : i32 to index
      %get3A_821 = arith.constant 528 : index
      %get3A_822 = tpu.vector_load %arg9[%get3A_820, %get3A_821] {strides = array<i32>} : memref<32x768xf32, #tpu.memory_space<vmem>>, vector<1x16xf32>,
      %get3A_823 = vector.shape_cast %get3A_822 : vector<1x16xf32> to vector<16xf32>
      %mul3A_824 = arith.mulf %get3A_85, %get3A_823 : vector<16xf32>
      %add3A_825 = arith.addf %mul3A_819, %mul3A_824 : vector<16xf32>
      %get3A_826 = arith.index_cast %scan3A_76 : i32 to index
      %get3A_827 = arith.constant 528 : index
      %get3A_828 = tpu.vector_load %arg10[%get3A_826, %get3A_827] {strides = array<i32>} : memref<32x768xf32, #tpu.memory_space<vmem>>, vector<1x16xf32>,
      %get3A_829 = vector.shape_cast %get3A_828 : vector<1x16xf32> to vector<16xf32>
      %mul3A_830 = arith.mulf %get3A_89, %get3A_829 : vector<16xf32>
      %add3A_831 = arith.addf %add3A_825, %mul3A_830 : vector<16xf32>
      %swap3A_832 = arith.index_cast %scan3A_76 : i32 to index
      %swap3A_833 = arith.constant 528 : index
      %swap3A_834 = tpu.vector_load %arg8[%swap3A_832, %swap3A_833] {strides = array<i32>} : memref<32x768xf32, #tpu.memory_space<vmem>>, vector<1x16xf32>,
      %swap3A_835 = vector.shape_cast %swap3A_834 : vector<1x16xf32> to vector<16xf32>
      %swap3A_836 = vector.shape_cast %add3A_831 : vector<16xf32> to vector<1x16xf32>
      tpu.vector_store %arg8[%swap3A_832, %swap3A_833], %swap3A_836 {strides = array<i32>} : memref<32x768xf32, #tpu.memory_space<vmem>>, vector<1x16xf32>,
      %get3A_837 = arith.index_cast %scan3A_76 : i32 to index
      %get3A_838 = arith.constant 544 : index
      %get3A_839 = tpu.vector_load %arg8[%get3A_837, %get3A_838] {strides = array<i32>} : memref<32x768xf32, #tpu.memory_space<vmem>>, vector<1x16xf32>,
      %get3A_840 = vector.shape_cast %get3A_839 : vector<1x16xf32> to vector<16xf32>
      %mul3A_841 = arith.mulf %get3A_81, %get3A_840 : vector<16xf32>
      %get3A_842 = arith.index_cast %scan3A_76 : i32 to index
      %get3A_843 = arith.constant 544 : index
      %get3A_844 = tpu.vector_load %arg9[%get3A_842, %get3A_843] {strides = array<i32>} : memref<32x768xf32, #tpu.memory_space<vmem>>, vector<1x16xf32>,
      %get3A_845 = vector.shape_cast %get3A_844 : vector<1x16xf32> to vector<16xf32>
      %mul3A_846 = arith.mulf %get3A_85, %get3A_845 : vector<16xf32>
      %add3A_847 = arith.addf %mul3A_841, %mul3A_846 : vector<16xf32>
      %get3A_848 = arith.index_cast %scan3A_76 : i32 to index
      %get3A_849 = arith.constant 544 : index
      %get3A_850 = tpu.vector_load %arg10[%get3A_848, %get3A_849] {strides = array<i32>} : memref<32x768xf32, #tpu.memory_space<vmem>>, vector<1x16xf32>,
      %get3A_851 = vector.shape_cast %get3A_850 : vector<1x16xf32> to vector<16xf32>
      %mul3A_852 = arith.mulf %get3A_89, %get3A_851 : vector<16xf32>
      %add3A_853 = arith.addf %add3A_847, %mul3A_852 : vector<16xf32>
      %swap3A_854 = arith.index_cast %scan3A_76 : i32 to index
      %swap3A_855 = arith.constant 544 : index
      %swap3A_856 = tpu.vector_load %arg8[%swap3A_854, %swap3A_855] {strides = array<i32>} : memref<32x768xf32, #tpu.memory_space<vmem>>, vector<1x16xf32>,
      %swap3A_857 = vector.shape_cast %swap3A_856 : vector<1x16xf32> to vector<16xf32>
      %swap3A_858 = vector.shape_cast %add3A_853 : vector<16xf32> to vector<1x16xf32>
      tpu.vector_store %arg8[%swap3A_854, %swap3A_855], %swap3A_858 {strides = array<i32>} : memref<32x768xf32, #tpu.memory_space<vmem>>, vector<1x16xf32>,
      %get3A_859 = arith.index_cast %scan3A_76 : i32 to index
      %get3A_860 = arith.constant 560 : index
      %get3A_861 = tpu.vector_load %arg8[%get3A_859, %get3A_860] {strides = array<i32>} : memref<32x768xf32, #tpu.memory_space<vmem>>, vector<1x16xf32>,
      %get3A_862 = vector.shape_cast %get3A_861 : vector<1x16xf32> to vector<16xf32>
      %mul3A_863 = arith.mulf %get3A_81, %get3A_862 : vector<16xf32>
      %get3A_864 = arith.index_cast %scan3A_76 : i32 to index
      %get3A_865 = arith.constant 560 : index
      %get3A_866 = tpu.vector_load %arg9[%get3A_864, %get3A_865] {strides = array<i32>} : memref<32x768xf32, #tpu.memory_space<vmem>>, vector<1x16xf32>,
      %get3A_867 = vector.shape_cast %get3A_866 : vector<1x16xf32> to vector<16xf32>
      %mul3A_868 = arith.mulf %get3A_85, %get3A_867 : vector<16xf32>
      %add3A_869 = arith.addf %mul3A_863, %mul3A_868 : vector<16xf32>
      %get3A_870 = arith.index_cast %scan3A_76 : i32 to index
      %get3A_871 = arith.constant 560 : index
      %get3A_872 = tpu.vector_load %arg10[%get3A_870, %get3A_871] {strides = array<i32>} : memref<32x768xf32, #tpu.memory_space<vmem>>, vector<1x16xf32>,
      %get3A_873 = vector.shape_cast %get3A_872 : vector<1x16xf32> to vector<16xf32>
      %mul3A_874 = arith.mulf %get3A_89, %get3A_873 : vector<16xf32>
      %add3A_875 = arith.addf %add3A_869, %mul3A_874 : vector<16xf32>
      %swap3A_876 = arith.index_cast %scan3A_76 : i32 to index
      %swap3A_877 = arith.constant 560 : index
      %swap3A_878 = tpu.vector_load %arg8[%swap3A_876, %swap3A_877] {strides = array<i32>} : memref<32x768xf32, #tpu.memory_space<vmem>>, vector<1x16xf32>,
      %swap3A_879 = vector.shape_cast %swap3A_878 : vector<1x16xf32> to vector<16xf32>
      %swap3A_880 = vector.shape_cast %add3A_875 : vector<16xf32> to vector<1x16xf32>
      tpu.vector_store %arg8[%swap3A_876, %swap3A_877], %swap3A_880 {strides = array<i32>} : memref<32x768xf32, #tpu.memory_space<vmem>>, vector<1x16xf32>,
      %get3A_881 = arith.index_cast %scan3A_76 : i32 to index
      %get3A_882 = arith.constant 576 : index
      %get3A_883 = tpu.vector_load %arg8[%get3A_881, %get3A_882] {strides = array<i32>} : memref<32x768xf32, #tpu.memory_space<vmem>>, vector<1x16xf32>,
      %get3A_884 = vector.shape_cast %get3A_883 : vector<1x16xf32> to vector<16xf32>
      %mul3A_885 = arith.mulf %get3A_81, %get3A_884 : vector<16xf32>
      %get3A_886 = arith.index_cast %scan3A_76 : i32 to index
      %get3A_887 = arith.constant 576 : index
      %get3A_888 = tpu.vector_load %arg9[%get3A_886, %get3A_887] {strides = array<i32>} : memref<32x768xf32, #tpu.memory_space<vmem>>, vector<1x16xf32>,
      %get3A_889 = vector.shape_cast %get3A_888 : vector<1x16xf32> to vector<16xf32>
      %mul3A_890 = arith.mulf %get3A_85, %get3A_889 : vector<16xf32>
      %add3A_891 = arith.addf %mul3A_885, %mul3A_890 : vector<16xf32>
      %get3A_892 = arith.index_cast %scan3A_76 : i32 to index
      %get3A_893 = arith.constant 576 : index
      %get3A_894 = tpu.vector_load %arg10[%get3A_892, %get3A_893] {strides = array<i32>} : memref<32x768xf32, #tpu.memory_space<vmem>>, vector<1x16xf32>,
      %get3A_895 = vector.shape_cast %get3A_894 : vector<1x16xf32> to vector<16xf32>
      %mul3A_896 = arith.mulf %get3A_89, %get3A_895 : vector<16xf32>
      %add3A_897 = arith.addf %add3A_891, %mul3A_896 : vector<16xf32>
      %swap3A_898 = arith.index_cast %scan3A_76 : i32 to index
      %swap3A_899 = arith.constant 576 : index
      %swap3A_900 = tpu.vector_load %arg8[%swap3A_898, %swap3A_899] {strides = array<i32>} : memref<32x768xf32, #tpu.memory_space<vmem>>, vector<1x16xf32>,
      %swap3A_901 = vector.shape_cast %swap3A_900 : vector<1x16xf32> to vector<16xf32>
      %swap3A_902 = vector.shape_cast %add3A_897 : vector<16xf32> to vector<1x16xf32>
      tpu.vector_store %arg8[%swap3A_898, %swap3A_899], %swap3A_902 {strides = array<i32>} : memref<32x768xf32, #tpu.memory_space<vmem>>, vector<1x16xf32>,
      %get3A_903 = arith.index_cast %scan3A_76 : i32 to index
      %get3A_904 = arith.constant 592 : index
      %get3A_905 = tpu.vector_load %arg8[%get3A_903, %get3A_904] {strides = array<i32>} : memref<32x768xf32, #tpu.memory_space<vmem>>, vector<1x16xf32>,
      %get3A_906 = vector.shape_cast %get3A_905 : vector<1x16xf32> to vector<16xf32>
      %mul3A_907 = arith.mulf %get3A_81, %get3A_906 : vector<16xf32>
      %get3A_908 = arith.index_cast %scan3A_76 : i32 to index
      %get3A_909 = arith.constant 592 : index
      %get3A_910 = tpu.vector_load %arg9[%get3A_908, %get3A_909] {strides = array<i32>} : memref<32x768xf32, #tpu.memory_space<vmem>>, vector<1x16xf32>,
      %get3A_911 = vector.shape_cast %get3A_910 : vector<1x16xf32> to vector<16xf32>
      %mul3A_912 = arith.mulf %get3A_85, %get3A_911 : vector<16xf32>
      %add3A_913 = arith.addf %mul3A_907, %mul3A_912 : vector<16xf32>
      %get3A_914 = arith.index_cast %scan3A_76 : i32 to index
      %get3A_915 = arith.constant 592 : index
      %get3A_916 = tpu.vector_load %arg10[%get3A_914, %get3A_915] {strides = array<i32>} : memref<32x768xf32, #tpu.memory_space<vmem>>, vector<1x16xf32>,
      %get3A_917 = vector.shape_cast %get3A_916 : vector<1x16xf32> to vector<16xf32>
      %mul3A_918 = arith.mulf %get3A_89, %get3A_917 : vector<16xf32>
      %add3A_919 = arith.addf %add3A_913, %mul3A_918 : vector<16xf32>
      %swap3A_920 = arith.index_cast %scan3A_76 : i32 to index
      %swap3A_921 = arith.constant 592 : index
      %swap3A_922 = tpu.vector_load %arg8[%swap3A_920, %swap3A_921] {strides = array<i32>} : memref<32x768xf32, #tpu.memory_space<vmem>>, vector<1x16xf32>,
      %swap3A_923 = vector.shape_cast %swap3A_922 : vector<1x16xf32> to vector<16xf32>
      %swap3A_924 = vector.shape_cast %add3A_919 : vector<16xf32> to vector<1x16xf32>
      tpu.vector_store %arg8[%swap3A_920, %swap3A_921], %swap3A_924 {strides = array<i32>} : memref<32x768xf32, #tpu.memory_space<vmem>>, vector<1x16xf32>,
      %get3A_925 = arith.index_cast %scan3A_76 : i32 to index
      %get3A_926 = arith.constant 608 : index
      %get3A_927 = tpu.vector_load %arg8[%get3A_925, %get3A_926] {strides = array<i32>} : memref<32x768xf32, #tpu.memory_space<vmem>>, vector<1x16xf32>,
      %get3A_928 = vector.shape_cast %get3A_927 : vector<1x16xf32> to vector<16xf32>
      %mul3A_929 = arith.mulf %get3A_81, %get3A_928 : vector<16xf32>
      %get3A_930 = arith.index_cast %scan3A_76 : i32 to index
      %get3A_931 = arith.constant 608 : index
      %get3A_932 = tpu.vector_load %arg9[%get3A_930, %get3A_931] {strides = array<i32>} : memref<32x768xf32, #tpu.memory_space<vmem>>, vector<1x16xf32>,
      %get3A_933 = vector.shape_cast %get3A_932 : vector<1x16xf32> to vector<16xf32>
      %mul3A_934 = arith.mulf %get3A_85, %get3A_933 : vector<16xf32>
      %add3A_935 = arith.addf %mul3A_929, %mul3A_934 : vector<16xf32>
      %get3A_936 = arith.index_cast %scan3A_76 : i32 to index
      %get3A_937 = arith.constant 608 : index
      %get3A_938 = tpu.vector_load %arg10[%get3A_936, %get3A_937] {strides = array<i32>} : memref<32x768xf32, #tpu.memory_space<vmem>>, vector<1x16xf32>,
      %get3A_939 = vector.shape_cast %get3A_938 : vector<1x16xf32> to vector<16xf32>
      %mul3A_940 = arith.mulf %get3A_89, %get3A_939 : vector<16xf32>
      %add3A_941 = arith.addf %add3A_935, %mul3A_940 : vector<16xf32>
      %swap3A_942 = arith.index_cast %scan3A_76 : i32 to index
      %swap3A_943 = arith.constant 608 : index
      %swap3A_944 = tpu.vector_load %arg8[%swap3A_942, %swap3A_943] {strides = array<i32>} : memref<32x768xf32, #tpu.memory_space<vmem>>, vector<1x16xf32>,
      %swap3A_945 = vector.shape_cast %swap3A_944 : vector<1x16xf32> to vector<16xf32>
      %swap3A_946 = vector.shape_cast %add3A_941 : vector<16xf32> to vector<1x16xf32>
      tpu.vector_store %arg8[%swap3A_942, %swap3A_943], %swap3A_946 {strides = array<i32>} : memref<32x768xf32, #tpu.memory_space<vmem>>, vector<1x16xf32>,
      %get3A_947 = arith.index_cast %scan3A_76 : i32 to index
      %get3A_948 = arith.constant 624 : index
      %get3A_949 = tpu.vector_load %arg8[%get3A_947, %get3A_948] {strides = array<i32>} : memref<32x768xf32, #tpu.memory_space<vmem>>, vector<1x16xf32>,
      %get3A_950 = vector.shape_cast %get3A_949 : vector<1x16xf32> to vector<16xf32>
      %mul3A_951 = arith.mulf %get3A_81, %get3A_950 : vector<16xf32>
      %get3A_952 = arith.index_cast %scan3A_76 : i32 to index
      %get3A_953 = arith.constant 624 : index
      %get3A_954 = tpu.vector_load %arg9[%get3A_952, %get3A_953] {strides = array<i32>} : memref<32x768xf32, #tpu.memory_space<vmem>>, vector<1x16xf32>,
      %get3A_955 = vector.shape_cast %get3A_954 : vector<1x16xf32> to vector<16xf32>
      %mul3A_956 = arith.mulf %get3A_85, %get3A_955 : vector<16xf32>
      %add3A_957 = arith.addf %mul3A_951, %mul3A_956 : vector<16xf32>
      %get3A_958 = arith.index_cast %scan3A_76 : i32 to index
      %get3A_959 = arith.constant 624 : index
      %get3A_960 = tpu.vector_load %arg10[%get3A_958, %get3A_959] {strides = array<i32>} : memref<32x768xf32, #tpu.memory_space<vmem>>, vector<1x16xf32>,
      %get3A_961 = vector.shape_cast %get3A_960 : vector<1x16xf32> to vector<16xf32>
      %mul3A_962 = arith.mulf %get3A_89, %get3A_961 : vector<16xf32>
      %add3A_963 = arith.addf %add3A_957, %mul3A_962 : vector<16xf32>
      %swap3A_964 = arith.index_cast %scan3A_76 : i32 to index
      %swap3A_965 = arith.constant 624 : index
      %swap3A_966 = tpu.vector_load %arg8[%swap3A_964, %swap3A_965] {strides = array<i32>} : memref<32x768xf32, #tpu.memory_space<vmem>>, vector<1x16xf32>,
      %swap3A_967 = vector.shape_cast %swap3A_966 : vector<1x16xf32> to vector<16xf32>
      %swap3A_968 = vector.shape_cast %add3A_963 : vector<16xf32> to vector<1x16xf32>
      tpu.vector_store %arg8[%swap3A_964, %swap3A_965], %swap3A_968 {strides = array<i32>} : memref<32x768xf32, #tpu.memory_space<vmem>>, vector<1x16xf32>,
      %get3A_969 = arith.index_cast %scan3A_76 : i32 to index
      %get3A_970 = arith.constant 640 : index
      %get3A_971 = tpu.vector_load %arg8[%get3A_969, %get3A_970] {strides = array<i32>} : memref<32x768xf32, #tpu.memory_space<vmem>>, vector<1x16xf32>,
      %get3A_972 = vector.shape_cast %get3A_971 : vector<1x16xf32> to vector<16xf32>
      %mul3A_973 = arith.mulf %get3A_81, %get3A_972 : vector<16xf32>
      %get3A_974 = arith.index_cast %scan3A_76 : i32 to index
      %get3A_975 = arith.constant 640 : index
      %get3A_976 = tpu.vector_load %arg9[%get3A_974, %get3A_975] {strides = array<i32>} : memref<32x768xf32, #tpu.memory_space<vmem>>, vector<1x16xf32>,
      %get3A_977 = vector.shape_cast %get3A_976 : vector<1x16xf32> to vector<16xf32>
      %mul3A_978 = arith.mulf %get3A_85, %get3A_977 : vector<16xf32>
      %add3A_979 = arith.addf %mul3A_973, %mul3A_978 : vector<16xf32>
      %get3A_980 = arith.index_cast %scan3A_76 : i32 to index
      %get3A_981 = arith.constant 640 : index
      %get3A_982 = tpu.vector_load %arg10[%get3A_980, %get3A_981] {strides = array<i32>} : memref<32x768xf32, #tpu.memory_space<vmem>>, vector<1x16xf32>,
      %get3A_983 = vector.shape_cast %get3A_982 : vector<1x16xf32> to vector<16xf32>
      %mul3A_984 = arith.mulf %get3A_89, %get3A_983 : vector<16xf32>
      %add3A_985 = arith.addf %add3A_979, %mul3A_984 : vector<16xf32>
      %swap3A_986 = arith.index_cast %scan3A_76 : i32 to index
      %swap3A_987 = arith.constant 640 : index
      %swap3A_988 = tpu.vector_load %arg8[%swap3A_986, %swap3A_987] {strides = array<i32>} : memref<32x768xf32, #tpu.memory_space<vmem>>, vector<1x16xf32>,
      %swap3A_989 = vector.shape_cast %swap3A_988 : vector<1x16xf32> to vector<16xf32>
      %swap3A_990 = vector.shape_cast %add3A_985 : vector<16xf32> to vector<1x16xf32>
      tpu.vector_store %arg8[%swap3A_986, %swap3A_987], %swap3A_990 {strides = array<i32>} : memref<32x768xf32, #tpu.memory_space<vmem>>, vector<1x16xf32>,
      %get3A_991 = arith.index_cast %scan3A_76 : i32 to index
      %get3A_992 = arith.constant 656 : index
      %get3A_993 = tpu.vector_load %arg8[%get3A_991, %get3A_992] {strides = array<i32>} : memref<32x768xf32, #tpu.memory_space<vmem>>, vector<1x16xf32>,
      %get3A_994 = vector.shape_cast %get3A_993 : vector<1x16xf32> to vector<16xf32>
      %mul3A_995 = arith.mulf %get3A_81, %get3A_994 : vector<16xf32>
      %get3A_996 = arith.index_cast %scan3A_76 : i32 to index
      %get3A_997 = arith.constant 656 : index
      %get3A_998 = tpu.vector_load %arg9[%get3A_996, %get3A_997] {strides = array<i32>} : memref<32x768xf32, #tpu.memory_space<vmem>>, vector<1x16xf32>,
      %get3A_999 = vector.shape_cast %get3A_998 : vector<1x16xf32> to vector<16xf32>
      %mul3A_1000 = arith.mulf %get3A_85, %get3A_999 : vector<16xf32>
      %add3A_1001 = arith.addf %mul3A_995, %mul3A_1000 : vector<16xf32>
      %get3A_1002 = arith.index_cast %scan3A_76 : i32 to index
      %get3A_1003 = arith.constant 656 : index
      %get3A_1004 = tpu.vector_load %arg10[%get3A_1002, %get3A_1003] {strides = array<i32>} : memref<32x768xf32, #tpu.memory_space<vmem>>, vector<1x16xf32>,
      %get3A_1005 = vector.shape_cast %get3A_1004 : vector<1x16xf32> to vector<16xf32>
      %mul3A_1006 = arith.mulf %get3A_89, %get3A_1005 : vector<16xf32>
      %add3A_1007 = arith.addf %add3A_1001, %mul3A_1006 : vector<16xf32>
      %swap3A_1008 = arith.index_cast %scan3A_76 : i32 to index
      %swap3A_1009 = arith.constant 656 : index
      %swap3A_1010 = tpu.vector_load %arg8[%swap3A_1008, %swap3A_1009] {strides = array<i32>} : memref<32x768xf32, #tpu.memory_space<vmem>>, vector<1x16xf32>,
      %swap3A_1011 = vector.shape_cast %swap3A_1010 : vector<1x16xf32> to vector<16xf32>
      %swap3A_1012 = vector.shape_cast %add3A_1007 : vector<16xf32> to vector<1x16xf32>
      tpu.vector_store %arg8[%swap3A_1008, %swap3A_1009], %swap3A_1012 {strides = array<i32>} : memref<32x768xf32, #tpu.memory_space<vmem>>, vector<1x16xf32>,
      %get3A_1013 = arith.index_cast %scan3A_76 : i32 to index
      %get3A_1014 = arith.constant 672 : index
      %get3A_1015 = tpu.vector_load %arg8[%get3A_1013, %get3A_1014] {strides = array<i32>} : memref<32x768xf32, #tpu.memory_space<vmem>>, vector<1x16xf32>,
      %get3A_1016 = vector.shape_cast %get3A_1015 : vector<1x16xf32> to vector<16xf32>
      %mul3A_1017 = arith.mulf %get3A_81, %get3A_1016 : vector<16xf32>
      %get3A_1018 = arith.index_cast %scan3A_76 : i32 to index
      %get3A_1019 = arith.constant 672 : index
      %get3A_1020 = tpu.vector_load %arg9[%get3A_1018, %get3A_1019] {strides = array<i32>} : memref<32x768xf32, #tpu.memory_space<vmem>>, vector<1x16xf32>,
      %get3A_1021 = vector.shape_cast %get3A_1020 : vector<1x16xf32> to vector<16xf32>
      %mul3A_1022 = arith.mulf %get3A_85, %get3A_1021 : vector<16xf32>
      %add3A_1023 = arith.addf %mul3A_1017, %mul3A_1022 : vector<16xf32>
      %get3A_1024 = arith.index_cast %scan3A_76 : i32 to index
      %get3A_1025 = arith.constant 672 : index
      %get3A_1026 = tpu.vector_load %arg10[%get3A_1024, %get3A_1025] {strides = array<i32>} : memref<32x768xf32, #tpu.memory_space<vmem>>, vector<1x16xf32>,
      %get3A_1027 = vector.shape_cast %get3A_1026 : vector<1x16xf32> to vector<16xf32>
      %mul3A_1028 = arith.mulf %get3A_89, %get3A_1027 : vector<16xf32>
      %add3A_1029 = arith.addf %add3A_1023, %mul3A_1028 : vector<16xf32>
      %swap3A_1030 = arith.index_cast %scan3A_76 : i32 to index
      %swap3A_1031 = arith.constant 672 : index
      %swap3A_1032 = tpu.vector_load %arg8[%swap3A_1030, %swap3A_1031] {strides = array<i32>} : memref<32x768xf32, #tpu.memory_space<vmem>>, vector<1x16xf32>,
      %swap3A_1033 = vector.shape_cast %swap3A_1032 : vector<1x16xf32> to vector<16xf32>
      %swap3A_1034 = vector.shape_cast %add3A_1029 : vector<16xf32> to vector<1x16xf32>
      tpu.vector_store %arg8[%swap3A_1030, %swap3A_1031], %swap3A_1034 {strides = array<i32>} : memref<32x768xf32, #tpu.memory_space<vmem>>, vector<1x16xf32>,
      %get3A_1035 = arith.index_cast %scan3A_76 : i32 to index
      %get3A_1036 = arith.constant 688 : index
      %get3A_1037 = tpu.vector_load %arg8[%get3A_1035, %get3A_1036] {strides = array<i32>} : memref<32x768xf32, #tpu.memory_space<vmem>>, vector<1x16xf32>,
      %get3A_1038 = vector.shape_cast %get3A_1037 : vector<1x16xf32> to vector<16xf32>
      %mul3A_1039 = arith.mulf %get3A_81, %get3A_1038 : vector<16xf32>
      %get3A_1040 = arith.index_cast %scan3A_76 : i32 to index
      %get3A_1041 = arith.constant 688 : index
      %get3A_1042 = tpu.vector_load %arg9[%get3A_1040, %get3A_1041] {strides = array<i32>} : memref<32x768xf32, #tpu.memory_space<vmem>>, vector<1x16xf32>,
      %get3A_1043 = vector.shape_cast %get3A_1042 : vector<1x16xf32> to vector<16xf32>
      %mul3A_1044 = arith.mulf %get3A_85, %get3A_1043 : vector<16xf32>
      %add3A_1045 = arith.addf %mul3A_1039, %mul3A_1044 : vector<16xf32>
      %get3A_1046 = arith.index_cast %scan3A_76 : i32 to index
      %get3A_1047 = arith.constant 688 : index
      %get3A_1048 = tpu.vector_load %arg10[%get3A_1046, %get3A_1047] {strides = array<i32>} : memref<32x768xf32, #tpu.memory_space<vmem>>, vector<1x16xf32>,
      %get3A_1049 = vector.shape_cast %get3A_1048 : vector<1x16xf32> to vector<16xf32>
      %mul3A_1050 = arith.mulf %get3A_89, %get3A_1049 : vector<16xf32>
      %add3A_1051 = arith.addf %add3A_1045, %mul3A_1050 : vector<16xf32>
      %swap3A_1052 = arith.index_cast %scan3A_76 : i32 to index
      %swap3A_1053 = arith.constant 688 : index
      %swap3A_1054 = tpu.vector_load %arg8[%swap3A_1052, %swap3A_1053] {strides = array<i32>} : memref<32x768xf32, #tpu.memory_space<vmem>>, vector<1x16xf32>,
      %swap3A_1055 = vector.shape_cast %swap3A_1054 : vector<1x16xf32> to vector<16xf32>
      %swap3A_1056 = vector.shape_cast %add3A_1051 : vector<16xf32> to vector<1x16xf32>
      tpu.vector_store %arg8[%swap3A_1052, %swap3A_1053], %swap3A_1056 {strides = array<i32>} : memref<32x768xf32, #tpu.memory_space<vmem>>, vector<1x16xf32>,
      %get3A_1057 = arith.index_cast %scan3A_76 : i32 to index
      %get3A_1058 = arith.constant 704 : index
      %get3A_1059 = tpu.vector_load %arg8[%get3A_1057, %get3A_1058] {strides = array<i32>} : memref<32x768xf32, #tpu.memory_space<vmem>>, vector<1x16xf32>,
      %get3A_1060 = vector.shape_cast %get3A_1059 : vector<1x16xf32> to vector<16xf32>
      %mul3A_1061 = arith.mulf %get3A_81, %get3A_1060 : vector<16xf32>
      %get3A_1062 = arith.index_cast %scan3A_76 : i32 to index
      %get3A_1063 = arith.constant 704 : index
      %get3A_1064 = tpu.vector_load %arg9[%get3A_1062, %get3A_1063] {strides = array<i32>} : memref<32x768xf32, #tpu.memory_space<vmem>>, vector<1x16xf32>,
      %get3A_1065 = vector.shape_cast %get3A_1064 : vector<1x16xf32> to vector<16xf32>
      %mul3A_1066 = arith.mulf %get3A_85, %get3A_1065 : vector<16xf32>
      %add3A_1067 = arith.addf %mul3A_1061, %mul3A_1066 : vector<16xf32>
      %get3A_1068 = arith.index_cast %scan3A_76 : i32 to index
      %get3A_1069 = arith.constant 704 : index
      %get3A_1070 = tpu.vector_load %arg10[%get3A_1068, %get3A_1069] {strides = array<i32>} : memref<32x768xf32, #tpu.memory_space<vmem>>, vector<1x16xf32>,
      %get3A_1071 = vector.shape_cast %get3A_1070 : vector<1x16xf32> to vector<16xf32>
      %mul3A_1072 = arith.mulf %get3A_89, %get3A_1071 : vector<16xf32>
      %add3A_1073 = arith.addf %add3A_1067, %mul3A_1072 : vector<16xf32>
      %swap3A_1074 = arith.index_cast %scan3A_76 : i32 to index
      %swap3A_1075 = arith.constant 704 : index
      %swap3A_1076 = tpu.vector_load %arg8[%swap3A_1074, %swap3A_1075] {strides = array<i32>} : memref<32x768xf32, #tpu.memory_space<vmem>>, vector<1x16xf32>,
      %swap3A_1077 = vector.shape_cast %swap3A_1076 : vector<1x16xf32> to vector<16xf32>
      %swap3A_1078 = vector.shape_cast %add3A_1073 : vector<16xf32> to vector<1x16xf32>
      tpu.vector_store %arg8[%swap3A_1074, %swap3A_1075], %swap3A_1078 {strides = array<i32>} : memref<32x768xf32, #tpu.memory_space<vmem>>, vector<1x16xf32>,
      %get3A_1079 = arith.index_cast %scan3A_76 : i32 to index
      %get3A_1080 = arith.constant 720 : index
      %get3A_1081 = tpu.vector_load %arg8[%get3A_1079, %get3A_1080] {strides = array<i32>} : memref<32x768xf32, #tpu.memory_space<vmem>>, vector<1x16xf32>,
      %get3A_1082 = vector.shape_cast %get3A_1081 : vector<1x16xf32> to vector<16xf32>
      %mul3A_1083 = arith.mulf %get3A_81, %get3A_1082 : vector<16xf32>
      %get3A_1084 = arith.index_cast %scan3A_76 : i32 to index
      %get3A_1085 = arith.constant 720 : index
      %get3A_1086 = tpu.vector_load %arg9[%get3A_1084, %get3A_1085] {strides = array<i32>} : memref<32x768xf32, #tpu.memory_space<vmem>>, vector<1x16xf32>,
      %get3A_1087 = vector.shape_cast %get3A_1086 : vector<1x16xf32> to vector<16xf32>
      %mul3A_1088 = arith.mulf %get3A_85, %get3A_1087 : vector<16xf32>
      %add3A_1089 = arith.addf %mul3A_1083, %mul3A_1088 : vector<16xf32>
      %get3A_1090 = arith.index_cast %scan3A_76 : i32 to index
      %get3A_1091 = arith.constant 720 : index
      %get3A_1092 = tpu.vector_load %arg10[%get3A_1090, %get3A_1091] {strides = array<i32>} : memref<32x768xf32, #tpu.memory_space<vmem>>, vector<1x16xf32>,
      %get3A_1093 = vector.shape_cast %get3A_1092 : vector<1x16xf32> to vector<16xf32>
      %mul3A_1094 = arith.mulf %get3A_89, %get3A_1093 : vector<16xf32>
      %add3A_1095 = arith.addf %add3A_1089, %mul3A_1094 : vector<16xf32>
      %swap3A_1096 = arith.index_cast %scan3A_76 : i32 to index
      %swap3A_1097 = arith.constant 720 : index
      %swap3A_1098 = tpu.vector_load %arg8[%swap3A_1096, %swap3A_1097] {strides = array<i32>} : memref<32x768xf32, #tpu.memory_space<vmem>>, vector<1x16xf32>,
      %swap3A_1099 = vector.shape_cast %swap3A_1098 : vector<1x16xf32> to vector<16xf32>
      %swap3A_1100 = vector.shape_cast %add3A_1095 : vector<16xf32> to vector<1x16xf32>
      tpu.vector_store %arg8[%swap3A_1096, %swap3A_1097], %swap3A_1100 {strides = array<i32>} : memref<32x768xf32, #tpu.memory_space<vmem>>, vector<1x16xf32>,
      %get3A_1101 = arith.index_cast %scan3A_76 : i32 to index
      %get3A_1102 = arith.constant 736 : index
      %get3A_1103 = tpu.vector_load %arg8[%get3A_1101, %get3A_1102] {strides = array<i32>} : memref<32x768xf32, #tpu.memory_space<vmem>>, vector<1x16xf32>,
      %get3A_1104 = vector.shape_cast %get3A_1103 : vector<1x16xf32> to vector<16xf32>
      %mul3A_1105 = arith.mulf %get3A_81, %get3A_1104 : vector<16xf32>
      %get3A_1106 = arith.index_cast %scan3A_76 : i32 to index
      %get3A_1107 = arith.constant 736 : index
      %get3A_1108 = tpu.vector_load %arg9[%get3A_1106, %get3A_1107] {strides = array<i32>} : memref<32x768xf32, #tpu.memory_space<vmem>>, vector<1x16xf32>,
      %get3A_1109 = vector.shape_cast %get3A_1108 : vector<1x16xf32> to vector<16xf32>
      %mul3A_1110 = arith.mulf %get3A_85, %get3A_1109 : vector<16xf32>
      %add3A_1111 = arith.addf %mul3A_1105, %mul3A_1110 : vector<16xf32>
      %get3A_1112 = arith.index_cast %scan3A_76 : i32 to index
      %get3A_1113 = arith.constant 736 : index
      %get3A_1114 = tpu.vector_load %arg10[%get3A_1112, %get3A_1113] {strides = array<i32>} : memref<32x768xf32, #tpu.memory_space<vmem>>, vector<1x16xf32>,
      %get3A_1115 = vector.shape_cast %get3A_1114 : vector<1x16xf32> to vector<16xf32>
      %mul3A_1116 = arith.mulf %get3A_89, %get3A_1115 : vector<16xf32>
      %add3A_1117 = arith.addf %add3A_1111, %mul3A_1116 : vector<16xf32>
      %swap3A_1118 = arith.index_cast %scan3A_76 : i32 to index
      %swap3A_1119 = arith.constant 736 : index
      %swap3A_1120 = tpu.vector_load %arg8[%swap3A_1118, %swap3A_1119] {strides = array<i32>} : memref<32x768xf32, #tpu.memory_space<vmem>>, vector<1x16xf32>,
      %swap3A_1121 = vector.shape_cast %swap3A_1120 : vector<1x16xf32> to vector<16xf32>
      %swap3A_1122 = vector.shape_cast %add3A_1117 : vector<16xf32> to vector<1x16xf32>
      tpu.vector_store %arg8[%swap3A_1118, %swap3A_1119], %swap3A_1122 {strides = array<i32>} : memref<32x768xf32, #tpu.memory_space<vmem>>, vector<1x16xf32>,
      %get3A_1123 = arith.index_cast %scan3A_76 : i32 to index
      %get3A_1124 = arith.constant 752 : index
      %get3A_1125 = tpu.vector_load %arg8[%get3A_1123, %get3A_1124] {strides = array<i32>} : memref<32x768xf32, #tpu.memory_space<vmem>>, vector<1x16xf32>,
      %get3A_1126 = vector.shape_cast %get3A_1125 : vector<1x16xf32> to vector<16xf32>
      %mul3A_1127 = arith.mulf %get3A_81, %get3A_1126 : vector<16xf32>
      %get3A_1128 = arith.index_cast %scan3A_76 : i32 to index
      %get3A_1129 = arith.constant 752 : index
      %get3A_1130 = tpu.vector_load %arg9[%get3A_1128, %get3A_1129] {strides = array<i32>} : memref<32x768xf32, #tpu.memory_space<vmem>>, vector<1x16xf32>,
      %get3A_1131 = vector.shape_cast %get3A_1130 : vector<1x16xf32> to vector<16xf32>
      %mul3A_1132 = arith.mulf %get3A_85, %get3A_1131 : vector<16xf32>
      %add3A_1133 = arith.addf %mul3A_1127, %mul3A_1132 : vector<16xf32>
      %get3A_1134 = arith.index_cast %scan3A_76 : i32 to index
      %get3A_1135 = arith.constant 752 : index
      %get3A_1136 = tpu.vector_load %arg10[%get3A_1134, %get3A_1135] {strides = array<i32>} : memref<32x768xf32, #tpu.memory_space<vmem>>, vector<1x16xf32>,
      %get3A_1137 = vector.shape_cast %get3A_1136 : vector<1x16xf32> to vector<16xf32>
      %mul3A_1138 = arith.mulf %get3A_89, %get3A_1137 : vector<16xf32>
      %add3A_1139 = arith.addf %add3A_1133, %mul3A_1138 : vector<16xf32>
      %swap3A_1140 = arith.index_cast %scan3A_76 : i32 to index
      %swap3A_1141 = arith.constant 752 : index
      %swap3A_1142 = tpu.vector_load %arg8[%swap3A_1140, %swap3A_1141] {strides = array<i32>} : memref<32x768xf32, #tpu.memory_space<vmem>>, vector<1x16xf32>,
      %swap3A_1143 = vector.shape_cast %swap3A_1142 : vector<1x16xf32> to vector<16xf32>
      %swap3A_1144 = vector.shape_cast %add3A_1139 : vector<16xf32> to vector<1x16xf32>
      tpu.vector_store %arg8[%swap3A_1140, %swap3A_1141], %swap3A_1144 {strides = array<i32>} : memref<32x768xf32, #tpu.memory_space<vmem>>, vector<1x16xf32>,
    }
    %scan3A_73 = arith.constant 32 : i32
    %add3A_74 = arith.constant 32 : i32
    %add3A_75 = arith.addi %mul3A_2, %add3A_74 : i32
    "tpu.region"() ({
      %run_scoped3A = tpu.sem_alloc : memref<!tpu.dma_semaphore, #tpu.memory_space<semaphore_mem>>
      %dma_start3A_76 = arith.constant 0 : i32
      %dma_start3A_77 = tpu.memref_slice %arg6[%add3A_75, %dma_start3A_76] : memref<2048x768xf32, #tpu.memory_space<hbm>> -> memref<32x768xf32, #tpu.memory_space<hbm>>
      %dma_start3A_78 = arith.constant 0 : i32
      %dma_start3A_79 = tpu.memref_slice %arg6[%add3A_75, %dma_start3A_78] : memref<2048x768xf32, #tpu.memory_space<hbm>> -> memref<32x768xf32, #tpu.memory_space<hbm>>
      tpu.enqueue_dma source(%arg8 : memref<32x768xf32, #tpu.memory_space<vmem>>) target(%dma_start3A_79 : memref<32x768xf32, #tpu.memory_space<hbm>>) target_semaphore(%run_scoped3A : memref<!tpu.dma_semaphore, #tpu.memory_space<semaphore_mem>>)
      %dma_wait3A_80 = arith.constant 0 : i32
      %dma_wait3A_81 = tpu.memref_slice %arg6[%add3A_75, %dma_wait3A_80] : memref<2048x768xf32, #tpu.memory_space<hbm>> -> memref<32x768xf32, #tpu.memory_space<hbm>>
      %dma_wait3A_82 = arith.constant 0 : i32
      %dma_wait3A_83 = tpu.memref_slice %arg6[%add3A_75, %dma_wait3A_82] : memref<2048x768xf32, #tpu.memory_space<hbm>> -> memref<32x768xf32, #tpu.memory_space<hbm>>
      tpu.wait_dma2 semaphore(%run_scoped3A : memref<!tpu.dma_semaphore, #tpu.memory_space<semaphore_mem>>) src(%arg8 : memref<32x768xf32, #tpu.memory_space<vmem>>) dst(%dma_wait3A_83 : memref<32x768xf32, #tpu.memory_space<hbm>>)
      tpu.yield
    }) : () -> ()
    return
  }
}

#map = affine_map<(d0, d1) -> (0, 0)>
module attributes {stable_mosaic.version = 14 : i64} {
  func.func @_sc_scatter(%arg0: i32, %arg1: i32, %arg2: memref<2048x768xf32, #tpu.memory_space<hbm>>, %arg3: memref<32x128xi32, #tpu.memory_space<hbm>>, %arg4: memref<7680x768xf32, #tpu.memory_space<hbm>>, %arg5: memref<1x128xi32, #tpu.memory_space<vmem>>, %arg6: memref<64x768xf32, #tpu.memory_space<vmem>>, %arg7: memref<!tpu.dma_semaphore, #tpu.memory_space<semaphore_mem>>) attributes {dimension_semantics = [#tpu.dimension_semantics<core_parallel>, #tpu.dimension_semantics<subcore_parallel>], iteration_bounds = array<i64: 2, 16>, scalar_prefetch = 0 : i64, scratch_operands = 3 : i64, tpu.core_type = #tpu.core_type<sc_vector_subcore>, window_params = [{transform_indices = #map}, {transform_indices = #map}, {transform_indices = #map}]} {
    %mul3A = arith.constant 2 : i32
    %mul3A_0 = arith.muli %arg1, %mul3A : i32
    %add3A = arith.addi %mul3A_0, %arg0 : i32
    %mul3A_1 = arith.constant 64 : i32
    %mul3A_2 = arith.muli %add3A, %mul3A_1 : i32
    %dma_start3A = arith.constant 0 : i32
    %dma_start3A_3 = tpu.memref_slice %arg3[%add3A, %dma_start3A] : memref<32x128xi32, #tpu.memory_space<hbm>> -> memref<1x128xi32, #tpu.memory_space<hbm>>
    %dma_start3A_4 = arith.constant 0 : i32
    %dma_start3A_5 = tpu.memref_slice %arg3[%add3A, %dma_start3A_4] : memref<32x128xi32, #tpu.memory_space<hbm>> -> memref<1x128xi32, #tpu.memory_space<hbm>>
    tpu.enqueue_dma source(%dma_start3A_5 : memref<1x128xi32, #tpu.memory_space<hbm>>) target(%arg5 : memref<1x128xi32, #tpu.memory_space<vmem>>) target_semaphore(%arg7 : memref<!tpu.dma_semaphore, #tpu.memory_space<semaphore_mem>>)
    %dma_start3A_6 = arith.constant 0 : i32
    %dma_start3A_7 = tpu.memref_slice %arg2[%mul3A_2, %dma_start3A_6] : memref<2048x768xf32, #tpu.memory_space<hbm>> -> memref<64x768xf32, #tpu.memory_space<hbm>>
    %dma_start3A_8 = arith.constant 0 : i32
    %dma_start3A_9 = tpu.memref_slice %arg2[%mul3A_2, %dma_start3A_8] : memref<2048x768xf32, #tpu.memory_space<hbm>> -> memref<64x768xf32, #tpu.memory_space<hbm>>
    tpu.enqueue_dma source(%dma_start3A_9 : memref<64x768xf32, #tpu.memory_space<hbm>>) target(%arg6 : memref<64x768xf32, #tpu.memory_space<vmem>>) target_semaphore(%arg7 : memref<!tpu.dma_semaphore, #tpu.memory_space<semaphore_mem>>)
    %dma_wait3A = arith.constant 0 : i32
    %dma_wait3A_10 = tpu.memref_slice %arg3[%add3A, %dma_wait3A] : memref<32x128xi32, #tpu.memory_space<hbm>> -> memref<1x128xi32, #tpu.memory_space<hbm>>
    %dma_wait3A_11 = arith.constant 0 : i32
    %dma_wait3A_12 = tpu.memref_slice %arg3[%add3A, %dma_wait3A_11] : memref<32x128xi32, #tpu.memory_space<hbm>> -> memref<1x128xi32, #tpu.memory_space<hbm>>
    tpu.wait_dma2 semaphore(%arg7 : memref<!tpu.dma_semaphore, #tpu.memory_space<semaphore_mem>>) src(%dma_wait3A_12 : memref<1x128xi32, #tpu.memory_space<hbm>>) dst(%arg5 : memref<1x128xi32, #tpu.memory_space<vmem>>)
    %dma_wait3A_13 = arith.constant 0 : i32
    %dma_wait3A_14 = tpu.memref_slice %arg2[%mul3A_2, %dma_wait3A_13] : memref<2048x768xf32, #tpu.memory_space<hbm>> -> memref<64x768xf32, #tpu.memory_space<hbm>>
    %dma_wait3A_15 = arith.constant 0 : i32
    %dma_wait3A_16 = tpu.memref_slice %arg2[%mul3A_2, %dma_wait3A_15] : memref<2048x768xf32, #tpu.memory_space<hbm>> -> memref<64x768xf32, #tpu.memory_space<hbm>>
    tpu.wait_dma2 semaphore(%arg7 : memref<!tpu.dma_semaphore, #tpu.memory_space<semaphore_mem>>) src(%dma_wait3A_16 : memref<64x768xf32, #tpu.memory_space<hbm>>) dst(%arg6 : memref<64x768xf32, #tpu.memory_space<vmem>>)
    %dma_start3A_17 = arith.constant 0 : i32
    %dma_start3A_18 = arith.constant 0 : i32
    %dma_start3A_19 = tpu.memref_slice %arg5[%dma_start3A_17, %dma_start3A_18] : memref<1x128xi32, #tpu.memory_space<vmem>> -> memref<1x64xi32, #tpu.memory_space<vmem>>
    %dma_start3A_20 = tpu.memref_squeeze %dma_start3A_19 : memref<1x64xi32, #tpu.memory_space<vmem>> -> memref<64xi32, #tpu.memory_space<vmem>>
    %dma_start3A_21 = arith.constant 0 : i32
    %dma_start3A_22 = arith.constant 0 : i32
    %dma_start3A_23 = tpu.memref_slice %arg4[%dma_start3A_21, %dma_start3A_22] : memref<7680x768xf32, #tpu.memory_space<hbm>> -> memref<7680x768xf32, #tpu.memory_space<hbm>>
    tpu.enqueue_indirect_dma source(%arg6 : memref<64x768xf32, #tpu.memory_space<vmem>>) target(%dma_start3A_23 : memref<7680x768xf32, #tpu.memory_space<hbm>>) offsets(%dma_start3A_20 : memref<64xi32, #tpu.memory_space<vmem>>) semaphore(%arg7 : memref<!tpu.dma_semaphore, #tpu.memory_space<semaphore_mem>>)
    %dma_start3A_24 = arith.constant 0 : i32
    %dma_start3A_25 = arith.constant 64 : i32
    %dma_start3A_26 = tpu.memref_slice %arg5[%dma_start3A_24, %dma_start3A_25] : memref<1x128xi32, #tpu.memory_space<vmem>> -> memref<1x64xi32, #tpu.memory_space<vmem>>
    %dma_start3A_27 = tpu.memref_squeeze %dma_start3A_26 : memref<1x64xi32, #tpu.memory_space<vmem>> -> memref<64xi32, #tpu.memory_space<vmem>>
    %dma_start3A_28 = arith.constant 0 : i32
    %dma_start3A_29 = arith.constant 0 : i32
    %dma_start3A_30 = tpu.memref_slice %arg4[%dma_start3A_28, %dma_start3A_29] : memref<7680x768xf32, #tpu.memory_space<hbm>> -> memref<7680x768xf32, #tpu.memory_space<hbm>>
    tpu.enqueue_indirect_dma source(%arg6 : memref<64x768xf32, #tpu.memory_space<vmem>>) target(%dma_start3A_30 : memref<7680x768xf32, #tpu.memory_space<hbm>>) offsets(%dma_start3A_27 : memref<64xi32, #tpu.memory_space<vmem>>) semaphore(%arg7 : memref<!tpu.dma_semaphore, #tpu.memory_space<semaphore_mem>>)
    %dma_wait3A_31 = arith.constant 0 : i32
    %dma_wait3A_32 = arith.constant 0 : i32
    %dma_wait3A_33 = tpu.memref_slice %arg5[%dma_wait3A_31, %dma_wait3A_32] : memref<1x128xi32, #tpu.memory_space<vmem>> -> memref<1x64xi32, #tpu.memory_space<vmem>>
    %dma_wait3A_34 = tpu.memref_squeeze %dma_wait3A_33 : memref<1x64xi32, #tpu.memory_space<vmem>> -> memref<64xi32, #tpu.memory_space<vmem>>
    %dma_wait3A_35 = arith.constant 0 : i32
    %dma_wait3A_36 = arith.constant 0 : i32
    %dma_wait3A_37 = tpu.memref_slice %arg4[%dma_wait3A_35, %dma_wait3A_36] : memref<7680x768xf32, #tpu.memory_space<hbm>> -> memref<7680x768xf32, #tpu.memory_space<hbm>>
    tpu.wait_indirect_dma semaphore(%arg7 : memref<!tpu.dma_semaphore, #tpu.memory_space<semaphore_mem>>) src(%arg6 : memref<64x768xf32, #tpu.memory_space<vmem>>) dst(%dma_wait3A_37 : memref<7680x768xf32, #tpu.memory_space<hbm>>)
    %dma_wait3A_38 = arith.constant 0 : i32
    %dma_wait3A_39 = arith.constant 64 : i32
    %dma_wait3A_40 = tpu.memref_slice %arg5[%dma_wait3A_38, %dma_wait3A_39] : memref<1x128xi32, #tpu.memory_space<vmem>> -> memref<1x64xi32, #tpu.memory_space<vmem>>
    %dma_wait3A_41 = tpu.memref_squeeze %dma_wait3A_40 : memref<1x64xi32, #tpu.memory_space<vmem>> -> memref<64xi32, #tpu.memory_space<vmem>>
    %dma_wait3A_42 = arith.constant 0 : i32
    %dma_wait3A_43 = arith.constant 0 : i32
    %dma_wait3A_44 = tpu.memref_slice %arg4[%dma_wait3A_42, %dma_wait3A_43] : memref<7680x768xf32, #tpu.memory_space<hbm>> -> memref<7680x768xf32, #tpu.memory_space<hbm>>
    tpu.wait_indirect_dma semaphore(%arg7 : memref<!tpu.dma_semaphore, #tpu.memory_space<semaphore_mem>>) src(%arg6 : memref<64x768xf32, #tpu.memory_space<vmem>>) dst(%dma_wait3A_44 : memref<7680x768xf32, #tpu.memory_space<hbm>>)
    return
  }
}

module attributes {stable_mosaic.version = 14 : i64} {
  func.func @_ffn_body(%arg0: i32, %arg1: memref<15xi32, #tpu.memory_space<smem>>, %arg2: memref<512x768xf32, #tpu.memory_space<vmem>>, %arg3: memref<8x768xf32, #tpu.memory_space<vmem>>, %arg4: memref<8x768xf32, #tpu.memory_space<vmem>>, %arg5: memref<1x1024x768xf32, #tpu.memory_space<vmem>>, %arg6: memref<8x1024xf32, #tpu.memory_space<vmem>>, %arg7: memref<1x768x1024xf32, #tpu.memory_space<vmem>>, %arg8: memref<8x768xf32, #tpu.memory_space<vmem>>, %arg9: memref<512x768xf32, #tpu.memory_space<vmem>>) attributes {dimension_semantics = [#tpu.dimension_semantics<arbitrary>], iteration_bounds = array<i64: 15>, scalar_prefetch = 1 : i64, scratch_operands = 0 : i64, tpu.core_type = #tpu.core_type<tc>, window_params = [{transform_indices = @transform_0, window_bounds = array<i64: 512, 768>}, {pipeline_mode = #tpu.pipeline_mode<synchronous>, transform_indices = @transform_1, window_bounds = array<i64: 8, 768>}, {pipeline_mode = #tpu.pipeline_mode<synchronous>, transform_indices = @transform_2, window_bounds = array<i64: 8, 768>}, {transform_indices = @transform_3, window_bounds = array<i64: 1, 1024, 768>}, {pipeline_mode = #tpu.pipeline_mode<synchronous>, transform_indices = @transform_4, window_bounds = array<i64: 8, 1024>}, {transform_indices = @transform_5, window_bounds = array<i64: 1, 768, 1024>}, {pipeline_mode = #tpu.pipeline_mode<synchronous>, transform_indices = @transform_6, window_bounds = array<i64: 8, 768>}, {transform_indices = @transform_7, window_bounds = array<i64: 512, 768>}]} {
    %get3A = arith.index_cast %arg0 : i32 to index
    %get3A_0 = memref.load %arg1[%get3A] : memref<15xi32, #tpu.memory_space<smem>>
    %get3A_1 = arith.index_cast %get3A_0 : i32 to index
    %get3A_2 = arith.constant 0 : index
    %get3A_3 = vector.load %arg3[%get3A_1, %get3A_2] : memref<8x768xf32, #tpu.memory_space<vmem>>, vector<1x768xf32>
    %get3A_4 = arith.index_cast %get3A_0 : i32 to index
    %get3A_5 = arith.constant 0 : index
    %get3A_6 = vector.load %arg4[%get3A_4, %get3A_5] : memref<8x768xf32, #tpu.memory_space<vmem>>, vector<1x768xf32>
    %get3A_7 = arith.index_cast %get3A_0 : i32 to index
    %get3A_8 = arith.constant 0 : index
    %get3A_9 = vector.load %arg6[%get3A_7, %get3A_8] : memref<8x1024xf32, #tpu.memory_space<vmem>>, vector<1x1024xf32>
    %get3A_10 = arith.index_cast %get3A_0 : i32 to index
    %get3A_11 = arith.constant 0 : index
    %get3A_12 = vector.load %arg8[%get3A_10, %get3A_11] : memref<8x768xf32, #tpu.memory_space<vmem>>, vector<1x768xf32>
    %get3A_13 = arith.constant 0 : index
    %get3A_14 = arith.constant 0 : index
    %get3A_15 = vector.load %arg2[%get3A_13, %get3A_14] : memref<512x768xf32, #tpu.memory_space<vmem>>, vector<512x768xf32>
    %reduce_sum3A = arith.constant dense<0.000000e+00> : vector<512xf32>
    %reduce_sum3A_16 = vector.multi_reduction <add>, %get3A_15, %reduce_sum3A [1] : vector<512x768xf32> to vector<512xf32>
    %broadcast_in_dim3A = vector.shape_cast %reduce_sum3A_16 : vector<512xf32> to vector<512x1xf32>
    %div3A = arith.constant 7.680000e+02 : f32
    %div3A_17 = vector.broadcast %div3A : f32 to vector<512x1xf32>
    %div3A_18 = arith.divf %broadcast_in_dim3A, %div3A_17 : vector<512x1xf32>
    %sub3A = vector.broadcast %div3A_18 : vector<512x1xf32> to vector<512x768xf32>
    %sub3A_19 = arith.subf %get3A_15, %sub3A : vector<512x768xf32>
    %integer_pow3A = arith.mulf %sub3A_19, %sub3A_19 : vector<512x768xf32>
    %reduce_sum3A_20 = arith.constant dense<0.000000e+00> : vector<512xf32>
    %reduce_sum3A_21 = vector.multi_reduction <add>, %integer_pow3A, %reduce_sum3A_20 [1] : vector<512x768xf32> to vector<512xf32>
    %broadcast_in_dim3A_22 = vector.shape_cast %reduce_sum3A_21 : vector<512xf32> to vector<512x1xf32>
    %div3A_23 = arith.constant 7.680000e+02 : f32
    %div3A_24 = vector.broadcast %div3A_23 : f32 to vector<512x1xf32>
    %div3A_25 = arith.divf %broadcast_in_dim3A_22, %div3A_24 : vector<512x1xf32>
    %sub3A_26 = vector.broadcast %div3A_18 : vector<512x1xf32> to vector<512x768xf32>
    %sub3A_27 = arith.subf %get3A_15, %sub3A_26 : vector<512x768xf32>
    %add3A = arith.constant 9.99999997E-7 : f32
    %add3A_28 = vector.broadcast %add3A : f32 to vector<512x1xf32>
    %add3A_29 = arith.addf %div3A_25, %add3A_28 : vector<512x1xf32>
    %rsqrt3A = math.rsqrt %add3A_29 : vector<512x1xf32>
    %mul3A = vector.broadcast %rsqrt3A : vector<512x1xf32> to vector<512x768xf32>
    %mul3A_30 = arith.mulf %sub3A_27, %mul3A : vector<512x768xf32>
    %mul3A_31 = vector.broadcast %get3A_3 : vector<1x768xf32> to vector<512x768xf32>
    %mul3A_32 = arith.mulf %mul3A_30, %mul3A_31 : vector<512x768xf32>
    %add3A_33 = vector.broadcast %get3A_6 : vector<1x768xf32> to vector<512x768xf32>
    %add3A_34 = arith.addf %mul3A_32, %add3A_33 : vector<512x768xf32>
    %convert_element_type3A = arith.truncf %add3A_34 : vector<512x768xf32> to vector<512x768xbf16>
    %get3A_35 = arith.constant 0 : index
    %get3A_36 = arith.constant 0 : index
    %get3A_37 = arith.constant 0 : index
    %get3A_38 = vector.load %arg5[%get3A_35, %get3A_36, %get3A_37] : memref<1x1024x768xf32, #tpu.memory_space<vmem>>, vector<1x1024x768xf32>
    %get3A_39 = vector.shape_cast %get3A_38 : vector<1x1024x768xf32> to vector<1024x768xf32>
    %convert_element_type3A_40 = arith.truncf %get3A_39 : vector<1024x768xf32> to vector<1024x768xbf16>
    %dot_general3A = arith.constant dense<0.000000e+00> : vector<512x1024xf32>
    %dot_general3A_41 = tpu.matmul %convert_element_type3A, %convert_element_type3A_40, %dot_general3A {dimension_numbers = #tpu.dot_dimension_numbers<[1], [1], [0], [0], [0, 0, 1, 0], [], []>, transpose_lhs_hint = false} : vector<512x768xbf16>, vector<1024x768xbf16>, vector<512x1024xf32> -> vector<512x1024xf32>
    %add3A_42 = vector.broadcast %get3A_9 : vector<1x1024xf32> to vector<512x1024xf32>
    %add3A_43 = arith.addf %dot_general3A_41, %add3A_42 : vector<512x1024xf32>
    %max3A = arith.constant 0.000000e+00 : f32
    %max3A_44 = vector.broadcast %max3A : f32 to vector<512x1024xf32>
    %max3A_45 = arith.maximumf %add3A_43, %max3A_44 : vector<512x1024xf32>
    %convert_element_type3A_46 = arith.truncf %max3A_45 : vector<512x1024xf32> to vector<512x1024xbf16>
    %get3A_47 = arith.constant 0 : index
    %get3A_48 = arith.constant 0 : index
    %get3A_49 = arith.constant 0 : index
    %get3A_50 = vector.load %arg7[%get3A_47, %get3A_48, %get3A_49] : memref<1x768x1024xf32, #tpu.memory_space<vmem>>, vector<1x768x1024xf32>
    %get3A_51 = vector.shape_cast %get3A_50 : vector<1x768x1024xf32> to vector<768x1024xf32>
    %convert_element_type3A_52 = arith.truncf %get3A_51 : vector<768x1024xf32> to vector<768x1024xbf16>
    %dot_general3A_53 = arith.constant dense<0.000000e+00> : vector<512x768xf32>
    %dot_general3A_54 = tpu.matmul %convert_element_type3A_46, %convert_element_type3A_52, %dot_general3A_53 {dimension_numbers = #tpu.dot_dimension_numbers<[1], [1], [0], [0], [0, 0, 1, 0], [], []>, transpose_lhs_hint = false} : vector<512x1024xbf16>, vector<768x1024xbf16>, vector<512x768xf32> -> vector<512x768xf32>
    %add3A_55 = vector.broadcast %get3A_12 : vector<1x768xf32> to vector<512x768xf32>
    %add3A_56 = arith.addf %dot_general3A_54, %add3A_55 : vector<512x768xf32>
    %swap3A = arith.constant 0 : index
    %swap3A_57 = arith.constant 0 : index
    %swap3A_58 = vector.load %arg9[%swap3A, %swap3A_57] : memref<512x768xf32, #tpu.memory_space<vmem>>, vector<512x768xf32>
    tpu.vector_store %arg9[%swap3A, %swap3A_57], %add3A_56 {strides = array<i32>} : memref<512x768xf32, #tpu.memory_space<vmem>>, vector<512x768xf32>,
    return
  }
  func.func @transform_0(%arg0: i32, %arg1: memref<15xi32, #tpu.memory_space<smem>>) -> (i32, i32) {
    %c0_i32 = arith.constant 0 : i32
    %c0_i32_0 = arith.constant 0 : i32
    return %arg0, %c0_i32 : i32, i32
  }
  func.func @transform_1(%arg0: i32, %arg1: memref<15xi32, #tpu.memory_space<smem>>) -> (i32, i32) {
    %c0_i32 = arith.constant 0 : i32
    %c0_i32_0 = arith.constant 0 : i32
    %c0_i32_1 = arith.constant 0 : i32
    return %c0_i32, %c0_i32_0 : i32, i32
  }
  func.func @transform_2(%arg0: i32, %arg1: memref<15xi32, #tpu.memory_space<smem>>) -> (i32, i32) {
    %c0_i32 = arith.constant 0 : i32
    %c0_i32_0 = arith.constant 0 : i32
    %c0_i32_1 = arith.constant 0 : i32
    return %c0_i32, %c0_i32_0 : i32, i32
  }
  func.func @transform_3(%arg0: i32, %arg1: memref<15xi32, #tpu.memory_space<smem>>) -> (i32, i32, i32) {
    %get3A = arith.index_cast %arg0 : i32 to index
    %get3A_0 = memref.load %arg1[%get3A] : memref<15xi32, #tpu.memory_space<smem>>
    %c0_i32 = arith.constant 0 : i32
    %c0_i32_1 = arith.constant 0 : i32
    %c0_i32_2 = arith.constant 0 : i32
    return %get3A_0, %c0_i32, %c0_i32_1 : i32, i32, i32
  }
  func.func @transform_4(%arg0: i32, %arg1: memref<15xi32, #tpu.memory_space<smem>>) -> (i32, i32) {
    %c0_i32 = arith.constant 0 : i32
    %c0_i32_0 = arith.constant 0 : i32
    %c0_i32_1 = arith.constant 0 : i32
    return %c0_i32, %c0_i32_0 : i32, i32
  }
  func.func @transform_5(%arg0: i32, %arg1: memref<15xi32, #tpu.memory_space<smem>>) -> (i32, i32, i32) {
    %get3A = arith.index_cast %arg0 : i32 to index
    %get3A_0 = memref.load %arg1[%get3A] : memref<15xi32, #tpu.memory_space<smem>>
    %c0_i32 = arith.constant 0 : i32
    %c0_i32_1 = arith.constant 0 : i32
    %c0_i32_2 = arith.constant 0 : i32
    return %get3A_0, %c0_i32, %c0_i32_1 : i32, i32, i32
  }
  func.func @transform_6(%arg0: i32, %arg1: memref<15xi32, #tpu.memory_space<smem>>) -> (i32, i32) {
    %c0_i32 = arith.constant 0 : i32
    %c0_i32_0 = arith.constant 0 : i32
    %c0_i32_1 = arith.constant 0 : i32
    return %c0_i32, %c0_i32_0 : i32, i32
  }
  func.func @transform_7(%arg0: i32, %arg1: memref<15xi32, #tpu.memory_space<smem>>) -> (i32, i32) {
    %c0_i32 = arith.constant 0 : i32
    %c0_i32_0 = arith.constant 0 : i32
    return %arg0, %c0_i32 : i32, i32
  }
}

module attributes {stable_mosaic.version = 14 : i64} {
  func.func @_router_body(%arg0: memref<2048x768xf32, #tpu.memory_space<vmem>>, %arg1: memref<8x768xf32, #tpu.memory_space<vmem>>, %arg2: memref<32x128xi32, #tpu.memory_space<vmem>>, %arg3: memref<2048x48xf32, #tpu.memory_space<vmem>>, %arg4: memref<1x8xi32, #tpu.memory_space<vmem>>, %arg5: memref<1x1xf32, #tpu.memory_space<vmem>>) attributes {dimension_semantics = [], scalar_prefetch = 0 : i64, scratch_operands = 0 : i64, tpu.core_type = #tpu.core_type<tc>} {
    %get3A = arith.constant 0 : index
    %get3A_0 = arith.constant 0 : index
    %get3A_1 = vector.load %arg0[%get3A, %get3A_0] : memref<2048x768xf32, #tpu.memory_space<vmem>>, vector<2048x768xf32>
    %get3A_2 = arith.constant 0 : index
    %get3A_3 = arith.constant 0 : index
    %get3A_4 = vector.load %arg1[%get3A_2, %get3A_3] : memref<8x768xf32, #tpu.memory_space<vmem>>, vector<8x768xf32>
    %dot_general3A = arith.constant dense<0.000000e+00> : vector<2048x8xf32>
    %dot_general3A_5 = tpu.matmul %get3A_1, %get3A_4, %dot_general3A {dimension_numbers = #tpu.dot_dimension_numbers<[1], [1], [0], [0], [0, 0, 1, 0], [], []>, transpose_lhs_hint = false} : vector<2048x768xf32>, vector<8x768xf32>, vector<2048x8xf32> -> vector<2048x8xf32>
    %reduce_max3A = arith.constant dense<0xFF800000> : vector<2048xf32>
    %reduce_max3A_6 = vector.multi_reduction <maximumf>, %dot_general3A_5, %reduce_max3A [1] : vector<2048x8xf32> to vector<2048xf32>
    %broadcast_in_dim3A = vector.shape_cast %reduce_max3A_6 : vector<2048xf32> to vector<2048x1xf32>
    %sub3A = vector.broadcast %broadcast_in_dim3A : vector<2048x1xf32> to vector<2048x8xf32>
    %sub3A_7 = arith.subf %dot_general3A_5, %sub3A : vector<2048x8xf32>
    %exp3A = math.exp %sub3A_7 : vector<2048x8xf32>
    %reduce_sum3A = arith.constant dense<0.000000e+00> : vector<2048xf32>
    %reduce_sum3A_8 = vector.multi_reduction <add>, %exp3A, %reduce_sum3A [1] : vector<2048x8xf32> to vector<2048xf32>
    %broadcast_in_dim3A_9 = vector.shape_cast %reduce_sum3A_8 : vector<2048xf32> to vector<2048x1xf32>
    %div3A = vector.broadcast %broadcast_in_dim3A_9 : vector<2048x1xf32> to vector<2048x8xf32>
    %div3A_10 = arith.divf %exp3A, %div3A : vector<2048x8xf32>
    %iota3A = tpu.iota {dimensions = array<i32: 1>} : vector<2048x8xi32>
    %reduce_max3A_11 = arith.constant dense<0xFF800000> : vector<2048xf32>
    %reduce_max3A_12 = vector.multi_reduction <maximumf>, %div3A_10, %reduce_max3A_11 [1] : vector<2048x8xf32> to vector<2048xf32>
    %broadcast_in_dim3A_13 = vector.shape_cast %reduce_max3A_12 : vector<2048xf32> to vector<2048x1xf32>
    %eq3A = vector.broadcast %broadcast_in_dim3A_13 : vector<2048x1xf32> to vector<2048x8xf32>
    %eq3A_14 = arith.cmpf oeq, %div3A_10, %eq3A : vector<2048x8xf32>
    %jit3A = arith.constant 8 : i32
    %broadcast_in_dim3A_15 = vector.broadcast %jit3A : i32 to vector<2048x8xi32>
    %select_n3A = arith.select %eq3A_14, %iota3A, %broadcast_in_dim3A_15 : vector<2048x8xi1>, vector<2048x8xi32>
    %reduce_min3A = arith.constant dense<2147483647> : vector<2048xi32>
    %reduce_min3A_16 = vector.multi_reduction <minsi>, %select_n3A, %reduce_min3A [1] : vector<2048x8xi32> to vector<2048xi32>
    %broadcast_in_dim3A_17 = vector.shape_cast %reduce_min3A_16 : vector<2048xi32> to vector<2048x1xi32>
    %eq3A_18 = vector.broadcast %broadcast_in_dim3A_17 : vector<2048x1xi32> to vector<2048x8xi32>
    %eq3A_19 = arith.cmpi eq, %iota3A, %eq3A_18 : vector<2048x8xi32>
    %jit3A_20 = arith.constant -1.000000e+00 : f32
    %broadcast_in_dim3A_21 = vector.broadcast %jit3A_20 : f32 to vector<2048x8xf32>
    %select_n3A_22 = arith.select %eq3A_19, %broadcast_in_dim3A_21, %div3A_10 : vector<2048x8xi1>, vector<2048x8xf32>
    %reduce_max3A_23 = arith.constant dense<0xFF800000> : vector<2048xf32>
    %reduce_max3A_24 = vector.multi_reduction <maximumf>, %select_n3A_22, %reduce_max3A_23 [1] : vector<2048x8xf32> to vector<2048xf32>
    %broadcast_in_dim3A_25 = vector.shape_cast %reduce_max3A_24 : vector<2048xf32> to vector<2048x1xf32>
    %eq3A_26 = vector.broadcast %broadcast_in_dim3A_25 : vector<2048x1xf32> to vector<2048x8xf32>
    %eq3A_27 = arith.cmpf oeq, %select_n3A_22, %eq3A_26 : vector<2048x8xf32>
    %jit3A_28 = arith.constant 8 : i32
    %broadcast_in_dim3A_29 = vector.broadcast %jit3A_28 : i32 to vector<2048x8xi32>
    %select_n3A_30 = arith.select %eq3A_27, %iota3A, %broadcast_in_dim3A_29 : vector<2048x8xi1>, vector<2048x8xi32>
    %reduce_min3A_31 = arith.constant dense<2147483647> : vector<2048xi32>
    %reduce_min3A_32 = vector.multi_reduction <minsi>, %select_n3A_30, %reduce_min3A_31 [1] : vector<2048x8xi32> to vector<2048xi32>
    %broadcast_in_dim3A_33 = vector.shape_cast %reduce_min3A_32 : vector<2048xi32> to vector<2048x1xi32>
    %eq3A_34 = vector.broadcast %broadcast_in_dim3A_17 : vector<2048x1xi32> to vector<2048x8xi32>
    %eq3A_35 = arith.cmpi eq, %iota3A, %eq3A_34 : vector<2048x8xi32>
    %eq3A_36 = vector.broadcast %broadcast_in_dim3A_33 : vector<2048x1xi32> to vector<2048x8xi32>
    %eq3A_37 = arith.cmpi eq, %iota3A, %eq3A_36 : vector<2048x8xi32>
    %or3A = arith.ori %eq3A_35, %eq3A_37 : vector<2048x8xi1>
    %convert_element_type3A = arith.extui %or3A : vector<2048x8xi1> to vector<2048x8xi32>
    %convert_element_type3A_38 = arith.sitofp %convert_element_type3A : vector<2048x8xi32> to vector<2048x8xf32>
    %broadcast_in_dim3A_39 = vector.shape_cast %broadcast_in_dim3A_13 : vector<2048x1xf32> to vector<2048x1xf32>
    %broadcast_in_dim3A_40 = vector.broadcast %broadcast_in_dim3A_39 : vector<2048x1xf32> to vector<2048x16xf32>
    %broadcast_in_dim3A_41 = vector.shape_cast %broadcast_in_dim3A_25 : vector<2048x1xf32> to vector<2048x1xf32>
    %broadcast_in_dim3A_42 = vector.broadcast %broadcast_in_dim3A_41 : vector<2048x1xf32> to vector<2048x16xf32>
    %add3A = arith.addf %broadcast_in_dim3A_13, %broadcast_in_dim3A_25 : vector<2048x1xf32>
    %broadcast_in_dim3A_43 = vector.shape_cast %add3A : vector<2048x1xf32> to vector<2048x1xf32>
    %broadcast_in_dim3A_44 = vector.broadcast %broadcast_in_dim3A_43 : vector<2048x1xf32> to vector<2048x16xf32>
    %concatenate3A = tpu.concatenate %broadcast_in_dim3A_40, %broadcast_in_dim3A_42, %broadcast_in_dim3A_44 in 1 : vector<2048x16xf32>, vector<2048x16xf32>, vector<2048x16xf32> -> vector<2048x48xf32>
    %swap3A = arith.constant 0 : index
    %swap3A_45 = arith.constant 0 : index
    %swap3A_46 = vector.load %arg3[%swap3A, %swap3A_45] : memref<2048x48xf32, #tpu.memory_space<vmem>>, vector<2048x48xf32>
    tpu.vector_store %arg3[%swap3A, %swap3A_45], %concatenate3A {strides = array<i32>} : memref<2048x48xf32, #tpu.memory_space<vmem>>, vector<2048x48xf32>,
    %reduce_sum3A_47 = arith.constant dense<0.000000e+00> : vector<8xf32>
    %reduce_sum3A_48 = vector.multi_reduction <add>, %convert_element_type3A_38, %reduce_sum3A_47 [0] : vector<2048x8xf32> to vector<8xf32>
    %broadcast_in_dim3A_49 = vector.shape_cast %reduce_sum3A_48 : vector<8xf32> to vector<1x8xf32>
    %reduce_sum3A_50 = arith.constant dense<0.000000e+00> : vector<8xf32>
    %reduce_sum3A_51 = vector.multi_reduction <add>, %div3A_10, %reduce_sum3A_50 [0] : vector<2048x8xf32> to vector<8xf32>
    %broadcast_in_dim3A_52 = vector.shape_cast %reduce_sum3A_51 : vector<8xf32> to vector<1x8xf32>
    %mul3A = arith.mulf %broadcast_in_dim3A_49, %broadcast_in_dim3A_52 : vector<1x8xf32>
    %reduce_sum3A_53 = vector.shape_cast %mul3A : vector<1x8xf32> to vector<1x1x8xf32>
    %reduce_sum3A_54 = arith.constant dense<0.000000e+00> : vector<1xf32>
    %reduce_sum3A_55 = vector.multi_reduction <add>, %reduce_sum3A_53, %reduce_sum3A_54 [1, 2] : vector<1x1x8xf32> to vector<1xf32>
    %reduce_sum3A_56 = vector.shape_cast %reduce_sum3A_55 : vector<1xf32> to vector<1x1x1xf32>
    %reduce_sum3A_57 = vector.extract %reduce_sum3A_56[0, 0, 0] : f32 from vector<1x1x1xf32>
    %mul3A_58 = arith.constant 1.90734863E-6 : f32
    %mul3A_59 = arith.mulf %reduce_sum3A_57, %mul3A_58 : f32
    %broadcast_in_dim3A_60 = vector.broadcast %mul3A_59 : f32 to vector<1x1xf32>
    %swap3A_61 = arith.constant 0 : index
    %swap3A_62 = arith.constant 0 : index
    %swap3A_63 = vector.load %arg5[%swap3A_61, %swap3A_62] : memref<1x1xf32, #tpu.memory_space<vmem>>, vector<1x1xf32>
    tpu.vector_store %arg5[%swap3A_61, %swap3A_62], %broadcast_in_dim3A_60 {strides = array<i32>} : memref<1x1xf32, #tpu.memory_space<vmem>>, vector<1x1xf32>,
    %add3A_64 = arith.constant 5.110000e+02 : f32
    %add3A_65 = vector.broadcast %add3A_64 : f32 to vector<1x8xf32>
    %add3A_66 = arith.addf %broadcast_in_dim3A_49, %add3A_65 : vector<1x8xf32>
    %div3A_67 = arith.constant 5.120000e+02 : f32
    %div3A_68 = vector.broadcast %div3A_67 : f32 to vector<1x8xf32>
    %div3A_69 = arith.divf %add3A_66, %div3A_68 : vector<1x8xf32>
    %floor3A = math.floor %div3A_69 : vector<1x8xf32>
    %mul3A_70 = arith.constant 5.120000e+02 : f32
    %mul3A_71 = vector.broadcast %mul3A_70 : f32 to vector<1x8xf32>
    %mul3A_72 = arith.mulf %floor3A, %mul3A_71 : vector<1x8xf32>
    %iota3A_73 = tpu.iota {dimensions = array<i32: 0>} : vector<8x8xi32>
    %iota3A_74 = tpu.iota {dimensions = array<i32: 1>} : vector<8x8xi32>
    %lt3A = arith.cmpi slt, %iota3A_73, %iota3A_74 : vector<8x8xi32>
    %convert_element_type3A_75 = arith.extui %lt3A : vector<8x8xi1> to vector<8x8xi32>
    %convert_element_type3A_76 = arith.sitofp %convert_element_type3A_75 : vector<8x8xi32> to vector<8x8xf32>
    %dot_general3A_77 = arith.constant dense<0.000000e+00> : vector<1x8xf32>
    %dot_general3A_78 = tpu.matmul %mul3A_72, %convert_element_type3A_76, %dot_general3A_77 {dimension_numbers = #tpu.dot_dimension_numbers<[1], [0], [0], [1], [0, 0, 1, 1], [], []>, transpose_lhs_hint = false} : vector<1x8xf32>, vector<8x8xf32>, vector<1x8xf32> -> vector<1x8xf32>
    %convert_element_type3A_79 = arith.fptosi %dot_general3A_78 : vector<1x8xf32> to vector<1x8xi32>
    %swap3A_80 = arith.constant 0 : index
    %swap3A_81 = arith.constant 0 : index
    %swap3A_82 = vector.load %arg4[%swap3A_80, %swap3A_81] : memref<1x8xi32, #tpu.memory_space<vmem>>, vector<1x8xi32>
    tpu.vector_store %arg4[%swap3A_80, %swap3A_81], %convert_element_type3A_79 {strides = array<i32>} : memref<1x8xi32, #tpu.memory_space<vmem>>, vector<1x8xi32>,
    %iota3A_83 = tpu.iota {dimensions = array<i32: 1>} : vector<1x2048xi32>
    %iota3A_84 = tpu.iota {dimensions = array<i32: 0>} : vector<2048x1xi32>
    %lt3A_85 = vector.broadcast %iota3A_83 : vector<1x2048xi32> to vector<2048x2048xi32>
    %lt3A_86 = vector.broadcast %iota3A_84 : vector<2048x1xi32> to vector<2048x2048xi32>
    %lt3A_87 = arith.cmpi slt, %lt3A_85, %lt3A_86 : vector<2048x2048xi32>
    %convert_element_type3A_88 = arith.extui %lt3A_87 : vector<2048x2048xi1> to vector<2048x2048xi32>
    %convert_element_type3A_89 = arith.sitofp %convert_element_type3A_88 : vector<2048x2048xi32> to vector<2048x2048xf32>
    %convert_element_type3A_90 = arith.truncf %convert_element_type3A_89 : vector<2048x2048xf32> to vector<2048x2048xbf16>
    %convert_element_type3A_91 = arith.truncf %convert_element_type3A_38 : vector<2048x8xf32> to vector<2048x8xbf16>
    %dot_general3A_92 = arith.constant dense<0.000000e+00> : vector<2048x8xf32>
    %dot_general3A_93 = tpu.matmul %convert_element_type3A_90, %convert_element_type3A_91, %dot_general3A_92 {dimension_numbers = #tpu.dot_dimension_numbers<[1], [0], [0], [1], [0, 0, 1, 1], [], []>, transpose_lhs_hint = false} : vector<2048x2048xbf16>, vector<2048x8xbf16>, vector<2048x8xf32> -> vector<2048x8xf32>
    %add3A_94 = vector.broadcast %dot_general3A_78 : vector<1x8xf32> to vector<2048x8xf32>
    %add3A_95 = arith.addf %dot_general3A_93, %add3A_94 : vector<2048x8xf32>
    %eq3A_96 = vector.broadcast %broadcast_in_dim3A_17 : vector<2048x1xi32> to vector<2048x8xi32>
    %eq3A_97 = arith.cmpi eq, %iota3A, %eq3A_96 : vector<2048x8xi32>
    %jit3A_98 = arith.constant 0.000000e+00 : f32
    %broadcast_in_dim3A_99 = vector.broadcast %jit3A_98 : f32 to vector<2048x8xf32>
    %select_n3A_100 = arith.select %eq3A_97, %add3A_95, %broadcast_in_dim3A_99 : vector<2048x8xi1>, vector<2048x8xf32>
    %reduce_sum3A_101 = arith.constant dense<0.000000e+00> : vector<2048xf32>
    %reduce_sum3A_102 = vector.multi_reduction <add>, %select_n3A_100, %reduce_sum3A_101 [1] : vector<2048x8xf32> to vector<2048xf32>
    %broadcast_in_dim3A_103 = vector.shape_cast %reduce_sum3A_102 : vector<2048xf32> to vector<2048x1xf32>
    %eq3A_104 = vector.broadcast %broadcast_in_dim3A_33 : vector<2048x1xi32> to vector<2048x8xi32>
    %eq3A_105 = arith.cmpi eq, %iota3A, %eq3A_104 : vector<2048x8xi32>
    %jit3A_106 = arith.constant 0.000000e+00 : f32
    %broadcast_in_dim3A_107 = vector.broadcast %jit3A_106 : f32 to vector<2048x8xf32>
    %select_n3A_108 = arith.select %eq3A_105, %add3A_95, %broadcast_in_dim3A_107 : vector<2048x8xi1>, vector<2048x8xf32>
    %reduce_sum3A_109 = arith.constant dense<0.000000e+00> : vector<2048xf32>
    %reduce_sum3A_110 = vector.multi_reduction <add>, %select_n3A_108, %reduce_sum3A_109 [1] : vector<2048x8xf32> to vector<2048xf32>
    %broadcast_in_dim3A_111 = vector.shape_cast %reduce_sum3A_110 : vector<2048xf32> to vector<2048x1xf32>
    %convert_element_type3A_112 = arith.fptosi %broadcast_in_dim3A_103 : vector<2048x1xf32> to vector<2048x1xi32>
    %reshape3A = vector.shape_cast %convert_element_type3A_112 : vector<2048x1xi32> to vector<32x64xi32>
    %convert_element_type3A_113 = arith.fptosi %broadcast_in_dim3A_111 : vector<2048x1xf32> to vector<2048x1xi32>
    %reshape3A_114 = vector.shape_cast %convert_element_type3A_113 : vector<2048x1xi32> to vector<32x64xi32>
    %concatenate3A_115 = tpu.concatenate %reshape3A, %reshape3A_114 in 1 : vector<32x64xi32>, vector<32x64xi32> -> vector<32x128xi32>
    %swap3A_116 = arith.constant 0 : index
    %swap3A_117 = arith.constant 0 : index
    %swap3A_118 = vector.load %arg2[%swap3A_116, %swap3A_117] : memref<32x128xi32, #tpu.memory_space<vmem>>, vector<32x128xi32>
    tpu.vector_store %arg2[%swap3A_116, %swap3A_117], %concatenate3A_115 {strides = array<i32>} : memref<32x128xi32, #tpu.memory_space<vmem>>, vector<32x128xi32>,
    return
  }
}

</mosaic_0001>

<sc_bundles>
// kernel: kernel.6.cloned.1.call-start
scs
__scs_entry_jumppad:
0x0: {  	(pc) =	sbr.rel $0x88, $3  }
0x1: {  	(tag) =	ssettag $0x0;
	lr =	simm.s32 $0x1  }
0x2: {  	[smem:$0x3F99] =	sst lr;
	_ =	strace $0xD0000000  }
0x3: {  	_ = 	snop  }
0x4: {  	_ = 	snop  }
0x5: {  	_ = 	snop  }
0x6: {  	_ = 	snop  }
0x7: {  	_ = 	snop  }
__scs_overlays_trampoline_lowered:
0x8: {  	[smem:$0x3FA8] =	sst s0  }
0x9: {  	[smem:$0x3FA9] =	sst s1  }
0xa: {  	[smem:$0x3FAA] =	sst s2  }
0xb: {  	[smem:$0x3FAB] =	sst s3  }
0xc: {  	[smem:$0x3FAC] =	sst s4  }
0xd: {  	[smem:$0x3FAD] =	sst s5  }
0xe: {  	[smem:$0x3FAE] =	sst s6  }
0xf: {  	[smem:$0x3FAF] =	sst s7  }
0x10: {  	[smem:$0x3FB0] =	sst s8  }
0x11: {  	[smem:$0x3FB1] =	sst s9;
	s0 =	simm.s32 @!p0 $0x0  }
0x12: {  	s1 =	sld [smem:$0x3F97];
	s0 =	simm.s32 @p0 $0x1  }
0x13: {  	[smem:$0x3FB2] =	sst s0;
	s0 =	simm.s32 @!p1 $0x0  }
0x14: {  	s2 =	sld [smem:$0x3F96];
	s0 =	simm.s32 @p1 $0x1  }
0x15: {  	[smem:$0x3FB3] =	sst s0;
	s0 =	simm.s32 @!p2 $0x0  }
0x16: {  	s3 =	sld [smem:$0x3FDB];
	s0 =	simm.s32 @p2 $0x1  }
0x17: {  	s4 =	simm.s32 $0x1BF5;
	[smem:$0x3FB5] =	sst s0  }
0x18: {  	s0 =	sld [smem:$0x3F98];
	_ =	swait.ge [sflag:s4], $0x0  }
0x19: {  	s7 =	sld [smem:$0x3F99]  }
0x1a: {  	s8 =	sadd.s32 $0xFFFFE003, lr  }
0x1b: {  	s9 =	sadd.s32 $0xFFFFFEF7, lr;
	s5 =	simm.s32 $0xFFFFFFFF;
	p2 =	slt.u32 s8, $0xFFFFF086  }
0x1c: {  	p1 =	slt.u32 s9, $0xF7A;
	s5 =	simm.s32 @!p2 $0x0  }
0x1d: {  	s5 =	simm.s32 @p1 $0x1;
	p0 =	seq.s32 s7, s2  }
0x1e: {  	s7 =	smul.u32 @!p0 $0xF7A, s2;
	p2 =	seq.s32 @!p0 s5, $0x0  }
0x1f: {  	s9 =	smul.u32 $0xF7A, s1;
	s8 =	simm.s32 @!p0 $0x1BF5;
	p2 =	por !p2, p0  }
0x20: {  	[sflag:s8] =	ssyncset.s32 @!p0 $0xFFFFF086;
	s6 =	sadd.s32 @!p0 s3, s7;
	s7 =	simm.s32 @!p0 $0x108  }
0x21: {  	s3 =	sadd.s32 s3, s9;
	s6 =	sadd.s32 @!p0 $0x88, s6;
	s7 =	simm.s32 @p2 $0x1082  }
0x22: {  	[simem:s7], [sflag:s8] =	dma.local @!p0 [hbm:s6], $0xF7A  }
0x23: {  	s9 =	sor.u32 $0xD0000000, s2;
	s6 =	simm.s32 $0x108;
	_ =	swait.ge @!p0 [sflag:s8], $0x0  }
0x24: {  	s3 =	sadd.s32 $0x88, s3;
	s6 =	simm.s32 @!p1 $0x1082;
	[sflag:s4] =	ssyncset.s32 $0xFFFFF086  }
0x25: {  	[simem:s6], [sflag:s4] =	dma.local [hbm:s3], $0xF7A  }
0x26: {  	[smem:$0x3F99] =	sst s1;
	(tag) =	ssettag s2;
	_ =	strace s9  }
0x27: {  	s1 =	sld [smem:$0x3FA9]  }
0x28: {  	s2 =	sld [smem:$0x3FAA]  }
0x29: {  	s4 =	sld [smem:$0x3FAC]  }
0x2a: {  	p0 =	seq.s32 s5, $0x0;
	s5 =	sld [smem:$0x3FAD]  }
0x2b: {  	s6 =	sld [smem:$0x3FAE]  }
0x2c: {  	s7 =	sld [smem:$0x3FAF]  }
0x2d: {  	s3 =	simm.s32 $0x108;
	s8 =	sld [smem:$0x3FB0]  }
0x2e: {  	s3 =	simm.s32 @!p0 $0x1082;
	s9 =	sld [smem:$0x3FB1]  }
0x2f: {  	lr =	sadd.s32 s0, s3;
	s0 =	sld [smem:$0x3FA8]  }
0x30: {  	s3 =	sld [smem:$0x3FAB]  }
0x31: {  	[smem:$0x3FB4] =	sst s10  }
0x32: {  	s10 =	sld [smem:$0x3FB2];
	_ =	sdelay $0x3  }
0x33: {  	p0 =	seq.s32 s10, $0x1;
	s10 =	sld [smem:$0x3FB4];
	_ =	sdelay $0x3  }
0x34: {  	[smem:$0x3FB4] =	sst s10  }
0x35: {  	s10 =	sld [smem:$0x3FB3];
	_ =	sdelay $0x3  }
0x36: {  	p1 =	seq.s32 s10, $0x1;
	s10 =	sld [smem:$0x3FB4];
	_ =	sdelay $0x3  }
0x37: {  	[smem:$0x3FB4] =	sst s10  }
0x38: {  	s10 =	sld [smem:$0x3FB5]  }
0x39: {  	_ = 	snop;
	(pc) =	sbr.ind lr, $3  }
0x3a: {  	_ = 	snop  }
0x3b: {  	_ = 	snop  }
0x3c: {  	p2 =	seq.s32 s10, $0x1;
	s10 =	sld [smem:$0x3FB4]  }
0x3d: {  	_ =	shalt  }
0x3e: {  	_ =	shalt  }
0x3f: {  	_ =	shalt  }
0x40: {  	_ =	shalt  }
0x41: {  	_ =	shalt  }
0x42: {  	_ =	shalt  }
0x43: {  	_ =	shalt  }
0x44: {  	_ =	shalt  }
0x45: {  	_ =	shalt  }
0x46: {  	_ =	shalt  }
0x47: {  	_ =	shalt  }
0x48: {  	_ =	shalt  }
0x49: {  	_ =	shalt  }
0x4a: {  	_ =	shalt  }
0x4b: {  	_ =	shalt  }
0x4c: {  	_ =	shalt  }
0x4d: {  	_ =	shalt  }
0x4e: {  	_ =	shalt  }
0x4f: {  	_ =	shalt  }
0x50: {  	_ =	shalt  }
0x51: {  	_ =	shalt  }
0x52: {  	_ =	shalt  }
0x53: {  	_ =	shalt  }
0x54: {  	_ =	shalt  }
0x55: {  	_ =	shalt  }
0x56: {  	_ =	shalt  }
0x57: {  	_ =	shalt  }
0x58: {  	_ =	shalt  }
0x59: {  	_ =	shalt  }
0x5a: {  	_ =	shalt  }
0x5b: {  	_ =	shalt  }
0x5c: {  	_ =	shalt  }
0x5d: {  	_ =	shalt  }
0x5e: {  	_ =	shalt  }
0x5f: {  	_ =	shalt  }
0x60: {  	_ =	shalt  }
0x61: {  	_ =	shalt  }
0x62: {  	_ =	shalt  }
0x63: {  	_ =	shalt  }
0x64: {  	_ =	shalt  }
0x65: {  	_ =	shalt  }
0x66: {  	_ =	shalt  }
0x67: {  	_ =	shalt  }
0x68: {  	_ =	shalt  }
0x69: {  	_ =	shalt  }
0x6a: {  	_ =	shalt  }
0x6b: {  	_ =	shalt  }
0x6c: {  	_ =	shalt  }
0x6d: {  	_ =	shalt  }
0x6e: {  	_ =	shalt  }
0x6f: {  	_ =	shalt  }
0x70: {  	_ =	shalt  }
0x71: {  	_ =	shalt  }
0x72: {  	_ =	shalt  }
0x73: {  	_ =	shalt  }
0x74: {  	_ =	shalt  }
0x75: {  	_ =	shalt  }
0x76: {  	_ =	shalt  }
0x77: {  	_ =	shalt  }
0x78: {  	_ =	shalt  }
0x79: {  	_ =	shalt  }
0x7a: {  	_ =	shalt  }
0x7b: {  	_ =	shalt  }
0x7c: {  	_ =	shalt  }
0x7d: {  	_ =	shalt  }
0x7e: {  	_ =	shalt  }
0x7f: {  	_ =	shalt  }
0x80: {  	_ =	shalt  }
0x81: {  	_ =	shalt  }
0x82: {  	_ =	shalt  }
0x83: {  	_ =	shalt  }
0x84: {  	_ =	shalt  }
0x85: {  	_ =	shalt  }
0x86: {  	_ =	shalt  }
0x87: {  	_ =	shalt  }
.Lfunc_end0:
.L_simem_size_0:
called_computation_lowered:
.L_overlay_start_0:
0x88: {  	s2 =	sld [smem:$0x3FD9]  }
0x89: {  	s3 =	sld [smem:$0x3FFE];
	_ =	sdelay $0x1  }
0x8a: {  	s1 =	srdreg.scid  }
0x8b: {  	s0 =	sand.u32 $0x1, s1  }
0x8c: {  	s17 =	sshll.u32 s0, $0xA;
	s2 =	sadd.s32 s3, s2  }
0x8d: {  	s2 =	sadd.s32 s2, s17  }
0x8e: {  	[smem:$0x3FC0] =	sst s2  }
0x8f: {  	_ = 	snop  }
0x90: {  	s2 =	sld [smem:$0x3FC9];
	(tm) =	ssettm $0x1  }
0x91: {  	s18 =	sld [smem:$0x3FFB];
	_ =	sdelay $0x3  }
0x92: {  	_ =	strace s18  }
0x93: {  	s3 =	sld [smem:$0x3FFC];
	_ =	sdelay $0x3  }
0x94: {  	_ =	strace s3  }
0x95: {  	s3 =	sld [smem:$0x3FFD];
	_ =	sdelay $0x3  }
0x96: {  	_ =	strace s3  }
0x97: {  	_ =	strace $0x8FFFFFFF  }
0x98: {  	s19 =	sld [smem:$0x3FDB];
	_ =	sdelay $0x1  }
0x99: {  	s4 =	simm.s32 $_scs_section_size  }
0x9a: {  	s5 =	simm.s32 $_size__tile_overlayer_lowered;
	s6 =	simm.s32 $_tile_overlayer_lowered  }
0x9b: {  	s22 =	simm.s32 $0x1BFF;
	s21 =	sshll.u32 s6, $0x1;
	s3 =	sadd.s32 s4, s19  }
0x9c: {  	s7 =	simm.s32 $0x0;
	s20 =	sshll.u32 s5, $0x1;
	s5 =	sadd.s32 s21, s3  }
0x9d: {  	[timem:s7], [sflag:s22] =	dma.local [hbm:s5], s20  }
0x9e: {  	_ =	swait.ge [sflag:s22], s20  }
0x9f: {  	s4 =	ssub.s32 $0x0, s20;
	[sflag:s22] =	ssyncset.done $0x0  }
0xa0: {  	[sflag:s22] =	ssyncadd.s32 s4;
	_ =	sdelay $0x1  }
0xa1: {  	s23 =	simm.s32 $0x1B8B  }
0xa2: {  	_ =	swait.ge [sflag:s23], $0x1  }
0xa3: {  	[sflag:s23] =	ssyncset.done $0x0  }
0xa4: {  	s25 =	simm.s32 $0x1B8E;
	s24 =	sld [smem:$0x3FFE];
	[sflag:s23] =	ssyncadd.s32 $0xFFFFFFFF  }
0xa5: {  	s26 =	simm.s32 $execute0_lowered;
	[smem:$0x3FD2] =	sst s25  }
0xa6: {  	s5 =	sshll.u32 s26, $0x1;
	_ =	strace $0x80000046;
	[dreg:$0x1] =	wrdreg $0xFFFFFFFF  }
0xa7: {  	s28 =	simm.s32 $_size_execute0_lowered;
	s3 =	sadd.s32 s3, s5;
	[dreg:$0x0] =	wrdreg $0x0  }
0xa8: {  	s5 =	sshll.u32 s28, $0x1;
	[dreg:$0x2] =	wrdreg s3  }
0xa9: {  	[dreg:$0x3] =	wrdreg s5  }
0xaa: {  	[dreg:$0x4] =	wrdreg $0xC0  }
0xab: {  	_ =	task [dreg:s7], $0x5FFFF  }
0xac: {  	[dreg:$0x1] =	wrdreg $0xFFFFFFFF  }
0xad: {  	[dreg:$0x0] =	wrdreg $0x60  }
0xae: {  	[dreg:$0x2] =	wrdreg s2  }
0xaf: {  	[dreg:$0x3] =	wrdreg s24  }
0xb0: {  	[dreg:$0x4] =	wrdreg $0x9  }
0xb1: {  	_ =	task.clear_ibuf [dreg:s7], $0x5FFFF;
	_ =	strace $0x90000046  }
0xb2: {  	s29 =	simm.s32 $0x9;
	_ =	strace $0x80000048  }
0xb3: {  	_ =	swait.ge [sflag:s29], $0x1  }
0xb4: {  	[sflag:s29] =	ssyncadd.s32 $0xFFFFFFFF  }
0xb5: {  	_ =	strace $0x90000048  }
0xb6: {  	_ =	sfence  }
0xb7: {  	s30 =	sld [smem:$0x0];
	_ =	sdelay $0x2  }
0xb8: {  	s31 =	sshll.u32 s1, $0xD;
	s1 =	sshrl.u32 s1, $0x2  }
0xb9: {  	s3 =	sand.u32 $0x4000, s31;
	s1 =	sadd.s32 s1, s30  }
0xba: {  	s0 =	sor.u32 s3, s0;
	s1 =	sshll.u32 s1, $0x11  }
0xbb: {  	s0 =	sor.u32 s1, s0  }
0xbc: {  	s0 =	sadd.s32 $0x8F2B, s0  }
0xbd: {  	[sflag:s0] =	ssyncadd.remote.s32 $0x1  }
0xbe: {  	_ =	sfence.sel $0xFFFF  }
0xbf: {  	[dreg:$0x0] =	wrdreg $0xFFFFFFFF;
	(pc) =	sbr.abs _section_cstart, $3  }
0xc0: {  	[dreg:$0x1] =	wrdreg $0xFFFFFFFF  }
0xc1: {  	_ =	task.clear_ibuf [dreg:s7], $0x2FFFF;
	_ =	strace $0x9FFFFFFF  }
0xc2: {  	(tm) =	ssettm $0x7FFFFFFF  }
0xc3: {  	_ =	shalt  }
tec
execute0_lowered:
.L_overlay_start_1:
0x0: {  	(tag) =	ssettag $0x1  }
0x1: {  	s1 =	rddreg [dreg:$0x0]  }
0x2: {  	s2 =	srdreg.scid;
	s0 =	stileid.u32  }
0x3: {  	s5 =	rddreg [dreg:$0x1];
	s10 =	simm.s32 $0x1080;
	s11 =	simm.s32 $0x1880  }
0x4: {  	s12 =	simm.s32 $0x2080;
	s13 =	simm.s32 $0x2880;
	s14 =	simm.s32 $0x3080  }
0x5: {  	s15 =	simm.s32 $0x3880;
	s16 =	simm.s32 $0x4080;
	s17 =	simm.s32 $0x4880  }
0x6: {  	s18 =	simm.s32 $0x5080;
	s19 =	simm.s32 $0x5880;
	s20 =	simm.s32 $0x6080  }
0x7: {  	s21 =	simm.s32 $0x6880;
	s22 =	simm.s32 $0x7080;
	s23 =	simm.s32 $0x7880  }
0x8: {  	s24 =	simm.s32 $0x8080;
	s25 =	simm.s32 $0x8880;
	s28 =	simm.s32 $0x9880  }
0x9: {  	s29 =	simm.s32 $0xA080;
	s30 =	simm.s32 $0xA880;
	s31 =	simm.s32 $0xB080  }
0xa: {  	s4 =	sand.u32 $0x1, s2;
	s3 =	sshll.u32 s0, $0x1;
	s2 =	simm.s32 $0x0  }
0xb: {  	s3 =	sor.u32 s4, s3;
	[smem:$0x7FF] =	sst s2;
	s4 =	ssub.s32 $0x2, s4  }
0xc: {  	s6 =	sshll.u32 s3, $0x4;
	_ =	strace $0x80000047;
	s7 =	smul.u32 $0x1800, s3  }
0xd: {  	s3 =	sadd.s32 $0x9800, s5;
	s8 =	sshrl.u32 s4, $0x1;
	s6 =	sadd.s32 s6, s5  }
0xe: {  	s26 =	ssub.s32 s4, s8;
	s4 =	sadd.s32 $0x9900, s5;
	s6 =	sadd.s32 $0x1600, s6  }
0xf: {  	v2 =	vlaneseq.u32;
	s5 =	sadd.s32 $0x9A00, s5;
	s1 =	sadd.s32 s1, s7;
	[dreg:$0x3] =	wrdreg s6  }
0x10: {  	vm0 =	vmmov $0xffff;
	v1 =	vshrl.u32 v2, $0x3;
	s8 =	simm.s32 $0x1;
	s7 =	simm.s32 $0x80;
	[dreg:$0x4] =	wrdreg s1  }
0x11: {  	v0 =	vand.u32 $0x7, v2;
	v2 =	vor.u32 $0x8, v2;
	v1 =	vmul.u32 $0x8, v1;
	s6 =	smax.u32 s26, $0x1;
	s26 =	simm.s32 $0x9080;
	s1 =	simm.s32 $0xB880  }
.LBB2_1:
0x12: {  	s0 =	rddreg [dreg:$0x3]  }
0x13: {  	[tilespmem:s2], [sflag:$0x1] =	stream.linear.gather [hbm4b:s0+s2], $0x80, $0x38;
	[tilespmem:$0xC080] =	vst v63  }
0x14: {  	s9 =	rddreg [dreg:$0x4]  }
0x15: {  	[tilespmem:s7], [sflag:$0x1] =	stream.linear.gather [hbm4b:s9+s2], $0xC000, $0x38;
	[tilespmem:$0xC080] =	vst v63  }
0x16: {  	_ =	swait.ge [sflag:s8], $0x80  }
0x17: {  	[sflag:s8] =	ssyncset.done $0x0  }
0x18: {  	[sflag:s8] =	ssyncadd.s32 $0xFFFFFF80  }
0x19: {  	_ =	swait.ge [sflag:s8], $0xC000  }
0x1a: {  	[sflag:s8] =	ssyncset.done $0x0  }
0x1b: {  	[sflag:s8] =	ssyncadd.s32 $0xFFFF4000  }
0x1c: {  	v3 =	vld [tilespmem:$0x0];
	_ =	sdelay $0x4  }
0x1d: {  	v4 =	vshrl.u32 v3, $0x3  }
0x1e: {  	v4 =	vmul.u32 $0x30, v4  }
0x1f: {  	v3 =	vand.u32 $0x7, v3  }
0x20: {  	v3 =	vor.u32 v3, v4  }
0x21: {  	v4 =	vperm.xlane v3, v0;
	_ =	sdelay $0x1  }
0x22: {  	v4 =	vadd.s32 v1, v4;
	_ =	sdelay $0x3  }
0x23: {  	v3 =	vperm.xlane v3, v2  }
0x24: {  	[hbm4b:s3+s2] =	stream.indirect_vreg.scatter [tilespmem:s7], [sflag:$0x1], $0x80, v4, vm0, $0xb8;
	[tilespmem:$0xC080] =	vst v63  }
0x25: {  	s9 =	simm.s32 $0x880;
	v3 =	vadd.s32 v1, v3  }
0x26: {  	[hbm4b:s4+s2] =	stream.indirect_vreg.scatter [tilespmem:s9], [sflag:$0x1], $0x80, v4, vm0, $0xb8;
	[tilespmem:$0xC080] =	vst v63  }
0x27: {  	_ = 	snop  }
0x28: {  	[hbm4b:s5+s2] =	stream.indirect_vreg.scatter [tilespmem:s10], [sflag:$0x1], $0x80, v4, vm0, $0xb8;
	[tilespmem:$0xC080] =	vst v63  }
0x29: {  	_ = 	snop  }
0x2a: {  	[hbm4b:s3+s2] =	stream.indirect_vreg.scatter [tilespmem:s11], [sflag:$0x1], $0x80, v3, vm0, $0xb8;
	[tilespmem:$0xC080] =	vst v63  }
0x2b: {  	_ = 	snop  }
0x2c: {  	[hbm4b:s4+s2] =	stream.indirect_vreg.scatter [tilespmem:s12], [sflag:$0x1], $0x80, v3, vm0, $0xb8;
	[tilespmem:$0xC080] =	vst v63  }
0x2d: {  	_ = 	snop  }
0x2e: {  	[hbm4b:s5+s2] =	stream.indirect_vreg.scatter [tilespmem:s13], [sflag:$0x1], $0x80, v3, vm0, $0xb8;
	[tilespmem:$0xC080] =	vst v63  }
0x2f: {  	v3 =	vld [tilespmem:$0x10];
	_ =	sdelay $0x4  }
0x30: {  	v57 =	vshrl.u32 v3, $0x3  }
0x31: {  	v4 =	vmul.u32 $0x30, v57  }
0x32: {  	v3 =	vand.u32 $0x7, v3  }
0x33: {  	v3 =	vor.u32 v3, v4  }
0x34: {  	v4 =	vperm.xlane v3, v0;
	_ =	sdelay $0x1  }
0x35: {  	v4 =	vadd.s32 v1, v4;
	_ =	sdelay $0x3  }
0x36: {  	v3 =	vperm.xlane v3, v2  }
0x37: {  	[hbm4b:s3+s2] =	stream.indirect_vreg.scatter [tilespmem:s14], [sflag:$0x1], $0x80, v4, vm0, $0xb8;
	[tilespmem:$0xC080] =	vst v63  }
0x38: {  	v3 =	vadd.s32 v1, v3  }
0x39: {  	[hbm4b:s4+s2] =	stream.indirect_vreg.scatter [tilespmem:s15], [sflag:$0x1], $0x80, v4, vm0, $0xb8;
	[tilespmem:$0xC080] =	vst v63  }
0x3a: {  	_ = 	snop  }
0x3b: {  	[hbm4b:s5+s2] =	stream.indirect_vreg.scatter [tilespmem:s16], [sflag:$0x1], $0x80, v4, vm0, $0xb8;
	[tilespmem:$0xC080] =	vst v63  }
0x3c: {  	_ = 	snop  }
0x3d: {  	[hbm4b:s3+s2] =	stream.indirect_vreg.scatter [tilespmem:s17], [sflag:$0x1], $0x80, v3, vm0, $0xb8;
	[tilespmem:$0xC080] =	vst v63  }
0x3e: {  	_ = 	snop  }
0x3f: {  	[hbm4b:s4+s2] =	stream.indirect_vreg.scatter [tilespmem:s18], [sflag:$0x1], $0x80, v3, vm0, $0xb8;
	[tilespmem:$0xC080] =	vst v63  }
0x40: {  	_ = 	snop  }
0x41: {  	[hbm4b:s5+s2] =	stream.indirect_vreg.scatter [tilespmem:s19], [sflag:$0x1], $0x80, v3, vm0, $0xb8;
	[tilespmem:$0xC080] =	vst v63  }
0x42: {  	v3 =	vld [tilespmem:$0x20];
	_ =	sdelay $0x4  }
0x43: {  	v58 =	vshrl.u32 v3, $0x3  }
0x44: {  	v4 =	vmul.u32 $0x30, v58  }
0x45: {  	v3 =	vand.u32 $0x7, v3  }
0x46: {  	v3 =	vor.u32 v3, v4  }
0x47: {  	v4 =	vperm.xlane v3, v0;
	_ =	sdelay $0x1  }
0x48: {  	v4 =	vadd.s32 v1, v4;
	_ =	sdelay $0x3  }
0x49: {  	v3 =	vperm.xlane v3, v2  }
0x4a: {  	[hbm4b:s3+s2] =	stream.indirect_vreg.scatter [tilespmem:s20], [sflag:$0x1], $0x80, v4, vm0, $0xb8;
	[tilespmem:$0xC080] =	vst v63  }
0x4b: {  	v3 =	vadd.s32 v1, v3  }
0x4c: {  	[hbm4b:s4+s2] =	stream.indirect_vreg.scatter [tilespmem:s21], [sflag:$0x1], $0x80, v4, vm0, $0xb8;
	[tilespmem:$0xC080] =	vst v63  }
0x4d: {  	_ = 	snop  }
0x4e: {  	[hbm4b:s5+s2] =	stream.indirect_vreg.scatter [tilespmem:s22], [sflag:$0x1], $0x80, v4, vm0, $0xb8;
	[tilespmem:$0xC080] =	vst v63  }
0x4f: {  	_ = 	snop  }
0x50: {  	[hbm4b:s3+s2] =	stream.indirect_vreg.scatter [tilespmem:s23], [sflag:$0x1], $0x80, v3, vm0, $0xb8;
	[tilespmem:$0xC080] =	vst v63  }
0x51: {  	_ = 	snop  }
0x52: {  	[hbm4b:s4+s2] =	stream.indirect_vreg.scatter [tilespmem:s24], [sflag:$0x1], $0x80, v3, vm0, $0xb8;
	[tilespmem:$0xC080] =	vst v63  }
0x53: {  	_ = 	snop  }
0x54: {  	[hbm4b:s5+s2] =	stream.indirect_vreg.scatter [tilespmem:s25], [sflag:$0x1], $0x80, v3, vm0, $0xb8;
	[tilespmem:$0xC080] =	vst v63  }
0x55: {  	v3 =	vld [tilespmem:$0x30];
	_ =	sdelay $0x4  }
0x56: {  	v59 =	vshrl.u32 v3, $0x3  }
0x57: {  	v4 =	vmul.u32 $0x30, v59  }
0x58: {  	v3 =	vand.u32 $0x7, v3  }
0x59: {  	v3 =	vor.u32 v3, v4  }
0x5a: {  	v4 =	vperm.xlane v3, v0;
	_ =	sdelay $0x1  }
0x5b: {  	v4 =	vadd.s32 v1, v4;
	_ =	sdelay $0x3  }
0x5c: {  	v3 =	vperm.xlane v3, v2  }
0x5d: {  	[hbm4b:s3+s2] =	stream.indirect_vreg.scatter [tilespmem:s26], [sflag:$0x1], $0x80, v4, vm0, $0xb8;
	[tilespmem:$0xC080] =	vst v63  }
0x5e: {  	v3 =	vadd.s32 v1, v3  }
0x5f: {  	[hbm4b:s4+s2] =	stream.indirect_vreg.scatter [tilespmem:s28], [sflag:$0x1], $0x80, v4, vm0, $0xb8;
	[tilespmem:$0xC080] =	vst v63  }
0x60: {  	_ = 	snop  }
0x61: {  	[hbm4b:s5+s2] =	stream.indirect_vreg.scatter [tilespmem:s29], [sflag:$0x1], $0x80, v4, vm0, $0xb8;
	[tilespmem:$0xC080] =	vst v63  }
0x62: {  	_ = 	snop  }
0x63: {  	[hbm4b:s3+s2] =	stream.indirect_vreg.scatter [tilespmem:s30], [sflag:$0x1], $0x80, v3, vm0, $0xb8;
	[tilespmem:$0xC080] =	vst v63  }
0x64: {  	_ = 	snop  }
0x65: {  	[hbm4b:s4+s2] =	stream.indirect_vreg.scatter [tilespmem:s31], [sflag:$0x1], $0x80, v3, vm0, $0xb8;
	[tilespmem:$0xC080] =	vst v63  }
0x66: {  	_ = 	snop  }
0x67: {  	[hbm4b:s5+s2] =	stream.indirect_vreg.scatter [tilespmem:s1], [sflag:$0x1], $0x80, v3, vm0, $0xb8;
	[tilespmem:$0xC080] =	vst v63  }
0x68: {  	v3 =	vld [tilespmem:$0x40];
	_ =	sdelay $0x4  }
0x69: {  	v60 =	vshrl.u32 v3, $0x3  }
0x6a: {  	v4 =	vmul.u32 $0x30, v60  }
0x6b: {  	v3 =	vand.u32 $0x7, v3  }
0x6c: {  	v3 =	vor.u32 v3, v4  }
0x6d: {  	v4 =	vperm.xlane v3, v0;
	_ =	sdelay $0x1  }
0x6e: {  	v4 =	vadd.s32 v1, v4;
	_ =	sdelay $0x3  }
0x6f: {  	v3 =	vperm.xlane v3, v2  }
0x70: {  	[hbm4b:s3+s2] =	stream.indirect_vreg.scatter [tilespmem:s7], [sflag:$0x1], $0x80, v4, vm0, $0xb8;
	[tilespmem:$0xC080] =	vst v63  }
0x71: {  	v3 =	vadd.s32 v1, v3  }
0x72: {  	[hbm4b:s4+s2] =	stream.indirect_vreg.scatter [tilespmem:s9], [sflag:$0x1], $0x80, v4, vm0, $0xb8;
	[tilespmem:$0xC080] =	vst v63  }
0x73: {  	_ = 	snop  }
0x74: {  	[hbm4b:s5+s2] =	stream.indirect_vreg.scatter [tilespmem:s10], [sflag:$0x1], $0x80, v4, vm0, $0xb8;
	[tilespmem:$0xC080] =	vst v63  }
0x75: {  	_ = 	snop  }
0x76: {  	[hbm4b:s3+s2] =	stream.indirect_vreg.scatter [tilespmem:s11], [sflag:$0x1], $0x80, v3, vm0, $0xb8;
	[tilespmem:$0xC080] =	vst v63  }
0x77: {  	_ = 	snop  }
0x78: {  	[hbm4b:s4+s2] =	stream.indirect_vreg.scatter [tilespmem:s12], [sflag:$0x1], $0x80, v3, vm0, $0xb8;
	[tilespmem:$0xC080] =	vst v63  }
0x79: {  	_ = 	snop  }
0x7a: {  	[hbm4b:s5+s2] =	stream.indirect_vreg.scatter [tilespmem:s13], [sflag:$0x1], $0x80, v3, vm0, $0xb8;
	[tilespmem:$0xC080] =	vst v63  }
0x7b: {  	v3 =	vld [tilespmem:$0x50];
	_ =	sdelay $0x4  }
0x7c: {  	v61 =	vshrl.u32 v3, $0x3  }
0x7d: {  	v4 =	vmul.u32 $0x30, v61  }
0x7e: {  	v3 =	vand.u32 $0x7, v3  }
0x7f: {  	v3 =	vor.u32 v3, v4  }
0x80: {  	v4 =	vperm.xlane v3, v0;
	_ =	sdelay $0x1  }
0x81: {  	v4 =	vadd.s32 v1, v4;
	_ =	sdelay $0x3  }
0x82: {  	v3 =	vperm.xlane v3, v2  }
0x83: {  	[hbm4b:s3+s2] =	stream.indirect_vreg.scatter [tilespmem:s14], [sflag:$0x1], $0x80, v4, vm0, $0xb8;
	[tilespmem:$0xC080] =	vst v63  }
0x84: {  	v3 =	vadd.s32 v1, v3  }
0x85: {  	[hbm4b:s4+s2] =	stream.indirect_vreg.scatter [tilespmem:s15], [sflag:$0x1], $0x80, v4, vm0, $0xb8;
	[tilespmem:$0xC080] =	vst v63  }
0x86: {  	_ = 	snop  }
0x87: {  	[hbm4b:s5+s2] =	stream.indirect_vreg.scatter [tilespmem:s16], [sflag:$0x1], $0x80, v4, vm0, $0xb8;
	[tilespmem:$0xC080] =	vst v63  }
0x88: {  	_ = 	snop  }
0x89: {  	[hbm4b:s3+s2] =	stream.indirect_vreg.scatter [tilespmem:s17], [sflag:$0x1], $0x80, v3, vm0, $0xb8;
	[tilespmem:$0xC080] =	vst v63  }
0x8a: {  	_ = 	snop  }
0x8b: {  	[hbm4b:s4+s2] =	stream.indirect_vreg.scatter [tilespmem:s18], [sflag:$0x1], $0x80, v3, vm0, $0xb8;
	[tilespmem:$0xC080] =	vst v63  }
0x8c: {  	_ = 	snop  }
0x8d: {  	[hbm4b:s5+s2] =	stream.indirect_vreg.scatter [tilespmem:s19], [sflag:$0x1], $0x80, v3, vm0, $0xb8;
	[tilespmem:$0xC080] =	vst v63  }
0x8e: {  	v3 =	vld [tilespmem:$0x60];
	_ =	sdelay $0x4  }
0x8f: {  	v62 =	vshrl.u32 v3, $0x3  }
0x90: {  	v4 =	vmul.u32 $0x30, v62  }
0x91: {  	v3 =	vand.u32 $0x7, v3  }
0x92: {  	v3 =	vor.u32 v3, v4  }
0x93: {  	v4 =	vperm.xlane v3, v0;
	_ =	sdelay $0x1  }
0x94: {  	v4 =	vadd.s32 v1, v4;
	_ =	sdelay $0x3  }
0x95: {  	v3 =	vperm.xlane v3, v2  }
0x96: {  	[hbm4b:s3+s2] =	stream.indirect_vreg.scatter [tilespmem:s20], [sflag:$0x1], $0x80, v4, vm0, $0xb8;
	[tilespmem:$0xC080] =	vst v63  }
0x97: {  	v3 =	vadd.s32 v1, v3  }
0x98: {  	[hbm4b:s4+s2] =	stream.indirect_vreg.scatter [tilespmem:s21], [sflag:$0x1], $0x80, v4, vm0, $0xb8;
	[tilespmem:$0xC080] =	vst v63  }
0x99: {  	_ = 	snop  }
0x9a: {  	[hbm4b:s5+s2] =	stream.indirect_vreg.scatter [tilespmem:s22], [sflag:$0x1], $0x80, v4, vm0, $0xb8;
	[tilespmem:$0xC080] =	vst v63  }
0x9b: {  	_ = 	snop  }
0x9c: {  	[hbm4b:s3+s2] =	stream.indirect_vreg.scatter [tilespmem:s23], [sflag:$0x1], $0x80, v3, vm0, $0xb8;
	[tilespmem:$0xC080] =	vst v63  }
0x9d: {  	_ = 	snop  }
0x9e: {  	[hbm4b:s4+s2] =	stream.indirect_vreg.scatter [tilespmem:s24], [sflag:$0x1], $0x80, v3, vm0, $0xb8;
	[tilespmem:$0xC080] =	vst v63  }
0x9f: {  	_ = 	snop  }
0xa0: {  	[hbm4b:s5+s2] =	stream.indirect_vreg.scatter [tilespmem:s25], [sflag:$0x1], $0x80, v3, vm0, $0xb8;
	[tilespmem:$0xC080] =	vst v63  }
0xa1: {  	v3 =	vld [tilespmem:$0x70];
	_ =	sdelay $0x4  }
0xa2: {  	v63 =	vshrl.u32 v3, $0x3  }
0xa3: {  	v4 =	vmul.u32 $0x30, v63  }
0xa4: {  	v3 =	vand.u32 $0x7, v3  }
0xa5: {  	v3 =	vor.u32 v3, v4  }
0xa6: {  	v4 =	vperm.xlane v3, v0;
	_ =	sdelay $0x1  }
0xa7: {  	v4 =	vadd.s32 v1, v4;
	_ =	sdelay $0x3  }
0xa8: {  	v3 =	vperm.xlane v3, v2  }
0xa9: {  	[hbm4b:s3+s2] =	stream.indirect_vreg.scatter [tilespmem:s26], [sflag:$0x1], $0x80, v4, vm0, $0xb8;
	[tilespmem:$0xC080] =	vst v63  }
0xaa: {  	v3 =	vadd.s32 v1, v3  }
0xab: {  	[hbm4b:s4+s2] =	stream.indirect_vreg.scatter [tilespmem:s28], [sflag:$0x1], $0x80, v4, vm0, $0xb8;
	[tilespmem:$0xC080] =	vst v63  }
0xac: {  	_ = 	snop  }
0xad: {  	[hbm4b:s5+s2] =	stream.indirect_vreg.scatter [tilespmem:s29], [sflag:$0x1], $0x80, v4, vm0, $0xb8;
	[tilespmem:$0xC080] =	vst v63  }
0xae: {  	_ = 	snop  }
0xaf: {  	[hbm4b:s3+s2] =	stream.indirect_vreg.scatter [tilespmem:s30], [sflag:$0x1], $0x80, v3, vm0, $0xb8;
	[tilespmem:$0xC080] =	vst v63  }
0xb0: {  	_ = 	snop  }
0xb1: {  	[hbm4b:s4+s2] =	stream.indirect_vreg.scatter [tilespmem:s31], [sflag:$0x1], $0x80, v3, vm0, $0xb8;
	[tilespmem:$0xC080] =	vst v63  }
0xb2: {  	_ = 	snop  }
0xb3: {  	[hbm4b:s5+s2] =	stream.indirect_vreg.scatter [tilespmem:s1], [sflag:$0x1], $0x80, v3, vm0, $0xb8;
	[tilespmem:$0xC080] =	vst v63  }
0xb4: {  	p0 =	sne.s32 s6, $0x1;
	_ =	swait.ge [sflag:s8], $0xC000  }
.Ltmp0:
0xb5: {  	[sflag:s8] =	ssyncset.done $0x0;
	(pc) =	sbr.rel @p0 .LBB2_1-.Ltmp0, $4  }
0xb6: {  	[sflag:s8] =	ssyncadd.s32 $0xFFFF4000  }
0xb7: {  	_ =	swait.ge [sflag:s8], $0xC000  }
0xb8: {  	[sflag:s8] =	ssyncset.done $0x0  }
0xb9: {  	s6 =	sadd.s32 $0xFFFFFFFF, s6;
	[sflag:s8] =	ssyncadd.s32 $0xFFFF4000  }
0xba: {  	_ =	sfence.sel $0x180000  }
0xbb: {  	[bflag:$0x0] =	sbarrier.arrive $0xFFFF  }
0xbc: {  	_ =	strace $0x90000047  }
0xbd: {  	s0 =	stileid.u32;
	[bflag:$0x2] =	sbarrier.arrive $0xFFFF  }
0xbe: {  	p0 =	sne.s32 s0, $0x0;
	s0 =	rddreg [dreg:$0x2]  }
0xbf: {  	s0 =	sadd.s32 @!p0 $0x100000, s0  }
0xc0: {  	[sflag:s0] =	ssyncadd.tile.s32 @!p0 $0x1;
	_ =	shalt  }
.Lfunc_end2:
_tile_overlayer_lowered:
.L_overlay_start_2:
0xc1: {  	(tag) =	ssettag $0x2  }
0xc2: {  	s0 =	rddreg [dreg:$0x0];
	s2 =	stileid.u32  }
0xc3: {  	s1 =	rddreg [dreg:$0x1];
	p0 =	sne.s32 s2, $0x0  }
0xc4: {  	s3 =	rddreg [dreg:$0x2];
	[bflag:$0x3] =	sbarrier.arrive $0xFFFF;
	s2 =	simm.s32 @!p0 $0x1C02  }
0xc5: {  	[timem:s3], [sflag:s2] =	dma.local @!p0 [hbm:s0], s1  }
0xc6: {  	s0 =	simm.s32 @!p0 $0x2  }
0xc7: {  	_ =	swait.ge @!p0 [sflag:s0], s1  }
0xc8: {  	s1 =	ssub.s32 @!p0 $0x0, s1;
	[sflag:s0] =	ssyncset.done @!p0 $0x0  }
0xc9: {  	[sflag:s0] =	ssyncadd.s32 @!p0 s1  }
0xca: {  	[bflag:$0x3] =	sbarrier.arrive $0xFFFF  }
0xcb: {  	_ =	shalt  }

// kernel: kernel.9.cloned.1.call-start
scs
__scs_entry_jumppad:
0x0: {  	(pc) =	sbr.rel $0x88, $3  }
0x1: {  	(tag) =	ssettag $0x0;
	lr =	simm.s32 $0x1  }
0x2: {  	[smem:$0x3F99] =	sst lr;
	_ =	strace $0xD0000000  }
0x3: {  	_ = 	snop  }
0x4: {  	_ = 	snop  }
0x5: {  	_ = 	snop  }
0x6: {  	_ = 	snop  }
0x7: {  	_ = 	snop  }
__scs_overlays_trampoline_lowered:
0x8: {  	[smem:$0x3FA8] =	sst s0  }
0x9: {  	[smem:$0x3FA9] =	sst s1  }
0xa: {  	[smem:$0x3FAA] =	sst s2  }
0xb: {  	[smem:$0x3FAB] =	sst s3  }
0xc: {  	[smem:$0x3FAC] =	sst s4  }
0xd: {  	[smem:$0x3FAD] =	sst s5  }
0xe: {  	[smem:$0x3FAE] =	sst s6  }
0xf: {  	[smem:$0x3FAF] =	sst s7  }
0x10: {  	[smem:$0x3FB0] =	sst s8  }
0x11: {  	[smem:$0x3FB1] =	sst s9;
	s0 =	simm.s32 @!p0 $0x0  }
0x12: {  	s1 =	sld [smem:$0x3F97];
	s0 =	simm.s32 @p0 $0x1  }
0x13: {  	[smem:$0x3FB2] =	sst s0;
	s0 =	simm.s32 @!p1 $0x0  }
0x14: {  	s2 =	sld [smem:$0x3F96];
	s0 =	simm.s32 @p1 $0x1  }
0x15: {  	[smem:$0x3FB3] =	sst s0;
	s0 =	simm.s32 @!p2 $0x0  }
0x16: {  	s3 =	sld [smem:$0x3FDB];
	s0 =	simm.s32 @p2 $0x1  }
0x17: {  	s4 =	simm.s32 $0x1BF5;
	[smem:$0x3FB5] =	sst s0  }
0x18: {  	s0 =	sld [smem:$0x3F98];
	_ =	swait.ge [sflag:s4], $0x0  }
0x19: {  	s7 =	sld [smem:$0x3F99]  }
0x1a: {  	s8 =	sadd.s32 $0xFFFFE003, lr  }
0x1b: {  	s9 =	sadd.s32 $0xFFFFFEF7, lr;
	s5 =	simm.s32 $0xFFFFFFFF;
	p2 =	slt.u32 s8, $0xFFFFF086  }
0x1c: {  	p1 =	slt.u32 s9, $0xF7A;
	s5 =	simm.s32 @!p2 $0x0  }
0x1d: {  	s5 =	simm.s32 @p1 $0x1;
	p0 =	seq.s32 s7, s2  }
0x1e: {  	s7 =	smul.u32 @!p0 $0xF7A, s2;
	p2 =	seq.s32 @!p0 s5, $0x0  }
0x1f: {  	s9 =	smul.u32 $0xF7A, s1;
	s8 =	simm.s32 @!p0 $0x1BF5;
	p2 =	por !p2, p0  }
0x20: {  	[sflag:s8] =	ssyncset.s32 @!p0 $0xFFFFF086;
	s6 =	sadd.s32 @!p0 s3, s7;
	s7 =	simm.s32 @!p0 $0x108  }
0x21: {  	s3 =	sadd.s32 s3, s9;
	s6 =	sadd.s32 @!p0 $0x88, s6;
	s7 =	simm.s32 @p2 $0x1082  }
0x22: {  	[simem:s7], [sflag:s8] =	dma.local @!p0 [hbm:s6], $0xF7A  }
0x23: {  	s9 =	sor.u32 $0xD0000000, s2;
	s6 =	simm.s32 $0x108;
	_ =	swait.ge @!p0 [sflag:s8], $0x0  }
0x24: {  	s3 =	sadd.s32 $0x88, s3;
	s6 =	simm.s32 @!p1 $0x1082;
	[sflag:s4] =	ssyncset.s32 $0xFFFFF086  }
0x25: {  	[simem:s6], [sflag:s4] =	dma.local [hbm:s3], $0xF7A  }
0x26: {  	[smem:$0x3F99] =	sst s1;
	(tag) =	ssettag s2;
	_ =	strace s9  }
0x27: {  	s1 =	sld [smem:$0x3FA9]  }
0x28: {  	s2 =	sld [smem:$0x3FAA]  }
0x29: {  	s4 =	sld [smem:$0x3FAC]  }
0x2a: {  	p0 =	seq.s32 s5, $0x0;
	s5 =	sld [smem:$0x3FAD]  }
0x2b: {  	s6 =	sld [smem:$0x3FAE]  }
0x2c: {  	s7 =	sld [smem:$0x3FAF]  }
0x2d: {  	s3 =	simm.s32 $0x108;
	s8 =	sld [smem:$0x3FB0]  }
0x2e: {  	s3 =	simm.s32 @!p0 $0x1082;
	s9 =	sld [smem:$0x3FB1]  }
0x2f: {  	lr =	sadd.s32 s0, s3;
	s0 =	sld [smem:$0x3FA8]  }
0x30: {  	s3 =	sld [smem:$0x3FAB]  }
0x31: {  	[smem:$0x3FB4] =	sst s10  }
0x32: {  	s10 =	sld [smem:$0x3FB2];
	_ =	sdelay $0x3  }
0x33: {  	p0 =	seq.s32 s10, $0x1;
	s10 =	sld [smem:$0x3FB4];
	_ =	sdelay $0x3  }
0x34: {  	[smem:$0x3FB4] =	sst s10  }
0x35: {  	s10 =	sld [smem:$0x3FB3];
	_ =	sdelay $0x3  }
0x36: {  	p1 =	seq.s32 s10, $0x1;
	s10 =	sld [smem:$0x3FB4];
	_ =	sdelay $0x3  }
0x37: {  	[smem:$0x3FB4] =	sst s10  }
0x38: {  	s10 =	sld [smem:$0x3FB5]  }
0x39: {  	_ = 	snop;
	(pc) =	sbr.ind lr, $3  }
0x3a: {  	_ = 	snop  }
0x3b: {  	_ = 	snop  }
0x3c: {  	p2 =	seq.s32 s10, $0x1;
	s10 =	sld [smem:$0x3FB4]  }
0x3d: {  	_ =	shalt  }
0x3e: {  	_ =	shalt  }
0x3f: {  	_ =	shalt  }
0x40: {  	_ =	shalt  }
0x41: {  	_ =	shalt  }
0x42: {  	_ =	shalt  }
0x43: {  	_ =	shalt  }
0x44: {  	_ =	shalt  }
0x45: {  	_ =	shalt  }
0x46: {  	_ =	shalt  }
0x47: {  	_ =	shalt  }
0x48: {  	_ =	shalt  }
0x49: {  	_ =	shalt  }
0x4a: {  	_ =	shalt  }
0x4b: {  	_ =	shalt  }
0x4c: {  	_ =	shalt  }
0x4d: {  	_ =	shalt  }
0x4e: {  	_ =	shalt  }
0x4f: {  	_ =	shalt  }
0x50: {  	_ =	shalt  }
0x51: {  	_ =	shalt  }
0x52: {  	_ =	shalt  }
0x53: {  	_ =	shalt  }
0x54: {  	_ =	shalt  }
0x55: {  	_ =	shalt  }
0x56: {  	_ =	shalt  }
0x57: {  	_ =	shalt  }
0x58: {  	_ =	shalt  }
0x59: {  	_ =	shalt  }
0x5a: {  	_ =	shalt  }
0x5b: {  	_ =	shalt  }
0x5c: {  	_ =	shalt  }
0x5d: {  	_ =	shalt  }
0x5e: {  	_ =	shalt  }
0x5f: {  	_ =	shalt  }
0x60: {  	_ =	shalt  }
0x61: {  	_ =	shalt  }
0x62: {  	_ =	shalt  }
0x63: {  	_ =	shalt  }
0x64: {  	_ =	shalt  }
0x65: {  	_ =	shalt  }
0x66: {  	_ =	shalt  }
0x67: {  	_ =	shalt  }
0x68: {  	_ =	shalt  }
0x69: {  	_ =	shalt  }
0x6a: {  	_ =	shalt  }
0x6b: {  	_ =	shalt  }
0x6c: {  	_ =	shalt  }
0x6d: {  	_ =	shalt  }
0x6e: {  	_ =	shalt  }
0x6f: {  	_ =	shalt  }
0x70: {  	_ =	shalt  }
0x71: {  	_ =	shalt  }
0x72: {  	_ =	shalt  }
0x73: {  	_ =	shalt  }
0x74: {  	_ =	shalt  }
0x75: {  	_ =	shalt  }
0x76: {  	_ =	shalt  }
0x77: {  	_ =	shalt  }
0x78: {  	_ =	shalt  }
0x79: {  	_ =	shalt  }
0x7a: {  	_ =	shalt  }
0x7b: {  	_ =	shalt  }
0x7c: {  	_ =	shalt  }
0x7d: {  	_ =	shalt  }
0x7e: {  	_ =	shalt  }
0x7f: {  	_ =	shalt  }
0x80: {  	_ =	shalt  }
0x81: {  	_ =	shalt  }
0x82: {  	_ =	shalt  }
0x83: {  	_ =	shalt  }
0x84: {  	_ =	shalt  }
0x85: {  	_ =	shalt  }
0x86: {  	_ =	shalt  }
0x87: {  	_ =	shalt  }
.Lfunc_end0:
.L_simem_size_0:
called_computation.1_lowered:
.L_overlay_start_0:
0x88: {  	s2 =	sld [smem:$0x3FD9]  }
0x89: {  	s3 =	sld [smem:$0x3FFE];
	_ =	sdelay $0x1  }
0x8a: {  	s1 =	srdreg.scid  }
0x8b: {  	s0 =	sand.u32 $0x1, s1  }
0x8c: {  	s14 =	sshll.u32 s0, $0xA;
	s2 =	sadd.s32 s3, s2  }
0x8d: {  	s2 =	sadd.s32 s2, s14  }
0x8e: {  	[smem:$0x3FC0] =	sst s2  }
0x8f: {  	_ = 	snop  }
0x90: {  	s2 =	sld [smem:$0x3FD0];
	_ =	sdelay $0x2  }
0x91: {  	s4 =	simm.s32 $0xA;
	s5 =	simm.s32 $0x10;
	s15 =	sld [smem:$0x3FC9]  }
0x92: {  	[smem:s5], [sflag:s4] =	dma.local [hbm:s2], $0x1  }
0x93: {  	_ =	swait.eq [sflag:s4], $0x1  }
0x94: {  	[sflag:s4] =	ssyncset.done $0x0  }
0x95: {  	[sflag:s4] =	ssyncadd.s32 $0xFFFFFFFF  }
0x96: {  	s16 =	sld [smem:$0x10];
	(tm) =	ssettm $0x1  }
0x97: {  	s17 =	sld [smem:$0x3FFB];
	_ =	sdelay $0x3  }
0x98: {  	_ =	strace s17  }
0x99: {  	s4 =	sld [smem:$0x3FFC];
	_ =	sdelay $0x3  }
0x9a: {  	_ =	strace s4  }
0x9b: {  	s4 =	sld [smem:$0x3FFD];
	_ =	sdelay $0x3  }
0x9c: {  	_ =	strace s4  }
0x9d: {  	_ =	strace $0x8FFFFFFF  }
0x9e: {  	s18 =	sld [smem:$0x3FDB];
	_ =	sdelay $0x1  }
0x9f: {  	s19 =	simm.s32 $_scs_section_size  }
0xa0: {  	s6 =	simm.s32 $_size__tile_overlayer_lowered;
	s7 =	simm.s32 $_tile_overlayer_lowered  }
0xa1: {  	s22 =	simm.s32 $0x1BFF;
	s21 =	sshll.u32 s7, $0x1;
	s4 =	sadd.s32 s19, s18  }
0xa2: {  	s8 =	simm.s32 $0x0;
	s20 =	sshll.u32 s6, $0x1;
	s6 =	sadd.s32 s21, s4  }
0xa3: {  	[timem:s8], [sflag:s22] =	dma.local [hbm:s6], s20  }
0xa4: {  	_ =	swait.ge [sflag:s22], s20  }
0xa5: {  	s5 =	ssub.s32 $0x0, s20;
	[sflag:s22] =	ssyncset.done $0x0  }
0xa6: {  	[sflag:s22] =	ssyncadd.s32 s5;
	_ =	sdelay $0x1  }
0xa7: {  	s23 =	simm.s32 $0x1B8B  }
0xa8: {  	_ =	swait.ge [sflag:s23], $0x1  }
0xa9: {  	[sflag:s23] =	ssyncset.done $0x0  }
0xaa: {  	s25 =	simm.s32 $0x1B8E;
	s24 =	sld [smem:$0x3FFE];
	[sflag:s23] =	ssyncadd.s32 $0xFFFFFFFF  }
0xab: {  	s26 =	simm.s32 $execute0_lowered;
	[smem:$0x3FD2] =	sst s25  }
0xac: {  	s6 =	sshll.u32 s26, $0x1;
	_ =	strace $0x80000049;
	[dreg:$0x1] =	wrdreg $0xFFFFFFFF  }
0xad: {  	s28 =	simm.s32 $_size_execute0_lowered;
	s4 =	sadd.s32 s4, s6;
	[dreg:$0x0] =	wrdreg $0x0  }
0xae: {  	s6 =	sshll.u32 s28, $0x1;
	[dreg:$0x2] =	wrdreg s4  }
0xaf: {  	[dreg:$0x3] =	wrdreg s6  }
0xb0: {  	[dreg:$0x4] =	wrdreg $0xC0  }
0xb1: {  	_ =	task [dreg:s8], $0x5FFFF  }
0xb2: {  	[dreg:$0x1] =	wrdreg $0xFFFFFFFF  }
0xb3: {  	[dreg:$0x0] =	wrdreg $0x60  }
0xb4: {  	[dreg:$0x2] =	wrdreg s24  }
0xb5: {  	[dreg:$0x3] =	wrdreg s15  }
0xb6: {  	[dreg:$0x4] =	wrdreg s16  }
0xb7: {  	[dreg:$0x5] =	wrdreg $0x9  }
0xb8: {  	_ =	task.clear_ibuf [dreg:s8], $0x6FFFF;
	_ =	strace $0x90000049  }
0xb9: {  	s29 =	simm.s32 $0x9;
	_ =	strace $0x8000004B  }
0xba: {  	_ =	swait.ge [sflag:s29], $0x1  }
0xbb: {  	[sflag:s29] =	ssyncadd.s32 $0xFFFFFFFF  }
0xbc: {  	_ =	strace $0x9000004B  }
0xbd: {  	_ =	sfence  }
0xbe: {  	s30 =	sld [smem:$0x0];
	_ =	sdelay $0x2  }
0xbf: {  	s31 =	sshll.u32 s1, $0xD;
	s1 =	sshrl.u32 s1, $0x2  }
0xc0: {  	s3 =	sand.u32 $0x4000, s31;
	s1 =	sadd.s32 s1, s30  }
0xc1: {  	s0 =	sor.u32 s3, s0;
	s1 =	sshll.u32 s1, $0x11  }
0xc2: {  	s0 =	sor.u32 s1, s0  }
0xc3: {  	s0 =	sadd.s32 $0x8F2B, s0  }
0xc4: {  	[sflag:s0] =	ssyncadd.remote.s32 $0x1  }
0xc5: {  	_ =	sfence.sel $0xFFFF  }
0xc6: {  	[dreg:$0x0] =	wrdreg $0xFFFFFFFF;
	(pc) =	sbr.abs _section_cstart, $3  }
0xc7: {  	[dreg:$0x1] =	wrdreg $0xFFFFFFFF  }
0xc8: {  	_ =	task.clear_ibuf [dreg:s8], $0x2FFFF;
	_ =	strace $0x9FFFFFFF  }
0xc9: {  	(tm) =	ssettm $0x7FFFFFFF  }
tec
execute0_lowered:
.L_overlay_start_1:
0x0: {  	(tag) =	ssettag $0x1  }
0x1: {  	s0 =	rddreg [dreg:$0x0]  }
0x2: {  	s1 =	rddreg [dreg:$0x1]  }
0x3: {  	s4 =	rddreg [dreg:$0x2]  }
0x4: {  	s3 =	srdreg.scid;
	s6 =	stileid.u32  }
0x5: {  	s2 =	simm.s32 $0x0;
	s13 =	simm.s32 $0x2;
	s15 =	simm.s32 $0x80  }
0x6: {  	s28 =	simm.s32 $0x6080;
	s29 =	simm.s32 $0x6880;
	s30 =	simm.s32 $0x7080  }
0x7: {  	s31 =	simm.s32 $0x7880;
	s14 =	simm.s32 $0x9080;
	s16 =	simm.s32 $0x9880  }
0x8: {  	s17 =	simm.s32 $0xA080;
	s18 =	simm.s32 $0xA880;
	s19 =	simm.s32 $0xB880  }
0x9: {  	s20 =	simm.s32 $0xC080;
	s5 =	sand.u32 $0x1, s3;
	s21 =	sshll.u32 s6, $0x1  }
0xa: {  	[smem:$0x7FF] =	sst s2;
	s3 =	sadd.s32 $0xBD800, s0;
	s6 =	sor.u32 s5, s21  }
0xb: {  	_ =	strace $0x8000004A;
	s5 =	ssub.s32 $0x2, s5;
	s21 =	simm.s32 $0x0  }
0xc: {  	s7 =	sshll.u32 s6, $0x4;
	s8 =	sshll.u32 s6, $0xA;
	s10 =	smul.u32 $0xC000, s6  }
0xd: {  	s9 =	sshrl.u32 s5, $0x1;
	s22 =	smul.u32 $0x1800, s6;
	s6 =	sadd.s32 $0xBD900, s0  }
0xe: {  	s7 =	sadd.s32 s7, s0;
	s8 =	sadd.s32 s8, s0;
	s5 =	ssub.s32 s5, s9  }
0xf: {  	s7 =	sadd.s32 $0x1600, s7;
	s23 =	sadd.s32 $0x1800, s8;
	s24 =	sshrl.u32 s10, $0x3  }
0x10: {  	v2 =	vlaneseq.u32;
	s25 =	sadd.s32 s1, s22;
	s9 =	sadd.s32 s4, s22;
	[dreg:$0x4] =	wrdreg s7  }
0x11: {  	v0 =	vand.u32 $0x7, v2;
	v1 =	vshrl.u32 v2, $0x3;
	s12 =	smax.u32 s5, $0x1;
	s5 =	simm.s32 $0x1;
	[dreg:$0x5] =	wrdreg s23  }
0x12: {  	v63 =	vor.u32 $0x8, v2;
	[tilespmem:$0x1FFD0] =	vst v0;
	v62 =	vmul.u32 $0x8, v1;
	s7 =	sadd.s32 $0xBDA00, s0;
	[dreg:$0x6] =	wrdreg s25;
	s26 =	sadd.s32 $0xC00, s24  }
0x13: {  	[tilespmem:$0x1FFF0] =	vst v63;
	s0 =	simm.s32 $0x8080;
	s10 =	sadd.s32 s1, s26;
	s11 =	sadd.s32 s4, s26  }
0x14: {  	vm0 =	vmmov $0xffff;
	[tilespmem:$0x1FFE0] =	vst v62;
	s26 =	simm.s32 $0x5880;
	s1 =	simm.s32 $0x8880;
	s4 =	simm.s32 $0xB080  }
.LBB2_1:
0x15: {  	s8 =	rddreg [dreg:$0x4]  }
0x16: {  	[tilespmem:s2], [sflag:$0x2] =	stream.linear.gather [hbm4b:s8+s2], $0x80, $0x38;
	[tilespmem:$0x14080] =	vst v63  }
0x17: {  	_ =	swait.ge [sflag:s13], $0x80  }
0x18: {  	[sflag:s13] =	ssyncset.done $0x0  }
0x19: {  	s22 =	simm.s32 $0x12080;
	s25 =	rddreg [dreg:$0x5];
	[sflag:s13] =	ssyncadd.s32 $0xFFFFFF80  }
0x1a: {  	[tilespmem:s22], [sflag:$0x2] =	stream.linear.gather [hbm4b:s25+s2], $0x2000, $0x38;
	[tilespmem:$0x14080] =	vst v63  }
0x1b: {  	_ =	swait.ge [sflag:s13], $0x2000  }
0x1c: {  	[sflag:s13] =	ssyncset.done $0x0  }
0x1d: {  	[sflag:s13] =	ssyncadd.s32 $0xFFFFE000  }
0x1e: {  	v3 =	vld [tilespmem:$0x0];
	_ =	sdelay $0x3  }
0x1f: {  	v0 =	vld [tilespmem:$0x1FFD0]  }
0x20: {  	v4 =	vshrl.u32 v3, $0x3  }
0x21: {  	v1 =	vld [tilespmem:$0x1FFE0];
	v4 =	vmul.u32 $0x30, v4  }
0x22: {  	v3 =	vand.u32 $0x7, v3  }
0x23: {  	v3 =	vor.u32 v3, v4  }
0x24: {  	v4 =	vperm.xlane v3, v0  }
0x25: {  	v2 =	vld [tilespmem:$0x1FFF0]  }
0x26: {  	v4 =	vadd.s32 v1, v4;
	_ =	sdelay $0x3  }
0x27: {  	v3 =	vperm.xlane v3, v2  }
0x28: {  	[tilespmem:s15], [sflag:$0x1] =	stream.indirect_vreg.gather [hbm4b:s3+s2], $0x80, v4, vm0, $0xb8;
	[tilespmem:$0x14080] =	vst v63  }
0x29: {  	s23 =	simm.s32 $0x880;
	v3 =	vadd.s32 v1, v3  }
0x2a: {  	[tilespmem:s23], [sflag:$0x1] =	stream.indirect_vreg.gather [hbm4b:s6+s2], $0x80, v4, vm0, $0xb8;
	[tilespmem:$0x14080] =	vst v63  }
0x2b: {  	s24 =	simm.s32 $0x1080  }
0x2c: {  	[tilespmem:s24], [sflag:$0x1] =	stream.indirect_vreg.gather [hbm4b:s7+s2], $0x80, v4, vm0, $0xb8;
	[tilespmem:$0x14080] =	vst v63  }
0x2d: {  	s25 =	simm.s32 $0x1880  }
0x2e: {  	[tilespmem:s25], [sflag:$0x1] =	stream.indirect_vreg.gather [hbm4b:s3+s2], $0x80, v3, vm0, $0xb8;
	[tilespmem:$0x14080] =	vst v63  }
0x2f: {  	s22 =	simm.s32 $0x2080  }
0x30: {  	[tilespmem:s22], [sflag:$0x1] =	stream.indirect_vreg.gather [hbm4b:s6+s2], $0x80, v3, vm0, $0xb8;
	[tilespmem:$0x14080] =	vst v63  }
0x31: {  	s23 =	simm.s32 $0x2880  }
0x32: {  	[tilespmem:s23], [sflag:$0x1] =	stream.indirect_vreg.gather [hbm4b:s7+s2], $0x80, v3, vm0, $0xb8;
	[tilespmem:$0x14080] =	vst v63  }
0x33: {  	v3 =	vld [tilespmem:$0x10];
	_ =	sdelay $0x4  }
0x34: {  	v61 =	vshrl.u32 v3, $0x3  }
0x35: {  	v4 =	vmul.u32 $0x30, v61  }
0x36: {  	v3 =	vand.u32 $0x7, v3  }
0x37: {  	v3 =	vor.u32 v3, v4  }
0x38: {  	v4 =	vperm.xlane v3, v0;
	_ =	sdelay $0x1  }
0x39: {  	v4 =	vadd.s32 v1, v4;
	_ =	sdelay $0x3  }
0x3a: {  	s24 =	simm.s32 $0x3080;
	v3 =	vperm.xlane v3, v2  }
0x3b: {  	[tilespmem:s24], [sflag:$0x1] =	stream.indirect_vreg.gather [hbm4b:s3+s2], $0x80, v4, vm0, $0xb8;
	[tilespmem:$0x14080] =	vst v63  }
0x3c: {  	s25 =	simm.s32 $0x3880;
	v3 =	vadd.s32 v1, v3  }
0x3d: {  	[tilespmem:s25], [sflag:$0x1] =	stream.indirect_vreg.gather [hbm4b:s6+s2], $0x80, v4, vm0, $0xb8;
	[tilespmem:$0x14080] =	vst v63  }
0x3e: {  	s22 =	simm.s32 $0x4080  }
0x3f: {  	[tilespmem:s22], [sflag:$0x1] =	stream.indirect_vreg.gather [hbm4b:s7+s2], $0x80, v4, vm0, $0xb8;
	[tilespmem:$0x14080] =	vst v63  }
0x40: {  	s23 =	simm.s32 $0x4880  }
0x41: {  	[tilespmem:s23], [sflag:$0x1] =	stream.indirect_vreg.gather [hbm4b:s3+s2], $0x80, v3, vm0, $0xb8;
	[tilespmem:$0x14080] =	vst v63  }
0x42: {  	s24 =	simm.s32 $0x5080  }
0x43: {  	[tilespmem:s24], [sflag:$0x1] =	stream.indirect_vreg.gather [hbm4b:s6+s2], $0x80, v3, vm0, $0xb8;
	[tilespmem:$0x14080] =	vst v63  }
0x44: {  	_ = 	snop  }
0x45: {  	[tilespmem:s26], [sflag:$0x1] =	stream.indirect_vreg.gather [hbm4b:s7+s2], $0x80, v3, vm0, $0xb8;
	[tilespmem:$0x14080] =	vst v63  }
0x46: {  	v3 =	vld [tilespmem:$0x40];
	_ =	sdelay $0x4  }
0x47: {  	v62 =	vshrl.u32 v3, $0x3  }
0x48: {  	v4 =	vmul.u32 $0x30, v62  }
0x49: {  	v3 =	vand.u32 $0x7, v3  }
0x4a: {  	v3 =	vor.u32 v3, v4  }
0x4b: {  	v4 =	vperm.xlane v3, v0;
	_ =	sdelay $0x1  }
0x4c: {  	v4 =	vadd.s32 v1, v4;
	_ =	sdelay $0x3  }
0x4d: {  	v3 =	vperm.xlane v3, v2  }
0x4e: {  	[tilespmem:s28], [sflag:$0x1] =	stream.indirect_vreg.gather [hbm4b:s3+s2], $0x80, v4, vm0, $0xb8;
	[tilespmem:$0x14080] =	vst v63  }
0x4f: {  	v3 =	vadd.s32 v1, v3  }
0x50: {  	[tilespmem:s29], [sflag:$0x1] =	stream.indirect_vreg.gather [hbm4b:s6+s2], $0x80, v4, vm0, $0xb8;
	[tilespmem:$0x14080] =	vst v63  }
0x51: {  	_ = 	snop  }
0x52: {  	[tilespmem:s30], [sflag:$0x1] =	stream.indirect_vreg.gather [hbm4b:s7+s2], $0x80, v4, vm0, $0xb8;
	[tilespmem:$0x14080] =	vst v63  }
0x53: {  	_ = 	snop  }
0x54: {  	[tilespmem:s31], [sflag:$0x1] =	stream.indirect_vreg.gather [hbm4b:s3+s2], $0x80, v3, vm0, $0xb8;
	[tilespmem:$0x14080] =	vst v63  }
0x55: {  	_ = 	snop  }
0x56: {  	[tilespmem:s0], [sflag:$0x1] =	stream.indirect_vreg.gather [hbm4b:s6+s2], $0x80, v3, vm0, $0xb8;
	[tilespmem:$0x14080] =	vst v63  }
0x57: {  	_ = 	snop  }
0x58: {  	[tilespmem:s1], [sflag:$0x1] =	stream.indirect_vreg.gather [hbm4b:s7+s2], $0x80, v3, vm0, $0xb8;
	[tilespmem:$0x14080] =	vst v63  }
0x59: {  	v3 =	vld [tilespmem:$0x50];
	_ =	sdelay $0x4  }
0x5a: {  	v63 =	vshrl.u32 v3, $0x3  }
0x5b: {  	v4 =	vmul.u32 $0x30, v63  }
0x5c: {  	v3 =	vand.u32 $0x7, v3  }
0x5d: {  	v3 =	vor.u32 v3, v4  }
0x5e: {  	v4 =	vperm.xlane v3, v0;
	_ =	sdelay $0x1  }
0x5f: {  	v4 =	vadd.s32 v1, v4;
	_ =	sdelay $0x3  }
0x60: {  	v3 =	vperm.xlane v3, v2  }
0x61: {  	[tilespmem:s14], [sflag:$0x1] =	stream.indirect_vreg.gather [hbm4b:s3+s2], $0x80, v4, vm0, $0xb8;
	[tilespmem:$0x14080] =	vst v63  }
0x62: {  	v3 =	vadd.s32 v1, v3  }
0x63: {  	[tilespmem:s16], [sflag:$0x1] =	stream.indirect_vreg.gather [hbm4b:s6+s2], $0x80, v4, vm0, $0xb8;
	[tilespmem:$0x14080] =	vst v63  }
0x64: {  	_ = 	snop  }
0x65: {  	[tilespmem:s17], [sflag:$0x1] =	stream.indirect_vreg.gather [hbm4b:s7+s2], $0x80, v4, vm0, $0xb8;
	[tilespmem:$0x14080] =	vst v63  }
0x66: {  	_ = 	snop  }
0x67: {  	[tilespmem:s18], [sflag:$0x1] =	stream.indirect_vreg.gather [hbm4b:s3+s2], $0x80, v3, vm0, $0xb8;
	[tilespmem:$0x14080] =	vst v63  }
0x68: {  	_ = 	snop  }
0x69: {  	[tilespmem:s4], [sflag:$0x1] =	stream.indirect_vreg.gather [hbm4b:s6+s2], $0x80, v3, vm0, $0xb8;
	[tilespmem:$0x14080] =	vst v63  }
0x6a: {  	_ = 	snop  }
0x6b: {  	[tilespmem:s19], [sflag:$0x1] =	stream.indirect_vreg.gather [hbm4b:s7+s2], $0x80, v3, vm0, $0xb8;
	[tilespmem:$0x14080] =	vst v63  }
0x6c: {  	s25 =	rddreg [dreg:$0x6]  }
0x6d: {  	[tilespmem:s20], [sflag:$0x2] =	stream.linear.gather [hbm4b:s25+s2], $0x6000, $0x38;
	[tilespmem:$0x14080] =	vst v63  }
0x6e: {  	_ =	swait.ge [sflag:s13], $0x6000  }
0x6f: {  	[sflag:s13] =	ssyncset.done $0x0  }
0x70: {  	[sflag:s13] =	ssyncadd.s32 $0xFFFFA000  }
0x71: {  	_ =	swait.ge [sflag:s5], $0x6000  }
0x72: {  	[sflag:s5] =	ssyncset.done $0x0  }
0x73: {  	[sflag:s5] =	ssyncadd.s32 $0xFFFFA000  }
0x74: {  	_ =	swait.ge [sflag:s5], $0x6000  }
0x75: {  	s22 =	simm.s32 $0x120A0;
	[sflag:s5] =	ssyncset.done $0x0  }
0x76: {  	s23 =	simm.s32 $0x0;
	s24 =	simm.s32 $0x0;
	[sflag:s5] =	ssyncadd.s32 $0xFFFFA000  }
.LBB2_2:
0x77: {  	s8 =	sshrl.u32 s24, $0x3  }
0x78: {  	v5 =	vld [tilespmem:s22+$0xFFFFFFE0];
	s8 =	smul.u32 $0x1800, s8  }
0x79: {  	v4 =	vld [tilespmem:s22+$0xFFFFFFF0];
	s25 =	sand.u32 $0x380, s23  }
0x7a: {  	v3 =	vld [tilespmem:s22+$0x0];
	s8 =	sor.u32 s25, s8  }
0x7b: {  	v7 =	vld [tilespmem:s8+$0x80]  }
0x7c: {  	v8 =	vld [tilespmem:s8+$0x6080]  }
0x7d: {  	v9 =	vld [tilespmem:s8+$0xC080]  }
0x7e: {  	v10 =	vld [tilespmem:s8+$0x90]  }
0x7f: {  	v14 =	vld [tilespmem:s8+$0x6090]  }
0x80: {  	v17 =	vld [tilespmem:s8+$0xC090]  }
0x81: {  	v20 =	vld [tilespmem:s8+$0xA0]  }
0x82: {  	v21 =	vld [tilespmem:s8+$0x60A0]  }
0x83: {  	v22 =	vld [tilespmem:s8+$0xC0A0]  }
0x84: {  	v26 =	vld [tilespmem:s8+$0xB0]  }
0x85: {  	v27 =	vld [tilespmem:s8+$0x60B0]  }
0x86: {  	v29 =	vld [tilespmem:s8+$0xC0B0]  }
0x87: {  	v30 =	vld [tilespmem:s8+$0xC0]  }
0x88: {  	v31 =	vld [tilespmem:s8+$0x60C0]  }
0x89: {  	v36 =	vld [tilespmem:s8+$0xC0C0]  }
0x8a: {  	v37 =	vld [tilespmem:s8+$0xD0]  }
0x8b: {  	v40 =	vld [tilespmem:s8+$0x60D0]  }
0x8c: {  	v41 =	vld [tilespmem:s8+$0xC0D0]  }
0x8d: {  	v43 =	vld [tilespmem:s8+$0xE0]  }
0x8e: {  	v44 =	vld [tilespmem:s8+$0x60E0]  }
0x8f: {  	v45 =	vld [tilespmem:s8+$0xC0E0]  }
0x90: {  	v46 =	vld [tilespmem:s8+$0xF0]  }
0x91: {  	v47 =	vld [tilespmem:s8+$0x60F0]  }
0x92: {  	v48 =	vld [tilespmem:s8+$0xC0F0]  }
0x93: {  	v49 =	vld [tilespmem:s8+$0x480]  }
0x94: {  	v50 =	vld [tilespmem:s8+$0x6480]  }
0x95: {  	v51 =	vld [tilespmem:s8+$0xC480]  }
0x96: {  	v52 =	vld [tilespmem:s8+$0x490]  }
0x97: {  	v42 =	vld [tilespmem:s8+$0x8C0]  }
0x98: {  	v53 =	vld [tilespmem:s8+$0x6490]  }
0x99: {  	v54 =	vld [tilespmem:s8+$0xC490]  }
0x9a: {  	v55 =	vld [tilespmem:s8+$0x4A0]  }
0x9b: {  	v56 =	vld [tilespmem:s8+$0x64A0]  }
0x9c: {  	[tilespmem:$0x1FEF0] =	vst v42;
	v42 =	vld [tilespmem:s8+$0x68C0]  }
0x9d: {  	v57 =	vld [tilespmem:s8+$0xC4A0]  }
0x9e: {  	v58 =	vld [tilespmem:s8+$0x4B0]  }
0x9f: {  	v59 =	vld [tilespmem:s8+$0x64B0]  }
0xa0: {  	v60 =	vld [tilespmem:s8+$0xC4B0]  }
0xa1: {  	[tilespmem:$0x1FF00] =	vst v42;
	v42 =	vld [tilespmem:s8+$0xC8C0]  }
0xa2: {  	v61 =	vld [tilespmem:s8+$0x4C0]  }
0xa3: {  	v62 =	vld [tilespmem:s8+$0x64C0]  }
0xa4: {  	v63 =	vld [tilespmem:s8+$0xC4C0]  }
0xa5: {  	v1 =	vld [tilespmem:s8+$0x4D0]  }
0xa6: {  	[tilespmem:$0x1FF10] =	vst v42;
	v42 =	vld [tilespmem:s8+$0x8D0]  }
0xa7: {  	v2 =	vld [tilespmem:s8+$0x64D0]  }
0xa8: {  	v6 =	vld [tilespmem:s8+$0xC4D0]  }
0xa9: {  	v12 =	vld [tilespmem:s8+$0x4E0]  }
0xaa: {  	v11 =	vld [tilespmem:s8+$0x64E0]  }
0xab: {  	[tilespmem:$0x1FF20] =	vst v42;
	v42 =	vld [tilespmem:s8+$0x68D0]  }
0xac: {  	v15 =	vld [tilespmem:s8+$0xC4E0]  }
0xad: {  	v13 =	vld [tilespmem:s8+$0x4F0]  }
0xae: {  	v18 =	vld [tilespmem:s8+$0x64F0]  }
0xaf: {  	v16 =	vld [tilespmem:s8+$0xC4F0]  }
0xb0: {  	[tilespmem:$0x1FF30] =	vst v42;
	v42 =	vld [tilespmem:s8+$0xC8D0]  }
0xb1: {  	v23 =	vld [tilespmem:s8+$0x880]  }
0xb2: {  	v19 =	vld [tilespmem:s8+$0x6880]  }
0xb3: {  	v39 =	vld [tilespmem:s8+$0xC880]  }
0xb4: {  	v0 =	vld [tilespmem:s8+$0xC8A0]  }
0xb5: {  	[tilespmem:$0x1FF40] =	vst v42;
	v42 =	vld [tilespmem:s8+$0x8E0]  }
0xb6: {  	v25 =	vld [tilespmem:s8+$0x890]  }
0xb7: {  	v24 =	vld [tilespmem:s8+$0x6890]  }
0xb8: {  	v38 =	vld [tilespmem:s8+$0xC890]  }
0xb9: {  	v34 =	vld [tilespmem:s8+$0x8A0];
	[tilespmem:$0x1FEE0] =	vst v0;
	v10 =	vmul.f32 v10, v5;
	v0 =	vmul.f32 v14, v4  }
0xba: {  	[tilespmem:$0x1FF50] =	vst v42;
	v42 =	vld [tilespmem:s8+$0x68E0]  }
0xbb: {  	v0 =	vadd.f32 v0, v10;
	v10 =	vld [tilespmem:s8+$0xC80]  }
0xbc: {  	v35 =	vld [tilespmem:s8+$0x68A0]  }
0xbd: {  	v32 =	vld [tilespmem:s8+$0x8B0]  }
0xbe: {  	v33 =	vld [tilespmem:s8+$0x68B0]  }
0xbf: {  	v20 =	vmul.f32 v20, v5;
	v21 =	vmul.f32 v21, v4;
	[tilespmem:$0x1FF60] =	vst v42;
	v42 =	vld [tilespmem:s8+$0xC8E0]  }
0xc0: {  	[tilespmem:$0x1FFA0] =	vst v10;
	v10 =	vmul.f32 v27, v4;
	v27 =	vmul.f32 v29, v3;
	v29 =	vld [tilespmem:s8+$0xCC80]  }
0xc1: {  	v28 =	vld [tilespmem:s8+$0xC8B0];
	v22 =	vmul.f32 v22, v3;
	v20 =	vadd.f32 v21, v20  }
0xc2: {  	v8 =	vmul.f32 v8, v4;
	v14 =	vld [tilespmem:s8+$0x68F0];
	v9 =	vmul.f32 v9, v3  }
0xc3: {  	v26 =	vmul.f32 v26, v5;
	v43 =	vmul.f32 v43, v5;
	v22 =	vadd.f32 v22, v20;
	v20 =	vld [tilespmem:s8+$0xCC90]  }
0xc4: {  	v44 =	vmul.f32 v44, v4;
	[tilespmem:$0x1FF80] =	vst v42;
	v42 =	vmul.f32 v7, v5;
	v7 =	vld [tilespmem:s8+$0x8F0]  }
0xc5: {  	v21 =	vmul.f32 v30, v5;
	v26 =	vadd.f32 v10, v26;
	v10 =	vld [tilespmem:s8+$0x6C90];
	[tilespmem:$0x1FFC0] =	vst v29;
	v29 =	vmul.f32 v31, v4  }
0xc6: {  	v31 =	vadd.f32 v44, v43;
	v43 =	vmul.f32 v49, v5;
	v49 =	vld [tilespmem:s8+$0xCD0];
	v42 =	vadd.f32 v8, v42  }
0xc7: {  	v30 =	vmul.f32 v37, v5;
	v29 =	vadd.f32 v29, v21;
	v21 =	vld [tilespmem:s8+$0xCA0]  }
0xc8: {  	v37 =	vmul.f32 v45, v3;
	v44 =	vmul.f32 v50, v4;
	v9 =	vadd.f32 v9, v42;
	v42 =	vld [tilespmem:s8+$0x6C80]  }
0xc9: {  	v56 =	vmul.f32 v56, v4;
	[tilespmem:$0x1FF70] =	vst v7;
	v7 =	vld [tilespmem:s8+$0xC8F0]  }
0xca: {  	v45 =	vadd.f32 v37, v31;
	v37 =	vld [tilespmem:s8+$0xCC0];
	v43 =	vadd.f32 v44, v43;
	v44 =	vmul.f32 v55, v5  }
0xcb: {  	v17 =	vmul.f32 v17, v3;
	v31 =	vld [tilespmem:s8+$0xCCC0]  }
0xcc: {  	v56 =	vadd.f32 v56, v44;
	v44 =	vld [tilespmem:s8+$0xCE0]  }
0xcd: {  	[tilespmem:$0x1FFB0] =	vst v42;
	v42 =	vadd.f32 v17, v0;
	v17 =	vld [tilespmem:s8+$0xC90]  }
0xce: {  	v36 =	vmul.f32 v36, v3;
	v0 =	vadd.f32 v27, v26;
	v26 =	vld [tilespmem:s8+$0x6CA0];
	[tilespmem:$0x1FF90] =	vst v7;
	v7 =	vmul.f32 v40, v4  }
0xcf: {  	v41 =	vmul.f32 v41, v3;
	v27 =	vld [tilespmem:s8+$0xCCA0]  }
0xd0: {  	v46 =	vmul.f32 v46, v5;
	v40 =	vadd.f32 v7, v30;
	v7 =	vadd.f32 v36, v29;
	v29 =	vld [tilespmem:s8+$0xCB0]  }
0xd1: {  	v47 =	vmul.f32 v47, v4;
	v52 =	vmul.f32 v52, v5;
	v30 =	vld [tilespmem:s8+$0x6CB0]  }
0xd2: {  	v53 =	vmul.f32 v53, v4;
	v61 =	vmul.f32 v61, v5;
	v36 =	vld [tilespmem:s8+$0xCCB0]  }
0xd3: {  	v8 =	vadd.f32 v41, v40;
	v40 =	vmul.f32 v48, v3;
	v48 =	vadd.f32 v47, v46;
	v41 =	vld [tilespmem:s8+$0x6CC0]  }
0xd4: {  	v62 =	vmul.f32 v62, v4;
	v46 =	vmul.f32 v51, v3;
	v51 =	vld [tilespmem:s8+$0x6CD0]  }
0xd5: {  	v55 =	vmul.f32 v59, v4;
	[tilespmem:s8+$0xE0] =	vst v45;
	v45 =	vmul.f32 v26, v4;
	v26 =	vld [tilespmem:s8+$0x70D0];
	v47 =	vadd.f32 v40, v48  }
0xd6: {  	v48 =	vmul.f32 v54, v3;
	v40 =	vadd.f32 v53, v52;
	v46 =	vadd.f32 v46, v43;
	v43 =	vld [tilespmem:s8+$0xCCD0]  }
0xd7: {  	v54 =	vmul.f32 v58, v5;
	v53 =	vadd.f32 v62, v61;
	v61 =	vmul.f32 v25, v5;
	v25 =	vld [tilespmem:s8+$0x1080]  }
0xd8: {  	v62 =	vmul.f32 v39, v3;
	v39 =	vmul.f32 v35, v4;
	v35 =	vld [tilespmem:s8+$0x1090]  }
0xd9: {  	v58 =	vmul.f32 v57, v3;
	v57 =	vmul.f32 v63, v3;
	v59 =	vadd.f32 v55, v54;
	v55 =	vld [tilespmem:s8+$0x6CE0]  }
0xda: {  	v48 =	vadd.f32 v48, v40;
	v40 =	vld [tilespmem:s8+$0xCCE0]  }
0xdb: {  	v52 =	vadd.f32 v58, v56;
	v58 =	vmul.f32 v12, v5;
	v12 =	vadd.f32 v57, v53;
	v53 =	vld [tilespmem:s8+$0xCF0]  }
0xdc: {  	v60 =	vmul.f32 v60, v3;
	v56 =	vmul.f32 v33, v4;
	v33 =	vld [tilespmem:s8+$0x7090]  }
0xdd: {  	v1 =	vmul.f32 v1, v5;
	v2 =	vmul.f32 v2, v4;
	v57 =	vld [tilespmem:$0x1FEE0]  }
0xde: {  	v6 =	vmul.f32 v6, v3;
	[tilespmem:s8+$0xF0] =	vst v47;
	v47 =	vmul.f32 v29, v5;
	v29 =	vld [tilespmem:s8+$0xD0D0]  }
0xdf: {  	v11 =	vmul.f32 v11, v4;
	v15 =	vmul.f32 v15, v3;
	[tilespmem:s8+$0x480] =	vst v46;
	v46 =	vld [tilespmem:s8+$0xD0E0]  }
0xe0: {  	v13 =	vmul.f32 v13, v5;
	v50 =	vadd.f32 v60, v59;
	v59 =	vmul.f32 v18, v4;
	v18 =	vld [tilespmem:s8+$0x6CF0]  }
0xe1: {  	v19 =	vmul.f32 v19, v4;
	v1 =	vadd.f32 v2, v1;
	v60 =	vmul.f32 v23, v5;
	v23 =	vld [tilespmem:s8+$0xCCF0]  }
0xe2: {  	v24 =	vmul.f32 v24, v4;
	v2 =	vadd.f32 v11, v58;
	v58 =	vld [tilespmem:$0x1FEF0];
	[tilespmem:s8+$0x490] =	vst v48;
	v48 =	vmul.f32 v49, v5  }
0xe3: {  	v1 =	vadd.f32 v6, v1;
	v49 =	vmul.f32 v51, v4;
	v51 =	vmul.f32 v31, v3;
	v31 =	vld [tilespmem:s8+$0xD0F0]  }
0xe4: {  	v63 =	vmul.f32 v38, v3;
	v38 =	vmul.f32 v34, v5;
	v11 =	vadd.f32 v19, v60;
	v19 =	vld [tilespmem:s8+$0x7080]  }
0xe5: {  	v6 =	vadd.f32 v59, v13;
	v13 =	vadd.f32 v24, v61;
	v24 =	vld [tilespmem:s8+$0xD080]  }
0xe6: {  	v2 =	vadd.f32 v15, v2;
	v15 =	vadd.f32 v39, v38;
	v38 =	vld [tilespmem:s8+$0xD090]  }
0xe7: {  	v59 =	vld [tilespmem:$0x1FF00]  }
0xe8: {  	v60 =	vld [tilespmem:$0x1FF10]  }
0xe9: {  	v61 =	vld [tilespmem:$0x1FF20]  }
0xea: {  	v16 =	vmul.f32 v16, v3;
	[tilespmem:s8+$0x4A0] =	vst v52;
	v52 =	vadd.f32 v49, v48;
	v48 =	vmul.f32 v35, v5;
	v35 =	vld [tilespmem:s8+$0x14A0]  }
0xeb: {  	v54 =	vmul.f32 v32, v5;
	v34 =	vmul.f32 v57, v3;
	v57 =	vld [tilespmem:s8+$0x70A0]  }
0xec: {  	v49 =	vmul.f32 v33, v4;
	v33 =	vld [tilespmem:s8+$0xD490]  }
0xed: {  	v6 =	vadd.f32 v16, v6;
	v16 =	vadd.f32 v56, v54;
	v54 =	vld [tilespmem:s8+$0x10A0]  }
0xee: {  	v11 =	vadd.f32 v62, v11;
	v62 =	vld [tilespmem:$0x1FF30]  }
0xef: {  	v13 =	vadd.f32 v63, v13;
	v63 =	vld [tilespmem:$0x1FF40]  }
0xf0: {  	v28 =	vmul.f32 v28, v3;
	v39 =	vmul.f32 v59, v4;
	v59 =	vld [tilespmem:s8+$0xD0A0]  }
0xf1: {  	v32 =	vmul.f32 v58, v5;
	v15 =	vadd.f32 v34, v15;
	v34 =	vmul.f32 v60, v3;
	v60 =	vld [tilespmem:$0x1FF60]  }
0xf2: {  	v16 =	vadd.f32 v28, v16;
	v56 =	vmul.f32 v61, v5;
	v61 =	vld [tilespmem:$0x1FF70]  }
0xf3: {  	[tilespmem:s8+$0x80] =	vst v9;
	v28 =	vmul.f32 v62, v4;
	v9 =	vadd.f32 v39, v32;
	v39 =	vld [tilespmem:$0x1FF50]  }
0xf4: {  	[tilespmem:s8+$0x8B0] =	vst v16;
	v16 =	vld [tilespmem:s8+$0xD4A0]  }
0xf5: {  	v14 =	vmul.f32 v14, v4;
	v58 =	vmul.f32 v63, v3;
	v63 =	vld [tilespmem:$0x1FF80];
	v28 =	vadd.f32 v28, v56  }
0xf6: {  	v20 =	vmul.f32 v20, v3;
	v10 =	vmul.f32 v10, v4;
	[tilespmem:s8+$0x90] =	vst v42;
	v56 =	vld [tilespmem:s8+$0x70B0]  }
0xf7: {  	[tilespmem:s8+$0xB0] =	vst v0;
	v27 =	vmul.f32 v27, v3;
	v42 =	vmul.f32 v61, v5;
	v0 =	vadd.f32 v58, v28;
	v58 =	vld [tilespmem:$0x1FFB0]  }
0xf8: {  	v9 =	vadd.f32 v34, v9;
	v34 =	vld [tilespmem:s8+$0xD0B0];
	v32 =	vmul.f32 v39, v5;
	v39 =	vmul.f32 v60, v4  }
0xf9: {  	v40 =	vmul.f32 v40, v3;
	v61 =	vmul.f32 v17, v5;
	v14 =	vadd.f32 v14, v42;
	v42 =	vld [tilespmem:$0x1FFA0]  }
0xfa: {  	v18 =	vmul.f32 v18, v4;
	v62 =	vadd.f32 v39, v32;
	v32 =	vmul.f32 v63, v3;
	v39 =	vld [tilespmem:$0x1FF90]  }
0xfb: {  	v19 =	vmul.f32 v19, v4;
	v35 =	vmul.f32 v35, v5;
	v17 =	vld [tilespmem:s8+$0xD0C0];
	v10 =	vadd.f32 v10, v61  }
0xfc: {  	[tilespmem:s8+$0xC0] =	vst v7;
	v7 =	vadd.f32 v32, v62;
	v32 =	vmul.f32 v58, v4;
	v62 =	vld [tilespmem:$0x1FFC0];
	v58 =	vmul.f32 v30, v4  }
0xfd: {  	[tilespmem:s8+$0xA0] =	vst v22;
	v60 =	vld [tilespmem:s8+$0x10B0];
	v61 =	vmul.f32 v36, v3;
	v63 =	vmul.f32 v21, v5;
	v10 =	vadd.f32 v20, v10  }
0xfe: {  	[tilespmem:s8+$0x4D0] =	vst v1;
	v36 =	vld [tilespmem:s8+$0x10E0];
	v22 =	vmul.f32 v42, v5;
	v20 =	vadd.f32 v58, v47;
	v58 =	vmul.f32 v43, v3  }
0xff: {  	[tilespmem:s8+$0xD0] =	vst v8;
	v21 =	vld [tilespmem:s8+$0x14B0];
	v43 =	vmul.f32 v23, v3;
	v28 =	vmul.f32 v39, v3  }
0x100: {  	[tilespmem:s8+$0x4C0] =	vst v12;
	v30 =	vld [tilespmem:s8+$0x70F0];
	v47 =	vmul.f32 v24, v3;
	v22 =	vadd.f32 v32, v22;
	v1 =	vadd.f32 v61, v20  }
0x101: {  	[tilespmem:s8+$0x4B0] =	vst v50;
	v42 =	vld [tilespmem:s8+$0x70C0];
	v61 =	vmul.f32 v44, v5;
	v8 =	vadd.f32 v28, v14;
	v28 =	vmul.f32 v62, v3  }
0x102: {  	[tilespmem:s8+$0x4E0] =	vst v2;
	v24 =	vld [tilespmem:s8+$0x1490];
	v14 =	vadd.f32 v45, v63;
	v62 =	vmul.f32 v37, v5;
	v63 =	vmul.f32 v41, v4  }
0x103: {  	[tilespmem:s8+$0x4F0] =	vst v6;
	v23 =	vld [tilespmem:s8+$0x7480];
	v6 =	vadd.f32 v58, v52;
	v52 =	vmul.f32 v54, v5;
	v54 =	vadd.f32 v49, v48  }
0x104: {  	[tilespmem:s8+$0x880] =	vst v11;
	v39 =	vld [tilespmem:s8+$0x10C0];
	v45 =	vmul.f32 v25, v5;
	v50 =	vadd.f32 v63, v62;
	v62 =	vmul.f32 v55, v4  }
0x105: {  	[tilespmem:s8+$0x890] =	vst v13;
	v32 =	vld [tilespmem:s8+$0x10D0];
	v22 =	vadd.f32 v28, v22;
	v63 =	vmul.f32 v53, v5;
	v53 =	vmul.f32 v57, v4  }
0x106: {  	[tilespmem:s8+$0x8A0] =	vst v15;
	v20 =	vld [tilespmem:s8+$0xD480];
	v12 =	vadd.f32 v27, v14;
	v55 =	vmul.f32 v60, v5;
	v57 =	vmul.f32 v56, v4  }
0x107: {  	[tilespmem:s8+$0x8C0] =	vst v9;
	v48 =	vld [tilespmem:s8+$0x14C0];
	v60 =	vmul.f32 v59, v3;
	v59 =	vmul.f32 v24, v5;
	v2 =	vadd.f32 v51, v50  }
0x108: {  	[tilespmem:s8+$0x8D0] =	vst v0;
	v41 =	vld [tilespmem:s8+$0x70E0];
	v37 =	vadd.f32 v62, v61;
	v44 =	vadd.f32 v18, v63;
	v50 =	vmul.f32 v38, v3  }
0x109: {  	[tilespmem:s8+$0xC90] =	vst v10;
	v25 =	vld [tilespmem:s8+$0x7490];
	v51 =	vadd.f32 v19, v45;
	v62 =	vmul.f32 v34, v3;
	v63 =	vmul.f32 v39, v5  }
0x10a: {  	[tilespmem:s8+$0x8E0] =	vst v7;
	v27 =	vld [tilespmem:s8+$0x10F0];
	v58 =	vadd.f32 v53, v52;
	v34 =	vmul.f32 v42, v4;
	v38 =	vmul.f32 v26, v4  }
0x10b: {  	[tilespmem:s8+$0xCB0] =	vst v1;
	v28 =	vld [tilespmem:s8+$0x1480];
	v61 =	vadd.f32 v57, v55;
	v42 =	vmul.f32 v29, v3;
	v45 =	vmul.f32 v36, v5  }
0x10c: {  	[tilespmem:s8+$0xCD0] =	vst v6;
	v18 =	vld [tilespmem:s8+$0x74A0];
	v53 =	vmul.f32 v30, v4;
	v57 =	vmul.f32 v23, v4;
	v11 =	vadd.f32 v40, v37  }
0x10d: {  	[tilespmem:s8+$0xC80] =	vst v22;
	v22 =	vld [tilespmem:s8+$0x74B0];
	v13 =	vadd.f32 v43, v44;
	v7 =	vadd.f32 v47, v51;
	v37 =	vmul.f32 v32, v5  }
0x10e: {  	[tilespmem:s8+$0x8F0] =	vst v8;
	v52 =	vld [tilespmem:s8+$0x74C0];
	v0 =	vadd.f32 v50, v54;
	v40 =	vmul.f32 v17, v3;
	v47 =	vmul.f32 v41, v4  }
0x10f: {  	[tilespmem:s8+$0xCA0] =	vst v12;
	v55 =	vld [tilespmem:s8+$0xD4C0];
	v9 =	vadd.f32 v60, v58;
	v50 =	vmul.f32 v46, v3;
	v54 =	vmul.f32 v31, v3  }
0x110: {  	v39 =	vadd.f32 v34, v63;
	v43 =	vld [tilespmem:s8+$0xD4B0];
	[tilespmem:s8+$0xCC0] =	vst v2;
	v60 =	vmul.f32 v25, v4;
	v25 =	vmul.f32 v20, v3  }
0x111: {  	v8 =	vadd.f32 v62, v61;
	v58 =	vld [tilespmem:s8+$0x14D0];
	v32 =	vmul.f32 v33, v3;
	v46 =	vmul.f32 v48, v5;
	[tilespmem:s8+$0xCE0] =	vst v11  }
0x112: {  	v61 =	vld [tilespmem:s8+$0x74D0];
	v51 =	vmul.f32 v27, v5;
	v44 =	vadd.f32 v38, v37;
	v49 =	vadd.f32 v40, v39;
	[tilespmem:s8+$0xCF0] =	vst v13  }
0x113: {  	v33 =	vld [tilespmem:s8+$0x14E0];
	v56 =	vmul.f32 v28, v5;
	v10 =	vadd.f32 v47, v45;
	[tilespmem:s8+$0x1080] =	vst v7;
	v31 =	vadd.f32 v60, v59  }
0x114: {  	v28 =	vld [tilespmem:s8+$0xD4D0];
	[tilespmem:s8+$0x1090] =	vst v0;
	v38 =	vmul.f32 v21, v5;
	v6 =	vadd.f32 v53, v51;
	v36 =	vmul.f32 v18, v4  }
0x115: {  	[tilespmem:s8+$0x10A0] =	vst v9;
	v37 =	vld [tilespmem:s8+$0x14F0];
	v63 =	vadd.f32 v57, v56;
	v39 =	vmul.f32 v22, v4;
	v47 =	vmul.f32 v52, v4  }
0x116: {  	[tilespmem:s8+$0x10B0] =	vst v8;
	v40 =	vld [tilespmem:s8+$0x74E0];
	v55 =	vmul.f32 v55, v3;
	v1 =	vadd.f32 v42, v44;
	v62 =	vadd.f32 v50, v10  }
0x117: {  	[tilespmem:s8+$0x10C0] =	vst v49;
	v42 =	vmul.f32 v16, v3;
	v44 =	vld [tilespmem:s8+$0x74F0];
	v30 =	vadd.f32 v54, v6;
	v34 =	vadd.f32 v25, v63  }
0x118: {  	v48 =	vld [tilespmem:s8+$0xD4E0];
	v6 =	vadd.f32 v32, v31;
	v41 =	vadd.f32 v36, v35;
	v43 =	vmul.f32 v43, v3;
	[tilespmem:s8+$0x10D0] =	vst v1  }
0x119: {  	v51 =	vld [tilespmem:s8+$0xD4F0];
	v45 =	vadd.f32 v39, v38;
	v49 =	vmul.f32 v58, v5;
	v50 =	vmul.f32 v33, v5;
	[tilespmem:s8+$0x10E0] =	vst v62  }
0x11a: {  	v54 =	vmul.f32 v61, v4;
	v8 =	vadd.f32 v47, v46;
	v57 =	vmul.f32 v28, v3;
	[tilespmem:s8+$0x10F0] =	vst v30  }
0x11b: {  	v2 =	vadd.f32 v42, v41;
	v52 =	vadd.f32 v43, v45;
	[tilespmem:s8+$0x1480] =	vst v34;
	v56 =	vmul.f32 v40, v4  }
0x11c: {  	v53 =	vmul.f32 v37, v5;
	[tilespmem:s8+$0x1490] =	vst v6;
	v5 =	vadd.f32 v54, v49;
	v4 =	vmul.f32 v44, v4  }
0x11d: {  	p0 =	sne.s32 s24, $0x1F;
	v60 =	vmul.f32 v48, v3;
	v58 =	vadd.f32 v55, v8;
	[tilespmem:s8+$0x14A0] =	vst v2;
	v59 =	vadd.f32 v56, v50  }
.Ltmp0:
0x11e: {  	v3 =	vmul.f32 v51, v3;
	[tilespmem:s8+$0x14B0] =	vst v52;
	v61 =	vadd.f32 v57, v5;
	v1 =	vadd.f32 v4, v53;
	(pc) =	sbr.rel @p0 .LBB2_2-.Ltmp0, $4  }
0x11f: {  	[tilespmem:s8+$0x14C0] =	vst v58;
	v62 =	vadd.f32 v60, v59  }
0x120: {  	[tilespmem:s8+$0x14D0] =	vst v61;
	v63 =	vadd.f32 v3, v1  }
0x121: {  	[tilespmem:s8+$0x14E0] =	vst v62  }
0x122: {  	s23 =	sadd.s32 $0x80, s23;
	s22 =	sadd.s32 $0x80, s22;
	s24 =	sadd.s32 $0x1, s24;
	[tilespmem:s8+$0x14F0] =	vst v63  }
0x123: {  	s22 =	simm.s32 $0x0  }
0x124: {  	[hbm4b:s9+s22] =	stream.linear.scatter [tilespmem:s15], [sflag:$0x2], $0x6000, $0x38;
	[tilespmem:$0x14080] =	vst v63  }
0x125: {  	_ =	swait.ge [sflag:s13], $0x6000  }
0x126: {  	[sflag:s13] =	ssyncset.done $0x0  }
0x127: {  	[sflag:s13] =	ssyncadd.s32 $0xFFFFA000  }
0x128: {  	v0 =	vld [tilespmem:$0x20];
	_ =	sdelay $0x3  }
0x129: {  	v2 =	vld [tilespmem:$0x1FFD0]  }
0x12a: {  	v1 =	vshrl.u32 v0, $0x3  }
0x12b: {  	v3 =	vld [tilespmem:$0x1FFE0];
	v1 =	vmul.u32 $0x30, v1  }
0x12c: {  	v0 =	vand.u32 $0x7, v0  }
0x12d: {  	v0 =	vor.u32 v0, v1  }
0x12e: {  	v1 =	vperm.xlane v0, v2  }
0x12f: {  	v4 =	vld [tilespmem:$0x1FFF0]  }
0x130: {  	v1 =	vadd.s32 v3, v1;
	_ =	sdelay $0x3  }
0x131: {  	v0 =	vperm.xlane v0, v4  }
0x132: {  	[tilespmem:s15], [sflag:$0x1] =	stream.indirect_vreg.gather [hbm4b:s3+s22], $0x80, v1, vm0, $0xb8;
	[tilespmem:$0x14080] =	vst v63  }
0x133: {  	s8 =	simm.s32 $0x880;
	v0 =	vadd.s32 v3, v0  }
0x134: {  	[tilespmem:s8], [sflag:$0x1] =	stream.indirect_vreg.gather [hbm4b:s6+s22], $0x80, v1, vm0, $0xb8;
	[tilespmem:$0x14080] =	vst v63  }
0x135: {  	s23 =	simm.s32 $0x1080  }
0x136: {  	[tilespmem:s23], [sflag:$0x1] =	stream.indirect_vreg.gather [hbm4b:s7+s22], $0x80, v1, vm0, $0xb8;
	[tilespmem:$0x14080] =	vst v63  }
0x137: {  	s24 =	simm.s32 $0x1880  }
0x138: {  	[tilespmem:s24], [sflag:$0x1] =	stream.indirect_vreg.gather [hbm4b:s3+s22], $0x80, v0, vm0, $0xb8;
	[tilespmem:$0x14080] =	vst v63  }
0x139: {  	s25 =	simm.s32 $0x2080  }
0x13a: {  	[tilespmem:s25], [sflag:$0x1] =	stream.indirect_vreg.gather [hbm4b:s6+s22], $0x80, v0, vm0, $0xb8;
	[tilespmem:$0x14080] =	vst v63  }
0x13b: {  	s23 =	simm.s32 $0x2880  }
0x13c: {  	[tilespmem:s23], [sflag:$0x1] =	stream.indirect_vreg.gather [hbm4b:s7+s22], $0x80, v0, vm0, $0xb8;
	[tilespmem:$0x14080] =	vst v63  }
0x13d: {  	v0 =	vld [tilespmem:$0x30];
	_ =	sdelay $0x4  }
0x13e: {  	v61 =	vshrl.u32 v0, $0x3  }
0x13f: {  	v1 =	vmul.u32 $0x30, v61  }
0x140: {  	v0 =	vand.u32 $0x7, v0  }
0x141: {  	v0 =	vor.u32 v0, v1  }
0x142: {  	v1 =	vperm.xlane v0, v2;
	_ =	sdelay $0x1  }
0x143: {  	v1 =	vadd.s32 v3, v1;
	_ =	sdelay $0x3  }
0x144: {  	s24 =	simm.s32 $0x3080;
	v0 =	vperm.xlane v0, v4  }
0x145: {  	[tilespmem:s24], [sflag:$0x1] =	stream.indirect_vreg.gather [hbm4b:s3+s22], $0x80, v1, vm0, $0xb8;
	[tilespmem:$0x14080] =	vst v63  }
0x146: {  	s25 =	simm.s32 $0x3880;
	v0 =	vadd.s32 v3, v0  }
0x147: {  	[tilespmem:s25], [sflag:$0x1] =	stream.indirect_vreg.gather [hbm4b:s6+s22], $0x80, v1, vm0, $0xb8;
	[tilespmem:$0x14080] =	vst v63  }
0x148: {  	s23 =	simm.s32 $0x4080  }
0x149: {  	[tilespmem:s23], [sflag:$0x1] =	stream.indirect_vreg.gather [hbm4b:s7+s22], $0x80, v1, vm0, $0xb8;
	[tilespmem:$0x14080] =	vst v63  }
0x14a: {  	s24 =	simm.s32 $0x4880  }
0x14b: {  	[tilespmem:s24], [sflag:$0x1] =	stream.indirect_vreg.gather [hbm4b:s3+s22], $0x80, v0, vm0, $0xb8;
	[tilespmem:$0x14080] =	vst v63  }
0x14c: {  	s25 =	simm.s32 $0x5080  }
0x14d: {  	[tilespmem:s25], [sflag:$0x1] =	stream.indirect_vreg.gather [hbm4b:s6+s22], $0x80, v0, vm0, $0xb8;
	[tilespmem:$0x14080] =	vst v63  }
0x14e: {  	_ = 	snop  }
0x14f: {  	[tilespmem:s26], [sflag:$0x1] =	stream.indirect_vreg.gather [hbm4b:s7+s22], $0x80, v0, vm0, $0xb8;
	[tilespmem:$0x14080] =	vst v63  }
0x150: {  	v0 =	vld [tilespmem:$0x60];
	_ =	sdelay $0x4  }
0x151: {  	v62 =	vshrl.u32 v0, $0x3  }
0x152: {  	v1 =	vmul.u32 $0x30, v62  }
0x153: {  	v0 =	vand.u32 $0x7, v0  }
0x154: {  	v0 =	vor.u32 v0, v1  }
0x155: {  	v1 =	vperm.xlane v0, v2;
	_ =	sdelay $0x1  }
0x156: {  	v1 =	vadd.s32 v3, v1;
	_ =	sdelay $0x3  }
0x157: {  	v0 =	vperm.xlane v0, v4  }
0x158: {  	[tilespmem:s28], [sflag:$0x1] =	stream.indirect_vreg.gather [hbm4b:s3+s22], $0x80, v1, vm0, $0xb8;
	[tilespmem:$0x14080] =	vst v63  }
0x159: {  	v0 =	vadd.s32 v3, v0  }
0x15a: {  	[tilespmem:s29], [sflag:$0x1] =	stream.indirect_vreg.gather [hbm4b:s6+s22], $0x80, v1, vm0, $0xb8;
	[tilespmem:$0x14080] =	vst v63  }
0x15b: {  	_ = 	snop  }
0x15c: {  	[tilespmem:s30], [sflag:$0x1] =	stream.indirect_vreg.gather [hbm4b:s7+s22], $0x80, v1, vm0, $0xb8;
	[tilespmem:$0x14080] =	vst v63  }
0x15d: {  	_ = 	snop  }
0x15e: {  	[tilespmem:s31], [sflag:$0x1] =	stream.indirect_vreg.gather [hbm4b:s3+s22], $0x80, v0, vm0, $0xb8;
	[tilespmem:$0x14080] =	vst v63  }
0x15f: {  	_ = 	snop  }
0x160: {  	[tilespmem:s0], [sflag:$0x1] =	stream.indirect_vreg.gather [hbm4b:s6+s22], $0x80, v0, vm0, $0xb8;
	[tilespmem:$0x14080] =	vst v63  }
0x161: {  	_ = 	snop  }
0x162: {  	[tilespmem:s1], [sflag:$0x1] =	stream.indirect_vreg.gather [hbm4b:s7+s22], $0x80, v0, vm0, $0xb8;
	[tilespmem:$0x14080] =	vst v63  }
0x163: {  	v0 =	vld [tilespmem:$0x70];
	_ =	sdelay $0x4  }
0x164: {  	v63 =	vshrl.u32 v0, $0x3  }
0x165: {  	v1 =	vmul.u32 $0x30, v63  }
0x166: {  	v0 =	vand.u32 $0x7, v0  }
0x167: {  	v0 =	vor.u32 v0, v1  }
0x168: {  	v1 =	vperm.xlane v0, v2;
	_ =	sdelay $0x1  }
0x169: {  	v1 =	vadd.s32 v3, v1;
	_ =	sdelay $0x3  }
0x16a: {  	v0 =	vperm.xlane v0, v4  }
0x16b: {  	[tilespmem:s14], [sflag:$0x1] =	stream.indirect_vreg.gather [hbm4b:s3+s22], $0x80, v1, vm0, $0xb8;
	[tilespmem:$0x14080] =	vst v63  }
0x16c: {  	v0 =	vadd.s32 v3, v0  }
0x16d: {  	[tilespmem:s16], [sflag:$0x1] =	stream.indirect_vreg.gather [hbm4b:s6+s22], $0x80, v1, vm0, $0xb8;
	[tilespmem:$0x14080] =	vst v63  }
0x16e: {  	_ = 	snop  }
0x16f: {  	[tilespmem:s17], [sflag:$0x1] =	stream.indirect_vreg.gather [hbm4b:s7+s22], $0x80, v1, vm0, $0xb8;
	[tilespmem:$0x14080] =	vst v63  }
0x170: {  	_ = 	snop  }
0x171: {  	[tilespmem:s18], [sflag:$0x1] =	stream.indirect_vreg.gather [hbm4b:s3+s22], $0x80, v0, vm0, $0xb8;
	[tilespmem:$0x14080] =	vst v63  }
0x172: {  	_ = 	snop  }
0x173: {  	[tilespmem:s4], [sflag:$0x1] =	stream.indirect_vreg.gather [hbm4b:s6+s22], $0x80, v0, vm0, $0xb8;
	[tilespmem:$0x14080] =	vst v63  }
0x174: {  	_ = 	snop  }
0x175: {  	[tilespmem:s19], [sflag:$0x1] =	stream.indirect_vreg.gather [hbm4b:s7+s22], $0x80, v0, vm0, $0xb8;
	[tilespmem:$0x14080] =	vst v63  }
0x176: {  	_ = 	snop  }
0x177: {  	[tilespmem:s20], [sflag:$0x2] =	stream.linear.gather [hbm4b:s10+s22], $0x6000, $0x38;
	[tilespmem:$0x14080] =	vst v63  }
0x178: {  	_ =	swait.ge [sflag:s13], $0x6000  }
0x179: {  	[sflag:s13] =	ssyncset.done $0x0  }
0x17a: {  	[sflag:s13] =	ssyncadd.s32 $0xFFFFA000  }
0x17b: {  	_ =	swait.ge [sflag:s5], $0x6000  }
0x17c: {  	[sflag:s5] =	ssyncset.done $0x0  }
0x17d: {  	[sflag:s5] =	ssyncadd.s32 $0xFFFFA000  }
0x17e: {  	_ =	swait.ge [sflag:s5], $0x6000  }
0x17f: {  	[sflag:s5] =	ssyncset.done $0x0  }
0x180: {  	s23 =	simm.s32 $0x130A0;
	s24 =	simm.s32 $0x0;
	[sflag:s5] =	ssyncadd.s32 $0xFFFFA000  }
.LBB2_4:
0x181: {  	s8 =	sshrl.u32 s24, $0x3  }
0x182: {  	v5 =	vld [tilespmem:s23+$0xFFFFFFE0];
	s8 =	smul.u32 $0x1800, s8  }
0x183: {  	v4 =	vld [tilespmem:s23+$0xFFFFFFF0];
	s25 =	sand.u32 $0x380, s22  }
0x184: {  	v3 =	vld [tilespmem:s23+$0x0];
	s8 =	sor.u32 s25, s8  }
0x185: {  	v0 =	vld [tilespmem:s8+$0x80]  }
0x186: {  	v1 =	vld [tilespmem:s8+$0x6080]  }
0x187: {  	v2 =	vld [tilespmem:s8+$0xC080]  }
0x188: {  	v7 =	vld [tilespmem:s8+$0x90]  }
0x189: {  	v8 =	vld [tilespmem:s8+$0x6090]  }
0x18a: {  	v9 =	vld [tilespmem:s8+$0xC090]  }
0x18b: {  	v10 =	vld [tilespmem:s8+$0xA0]  }
0x18c: {  	v17 =	vld [tilespmem:s8+$0x60A0]  }
0x18d: {  	v20 =	vld [tilespmem:s8+$0xC0A0]  }
0x18e: {  	v21 =	vld [tilespmem:s8+$0xB0]  }
0x18f: {  	v22 =	vld [tilespmem:s8+$0x60B0]  }
0x190: {  	v26 =	vld [tilespmem:s8+$0xC0B0]  }
0x191: {  	v27 =	vld [tilespmem:s8+$0xC0]  }
0x192: {  	v29 =	vld [tilespmem:s8+$0x60C0]  }
0x193: {  	v30 =	vld [tilespmem:s8+$0xC0C0]  }
0x194: {  	v31 =	vld [tilespmem:s8+$0xD0]  }
0x195: {  	v36 =	vld [tilespmem:s8+$0x60D0]  }
0x196: {  	v37 =	vld [tilespmem:s8+$0xC0D0]  }
0x197: {  	v40 =	vld [tilespmem:s8+$0xE0]  }
0x198: {  	v41 =	vld [tilespmem:s8+$0x60E0]  }
0x199: {  	v43 =	vld [tilespmem:s8+$0xC0E0]  }
0x19a: {  	v44 =	vld [tilespmem:s8+$0xF0]  }
0x19b: {  	v45 =	vld [tilespmem:s8+$0x60F0]  }
0x19c: {  	v46 =	vld [tilespmem:s8+$0xC0F0]  }
0x19d: {  	v47 =	vld [tilespmem:s8+$0x480]  }
0x19e: {  	v48 =	vld [tilespmem:s8+$0x6480]  }
0x19f: {  	v49 =	vld [tilespmem:s8+$0xC480]  }
0x1a0: {  	v50 =	vld [tilespmem:s8+$0x490]  }
0x1a1: {  	v51 =	vld [tilespmem:s8+$0x6490]  }
0x1a2: {  	v42 =	vld [tilespmem:s8+$0x8C0]  }
0x1a3: {  	v52 =	vld [tilespmem:s8+$0xC490]  }
0x1a4: {  	v53 =	vld [tilespmem:s8+$0x4A0]  }
0x1a5: {  	v54 =	vld [tilespmem:s8+$0x64A0]  }
0x1a6: {  	v55 =	vld [tilespmem:s8+$0xC4A0]  }
0x1a7: {  	[tilespmem:$0x1FE30] =	vst v42;
	v42 =	vld [tilespmem:s8+$0xC8C0]  }
0x1a8: {  	v56 =	vld [tilespmem:s8+$0x4B0]  }
0x1a9: {  	v57 =	vld [tilespmem:s8+$0x64B0]  }
0x1aa: {  	v58 =	vld [tilespmem:s8+$0xC4B0]  }
0x1ab: {  	v59 =	vld [tilespmem:s8+$0x4C0]  }
0x1ac: {  	[tilespmem:$0x1FE40] =	vst v42;
	v42 =	vld [tilespmem:s8+$0x8D0]  }
0x1ad: {  	v60 =	vld [tilespmem:s8+$0x64C0]  }
0x1ae: {  	v61 =	vld [tilespmem:s8+$0xC4C0]  }
0x1af: {  	v62 =	vld [tilespmem:s8+$0x4D0]  }
0x1b0: {  	v63 =	vld [tilespmem:s8+$0x64D0]  }
0x1b1: {  	[tilespmem:$0x1FE50] =	vst v42;
	v42 =	vld [tilespmem:s8+$0x68D0]  }
0x1b2: {  	v6 =	vld [tilespmem:s8+$0xC4D0]  }
0x1b3: {  	v11 =	vld [tilespmem:s8+$0x4E0]  }
0x1b4: {  	v12 =	vld [tilespmem:s8+$0x64E0]  }
0x1b5: {  	v13 =	vld [tilespmem:s8+$0xC4E0]  }
0x1b6: {  	[tilespmem:$0x1FE60] =	vst v42;
	v42 =	vld [tilespmem:s8+$0xC8D0]  }
0x1b7: {  	v14 =	vld [tilespmem:s8+$0x4F0]  }
0x1b8: {  	v15 =	vld [tilespmem:s8+$0x64F0]  }
0x1b9: {  	v16 =	vld [tilespmem:s8+$0xC4F0]  }
0x1ba: {  	v18 =	vld [tilespmem:s8+$0x880]  }
0x1bb: {  	[tilespmem:$0x1FE70] =	vst v42;
	v42 =	vld [tilespmem:s8+$0x8E0]  }
0x1bc: {  	v19 =	vld [tilespmem:s8+$0x6880]  }
0x1bd: {  	v39 =	vld [tilespmem:s8+$0xC880]  }
0x1be: {  	v23 =	vld [tilespmem:s8+$0x890]  }
0x1bf: {  	v24 =	vld [tilespmem:s8+$0x6890]  }
0x1c0: {  	[tilespmem:$0x1FE80] =	vst v42;
	v42 =	vld [tilespmem:s8+$0x68E0]  }
0x1c1: {  	v38 =	vld [tilespmem:s8+$0xC890]  }
0x1c2: {  	v34 =	vld [tilespmem:s8+$0x8A0]  }
0x1c3: {  	v35 =	vld [tilespmem:s8+$0x68A0]  }
0x1c4: {  	v25 =	vld [tilespmem:s8+$0xC8A0]  }
0x1c5: {  	[tilespmem:$0x1FE90] =	vst v42;
	v42 =	vld [tilespmem:s8+$0xC8E0]  }
0x1c6: {  	v32 =	vld [tilespmem:s8+$0x8B0]  }
0x1c7: {  	v33 =	vld [tilespmem:s8+$0x68B0];
	v7 =	vmul.f32 v7, v5;
	v8 =	vmul.f32 v8, v4  }
0x1c8: {  	v28 =	vld [tilespmem:s8+$0xC8B0];
	v27 =	vmul.f32 v27, v5  }
0x1c9: {  	[tilespmem:$0x1FE20] =	vst v25;
	v25 =	vld [tilespmem:s8+$0x68C0];
	v29 =	vmul.f32 v29, v4;
	v7 =	vadd.f32 v8, v7;
	v8 =	vmul.f32 v10, v5  }
0x1ca: {  	v10 =	vld [tilespmem:s8+$0x6C80];
	[tilespmem:$0x1FEC0] =	vst v42;
	v42 =	vmul.f32 v0, v5;
	v0 =	vmul.f32 v1, v4  }
0x1cb: {  	v2 =	vmul.f32 v2, v3;
	v17 =	vmul.f32 v17, v4;
	v1 =	vld [tilespmem:s8+$0x8F0]  }
0x1cc: {  	v21 =	vmul.f32 v21, v5;
	v27 =	vadd.f32 v29, v27;
	v29 =	vld [tilespmem:s8+$0xCB0];
	v42 =	vadd.f32 v0, v42  }
0x1cd: {  	v22 =	vmul.f32 v22, v4;
	v8 =	vadd.f32 v17, v8;
	v17 =	vld [tilespmem:s8+$0xC90];
	v0 =	vmul.f32 v9, v3  }
0x1ce: {  	v9 =	vld [tilespmem:s8+$0xC8F0];
	v2 =	vadd.f32 v2, v42  }
0x1cf: {  	v20 =	vmul.f32 v20, v3;
	v42 =	vadd.f32 v0, v7;
	v0 =	vadd.f32 v22, v21;
	v22 =	vld [tilespmem:s8+$0x6C90]  }
0x1d0: {  	[tilespmem:$0x1FEA0] =	vst v1;
	v1 =	vld [tilespmem:s8+$0x68F0]  }
0x1d1: {  	v8 =	vadd.f32 v20, v8;
	v20 =	vld [tilespmem:s8+$0xCC90];
	v21 =	vmul.f32 v31, v5;
	v31 =	vmul.f32 v36, v4  }
0x1d2: {  	v26 =	vmul.f32 v26, v3;
	v40 =	vmul.f32 v40, v5;
	v7 =	vld [tilespmem:s8+$0xCC80]  }
0x1d3: {  	v41 =	vmul.f32 v41, v4;
	v36 =	vmul.f32 v30, v3;
	v30 =	vadd.f32 v31, v21;
	v21 =	vld [tilespmem:s8+$0xCA0]  }
0x1d4: {  	v17 =	vmul.f32 v17, v5;
	v0 =	vadd.f32 v26, v0;
	v31 =	vmul.f32 v37, v3;
	v26 =	vld [tilespmem:s8+$0x6CA0];
	[tilespmem:$0x1FED0] =	vst v9  }
0x1d5: {  	v37 =	vmul.f32 v43, v3;
	v9 =	vld [tilespmem:s8+$0xC80];
	v22 =	vmul.f32 v22, v4;
	[tilespmem:$0x1FEB0] =	vst v1;
	v1 =	vadd.f32 v36, v27  }
0x1d6: {  	v27 =	vadd.f32 v31, v30;
	v30 =	vmul.f32 v44, v5;
	v31 =	vmul.f32 v45, v4;
	v45 =	vld [tilespmem:s8+$0xCCA0]  }
0x1d7: {  	v43 =	vmul.f32 v48, v4;
	v36 =	vadd.f32 v41, v40;
	v17 =	vadd.f32 v22, v17;
	v22 =	vld [tilespmem:s8+$0x7480]  }
0x1d8: {  	v40 =	vmul.f32 v46, v3;
	v41 =	vmul.f32 v47, v5;
	v31 =	vadd.f32 v31, v30;
	v30 =	vld [tilespmem:s8+$0x6CB0]  }
0x1d9: {  	v44 =	vmul.f32 v49, v3;
	v47 =	vmul.f32 v50, v5;
	v46 =	vadd.f32 v37, v36;
	v36 =	vld [tilespmem:s8+$0xCCB0]  }
0x1da: {  	v49 =	vmul.f32 v53, v5;
	v50 =	vmul.f32 v54, v4;
	v37 =	vld [tilespmem:s8+$0xCC0]  }
0x1db: {  	v43 =	vadd.f32 v43, v41;
	v41 =	vld [tilespmem:s8+$0x6CC0]  }
0x1dc: {  	v54 =	vadd.f32 v50, v49;
	v49 =	vld [tilespmem:s8+$0xCD0]  }
0x1dd: {  	[tilespmem:s8+$0xD0] =	vst v27;
	v27 =	vld [tilespmem:s8+$0xD0C0];
	v48 =	vadd.f32 v40, v31;
	v31 =	vmul.f32 v51, v4;
	v51 =	vmul.f32 v56, v5  }
0x1de: {  	v53 =	vadd.f32 v44, v43;
	v56 =	vmul.f32 v55, v3;
	v55 =	vmul.f32 v60, v4;
	v43 =	vld [tilespmem:s8+$0xCCD0]  }
0x1df: {  	v60 =	vmul.f32 v62, v5;
	v62 =	vmul.f32 v63, v4;
	v44 =	vld [tilespmem:s8+$0xCE0]  }
0x1e0: {  	v63 =	vmul.f32 v61, v3;
	v61 =	vmul.f32 v19, v4;
	v19 =	vld [tilespmem:s8+$0xCCF0]  }
0x1e1: {  	v57 =	vmul.f32 v57, v4;
	[tilespmem:s8+$0xE0] =	vst v46;
	v46 =	vmul.f32 v29, v5;
	v29 =	vld [tilespmem:s8+$0xD0D0]  }
0x1e2: {  	v47 =	vadd.f32 v31, v47;
	v31 =	vld [tilespmem:s8+$0xCCC0]  }
0x1e3: {  	v40 =	vmul.f32 v52, v3;
	v57 =	vadd.f32 v57, v51;
	v51 =	vld [tilespmem:s8+$0x6CD0]  }
0x1e4: {  	v52 =	vadd.f32 v56, v54;
	v56 =	vadd.f32 v62, v60;
	v60 =	vmul.f32 v18, v5;
	v18 =	vld [tilespmem:s8+$0x7080]  }
0x1e5: {  	v62 =	vmul.f32 v23, v5;
	v23 =	vld [tilespmem:s8+$0xD080]  }
0x1e6: {  	v54 =	vmul.f32 v59, v5;
	v59 =	vmul.f32 v38, v3;
	v38 =	vld [tilespmem:s8+$0xD090]  }
0x1e7: {  	v58 =	vmul.f32 v58, v3;
	[tilespmem:s8+$0x480] =	vst v53;
	v53 =	vmul.f32 v30, v4;
	v30 =	vld [tilespmem:s8+$0x70F0]  }
0x1e8: {  	[tilespmem:s8+$0xF0] =	vst v48;
	v48 =	vmul.f32 v41, v4;
	v41 =	vld [tilespmem:s8+$0x1480]  }
0x1e9: {  	v6 =	vmul.f32 v6, v3;
	v50 =	vadd.f32 v58, v57;
	v57 =	vld [tilespmem:s8+$0x6CE0]  }
0x1ea: {  	v11 =	vmul.f32 v11, v5;
	v12 =	vmul.f32 v12, v4;
	v47 =	vadd.f32 v40, v47;
	v40 =	vld [tilespmem:s8+$0xCCE0]  }
0x1eb: {  	v13 =	vmul.f32 v13, v3;
	v54 =	vadd.f32 v55, v54;
	v55 =	vld [tilespmem:s8+$0xCF0]  }
0x1ec: {  	v14 =	vmul.f32 v14, v5;
	v11 =	vadd.f32 v12, v11;
	v6 =	vadd.f32 v6, v56;
	v56 =	vld [tilespmem:s8+$0x6CF0]  }
0x1ed: {  	v12 =	vadd.f32 v61, v60;
	v58 =	vmul.f32 v39, v3;
	v61 =	vmul.f32 v35, v4;
	v35 =	vld [tilespmem:s8+$0x1090]  }
0x1ee: {  	v15 =	vmul.f32 v15, v4;
	v60 =	vmul.f32 v34, v5;
	v39 =	vld [tilespmem:$0x1FE20]  }
0x1ef: {  	v54 =	vadd.f32 v63, v54;
	v63 =	vmul.f32 v24, v4;
	v12 =	vadd.f32 v58, v12;
	v58 =	vld [tilespmem:$0x1FE30]  }
0x1f0: {  	v11 =	vadd.f32 v13, v11;
	v13 =	vadd.f32 v61, v60;
	v60 =	vld [tilespmem:$0x1FE50]  }
0x1f1: {  	v16 =	vmul.f32 v16, v3;
	v14 =	vadd.f32 v15, v14;
	v61 =	vld [tilespmem:$0x1FE60];
	v15 =	vadd.f32 v63, v62  }
0x1f2: {  	v24 =	vld [tilespmem:s8+$0x1080];
	v62 =	vmul.f32 v32, v5;
	v63 =	vmul.f32 v33, v4  }
0x1f3: {  	v28 =	vmul.f32 v28, v3;
	v15 =	vadd.f32 v59, v15;
	v59 =	vld [tilespmem:$0x1FE40]  }
0x1f4: {  	v14 =	vadd.f32 v16, v14;
	[tilespmem:s8+$0x4A0] =	vst v52;
	v52 =	vmul.f32 v31, v3;
	v16 =	vadd.f32 v63, v62;
	v63 =	vld [tilespmem:$0x1FE90]  }
0x1f5: {  	v31 =	vld [tilespmem:s8+$0x10F0];
	v34 =	vmul.f32 v39, v3;
	v32 =	vmul.f32 v58, v5  }
0x1f6: {  	v62 =	vld [tilespmem:$0x1FE80];
	v58 =	vmul.f32 v60, v5;
	v16 =	vadd.f32 v28, v16;
	v28 =	vmul.f32 v61, v4  }
0x1f7: {  	v25 =	vmul.f32 v25, v4;
	v60 =	vld [tilespmem:$0x1FE70]  }
0x1f8: {  	v13 =	vadd.f32 v34, v13;
	v28 =	vadd.f32 v28, v58;
	v58 =	vld [tilespmem:$0x1FEA0]  }
0x1f9: {  	[tilespmem:s8+$0x80] =	vst v2;
	v2 =	vadd.f32 v25, v32;
	v34 =	vmul.f32 v59, v3;
	v32 =	vmul.f32 v63, v4;
	v63 =	vld [tilespmem:$0x1FEB0]  }
0x1fa: {  	v33 =	vld [tilespmem:s8+$0x7090]  }
0x1fb: {  	v7 =	vmul.f32 v7, v3;
	v21 =	vmul.f32 v21, v5;
	v2 =	vadd.f32 v34, v2;
	v34 =	vld [tilespmem:$0x1FEC0]  }
0x1fc: {  	v49 =	vmul.f32 v49, v5;
	[tilespmem:s8+$0x4C0] =	vst v54;
	v54 =	vmul.f32 v43, v3;
	v43 =	vld [tilespmem:s8+$0xD4B0]  }
0x1fd: {  	[tilespmem:s8+$0xA0] =	vst v8;
	v39 =	vld [tilespmem:s8+$0x10A0];
	v25 =	vmul.f32 v62, v5;
	v60 =	vmul.f32 v60, v3  }
0x1fe: {  	[tilespmem:s8+$0x90] =	vst v42;
	v61 =	vld [tilespmem:s8+$0xD0A0];
	v42 =	vmul.f32 v58, v5;
	v58 =	vmul.f32 v63, v4  }
0x1ff: {  	[tilespmem:s8+$0xB0] =	vst v0;
	v8 =	vadd.f32 v32, v25;
	v0 =	vadd.f32 v60, v28;
	v60 =	vmul.f32 v10, v4;
	v10 =	vld [tilespmem:s8+$0x70C0]  }
0x200: {  	[tilespmem:s8+$0x8A0] =	vst v13;
	v13 =	vld [tilespmem:s8+$0x14B0];
	v25 =	vmul.f32 v34, v3;
	v28 =	vadd.f32 v58, v42;
	v58 =	vmul.f32 v9, v5  }
0x201: {  	v19 =	vmul.f32 v19, v3;
	[tilespmem:s8+$0x4B0] =	vst v50;
	v50 =	vmul.f32 v51, v4;
	v59 =	vld [tilespmem:s8+$0x70A0]  }
0x202: {  	[tilespmem:s8+$0xC0] =	vst v1;
	v18 =	vmul.f32 v18, v4;
	v62 =	vld [tilespmem:s8+$0x10B0];
	v1 =	vadd.f32 v25, v8;
	v8 =	vadd.f32 v60, v58  }
0x203: {  	v42 =	vld [tilespmem:$0x1FED0];
	v58 =	vmul.f32 v20, v3;
	v60 =	vmul.f32 v26, v4  }
0x204: {  	v32 =	vld [tilespmem:s8+$0xD0B0];
	v10 =	vmul.f32 v10, v4;
	v7 =	vadd.f32 v7, v8;
	v8 =	vmul.f32 v45, v3  }
0x205: {  	v63 =	vld [tilespmem:s8+$0x70B0];
	v9 =	vadd.f32 v58, v17;
	v58 =	vmul.f32 v36, v3;
	v21 =	vadd.f32 v60, v21  }
0x206: {  	v20 =	vld [tilespmem:s8+$0x10D0];
	v60 =	vmul.f32 v37, v5;
	v17 =	vadd.f32 v53, v46;
	v46 =	vmul.f32 v56, v4  }
0x207: {  	[tilespmem:s8+$0x4E0] =	vst v11;
	v26 =	vld [tilespmem:s8+$0x70D0];
	v53 =	vadd.f32 v50, v49;
	v50 =	vmul.f32 v24, v5;
	v56 =	vmul.f32 v39, v5  }
0x208: {  	[tilespmem:s8+$0x4D0] =	vst v6;
	v37 =	vld [tilespmem:s8+$0x70E0];
	v34 =	vmul.f32 v42, v3;
	v6 =	vadd.f32 v58, v17;
	v58 =	vmul.f32 v44, v5  }
0x209: {  	[tilespmem:s8+$0x4F0] =	vst v14;
	v45 =	vld [tilespmem:s8+$0xD0E0];
	v51 =	vadd.f32 v48, v60;
	v60 =	vmul.f32 v57, v4;
	v44 =	vmul.f32 v55, v5  }
0x20a: {  	[tilespmem:s8+$0x490] =	vst v47;
	v36 =	vld [tilespmem:s8+$0xD0F0];
	v14 =	vadd.f32 v54, v53;
	v48 =	vmul.f32 v40, v3;
	v53 =	vmul.f32 v33, v4  }
0x20b: {  	[tilespmem:s8+$0x880] =	vst v12;
	v24 =	vld [tilespmem:s8+$0xD480];
	v54 =	vmul.f32 v38, v3;
	v57 =	vmul.f32 v59, v4  }
0x20c: {  	[tilespmem:s8+$0x890] =	vst v15;
	v39 =	vld [tilespmem:s8+$0x74B0];
	v8 =	vadd.f32 v8, v21;
	v59 =	vmul.f32 v62, v5;
	v21 =	vmul.f32 v32, v3  }
0x20d: {  	[tilespmem:s8+$0x8B0] =	vst v16;
	v42 =	vld [tilespmem:s8+$0x10C0];
	v55 =	vadd.f32 v18, v50;
	v40 =	vmul.f32 v27, v3;
	v50 =	vmul.f32 v31, v5  }
0x20e: {  	[tilespmem:s8+$0x8C0] =	vst v2;
	v33 =	vld [tilespmem:s8+$0xD490];
	v25 =	vadd.f32 v34, v28;
	v32 =	vmul.f32 v20, v5;
	v38 =	vmul.f32 v26, v4  }
0x20f: {  	[tilespmem:s8+$0x8D0] =	vst v0;
	v17 =	vld [tilespmem:s8+$0x74A0];
	v11 =	vadd.f32 v52, v51;
	v47 =	vadd.f32 v60, v58;
	v51 =	vmul.f32 v23, v3  }
0x210: {  	[tilespmem:s8+$0x8E0] =	vst v1;
	v27 =	vld [tilespmem:s8+$0xD4C0];
	v49 =	vadd.f32 v46, v44;
	v52 =	vmul.f32 v35, v5;
	v60 =	vmul.f32 v63, v4  }
0x211: {  	[tilespmem:s8+$0xC80] =	vst v7;
	v31 =	vld [tilespmem:s8+$0x14E0];
	v62 =	vadd.f32 v57, v56;
	v63 =	vmul.f32 v61, v3;
	v56 =	vmul.f32 v22, v4  }
0x212: {  	[tilespmem:s8+$0xC90] =	vst v9;
	v34 =	vld [tilespmem:s8+$0x10E0];
	v44 =	vadd.f32 v38, v32;
	v38 =	vmul.f32 v39, v4;
	v12 =	vadd.f32 v48, v47  }
0x213: {  	v28 =	vld [tilespmem:s8+$0x7490];
	[tilespmem:s8+$0x8F0] =	vst v25;
	v15 =	vadd.f32 v19, v49;
	v58 =	vadd.f32 v53, v52;
	v25 =	vmul.f32 v42, v5  }
0x214: {  	v23 =	vld [tilespmem:s8+$0x1490];
	[tilespmem:s8+$0xCA0] =	vst v8;
	v1 =	vadd.f32 v51, v55;
	v42 =	vmul.f32 v29, v3;
	v47 =	vmul.f32 v37, v4  }
0x215: {  	v35 =	vld [tilespmem:s8+$0x14A0];
	[tilespmem:s8+$0xCB0] =	vst v6;
	v16 =	vadd.f32 v60, v59;
	v49 =	vmul.f32 v45, v3;
	v52 =	vmul.f32 v30, v4  }
0x216: {  	[tilespmem:s8+$0xCD0] =	vst v14;
	v57 =	vld [tilespmem:s8+$0x14D0];
	v2 =	vadd.f32 v63, v62;
	v53 =	vmul.f32 v36, v3;
	v55 =	vmul.f32 v41, v5  }
0x217: {  	v39 =	vld [tilespmem:s8+$0x74E0];
	[tilespmem:s8+$0xCC0] =	vst v11;
	v63 =	vmul.f32 v24, v3;
	v37 =	vmul.f32 v13, v5;
	v0 =	vadd.f32 v54, v58  }
0x218: {  	v19 =	vld [tilespmem:s8+$0xD4A0];
	v30 =	vmul.f32 v33, v3;
	v9 =	vadd.f32 v21, v16;
	v7 =	vadd.f32 v10, v25;
	[tilespmem:s8+$0xCE0] =	vst v12  }
0x219: {  	v48 =	vld [tilespmem:s8+$0x14C0];
	v46 =	vmul.f32 v34, v5;
	v6 =	vadd.f32 v42, v44;
	[tilespmem:s8+$0xCF0] =	vst v15;
	v10 =	vadd.f32 v52, v50  }
0x21a: {  	v51 =	vld [tilespmem:s8+$0x74C0];
	v59 =	vmul.f32 v28, v4;
	[tilespmem:s8+$0x1080] =	vst v1;
	v62 =	vadd.f32 v56, v55;
	v34 =	vmul.f32 v17, v4  }
0x21b: {  	v60 =	vld [tilespmem:s8+$0x74D0];
	[tilespmem:s8+$0x10A0] =	vst v2;
	v42 =	vmul.f32 v43, v3;
	v44 =	vadd.f32 v38, v37;
	v50 =	vmul.f32 v31, v5  }
0x21c: {  	v24 =	vld [tilespmem:s8+$0xD4D0];
	v55 =	vmul.f32 v27, v3;
	v58 =	vmul.f32 v23, v5;
	v7 =	vadd.f32 v40, v7;
	[tilespmem:s8+$0x1090] =	vst v0  }
0x21d: {  	v43 =	vld [tilespmem:s8+$0x74F0];
	v33 =	vmul.f32 v35, v5;
	v54 =	vadd.f32 v47, v46;
	v28 =	vadd.f32 v53, v10;
	[tilespmem:s8+$0x10B0] =	vst v9  }
0x21e: {  	v35 =	vld [tilespmem:s8+$0x14F0];
	v32 =	vadd.f32 v63, v62;
	[tilespmem:s8+$0x10D0] =	vst v6;
	v52 =	vadd.f32 v42, v44;
	v56 =	vmul.f32 v39, v4  }
0x21f: {  	v47 =	vld [tilespmem:s8+$0xD4E0];
	v29 =	vadd.f32 v59, v58;
	v41 =	vmul.f32 v19, v3;
	v45 =	vmul.f32 v48, v5;
	[tilespmem:s8+$0x10C0] =	vst v7  }
0x220: {  	v40 =	vadd.f32 v34, v33;
	v46 =	vmul.f32 v51, v4;
	v51 =	vld [tilespmem:s8+$0xD4F0];
	v53 =	vmul.f32 v60, v4;
	[tilespmem:s8+$0x10F0] =	vst v28  }
0x221: {  	v61 =	vadd.f32 v49, v54;
	v49 =	vmul.f32 v57, v5;
	[tilespmem:s8+$0x1480] =	vst v32;
	v36 =	vadd.f32 v30, v29  }
0x222: {  	v57 =	vmul.f32 v24, v3;
	[tilespmem:s8+$0x14B0] =	vst v52;
	v48 =	vadd.f32 v41, v40;
	v54 =	vadd.f32 v46, v45  }
0x223: {  	v4 =	vmul.f32 v43, v4;
	[tilespmem:s8+$0x10E0] =	vst v61;
	v5 =	vmul.f32 v35, v5;
	v6 =	vadd.f32 v53, v49  }
0x224: {  	p0 =	sne.s32 s24, $0x1F;
	v59 =	vadd.f32 v56, v50;
	[tilespmem:s8+$0x1490] =	vst v36;
	v58 =	vadd.f32 v55, v54;
	v60 =	vmul.f32 v47, v3  }
.Ltmp1:
0x225: {  	[tilespmem:s8+$0x14A0] =	vst v48;
	v61 =	vadd.f32 v57, v6;
	v4 =	vadd.f32 v4, v5;
	v3 =	vmul.f32 v51, v3;
	(pc) =	sbr.rel @p0 .LBB2_4-.Ltmp1, $4  }
0x226: {  	[tilespmem:s8+$0x14C0] =	vst v58;
	v62 =	vadd.f32 v60, v59  }
0x227: {  	[tilespmem:s8+$0x14D0] =	vst v61;
	v63 =	vadd.f32 v3, v4  }
0x228: {  	[tilespmem:s8+$0x14E0] =	vst v62  }
0x229: {  	s22 =	sadd.s32 $0x80, s22;
	s23 =	sadd.s32 $0x80, s23;
	s24 =	sadd.s32 $0x1, s24;
	[tilespmem:s8+$0x14F0] =	vst v63  }
0x22a: {  	s21 =	sadd.s32 $0x1, s21  }
0x22b: {  	p0 =	sne.s32 s21, s12  }
.Ltmp2:
0x22c: {  	_ = 	snop;
	(pc) =	sbr.rel @p0 .LBB2_1-.Ltmp2, $4  }
0x22d: {  	[hbm4b:s11+s2] =	stream.linear.scatter [tilespmem:s15], [sflag:$0x2], $0x6000, $0x38;
	[tilespmem:$0x14080] =	vst v63  }
0x22e: {  	_ =	swait.ge [sflag:s13], $0x6000  }
0x22f: {  	[sflag:s13] =	ssyncset.done $0x0  }
0x230: {  	[sflag:s13] =	ssyncadd.s32 $0xFFFFA000  }
0x231: {  	_ =	sfence.sel $0x180000  }
0x232: {  	[bflag:$0x0] =	sbarrier.arrive $0xFFFF  }
0x233: {  	_ =	strace $0x9000004A  }
0x234: {  	s0 =	stileid.u32;
	[bflag:$0x2] =	sbarrier.arrive $0xFFFF  }
0x235: {  	p0 =	sne.s32 s0, $0x0;
	s0 =	rddreg [dreg:$0x3]  }
0x236: {  	s0 =	sadd.s32 @!p0 $0x100000, s0  }
0x237: {  	[sflag:s0] =	ssyncadd.tile.s32 @!p0 $0x1;
	_ =	shalt  }
.Lfunc_end2:
_tile_overlayer_lowered:
.L_overlay_start_2:
0x238: {  	(tag) =	ssettag $0x2  }
0x239: {  	s0 =	rddreg [dreg:$0x0];
	s2 =	stileid.u32  }
0x23a: {  	s1 =	rddreg [dreg:$0x1];
	p0 =	sne.s32 s2, $0x0  }
0x23b: {  	s3 =	rddreg [dreg:$0x2];
	[bflag:$0x3] =	sbarrier.arrive $0xFFFF;
	s2 =	simm.s32 @!p0 $0x1C02  }
0x23c: {  	[timem:s3], [sflag:s2] =	dma.local @!p0 [hbm:s0], s1  }
0x23d: {  	s0 =	simm.s32 @!p0 $0x2  }
0x23e: {  	_ =	swait.ge @!p0 [sflag:s0], s1  }
0x23f: {  	s1 =	ssub.s32 @!p0 $0x0, s1;
	[sflag:s0] =	ssyncset.done @!p0 $0x0  }
0x240: {  	[sflag:s0] =	ssyncadd.s32 @!p0 s1  }
0x241: {  	[bflag:$0x3] =	sbarrier.arrive $0xFFFF  }
0x242: {  	_ =	shalt  }

</sc_bundles>
